<compile_context>
chip_gen: v7x
topology: tpu7x:2x2x1
jax: 0.10.2.dev20260603
libtpu: 0.0.44.dev20260713+nightly
codegen_flags: <defaults>
</compile_context>

<pallas_src>
import functools

import jax
import jax.numpy as jnp
from jax import lax
from jax.experimental import pallas as pl
from jax.experimental.pallas import tpu as pltpu
from jax.experimental.pallas import tpu_sc as plsc

V = 100000
H = 128
T = 200
B = 1024

_SPLITS = (24, 88, 88)
_TBASE = tuple(sum(_SPLITS[:i]) for i in range(len(_SPLITS)))

_NC, _NS = 2, 16
_NW = _NC * _NS
_CHUNK = 128


def _sc_gather(emb, idx1d):
    n = idx1d.shape[0]
    cpw = n // (_NW * _CHUNK)
    rpw = cpw * _CHUNK
    mesh = plsc.VectorSubcoreMesh(core_axis_name="c", subcore_axis_name="s")

    @functools.partial(
        pl.kernel,
        mesh=mesh,
        out_type=jax.ShapeDtypeStruct((n, H), jnp.float32),
        scratch_types=[
            pltpu.VMEM((rpw,), jnp.int32),
            pltpu.VMEM((_CHUNK, H), jnp.float32),
            pltpu.VMEM((_CHUNK, H), jnp.float32),
            pltpu.SemaphoreType.DMA,
            pltpu.SemaphoreType.DMA,
        ],
    )
    def k(emb_hbm, idx_hbm, out_hbm, idx_v, buf0, buf1, sem0, sem1):
        wid = lax.axis_index("s") * _NC + lax.axis_index("c")
        c0 = wid * cpw
        pltpu.sync_copy(idx_hbm.at[pl.ds(c0 * _CHUNK, rpw)], idx_v)

        def start(j, buf, sem):
            pltpu.make_async_copy(
                emb_hbm.at[idx_v.at[pl.ds(j * _CHUNK, _CHUNK)]], buf, sem
            ).start()

        def finish(j, buf, sem):
            pltpu.make_async_copy(
                emb_hbm.at[idx_v.at[pl.ds(j * _CHUNK, _CHUNK)]], buf, sem
            ).wait()
            pltpu.sync_copy(buf, out_hbm.at[pl.ds((c0 + j) * _CHUNK, _CHUNK)])

        start(0, buf0, sem0)

        def body(g, carry):
            j0 = 2 * g
            start(j0 + 1, buf1, sem1)
            finish(j0, buf0, sem0)

            @pl.when(j0 + 2 < cpw)
            def _():
                start(j0 + 2, buf0, sem0)

            finish(j0 + 1, buf1, sem1)
            return carry

        lax.fori_loop(0, cpw // 2, body, 0)
        if cpw % 2:
            finish(cpw - 1, buf0, sem0)

    return k(emb, idx1d)


_UNROLL = 8


def _gru_layer_step(x_bf, h, wrz, win, whn, brz, bin_, bhn, mask):
    hb = h.astype(jnp.bfloat16)
    xh = jnp.concatenate([x_bf, hb], axis=1)
    grz = jnp.dot(xh, wrz[...], preferred_element_type=jnp.float32) + brz[...]
    gin = jnp.dot(x_bf, win[...], preferred_element_type=jnp.float32) + bin_[...]
    ghn = jnp.dot(hb, whn[...], preferred_element_type=jnp.float32) + bhn[...]
    u_r = jnp.tanh(grz[:, 0:H])
    u_z = jnp.tanh(grz[:, H:])
    n = jnp.tanh(gin + ghn * (u_r + 1.0))
    hn = 0.5 * ((h + n) + u_z * (h - n))
    h_next = jnp.where(mask, hn, h)
    out = jnp.where(mask, hn, 0.0)
    return h_next, out


def _make_gru_chunk_kernel(t_base, t_len):
    def body(lens_ref, wrz0, win0, whn0, brz0, bin0, bhn0,
             wrz1, win1, whn1, brz1, bin1, bhn1,
             h0_in, h1_in, x_ref, *refs):
        if len(refs) == 4:
            refs = refs[1:]
        o1_ref, h0_out, h1_out = refs
        t = pl.program_id(0)

        first = t == 0
        h0n = jnp.where(first, h0_in[...], h0_out[...])
        h1n = jnp.where(first, h1_in[...], h1_out[...])
        for k in range(_UNROLL):
            tk = t_base + t * _UNROLL + k
            mask = lens_ref[...] > tk
            x_t = x_ref[k].astype(jnp.bfloat16)
            h0n, o0 = _gru_layer_step(x_t, h0n, wrz0, win0, whn0,
                                      brz0, bin0, bhn0, mask)
            h1n, o1 = _gru_layer_step(o0.astype(jnp.bfloat16), h1n,
                                      wrz1, win1, whn1, brz1, bin1, bhn1, mask)
            o1_ref[k] = o1
        h0_out[...] = h0n
        h1_out[...] = h1n

    return body


def _gru_chunk(chunk, x_c, lens2d, h0_in, h1_in, o1_buf, weights):
    full = lambda shape: pl.BlockSpec(shape, lambda t: (0,) * len(shape))
    wspecs = [full((2 * H, 2 * H)), full((H, H)), full((H, H)),
              full((1, 2 * H)), full((1, H)), full((1, H))]
    t_base, t_len = _TBASE[chunk], _SPLITS[chunk]
    blk0 = t_base // _UNROLL
    alias_in = [pl.BlockSpec(memory_space=pl.ANY)] if chunk else []
    alias_arg = (o1_buf,) if chunk else ()
    return pl.pallas_call(
        _make_gru_chunk_kernel(t_base, t_len),
        grid=(t_len // _UNROLL,),
        in_specs=[full((B, 1))] + wspecs + wspecs + [
            full((B, H)), full((B, H)),
            pl.BlockSpec((_UNROLL, B, H), lambda t: (t, 0, 0)),
        ] + alias_in,
        out_specs=[
            pl.BlockSpec((_UNROLL, B, H), lambda t, _b=blk0: (t + _b, 0, 0)),
            full((B, H)), full((B, H)),
        ],
        out_shape=[
            jax.ShapeDtypeStruct((T, B, H), jnp.float32),
            jax.ShapeDtypeStruct((B, H), jnp.float32),
            jax.ShapeDtypeStruct((B, H), jnp.float32),
        ],
        input_output_aliases={16: 0} if chunk else {},
        compiler_params=pltpu.CompilerParams(
            dimension_semantics=("arbitrary",),
        ),
    )(lens2d, *weights, h0_in, h1_in, x_c, *alias_arg)


def _prep_layer(W_ih, W_hh, b_ih, b_hh):
    bf = jnp.bfloat16
    wi, wh = W_ih.T, W_hh.T
    wrz = (0.5 * jnp.concatenate([wi[:, 0:2 * H], wh[:, 0:2 * H]],
                                 axis=0)).astype(bf)
    win = wi[:, 2 * H:].astype(bf)
    whn = (0.5 * wh[:, 2 * H:]).astype(bf)
    brz = (0.5 * (b_ih[0:2 * H] + b_hh[0:2 * H])).reshape(1, 2 * H)
    bin_ = b_ih[2 * H:].reshape(1, H)
    bhn = (0.5 * b_hh[2 * H:]).reshape(1, H)
    return wrz, win, whn, brz, bin_, bhn


def kernel(inputs, inputsLen, emb, W_ih0, W_hh0, b_ih0, b_hh0,
           W_ih1, W_hh1, b_ih1, b_hh1):
    idx = inputs.astype(jnp.int32)
    lens2d = inputsLen.astype(jnp.int32).reshape(B, 1)
    weights = (*_prep_layer(W_ih0, W_hh0, b_ih0, b_hh0),
               *_prep_layer(W_ih1, W_hh1, b_ih1, b_hh1))

    xs = [
        _sc_gather(emb, idx[t0:t0 + tl].reshape(tl * B)).reshape(tl, B, H)
        for t0, tl in zip(_TBASE, _SPLITS)
    ]

    h0 = jnp.zeros((B, H), jnp.float32)
    h1 = jnp.zeros((B, H), jnp.float32)
    o1 = None
    for c in range(len(_SPLITS)):
        o1, h0, h1 = _gru_chunk(c, xs[c], lens2d, h0, h1, o1, weights)

    hidden = jnp.stack([h0, h1], axis=0)
    return o1, hidden

# --- scband reference (transcript-rebuilt; emitter-appended) ---
"""Pipeline reference for scband-encoder-rnn-81372450390336 (READ-ONLY COPY).

The authoritative reference and input builder live on the scoring server;
editing this copy changes nothing except your own understanding.
"""

import jax, jax.numpy as jnp
import numpy as np

V = 100000
H = 128
T = 200
B = 1024


def setup_inputs(seed: int = 0) -> dict:
    key = jax.random.key(seed)
    ks = jax.random.split(key, 12)
    inputs = jax.random.randint(ks[0], (T, B), 0, V, dtype=jnp.int64 if jax.config.jax_enable_x64 else jnp.int32)
    # pack_padded_sequence requires lengths sorted in DESCENDING order, min length >= 1
    lens = jnp.sort(jax.random.randint(ks[1], (B,), 1, T + 1))[::-1]
    lens = lens.at[0].set(T)
    s = 0.08
    emb = jax.random.normal(ks[2], (V, H), dtype=jnp.float32) * s
    W_ih0 = jax.random.normal(ks[3], (3 * H, H), dtype=jnp.float32) * s
    W_hh0 = jax.random.normal(ks[4], (3 * H, H), dtype=jnp.float32) * s
    b_ih0 = jax.random.normal(ks[5], (3 * H,), dtype=jnp.float32) * s
    b_hh0 = jax.random.normal(ks[6], (3 * H,), dtype=jnp.float32) * s
    W_ih1 = jax.random.normal(ks[7], (3 * H, H), dtype=jnp.float32) * s
    W_hh1 = jax.random.normal(ks[8], (3 * H, H), dtype=jnp.float32) * s
    b_ih1 = jax.random.normal(ks[9], (3 * H,), dtype=jnp.float32) * s
    b_hh1 = jax.random.normal(ks[10], (3 * H,), dtype=jnp.float32) * s
    return {
        "inputs": inputs, "inputsLen": lens, "emb": emb,
        "W_ih0": W_ih0, "W_hh0": W_hh0, "b_ih0": b_ih0, "b_hh0": b_hh0,
        "W_ih1": W_ih1, "W_hh1": W_hh1, "b_ih1": b_ih1, "b_hh1": b_hh1,
    }


def _gru_layer(x, lens, W_ih, W_hh, b_ih, b_hh):
    # PyTorch GRU equations; packed-sequence semantics emulated with a length mask:
    # hidden state freezes past each sequence's length, outputs are zero-padded
    Tt, Bb, _ = x.shape
    h0 = jnp.zeros((Bb, H), dtype=x.dtype)

    def step(h, inp):
        xt, t = inp
        gi = xt @ W_ih.T + b_ih
        gh = h @ W_hh.T + b_hh
        i_r, i_z, i_n = jnp.split(gi, 3, axis=-1)
        h_r, h_z, h_n = jnp.split(gh, 3, axis=-1)
        r = jax.nn.sigmoid(i_r + h_r)
        z = jax.nn.sigmoid(i_z + h_z)
        n = jnp.tanh(i_n + r * h_n)
        h_new = (1.0 - z) * n + z * h
        mask = (t < lens)[:, None]
        h_next = jnp.where(mask, h_new, h)
        out = jnp.where(mask, h_new, 0.0)
        return h_next, out

    ts = jnp.arange(Tt)
    h_final, outs = jax.lax.scan(step, h0, (x, ts))
    return outs, h_final


def reference(inputs, inputsLen, emb, W_ih0, W_hh0, b_ih0, b_hh0, W_ih1, W_hh1, b_ih1, b_hh1):
    # embedding lookup (gather)
    x = jnp.take(emb, inputs, axis=0)  # [T, B, H]
    o0, hf0 = _gru_layer(x, inputsLen, W_ih0, W_hh0, b_ih0, b_hh0)
    # nn.GRU dropout applies only between layers during training; eval mode -> identity
    o1, hf1 = _gru_layer(o0, inputsLen, W_ih1, W_hh1, b_ih1, b_hh1)
    hidden = jnp.stack([hf0, hf1], axis=0)  # [nLayers, B, H]
    return o1, hidden

if __name__ == "__main__":
    import jax
    _d = setup_inputs()
    print(jax.jit(kernel)(*tuple(_d.values())))

</pallas_src>

<mosaic_0001>
#map = affine_map<(d0, d1) -> (0, 0)>
#map1 = affine_map<(d0, d1) -> (0)>
module attributes {stable_mosaic.version = 14 : i64} {
  func.func @k(%arg0: i32, %arg1: i32, %arg2: memref<100000x128xf32, #tpu.memory_space<hbm>>, %arg3: memref<90112xi32, #tpu.memory_space<hbm>>, %arg4: memref<90112x128xf32, #tpu.memory_space<hbm>>, %arg5: memref<2816xi32, #tpu.memory_space<vmem>>, %arg6: memref<128x128xf32, #tpu.memory_space<vmem>>, %arg7: memref<128x128xf32, #tpu.memory_space<vmem>>, %arg8: memref<!tpu.dma_semaphore, #tpu.memory_space<semaphore_mem>>, %arg9: memref<!tpu.dma_semaphore, #tpu.memory_space<semaphore_mem>>) attributes {dimension_semantics = [#tpu.dimension_semantics<core_parallel>, #tpu.dimension_semantics<subcore_parallel>], iteration_bounds = array<i64: 2, 16>, scalar_prefetch = 0 : i64, scratch_operands = 5 : i64, tpu.core_type = #tpu.core_type<sc_vector_subcore>, window_params = [{transform_indices = #map}, {transform_indices = #map1}, {transform_indices = #map}]} {
    %mul3A = arith.constant 2 : i32
    %mul3A_0 = arith.muli %arg1, %mul3A : i32
    %add3A = arith.addi %mul3A_0, %arg0 : i32
    %mul3A_1 = arith.constant 22 : i32
    %mul3A_2 = arith.muli %add3A, %mul3A_1 : i32
    %mul3A_3 = arith.constant 128 : i32
    %mul3A_4 = arith.muli %mul3A_2, %mul3A_3 : i32
    "tpu.region"() ({
      %run_scoped3A = tpu.sem_alloc : memref<!tpu.dma_semaphore, #tpu.memory_space<semaphore_mem>>
      %dma_start3A_14 = tpu.memref_slice %arg3[%mul3A_4] : memref<90112xi32, #tpu.memory_space<hbm>> -> memref<2816xi32, #tpu.memory_space<hbm>>
      %dma_start3A_15 = tpu.memref_slice %arg3[%mul3A_4] : memref<90112xi32, #tpu.memory_space<hbm>> -> memref<2816xi32, #tpu.memory_space<hbm>>
      tpu.enqueue_dma source(%dma_start3A_15 : memref<2816xi32, #tpu.memory_space<hbm>>) target(%arg5 : memref<2816xi32, #tpu.memory_space<vmem>>) target_semaphore(%run_scoped3A : memref<!tpu.dma_semaphore, #tpu.memory_space<semaphore_mem>>)
      %dma_wait3A = tpu.memref_slice %arg3[%mul3A_4] : memref<90112xi32, #tpu.memory_space<hbm>> -> memref<2816xi32, #tpu.memory_space<hbm>>
      %dma_wait3A_16 = tpu.memref_slice %arg3[%mul3A_4] : memref<90112xi32, #tpu.memory_space<hbm>> -> memref<2816xi32, #tpu.memory_space<hbm>>
      tpu.wait_dma2 semaphore(%run_scoped3A : memref<!tpu.dma_semaphore, #tpu.memory_space<semaphore_mem>>) src(%dma_wait3A_16 : memref<2816xi32, #tpu.memory_space<hbm>>) dst(%arg5 : memref<2816xi32, #tpu.memory_space<vmem>>)
      tpu.yield
    }) : () -> ()
    %dma_start3A = arith.constant 0 : i32
    %dma_start3A_5 = tpu.memref_slice %arg5[%dma_start3A] : memref<2816xi32, #tpu.memory_space<vmem>> -> memref<128xi32, #tpu.memory_space<vmem>>
    %dma_start3A_6 = arith.constant 0 : i32
    %dma_start3A_7 = arith.constant 0 : i32
    %dma_start3A_8 = tpu.memref_slice %arg2[%dma_start3A_6, %dma_start3A_7] : memref<100000x128xf32, #tpu.memory_space<hbm>> -> memref<100000x128xf32, #tpu.memory_space<hbm>>
    tpu.enqueue_indirect_dma source(%dma_start3A_8 : memref<100000x128xf32, #tpu.memory_space<hbm>>) target(%arg6 : memref<128x128xf32, #tpu.memory_space<vmem>>) offsets(%dma_start3A_5 : memref<128xi32, #tpu.memory_space<vmem>>) semaphore(%arg8 : memref<!tpu.dma_semaphore, #tpu.memory_space<semaphore_mem>>)
    %scan3A = arith.constant 0 : i32
    %scan3A_9 = arith.constant 0 : i32
    %scan3A_10 = arith.constant 11 : i32
    %scan3A_11 = arith.addi %scan3A_9, %scan3A_10 : i32
    %scan3A_12 = arith.constant 1 : i32
    scf.for %scan3A_14 = %scan3A_9 to %scan3A_11 step %scan3A_12  : i32 {
      %mul3A_15 = arith.constant 2 : i32
      %mul3A_16 = arith.muli %mul3A_15, %scan3A_14 : i32
      %add3A_17 = arith.constant 1 : i32
      %add3A_18 = arith.addi %mul3A_16, %add3A_17 : i32
      %mul3A_19 = arith.constant 128 : i32
      %mul3A_20 = arith.muli %add3A_18, %mul3A_19 : i32
      %dma_start3A_21 = tpu.memref_slice %arg5[%mul3A_20] : memref<2816xi32, #tpu.memory_space<vmem>> -> memref<128xi32, #tpu.memory_space<vmem>>
      %dma_start3A_22 = arith.constant 0 : i32
      %dma_start3A_23 = arith.constant 0 : i32
      %dma_start3A_24 = tpu.memref_slice %arg2[%dma_start3A_22, %dma_start3A_23] : memref<100000x128xf32, #tpu.memory_space<hbm>> -> memref<100000x128xf32, #tpu.memory_space<hbm>>
      tpu.enqueue_indirect_dma source(%dma_start3A_24 : memref<100000x128xf32, #tpu.memory_space<hbm>>) target(%arg7 : memref<128x128xf32, #tpu.memory_space<vmem>>) offsets(%dma_start3A_21 : memref<128xi32, #tpu.memory_space<vmem>>) semaphore(%arg9 : memref<!tpu.dma_semaphore, #tpu.memory_space<semaphore_mem>>)
      %mul3A_25 = arith.constant 128 : i32
      %mul3A_26 = arith.muli %mul3A_16, %mul3A_25 : i32
      %dma_wait3A = tpu.memref_slice %arg5[%mul3A_26] : memref<2816xi32, #tpu.memory_space<vmem>> -> memref<128xi32, #tpu.memory_space<vmem>>
      %dma_wait3A_27 = arith.constant 0 : i32
      %dma_wait3A_28 = arith.constant 0 : i32
      %dma_wait3A_29 = tpu.memref_slice %arg2[%dma_wait3A_27, %dma_wait3A_28] : memref<100000x128xf32, #tpu.memory_space<hbm>> -> memref<100000x128xf32, #tpu.memory_space<hbm>>
      tpu.wait_indirect_dma semaphore(%arg8 : memref<!tpu.dma_semaphore, #tpu.memory_space<semaphore_mem>>) src(%dma_wait3A_29 : memref<100000x128xf32, #tpu.memory_space<hbm>>) dst(%arg6 : memref<128x128xf32, #tpu.memory_space<vmem>>)
      %add3A_30 = arith.addi %mul3A_2, %mul3A_16 : i32
      %mul3A_31 = arith.constant 128 : i32
      %mul3A_32 = arith.muli %add3A_30, %mul3A_31 : i32
      "tpu.region"() ({
        %run_scoped3A = tpu.sem_alloc : memref<!tpu.dma_semaphore, #tpu.memory_space<semaphore_mem>>
        %dma_start3A_48 = arith.constant 0 : i32
        %dma_start3A_49 = tpu.memref_slice %arg4[%mul3A_32, %dma_start3A_48] : memref<90112x128xf32, #tpu.memory_space<hbm>> -> memref<128x128xf32, #tpu.memory_space<hbm>>
        %dma_start3A_50 = arith.constant 0 : i32
        %dma_start3A_51 = tpu.memref_slice %arg4[%mul3A_32, %dma_start3A_50] : memref<90112x128xf32, #tpu.memory_space<hbm>> -> memref<128x128xf32, #tpu.memory_space<hbm>>
        tpu.enqueue_dma source(%arg6 : memref<128x128xf32, #tpu.memory_space<vmem>>) target(%dma_start3A_51 : memref<128x128xf32, #tpu.memory_space<hbm>>) target_semaphore(%run_scoped3A : memref<!tpu.dma_semaphore, #tpu.memory_space<semaphore_mem>>)
        %dma_wait3A_52 = arith.constant 0 : i32
        %dma_wait3A_53 = tpu.memref_slice %arg4[%mul3A_32, %dma_wait3A_52] : memref<90112x128xf32, #tpu.memory_space<hbm>> -> memref<128x128xf32, #tpu.memory_space<hbm>>
        %dma_wait3A_54 = arith.constant 0 : i32
        %dma_wait3A_55 = tpu.memref_slice %arg4[%mul3A_32, %dma_wait3A_54] : memref<90112x128xf32, #tpu.memory_space<hbm>> -> memref<128x128xf32, #tpu.memory_space<hbm>>
        tpu.wait_dma2 semaphore(%run_scoped3A : memref<!tpu.dma_semaphore, #tpu.memory_space<semaphore_mem>>) src(%arg6 : memref<128x128xf32, #tpu.memory_space<vmem>>) dst(%dma_wait3A_55 : memref<128x128xf32, #tpu.memory_space<hbm>>)
        tpu.yield
      }) : () -> ()
      %add3A_33 = arith.constant 2 : i32
      %add3A_34 = arith.addi %mul3A_16, %add3A_33 : i32
      %lt3A = arith.constant 22 : i32
      %lt3A_35 = arith.cmpi slt, %add3A_34, %lt3A : i32
      %convert_element_type3A = arith.extui %lt3A_35 : i1 to i32
      %cond3A = arith.constant 0 : i32
      %cond3A_36 = arith.cmpi ne, %convert_element_type3A, %cond3A : i32
      scf.if %cond3A_36 {
        %add3A_48 = arith.constant 2 : i32
        %add3A_49 = arith.addi %mul3A_16, %add3A_48 : i32
        %mul3A_50 = arith.constant 128 : i32
        %mul3A_51 = arith.muli %add3A_49, %mul3A_50 : i32
        %dma_start3A_52 = tpu.memref_slice %arg5[%mul3A_51] : memref<2816xi32, #tpu.memory_space<vmem>> -> memref<128xi32, #tpu.memory_space<vmem>>
        %dma_start3A_53 = arith.constant 0 : i32
        %dma_start3A_54 = arith.constant 0 : i32
        %dma_start3A_55 = tpu.memref_slice %arg2[%dma_start3A_53, %dma_start3A_54] : memref<100000x128xf32, #tpu.memory_space<hbm>> -> memref<100000x128xf32, #tpu.memory_space<hbm>>
        tpu.enqueue_indirect_dma source(%dma_start3A_55 : memref<100000x128xf32, #tpu.memory_space<hbm>>) target(%arg6 : memref<128x128xf32, #tpu.memory_space<vmem>>) offsets(%dma_start3A_52 : memref<128xi32, #tpu.memory_space<vmem>>) semaphore(%arg8 : memref<!tpu.dma_semaphore, #tpu.memory_space<semaphore_mem>>)
      } else {
      }
      %add3A_37 = arith.constant 1 : i32
      %add3A_38 = arith.addi %mul3A_16, %add3A_37 : i32
      %mul3A_39 = arith.constant 128 : i32
      %mul3A_40 = arith.muli %add3A_38, %mul3A_39 : i32
      %dma_wait3A_41 = tpu.memref_slice %arg5[%mul3A_40] : memref<2816xi32, #tpu.memory_space<vmem>> -> memref<128xi32, #tpu.memory_space<vmem>>
      %dma_wait3A_42 = arith.constant 0 : i32
      %dma_wait3A_43 = arith.constant 0 : i32
      %dma_wait3A_44 = tpu.memref_slice %arg2[%dma_wait3A_42, %dma_wait3A_43] : memref<100000x128xf32, #tpu.memory_space<hbm>> -> memref<100000x128xf32, #tpu.memory_space<hbm>>
      tpu.wait_indirect_dma semaphore(%arg9 : memref<!tpu.dma_semaphore, #tpu.memory_space<semaphore_mem>>) src(%dma_wait3A_44 : memref<100000x128xf32, #tpu.memory_space<hbm>>) dst(%arg7 : memref<128x128xf32, #tpu.memory_space<vmem>>)
      %add3A_45 = arith.addi %mul3A_2, %add3A_38 : i32
      %mul3A_46 = arith.constant 128 : i32
      %mul3A_47 = arith.muli %add3A_45, %mul3A_46 : i32
      "tpu.region"() ({
        %run_scoped3A = tpu.sem_alloc : memref<!tpu.dma_semaphore, #tpu.memory_space<semaphore_mem>>
        %dma_start3A_48 = arith.constant 0 : i32
        %dma_start3A_49 = tpu.memref_slice %arg4[%mul3A_47, %dma_start3A_48] : memref<90112x128xf32, #tpu.memory_space<hbm>> -> memref<128x128xf32, #tpu.memory_space<hbm>>
        %dma_start3A_50 = arith.constant 0 : i32
        %dma_start3A_51 = tpu.memref_slice %arg4[%mul3A_47, %dma_start3A_50] : memref<90112x128xf32, #tpu.memory_space<hbm>> -> memref<128x128xf32, #tpu.memory_space<hbm>>
        tpu.enqueue_dma source(%arg7 : memref<128x128xf32, #tpu.memory_space<vmem>>) target(%dma_start3A_51 : memref<128x128xf32, #tpu.memory_space<hbm>>) target_semaphore(%run_scoped3A : memref<!tpu.dma_semaphore, #tpu.memory_space<semaphore_mem>>)
        %dma_wait3A_52 = arith.constant 0 : i32
        %dma_wait3A_53 = tpu.memref_slice %arg4[%mul3A_47, %dma_wait3A_52] : memref<90112x128xf32, #tpu.memory_space<hbm>> -> memref<128x128xf32, #tpu.memory_space<hbm>>
        %dma_wait3A_54 = arith.constant 0 : i32
        %dma_wait3A_55 = tpu.memref_slice %arg4[%mul3A_47, %dma_wait3A_54] : memref<90112x128xf32, #tpu.memory_space<hbm>> -> memref<128x128xf32, #tpu.memory_space<hbm>>
        tpu.wait_dma2 semaphore(%run_scoped3A : memref<!tpu.dma_semaphore, #tpu.memory_space<semaphore_mem>>) src(%arg7 : memref<128x128xf32, #tpu.memory_space<vmem>>) dst(%dma_wait3A_55 : memref<128x128xf32, #tpu.memory_space<hbm>>)
        tpu.yield
      }) : () -> ()
    }
    %scan3A_13 = arith.constant 11 : i32
    return
  }
}

#map = affine_map<(d0, d1) -> (0, 0)>
#map1 = affine_map<(d0, d1) -> (0)>
module attributes {stable_mosaic.version = 14 : i64} {
  func.func @k(%arg0: i32, %arg1: i32, %arg2: memref<100000x128xf32, #tpu.memory_space<hbm>>, %arg3: memref<24576xi32, #tpu.memory_space<hbm>>, %arg4: memref<24576x128xf32, #tpu.memory_space<hbm>>, %arg5: memref<768xi32, #tpu.memory_space<vmem>>, %arg6: memref<128x128xf32, #tpu.memory_space<vmem>>, %arg7: memref<128x128xf32, #tpu.memory_space<vmem>>, %arg8: memref<!tpu.dma_semaphore, #tpu.memory_space<semaphore_mem>>, %arg9: memref<!tpu.dma_semaphore, #tpu.memory_space<semaphore_mem>>) attributes {dimension_semantics = [#tpu.dimension_semantics<core_parallel>, #tpu.dimension_semantics<subcore_parallel>], iteration_bounds = array<i64: 2, 16>, scalar_prefetch = 0 : i64, scratch_operands = 5 : i64, tpu.core_type = #tpu.core_type<sc_vector_subcore>, window_params = [{transform_indices = #map}, {transform_indices = #map1}, {transform_indices = #map}]} {
    %mul3A = arith.constant 2 : i32
    %mul3A_0 = arith.muli %arg1, %mul3A : i32
    %add3A = arith.addi %mul3A_0, %arg0 : i32
    %mul3A_1 = arith.constant 6 : i32
    %mul3A_2 = arith.muli %add3A, %mul3A_1 : i32
    %mul3A_3 = arith.constant 128 : i32
    %mul3A_4 = arith.muli %mul3A_2, %mul3A_3 : i32
    "tpu.region"() ({
      %run_scoped3A = tpu.sem_alloc : memref<!tpu.dma_semaphore, #tpu.memory_space<semaphore_mem>>
      %dma_start3A_14 = tpu.memref_slice %arg3[%mul3A_4] : memref<24576xi32, #tpu.memory_space<hbm>> -> memref<768xi32, #tpu.memory_space<hbm>>
      %dma_start3A_15 = tpu.memref_slice %arg3[%mul3A_4] : memref<24576xi32, #tpu.memory_space<hbm>> -> memref<768xi32, #tpu.memory_space<hbm>>
      tpu.enqueue_dma source(%dma_start3A_15 : memref<768xi32, #tpu.memory_space<hbm>>) target(%arg5 : memref<768xi32, #tpu.memory_space<vmem>>) target_semaphore(%run_scoped3A : memref<!tpu.dma_semaphore, #tpu.memory_space<semaphore_mem>>)
      %dma_wait3A = tpu.memref_slice %arg3[%mul3A_4] : memref<24576xi32, #tpu.memory_space<hbm>> -> memref<768xi32, #tpu.memory_space<hbm>>
      %dma_wait3A_16 = tpu.memref_slice %arg3[%mul3A_4] : memref<24576xi32, #tpu.memory_space<hbm>> -> memref<768xi32, #tpu.memory_space<hbm>>
      tpu.wait_dma2 semaphore(%run_scoped3A : memref<!tpu.dma_semaphore, #tpu.memory_space<semaphore_mem>>) src(%dma_wait3A_16 : memref<768xi32, #tpu.memory_space<hbm>>) dst(%arg5 : memref<768xi32, #tpu.memory_space<vmem>>)
      tpu.yield
    }) : () -> ()
    %dma_start3A = arith.constant 0 : i32
    %dma_start3A_5 = tpu.memref_slice %arg5[%dma_start3A] : memref<768xi32, #tpu.memory_space<vmem>> -> memref<128xi32, #tpu.memory_space<vmem>>
    %dma_start3A_6 = arith.constant 0 : i32
    %dma_start3A_7 = arith.constant 0 : i32
    %dma_start3A_8 = tpu.memref_slice %arg2[%dma_start3A_6, %dma_start3A_7] : memref<100000x128xf32, #tpu.memory_space<hbm>> -> memref<100000x128xf32, #tpu.memory_space<hbm>>
    tpu.enqueue_indirect_dma source(%dma_start3A_8 : memref<100000x128xf32, #tpu.memory_space<hbm>>) target(%arg6 : memref<128x128xf32, #tpu.memory_space<vmem>>) offsets(%dma_start3A_5 : memref<128xi32, #tpu.memory_space<vmem>>) semaphore(%arg8 : memref<!tpu.dma_semaphore, #tpu.memory_space<semaphore_mem>>)
    %scan3A = arith.constant 0 : i32
    %scan3A_9 = arith.constant 0 : i32
    %scan3A_10 = arith.constant 3 : i32
    %scan3A_11 = arith.addi %scan3A_9, %scan3A_10 : i32
    %scan3A_12 = arith.constant 1 : i32
    scf.for %scan3A_14 = %scan3A_9 to %scan3A_11 step %scan3A_12  : i32 {
      %mul3A_15 = arith.constant 2 : i32
      %mul3A_16 = arith.muli %mul3A_15, %scan3A_14 : i32
      %add3A_17 = arith.constant 1 : i32
      %add3A_18 = arith.addi %mul3A_16, %add3A_17 : i32
      %mul3A_19 = arith.constant 128 : i32
      %mul3A_20 = arith.muli %add3A_18, %mul3A_19 : i32
      %dma_start3A_21 = tpu.memref_slice %arg5[%mul3A_20] : memref<768xi32, #tpu.memory_space<vmem>> -> memref<128xi32, #tpu.memory_space<vmem>>
      %dma_start3A_22 = arith.constant 0 : i32
      %dma_start3A_23 = arith.constant 0 : i32
      %dma_start3A_24 = tpu.memref_slice %arg2[%dma_start3A_22, %dma_start3A_23] : memref<100000x128xf32, #tpu.memory_space<hbm>> -> memref<100000x128xf32, #tpu.memory_space<hbm>>
      tpu.enqueue_indirect_dma source(%dma_start3A_24 : memref<100000x128xf32, #tpu.memory_space<hbm>>) target(%arg7 : memref<128x128xf32, #tpu.memory_space<vmem>>) offsets(%dma_start3A_21 : memref<128xi32, #tpu.memory_space<vmem>>) semaphore(%arg9 : memref<!tpu.dma_semaphore, #tpu.memory_space<semaphore_mem>>)
      %mul3A_25 = arith.constant 128 : i32
      %mul3A_26 = arith.muli %mul3A_16, %mul3A_25 : i32
      %dma_wait3A = tpu.memref_slice %arg5[%mul3A_26] : memref<768xi32, #tpu.memory_space<vmem>> -> memref<128xi32, #tpu.memory_space<vmem>>
      %dma_wait3A_27 = arith.constant 0 : i32
      %dma_wait3A_28 = arith.constant 0 : i32
      %dma_wait3A_29 = tpu.memref_slice %arg2[%dma_wait3A_27, %dma_wait3A_28] : memref<100000x128xf32, #tpu.memory_space<hbm>> -> memref<100000x128xf32, #tpu.memory_space<hbm>>
      tpu.wait_indirect_dma semaphore(%arg8 : memref<!tpu.dma_semaphore, #tpu.memory_space<semaphore_mem>>) src(%dma_wait3A_29 : memref<100000x128xf32, #tpu.memory_space<hbm>>) dst(%arg6 : memref<128x128xf32, #tpu.memory_space<vmem>>)
      %add3A_30 = arith.addi %mul3A_2, %mul3A_16 : i32
      %mul3A_31 = arith.constant 128 : i32
      %mul3A_32 = arith.muli %add3A_30, %mul3A_31 : i32
      "tpu.region"() ({
        %run_scoped3A = tpu.sem_alloc : memref<!tpu.dma_semaphore, #tpu.memory_space<semaphore_mem>>
        %dma_start3A_48 = arith.constant 0 : i32
        %dma_start3A_49 = tpu.memref_slice %arg4[%mul3A_32, %dma_start3A_48] : memref<24576x128xf32, #tpu.memory_space<hbm>> -> memref<128x128xf32, #tpu.memory_space<hbm>>
        %dma_start3A_50 = arith.constant 0 : i32
        %dma_start3A_51 = tpu.memref_slice %arg4[%mul3A_32, %dma_start3A_50] : memref<24576x128xf32, #tpu.memory_space<hbm>> -> memref<128x128xf32, #tpu.memory_space<hbm>>
        tpu.enqueue_dma source(%arg6 : memref<128x128xf32, #tpu.memory_space<vmem>>) target(%dma_start3A_51 : memref<128x128xf32, #tpu.memory_space<hbm>>) target_semaphore(%run_scoped3A : memref<!tpu.dma_semaphore, #tpu.memory_space<semaphore_mem>>)
        %dma_wait3A_52 = arith.constant 0 : i32
        %dma_wait3A_53 = tpu.memref_slice %arg4[%mul3A_32, %dma_wait3A_52] : memref<24576x128xf32, #tpu.memory_space<hbm>> -> memref<128x128xf32, #tpu.memory_space<hbm>>
        %dma_wait3A_54 = arith.constant 0 : i32
        %dma_wait3A_55 = tpu.memref_slice %arg4[%mul3A_32, %dma_wait3A_54] : memref<24576x128xf32, #tpu.memory_space<hbm>> -> memref<128x128xf32, #tpu.memory_space<hbm>>
        tpu.wait_dma2 semaphore(%run_scoped3A : memref<!tpu.dma_semaphore, #tpu.memory_space<semaphore_mem>>) src(%arg6 : memref<128x128xf32, #tpu.memory_space<vmem>>) dst(%dma_wait3A_55 : memref<128x128xf32, #tpu.memory_space<hbm>>)
        tpu.yield
      }) : () -> ()
      %add3A_33 = arith.constant 2 : i32
      %add3A_34 = arith.addi %mul3A_16, %add3A_33 : i32
      %lt3A = arith.constant 6 : i32
      %lt3A_35 = arith.cmpi slt, %add3A_34, %lt3A : i32
      %convert_element_type3A = arith.extui %lt3A_35 : i1 to i32
      %cond3A = arith.constant 0 : i32
      %cond3A_36 = arith.cmpi ne, %convert_element_type3A, %cond3A : i32
      scf.if %cond3A_36 {
        %add3A_48 = arith.constant 2 : i32
        %add3A_49 = arith.addi %mul3A_16, %add3A_48 : i32
        %mul3A_50 = arith.constant 128 : i32
        %mul3A_51 = arith.muli %add3A_49, %mul3A_50 : i32
        %dma_start3A_52 = tpu.memref_slice %arg5[%mul3A_51] : memref<768xi32, #tpu.memory_space<vmem>> -> memref<128xi32, #tpu.memory_space<vmem>>
        %dma_start3A_53 = arith.constant 0 : i32
        %dma_start3A_54 = arith.constant 0 : i32
        %dma_start3A_55 = tpu.memref_slice %arg2[%dma_start3A_53, %dma_start3A_54] : memref<100000x128xf32, #tpu.memory_space<hbm>> -> memref<100000x128xf32, #tpu.memory_space<hbm>>
        tpu.enqueue_indirect_dma source(%dma_start3A_55 : memref<100000x128xf32, #tpu.memory_space<hbm>>) target(%arg6 : memref<128x128xf32, #tpu.memory_space<vmem>>) offsets(%dma_start3A_52 : memref<128xi32, #tpu.memory_space<vmem>>) semaphore(%arg8 : memref<!tpu.dma_semaphore, #tpu.memory_space<semaphore_mem>>)
      } else {
      }
      %add3A_37 = arith.constant 1 : i32
      %add3A_38 = arith.addi %mul3A_16, %add3A_37 : i32
      %mul3A_39 = arith.constant 128 : i32
      %mul3A_40 = arith.muli %add3A_38, %mul3A_39 : i32
      %dma_wait3A_41 = tpu.memref_slice %arg5[%mul3A_40] : memref<768xi32, #tpu.memory_space<vmem>> -> memref<128xi32, #tpu.memory_space<vmem>>
      %dma_wait3A_42 = arith.constant 0 : i32
      %dma_wait3A_43 = arith.constant 0 : i32
      %dma_wait3A_44 = tpu.memref_slice %arg2[%dma_wait3A_42, %dma_wait3A_43] : memref<100000x128xf32, #tpu.memory_space<hbm>> -> memref<100000x128xf32, #tpu.memory_space<hbm>>
      tpu.wait_indirect_dma semaphore(%arg9 : memref<!tpu.dma_semaphore, #tpu.memory_space<semaphore_mem>>) src(%dma_wait3A_44 : memref<100000x128xf32, #tpu.memory_space<hbm>>) dst(%arg7 : memref<128x128xf32, #tpu.memory_space<vmem>>)
      %add3A_45 = arith.addi %mul3A_2, %add3A_38 : i32
      %mul3A_46 = arith.constant 128 : i32
      %mul3A_47 = arith.muli %add3A_45, %mul3A_46 : i32
      "tpu.region"() ({
        %run_scoped3A = tpu.sem_alloc : memref<!tpu.dma_semaphore, #tpu.memory_space<semaphore_mem>>
        %dma_start3A_48 = arith.constant 0 : i32
        %dma_start3A_49 = tpu.memref_slice %arg4[%mul3A_47, %dma_start3A_48] : memref<24576x128xf32, #tpu.memory_space<hbm>> -> memref<128x128xf32, #tpu.memory_space<hbm>>
        %dma_start3A_50 = arith.constant 0 : i32
        %dma_start3A_51 = tpu.memref_slice %arg4[%mul3A_47, %dma_start3A_50] : memref<24576x128xf32, #tpu.memory_space<hbm>> -> memref<128x128xf32, #tpu.memory_space<hbm>>
        tpu.enqueue_dma source(%arg7 : memref<128x128xf32, #tpu.memory_space<vmem>>) target(%dma_start3A_51 : memref<128x128xf32, #tpu.memory_space<hbm>>) target_semaphore(%run_scoped3A : memref<!tpu.dma_semaphore, #tpu.memory_space<semaphore_mem>>)
        %dma_wait3A_52 = arith.constant 0 : i32
        %dma_wait3A_53 = tpu.memref_slice %arg4[%mul3A_47, %dma_wait3A_52] : memref<24576x128xf32, #tpu.memory_space<hbm>> -> memref<128x128xf32, #tpu.memory_space<hbm>>
        %dma_wait3A_54 = arith.constant 0 : i32
        %dma_wait3A_55 = tpu.memref_slice %arg4[%mul3A_47, %dma_wait3A_54] : memref<24576x128xf32, #tpu.memory_space<hbm>> -> memref<128x128xf32, #tpu.memory_space<hbm>>
        tpu.wait_dma2 semaphore(%run_scoped3A : memref<!tpu.dma_semaphore, #tpu.memory_space<semaphore_mem>>) src(%arg7 : memref<128x128xf32, #tpu.memory_space<vmem>>) dst(%dma_wait3A_55 : memref<128x128xf32, #tpu.memory_space<hbm>>)
        tpu.yield
      }) : () -> ()
    }
    %scan3A_13 = arith.constant 3 : i32
    return
  }
}

#map = affine_map<(d0, d1) -> (0, 0)>
#map1 = affine_map<(d0, d1) -> (0)>
module attributes {stable_mosaic.version = 14 : i64} {
  func.func @k(%arg0: i32, %arg1: i32, %arg2: memref<100000x128xf32, #tpu.memory_space<hbm>>, %arg3: memref<90112xi32, #tpu.memory_space<hbm>>, %arg4: memref<90112x128xf32, #tpu.memory_space<hbm>>, %arg5: memref<2816xi32, #tpu.memory_space<vmem>>, %arg6: memref<128x128xf32, #tpu.memory_space<vmem>>, %arg7: memref<128x128xf32, #tpu.memory_space<vmem>>, %arg8: memref<!tpu.dma_semaphore, #tpu.memory_space<semaphore_mem>>, %arg9: memref<!tpu.dma_semaphore, #tpu.memory_space<semaphore_mem>>) attributes {dimension_semantics = [#tpu.dimension_semantics<core_parallel>, #tpu.dimension_semantics<subcore_parallel>], iteration_bounds = array<i64: 2, 16>, scalar_prefetch = 0 : i64, scratch_operands = 5 : i64, tpu.core_type = #tpu.core_type<sc_vector_subcore>, window_params = [{transform_indices = #map}, {transform_indices = #map1}, {transform_indices = #map}]} {
    %mul3A = arith.constant 2 : i32
    %mul3A_0 = arith.muli %arg1, %mul3A : i32
    %add3A = arith.addi %mul3A_0, %arg0 : i32
    %mul3A_1 = arith.constant 22 : i32
    %mul3A_2 = arith.muli %add3A, %mul3A_1 : i32
    %mul3A_3 = arith.constant 128 : i32
    %mul3A_4 = arith.muli %mul3A_2, %mul3A_3 : i32
    "tpu.region"() ({
      %run_scoped3A = tpu.sem_alloc : memref<!tpu.dma_semaphore, #tpu.memory_space<semaphore_mem>>
      %dma_start3A_14 = tpu.memref_slice %arg3[%mul3A_4] : memref<90112xi32, #tpu.memory_space<hbm>> -> memref<2816xi32, #tpu.memory_space<hbm>>
      %dma_start3A_15 = tpu.memref_slice %arg3[%mul3A_4] : memref<90112xi32, #tpu.memory_space<hbm>> -> memref<2816xi32, #tpu.memory_space<hbm>>
      tpu.enqueue_dma source(%dma_start3A_15 : memref<2816xi32, #tpu.memory_space<hbm>>) target(%arg5 : memref<2816xi32, #tpu.memory_space<vmem>>) target_semaphore(%run_scoped3A : memref<!tpu.dma_semaphore, #tpu.memory_space<semaphore_mem>>)
      %dma_wait3A = tpu.memref_slice %arg3[%mul3A_4] : memref<90112xi32, #tpu.memory_space<hbm>> -> memref<2816xi32, #tpu.memory_space<hbm>>
      %dma_wait3A_16 = tpu.memref_slice %arg3[%mul3A_4] : memref<90112xi32, #tpu.memory_space<hbm>> -> memref<2816xi32, #tpu.memory_space<hbm>>
      tpu.wait_dma2 semaphore(%run_scoped3A : memref<!tpu.dma_semaphore, #tpu.memory_space<semaphore_mem>>) src(%dma_wait3A_16 : memref<2816xi32, #tpu.memory_space<hbm>>) dst(%arg5 : memref<2816xi32, #tpu.memory_space<vmem>>)
      tpu.yield
    }) : () -> ()
    %dma_start3A = arith.constant 0 : i32
    %dma_start3A_5 = tpu.memref_slice %arg5[%dma_start3A] : memref<2816xi32, #tpu.memory_space<vmem>> -> memref<128xi32, #tpu.memory_space<vmem>>
    %dma_start3A_6 = arith.constant 0 : i32
    %dma_start3A_7 = arith.constant 0 : i32
    %dma_start3A_8 = tpu.memref_slice %arg2[%dma_start3A_6, %dma_start3A_7] : memref<100000x128xf32, #tpu.memory_space<hbm>> -> memref<100000x128xf32, #tpu.memory_space<hbm>>
    tpu.enqueue_indirect_dma source(%dma_start3A_8 : memref<100000x128xf32, #tpu.memory_space<hbm>>) target(%arg6 : memref<128x128xf32, #tpu.memory_space<vmem>>) offsets(%dma_start3A_5 : memref<128xi32, #tpu.memory_space<vmem>>) semaphore(%arg8 : memref<!tpu.dma_semaphore, #tpu.memory_space<semaphore_mem>>)
    %scan3A = arith.constant 0 : i32
    %scan3A_9 = arith.constant 0 : i32
    %scan3A_10 = arith.constant 11 : i32
    %scan3A_11 = arith.addi %scan3A_9, %scan3A_10 : i32
    %scan3A_12 = arith.constant 1 : i32
    scf.for %scan3A_14 = %scan3A_9 to %scan3A_11 step %scan3A_12  : i32 {
      %mul3A_15 = arith.constant 2 : i32
      %mul3A_16 = arith.muli %mul3A_15, %scan3A_14 : i32
      %add3A_17 = arith.constant 1 : i32
      %add3A_18 = arith.addi %mul3A_16, %add3A_17 : i32
      %mul3A_19 = arith.constant 128 : i32
      %mul3A_20 = arith.muli %add3A_18, %mul3A_19 : i32
      %dma_start3A_21 = tpu.memref_slice %arg5[%mul3A_20] : memref<2816xi32, #tpu.memory_space<vmem>> -> memref<128xi32, #tpu.memory_space<vmem>>
      %dma_start3A_22 = arith.constant 0 : i32
      %dma_start3A_23 = arith.constant 0 : i32
      %dma_start3A_24 = tpu.memref_slice %arg2[%dma_start3A_22, %dma_start3A_23] : memref<100000x128xf32, #tpu.memory_space<hbm>> -> memref<100000x128xf32, #tpu.memory_space<hbm>>
      tpu.enqueue_indirect_dma source(%dma_start3A_24 : memref<100000x128xf32, #tpu.memory_space<hbm>>) target(%arg7 : memref<128x128xf32, #tpu.memory_space<vmem>>) offsets(%dma_start3A_21 : memref<128xi32, #tpu.memory_space<vmem>>) semaphore(%arg9 : memref<!tpu.dma_semaphore, #tpu.memory_space<semaphore_mem>>)
      %mul3A_25 = arith.constant 128 : i32
      %mul3A_26 = arith.muli %mul3A_16, %mul3A_25 : i32
      %dma_wait3A = tpu.memref_slice %arg5[%mul3A_26] : memref<2816xi32, #tpu.memory_space<vmem>> -> memref<128xi32, #tpu.memory_space<vmem>>
      %dma_wait3A_27 = arith.constant 0 : i32
      %dma_wait3A_28 = arith.constant 0 : i32
      %dma_wait3A_29 = tpu.memref_slice %arg2[%dma_wait3A_27, %dma_wait3A_28] : memref<100000x128xf32, #tpu.memory_space<hbm>> -> memref<100000x128xf32, #tpu.memory_space<hbm>>
      tpu.wait_indirect_dma semaphore(%arg8 : memref<!tpu.dma_semaphore, #tpu.memory_space<semaphore_mem>>) src(%dma_wait3A_29 : memref<100000x128xf32, #tpu.memory_space<hbm>>) dst(%arg6 : memref<128x128xf32, #tpu.memory_space<vmem>>)
      %add3A_30 = arith.addi %mul3A_2, %mul3A_16 : i32
      %mul3A_31 = arith.constant 128 : i32
      %mul3A_32 = arith.muli %add3A_30, %mul3A_31 : i32
      "tpu.region"() ({
        %run_scoped3A = tpu.sem_alloc : memref<!tpu.dma_semaphore, #tpu.memory_space<semaphore_mem>>
        %dma_start3A_48 = arith.constant 0 : i32
        %dma_start3A_49 = tpu.memref_slice %arg4[%mul3A_32, %dma_start3A_48] : memref<90112x128xf32, #tpu.memory_space<hbm>> -> memref<128x128xf32, #tpu.memory_space<hbm>>
        %dma_start3A_50 = arith.constant 0 : i32
        %dma_start3A_51 = tpu.memref_slice %arg4[%mul3A_32, %dma_start3A_50] : memref<90112x128xf32, #tpu.memory_space<hbm>> -> memref<128x128xf32, #tpu.memory_space<hbm>>
        tpu.enqueue_dma source(%arg6 : memref<128x128xf32, #tpu.memory_space<vmem>>) target(%dma_start3A_51 : memref<128x128xf32, #tpu.memory_space<hbm>>) target_semaphore(%run_scoped3A : memref<!tpu.dma_semaphore, #tpu.memory_space<semaphore_mem>>)
        %dma_wait3A_52 = arith.constant 0 : i32
        %dma_wait3A_53 = tpu.memref_slice %arg4[%mul3A_32, %dma_wait3A_52] : memref<90112x128xf32, #tpu.memory_space<hbm>> -> memref<128x128xf32, #tpu.memory_space<hbm>>
        %dma_wait3A_54 = arith.constant 0 : i32
        %dma_wait3A_55 = tpu.memref_slice %arg4[%mul3A_32, %dma_wait3A_54] : memref<90112x128xf32, #tpu.memory_space<hbm>> -> memref<128x128xf32, #tpu.memory_space<hbm>>
        tpu.wait_dma2 semaphore(%run_scoped3A : memref<!tpu.dma_semaphore, #tpu.memory_space<semaphore_mem>>) src(%arg6 : memref<128x128xf32, #tpu.memory_space<vmem>>) dst(%dma_wait3A_55 : memref<128x128xf32, #tpu.memory_space<hbm>>)
        tpu.yield
      }) : () -> ()
      %add3A_33 = arith.constant 2 : i32
      %add3A_34 = arith.addi %mul3A_16, %add3A_33 : i32
      %lt3A = arith.constant 22 : i32
      %lt3A_35 = arith.cmpi slt, %add3A_34, %lt3A : i32
      %convert_element_type3A = arith.extui %lt3A_35 : i1 to i32
      %cond3A = arith.constant 0 : i32
      %cond3A_36 = arith.cmpi ne, %convert_element_type3A, %cond3A : i32
      scf.if %cond3A_36 {
        %add3A_48 = arith.constant 2 : i32
        %add3A_49 = arith.addi %mul3A_16, %add3A_48 : i32
        %mul3A_50 = arith.constant 128 : i32
        %mul3A_51 = arith.muli %add3A_49, %mul3A_50 : i32
        %dma_start3A_52 = tpu.memref_slice %arg5[%mul3A_51] : memref<2816xi32, #tpu.memory_space<vmem>> -> memref<128xi32, #tpu.memory_space<vmem>>
        %dma_start3A_53 = arith.constant 0 : i32
        %dma_start3A_54 = arith.constant 0 : i32
        %dma_start3A_55 = tpu.memref_slice %arg2[%dma_start3A_53, %dma_start3A_54] : memref<100000x128xf32, #tpu.memory_space<hbm>> -> memref<100000x128xf32, #tpu.memory_space<hbm>>
        tpu.enqueue_indirect_dma source(%dma_start3A_55 : memref<100000x128xf32, #tpu.memory_space<hbm>>) target(%arg6 : memref<128x128xf32, #tpu.memory_space<vmem>>) offsets(%dma_start3A_52 : memref<128xi32, #tpu.memory_space<vmem>>) semaphore(%arg8 : memref<!tpu.dma_semaphore, #tpu.memory_space<semaphore_mem>>)
      } else {
      }
      %add3A_37 = arith.constant 1 : i32
      %add3A_38 = arith.addi %mul3A_16, %add3A_37 : i32
      %mul3A_39 = arith.constant 128 : i32
      %mul3A_40 = arith.muli %add3A_38, %mul3A_39 : i32
      %dma_wait3A_41 = tpu.memref_slice %arg5[%mul3A_40] : memref<2816xi32, #tpu.memory_space<vmem>> -> memref<128xi32, #tpu.memory_space<vmem>>
      %dma_wait3A_42 = arith.constant 0 : i32
      %dma_wait3A_43 = arith.constant 0 : i32
      %dma_wait3A_44 = tpu.memref_slice %arg2[%dma_wait3A_42, %dma_wait3A_43] : memref<100000x128xf32, #tpu.memory_space<hbm>> -> memref<100000x128xf32, #tpu.memory_space<hbm>>
      tpu.wait_indirect_dma semaphore(%arg9 : memref<!tpu.dma_semaphore, #tpu.memory_space<semaphore_mem>>) src(%dma_wait3A_44 : memref<100000x128xf32, #tpu.memory_space<hbm>>) dst(%arg7 : memref<128x128xf32, #tpu.memory_space<vmem>>)
      %add3A_45 = arith.addi %mul3A_2, %add3A_38 : i32
      %mul3A_46 = arith.constant 128 : i32
      %mul3A_47 = arith.muli %add3A_45, %mul3A_46 : i32
      "tpu.region"() ({
        %run_scoped3A = tpu.sem_alloc : memref<!tpu.dma_semaphore, #tpu.memory_space<semaphore_mem>>
        %dma_start3A_48 = arith.constant 0 : i32
        %dma_start3A_49 = tpu.memref_slice %arg4[%mul3A_47, %dma_start3A_48] : memref<90112x128xf32, #tpu.memory_space<hbm>> -> memref<128x128xf32, #tpu.memory_space<hbm>>
        %dma_start3A_50 = arith.constant 0 : i32
        %dma_start3A_51 = tpu.memref_slice %arg4[%mul3A_47, %dma_start3A_50] : memref<90112x128xf32, #tpu.memory_space<hbm>> -> memref<128x128xf32, #tpu.memory_space<hbm>>
        tpu.enqueue_dma source(%arg7 : memref<128x128xf32, #tpu.memory_space<vmem>>) target(%dma_start3A_51 : memref<128x128xf32, #tpu.memory_space<hbm>>) target_semaphore(%run_scoped3A : memref<!tpu.dma_semaphore, #tpu.memory_space<semaphore_mem>>)
        %dma_wait3A_52 = arith.constant 0 : i32
        %dma_wait3A_53 = tpu.memref_slice %arg4[%mul3A_47, %dma_wait3A_52] : memref<90112x128xf32, #tpu.memory_space<hbm>> -> memref<128x128xf32, #tpu.memory_space<hbm>>
        %dma_wait3A_54 = arith.constant 0 : i32
        %dma_wait3A_55 = tpu.memref_slice %arg4[%mul3A_47, %dma_wait3A_54] : memref<90112x128xf32, #tpu.memory_space<hbm>> -> memref<128x128xf32, #tpu.memory_space<hbm>>
        tpu.wait_dma2 semaphore(%run_scoped3A : memref<!tpu.dma_semaphore, #tpu.memory_space<semaphore_mem>>) src(%arg7 : memref<128x128xf32, #tpu.memory_space<vmem>>) dst(%dma_wait3A_55 : memref<128x128xf32, #tpu.memory_space<hbm>>)
        tpu.yield
      }) : () -> ()
    }
    %scan3A_13 = arith.constant 11 : i32
    return
  }
}

module attributes {stable_mosaic.version = 14 : i64} {
  func.func @body(%arg0: i32, %arg1: memref<1024x1xi32, #tpu.memory_space<vmem>>, %arg2: memref<256x256xbf16, #tpu.memory_space<vmem>>, %arg3: memref<128x128xbf16, #tpu.memory_space<vmem>>, %arg4: memref<128x128xbf16, #tpu.memory_space<vmem>>, %arg5: memref<1x256xf32, #tpu.memory_space<vmem>>, %arg6: memref<1x128xf32, #tpu.memory_space<vmem>>, %arg7: memref<1x128xf32, #tpu.memory_space<vmem>>, %arg8: memref<256x256xbf16, #tpu.memory_space<vmem>>, %arg9: memref<128x128xbf16, #tpu.memory_space<vmem>>, %arg10: memref<128x128xbf16, #tpu.memory_space<vmem>>, %arg11: memref<1x256xf32, #tpu.memory_space<vmem>>, %arg12: memref<1x128xf32, #tpu.memory_space<vmem>>, %arg13: memref<1x128xf32, #tpu.memory_space<vmem>>, %arg14: memref<1024x128xf32, #tpu.memory_space<vmem>>, %arg15: memref<1024x128xf32, #tpu.memory_space<vmem>>, %arg16: memref<8x1024x128xf32, #tpu.memory_space<vmem>>, %arg17: memref<200x1024x128xf32, #tpu.memory_space<any>>, %arg18: memref<8x1024x128xf32, #tpu.memory_space<vmem>>, %arg19: memref<1024x128xf32, #tpu.memory_space<vmem>>, %arg20: memref<1024x128xf32, #tpu.memory_space<vmem>>) attributes {dimension_semantics = [#tpu.dimension_semantics<arbitrary>], iteration_bounds = array<i64: 11>, scalar_prefetch = 0 : i64, scratch_operands = 0 : i64, tpu.core_type = #tpu.core_type<tc>, window_params = [{pipeline_mode = #tpu.pipeline_mode<synchronous>, transform_indices = @transform_0, window_bounds = array<i64: 1024, 1>}, {pipeline_mode = #tpu.pipeline_mode<synchronous>, transform_indices = @transform_1, window_bounds = array<i64: 256, 256>}, {pipeline_mode = #tpu.pipeline_mode<synchronous>, transform_indices = @transform_2, window_bounds = array<i64: 128, 128>}, {pipeline_mode = #tpu.pipeline_mode<synchronous>, transform_indices = @transform_3, window_bounds = array<i64: 128, 128>}, {pipeline_mode = #tpu.pipeline_mode<synchronous>, transform_indices = @transform_4, window_bounds = array<i64: 1, 256>}, {pipeline_mode = #tpu.pipeline_mode<synchronous>, transform_indices = @transform_5, window_bounds = array<i64: 1, 128>}, {pipeline_mode = #tpu.pipeline_mode<synchronous>, transform_indices = @transform_6, window_bounds = array<i64: 1, 128>}, {pipeline_mode = #tpu.pipeline_mode<synchronous>, transform_indices = @transform_7, window_bounds = array<i64: 256, 256>}, {pipeline_mode = #tpu.pipeline_mode<synchronous>, transform_indices = @transform_8, window_bounds = array<i64: 128, 128>}, {pipeline_mode = #tpu.pipeline_mode<synchronous>, transform_indices = @transform_9, window_bounds = array<i64: 128, 128>}, {pipeline_mode = #tpu.pipeline_mode<synchronous>, transform_indices = @transform_10, window_bounds = array<i64: 1, 256>}, {pipeline_mode = #tpu.pipeline_mode<synchronous>, transform_indices = @transform_11, window_bounds = array<i64: 1, 128>}, {pipeline_mode = #tpu.pipeline_mode<synchronous>, transform_indices = @transform_12, window_bounds = array<i64: 1, 128>}, {pipeline_mode = #tpu.pipeline_mode<synchronous>, transform_indices = @transform_13, window_bounds = array<i64: 1024, 128>}, {pipeline_mode = #tpu.pipeline_mode<synchronous>, transform_indices = @transform_14, window_bounds = array<i64: 1024, 128>}, {transform_indices = @transform_15, window_bounds = array<i64: 8, 1024, 128>}, {}, {transform_indices = @transform_17, window_bounds = array<i64: 8, 1024, 128>}, {pipeline_mode = #tpu.pipeline_mode<synchronous>, transform_indices = @transform_18, window_bounds = array<i64: 1024, 128>}, {pipeline_mode = #tpu.pipeline_mode<synchronous>, transform_indices = @transform_19, window_bounds = array<i64: 1024, 128>}]} {
    %eq3A = arith.constant 0 : i32
    %eq3A_0 = arith.cmpi eq, %arg0, %eq3A : i32
    %get3A = arith.constant 0 : index
    %get3A_1 = arith.constant 0 : index
    %get3A_2 = vector.load %arg14[%get3A, %get3A_1] : memref<1024x128xf32, #tpu.memory_space<vmem>>, vector<1024x128xf32>
    %get3A_3 = arith.constant 0 : index
    %get3A_4 = arith.constant 0 : index
    %get3A_5 = vector.load %arg19[%get3A_3, %get3A_4] : memref<1024x128xf32, #tpu.memory_space<vmem>>, vector<1024x128xf32>
    %select_n3A = arith.select %eq3A_0, %get3A_2, %get3A_5 : vector<1024x128xf32>
    %get3A_6 = arith.constant 0 : index
    %get3A_7 = arith.constant 0 : index
    %get3A_8 = vector.load %arg15[%get3A_6, %get3A_7] : memref<1024x128xf32, #tpu.memory_space<vmem>>, vector<1024x128xf32>
    %get3A_9 = arith.constant 0 : index
    %get3A_10 = arith.constant 0 : index
    %get3A_11 = vector.load %arg20[%get3A_9, %get3A_10] : memref<1024x128xf32, #tpu.memory_space<vmem>>, vector<1024x128xf32>
    %select_n3A_12 = arith.select %eq3A_0, %get3A_8, %get3A_11 : vector<1024x128xf32>
    %mul3A = arith.constant 8 : i32
    %mul3A_13 = arith.muli %arg0, %mul3A : i32
    %add3A = arith.constant 24 : i32
    %add3A_14 = arith.addi %add3A, %mul3A_13 : i32
    %add3A_15 = arith.constant 0 : i32
    %add3A_16 = arith.addi %add3A_14, %add3A_15 : i32
    %get3A_17 = arith.constant 0 : index
    %get3A_18 = arith.constant 0 : index
    %get3A_19 = vector.load %arg1[%get3A_17, %get3A_18] : memref<1024x1xi32, #tpu.memory_space<vmem>>, vector<1024x1xi32>
    %gt3A = vector.broadcast %add3A_16 : i32 to vector<1024x1xi32>
    %gt3A_20 = arith.cmpi sgt, %get3A_19, %gt3A : vector<1024x1xi32>
    %get3A_21 = arith.constant 0 : index
    %get3A_22 = arith.constant 0 : index
    %get3A_23 = arith.constant 0 : index
    %get3A_24 = vector.load %arg16[%get3A_21, %get3A_22, %get3A_23] : memref<8x1024x128xf32, #tpu.memory_space<vmem>>, vector<1x1024x128xf32>
    %get3A_25 = vector.shape_cast %get3A_24 : vector<1x1024x128xf32> to vector<1024x128xf32>
    %convert_element_type3A = arith.truncf %get3A_25 : vector<1024x128xf32> to vector<1024x128xbf16>
    %convert_element_type3A_26 = arith.truncf %select_n3A : vector<1024x128xf32> to vector<1024x128xbf16>
    %concatenate3A = tpu.concatenate %convert_element_type3A, %convert_element_type3A_26 in 1 : vector<1024x128xbf16>, vector<1024x128xbf16> -> vector<1024x256xbf16>
    %get3A_27 = arith.constant 0 : index
    %get3A_28 = arith.constant 0 : index
    %get3A_29 = vector.load %arg2[%get3A_27, %get3A_28] : memref<256x256xbf16, #tpu.memory_space<vmem>>, vector<256x256xbf16>
    %dot_general3A = arith.constant dense<0.000000e+00> : vector<1024x256xf32>
    %dot_general3A_30 = tpu.matmul %concatenate3A, %get3A_29, %dot_general3A {dimension_numbers = #tpu.dot_dimension_numbers<[1], [0], [0], [1], [0, 0, 1, 1], [], []>, transpose_lhs_hint = false} : vector<1024x256xbf16>, vector<256x256xbf16>, vector<1024x256xf32> -> vector<1024x256xf32>
    %get3A_31 = arith.constant 0 : index
    %get3A_32 = arith.constant 0 : index
    %get3A_33 = vector.load %arg5[%get3A_31, %get3A_32] : memref<1x256xf32, #tpu.memory_space<vmem>>, vector<1x256xf32>
    %add3A_34 = vector.broadcast %get3A_33 : vector<1x256xf32> to vector<1024x256xf32>
    %add3A_35 = arith.addf %dot_general3A_30, %add3A_34 : vector<1024x256xf32>
    %get3A_36 = arith.constant 0 : index
    %get3A_37 = arith.constant 0 : index
    %get3A_38 = vector.load %arg3[%get3A_36, %get3A_37] : memref<128x128xbf16, #tpu.memory_space<vmem>>, vector<128x128xbf16>
    %dot_general3A_39 = arith.constant dense<0.000000e+00> : vector<1024x128xf32>
    %dot_general3A_40 = tpu.matmul %convert_element_type3A, %get3A_38, %dot_general3A_39 {dimension_numbers = #tpu.dot_dimension_numbers<[1], [0], [0], [1], [0, 0, 1, 1], [], []>, transpose_lhs_hint = false} : vector<1024x128xbf16>, vector<128x128xbf16>, vector<1024x128xf32> -> vector<1024x128xf32>
    %get3A_41 = arith.constant 0 : index
    %get3A_42 = arith.constant 0 : index
    %get3A_43 = vector.load %arg6[%get3A_41, %get3A_42] : memref<1x128xf32, #tpu.memory_space<vmem>>, vector<1x128xf32>
    %add3A_44 = vector.broadcast %get3A_43 : vector<1x128xf32> to vector<1024x128xf32>
    %add3A_45 = arith.addf %dot_general3A_40, %add3A_44 : vector<1024x128xf32>
    %get3A_46 = arith.constant 0 : index
    %get3A_47 = arith.constant 0 : index
    %get3A_48 = vector.load %arg4[%get3A_46, %get3A_47] : memref<128x128xbf16, #tpu.memory_space<vmem>>, vector<128x128xbf16>
    %dot_general3A_49 = arith.constant dense<0.000000e+00> : vector<1024x128xf32>
    %dot_general3A_50 = tpu.matmul %convert_element_type3A_26, %get3A_48, %dot_general3A_49 {dimension_numbers = #tpu.dot_dimension_numbers<[1], [0], [0], [1], [0, 0, 1, 1], [], []>, transpose_lhs_hint = false} : vector<1024x128xbf16>, vector<128x128xbf16>, vector<1024x128xf32> -> vector<1024x128xf32>
    %get3A_51 = arith.constant 0 : index
    %get3A_52 = arith.constant 0 : index
    %get3A_53 = vector.load %arg7[%get3A_51, %get3A_52] : memref<1x128xf32, #tpu.memory_space<vmem>>, vector<1x128xf32>
    %add3A_54 = vector.broadcast %get3A_53 : vector<1x128xf32> to vector<1024x128xf32>
    %add3A_55 = arith.addf %dot_general3A_50, %add3A_54 : vector<1024x128xf32>
    %slice3A = vector.extract_strided_slice %add3A_35 {offsets = [0, 0], sizes = [1024, 128], strides = [1, 1]} : vector<1024x256xf32> to vector<1024x128xf32>
    %tanh3A = math.tanh %slice3A : vector<1024x128xf32>
    %slice3A_56 = vector.extract_strided_slice %add3A_35 {offsets = [0, 128], sizes = [1024, 128], strides = [1, 1]} : vector<1024x256xf32> to vector<1024x128xf32>
    %tanh3A_57 = math.tanh %slice3A_56 : vector<1024x128xf32>
    %add3A_58 = arith.constant 1.000000e+00 : f32
    %add3A_59 = vector.broadcast %add3A_58 : f32 to vector<1024x128xf32>
    %add3A_60 = arith.addf %tanh3A, %add3A_59 : vector<1024x128xf32>
    %mul3A_61 = arith.mulf %add3A_55, %add3A_60 : vector<1024x128xf32>
    %add3A_62 = arith.addf %add3A_45, %mul3A_61 : vector<1024x128xf32>
    %tanh3A_63 = math.tanh %add3A_62 : vector<1024x128xf32>
    %add3A_64 = arith.addf %select_n3A, %tanh3A_63 : vector<1024x128xf32>
    %sub3A = arith.subf %select_n3A, %tanh3A_63 : vector<1024x128xf32>
    %mul3A_65 = arith.mulf %tanh3A_57, %sub3A : vector<1024x128xf32>
    %add3A_66 = arith.addf %add3A_64, %mul3A_65 : vector<1024x128xf32>
    %mul3A_67 = arith.constant 5.000000e-01 : f32
    %mul3A_68 = vector.broadcast %mul3A_67 : f32 to vector<1024x128xf32>
    %mul3A_69 = arith.mulf %mul3A_68, %add3A_66 : vector<1024x128xf32>
    %broadcast_in_dim3A = vector.shape_cast %gt3A_20 : vector<1024x1xi1> to vector<1024x1xi1>
    %broadcast_in_dim3A_70 = vector.broadcast %broadcast_in_dim3A : vector<1024x1xi1> to vector<1024x128xi1>
    %select_n3A_71 = arith.select %broadcast_in_dim3A_70, %mul3A_69, %select_n3A : vector<1024x128xi1>, vector<1024x128xf32>
    %jit3A = arith.constant 0.000000e+00 : f32
    %broadcast_in_dim3A_72 = vector.shape_cast %gt3A_20 : vector<1024x1xi1> to vector<1024x1xi1>
    %broadcast_in_dim3A_73 = vector.broadcast %broadcast_in_dim3A_72 : vector<1024x1xi1> to vector<1024x128xi1>
    %broadcast_in_dim3A_74 = vector.broadcast %jit3A : f32 to vector<1024x128xf32>
    %select_n3A_75 = arith.select %broadcast_in_dim3A_73, %mul3A_69, %broadcast_in_dim3A_74 : vector<1024x128xi1>, vector<1024x128xf32>
    %convert_element_type3A_76 = arith.truncf %select_n3A_75 : vector<1024x128xf32> to vector<1024x128xbf16>
    %convert_element_type3A_77 = arith.truncf %select_n3A_12 : vector<1024x128xf32> to vector<1024x128xbf16>
    %concatenate3A_78 = tpu.concatenate %convert_element_type3A_76, %convert_element_type3A_77 in 1 : vector<1024x128xbf16>, vector<1024x128xbf16> -> vector<1024x256xbf16>
    %get3A_79 = arith.constant 0 : index
    %get3A_80 = arith.constant 0 : index
    %get3A_81 = vector.load %arg8[%get3A_79, %get3A_80] : memref<256x256xbf16, #tpu.memory_space<vmem>>, vector<256x256xbf16>
    %dot_general3A_82 = arith.constant dense<0.000000e+00> : vector<1024x256xf32>
    %dot_general3A_83 = tpu.matmul %concatenate3A_78, %get3A_81, %dot_general3A_82 {dimension_numbers = #tpu.dot_dimension_numbers<[1], [0], [0], [1], [0, 0, 1, 1], [], []>, transpose_lhs_hint = false} : vector<1024x256xbf16>, vector<256x256xbf16>, vector<1024x256xf32> -> vector<1024x256xf32>
    %get3A_84 = arith.constant 0 : index
    %get3A_85 = arith.constant 0 : index
    %get3A_86 = vector.load %arg11[%get3A_84, %get3A_85] : memref<1x256xf32, #tpu.memory_space<vmem>>, vector<1x256xf32>
    %add3A_87 = vector.broadcast %get3A_86 : vector<1x256xf32> to vector<1024x256xf32>
    %add3A_88 = arith.addf %dot_general3A_83, %add3A_87 : vector<1024x256xf32>
    %get3A_89 = arith.constant 0 : index
    %get3A_90 = arith.constant 0 : index
    %get3A_91 = vector.load %arg9[%get3A_89, %get3A_90] : memref<128x128xbf16, #tpu.memory_space<vmem>>, vector<128x128xbf16>
    %dot_general3A_92 = arith.constant dense<0.000000e+00> : vector<1024x128xf32>
    %dot_general3A_93 = tpu.matmul %convert_element_type3A_76, %get3A_91, %dot_general3A_92 {dimension_numbers = #tpu.dot_dimension_numbers<[1], [0], [0], [1], [0, 0, 1, 1], [], []>, transpose_lhs_hint = false} : vector<1024x128xbf16>, vector<128x128xbf16>, vector<1024x128xf32> -> vector<1024x128xf32>
    %get3A_94 = arith.constant 0 : index
    %get3A_95 = arith.constant 0 : index
    %get3A_96 = vector.load %arg12[%get3A_94, %get3A_95] : memref<1x128xf32, #tpu.memory_space<vmem>>, vector<1x128xf32>
    %add3A_97 = vector.broadcast %get3A_96 : vector<1x128xf32> to vector<1024x128xf32>
    %add3A_98 = arith.addf %dot_general3A_93, %add3A_97 : vector<1024x128xf32>
    %get3A_99 = arith.constant 0 : index
    %get3A_100 = arith.constant 0 : index
    %get3A_101 = vector.load %arg10[%get3A_99, %get3A_100] : memref<128x128xbf16, #tpu.memory_space<vmem>>, vector<128x128xbf16>
    %dot_general3A_102 = arith.constant dense<0.000000e+00> : vector<1024x128xf32>
    %dot_general3A_103 = tpu.matmul %convert_element_type3A_77, %get3A_101, %dot_general3A_102 {dimension_numbers = #tpu.dot_dimension_numbers<[1], [0], [0], [1], [0, 0, 1, 1], [], []>, transpose_lhs_hint = false} : vector<1024x128xbf16>, vector<128x128xbf16>, vector<1024x128xf32> -> vector<1024x128xf32>
    %get3A_104 = arith.constant 0 : index
    %get3A_105 = arith.constant 0 : index
    %get3A_106 = vector.load %arg13[%get3A_104, %get3A_105] : memref<1x128xf32, #tpu.memory_space<vmem>>, vector<1x128xf32>
    %add3A_107 = vector.broadcast %get3A_106 : vector<1x128xf32> to vector<1024x128xf32>
    %add3A_108 = arith.addf %dot_general3A_103, %add3A_107 : vector<1024x128xf32>
    %slice3A_109 = vector.extract_strided_slice %add3A_88 {offsets = [0, 0], sizes = [1024, 128], strides = [1, 1]} : vector<1024x256xf32> to vector<1024x128xf32>
    %tanh3A_110 = math.tanh %slice3A_109 : vector<1024x128xf32>
    %slice3A_111 = vector.extract_strided_slice %add3A_88 {offsets = [0, 128], sizes = [1024, 128], strides = [1, 1]} : vector<1024x256xf32> to vector<1024x128xf32>
    %tanh3A_112 = math.tanh %slice3A_111 : vector<1024x128xf32>
    %add3A_113 = arith.constant 1.000000e+00 : f32
    %add3A_114 = vector.broadcast %add3A_113 : f32 to vector<1024x128xf32>
    %add3A_115 = arith.addf %tanh3A_110, %add3A_114 : vector<1024x128xf32>
    %mul3A_116 = arith.mulf %add3A_108, %add3A_115 : vector<1024x128xf32>
    %add3A_117 = arith.addf %add3A_98, %mul3A_116 : vector<1024x128xf32>
    %tanh3A_118 = math.tanh %add3A_117 : vector<1024x128xf32>
    %add3A_119 = arith.addf %select_n3A_12, %tanh3A_118 : vector<1024x128xf32>
    %sub3A_120 = arith.subf %select_n3A_12, %tanh3A_118 : vector<1024x128xf32>
    %mul3A_121 = arith.mulf %tanh3A_112, %sub3A_120 : vector<1024x128xf32>
    %add3A_122 = arith.addf %add3A_119, %mul3A_121 : vector<1024x128xf32>
    %mul3A_123 = arith.constant 5.000000e-01 : f32
    %mul3A_124 = vector.broadcast %mul3A_123 : f32 to vector<1024x128xf32>
    %mul3A_125 = arith.mulf %mul3A_124, %add3A_122 : vector<1024x128xf32>
    %broadcast_in_dim3A_126 = vector.shape_cast %gt3A_20 : vector<1024x1xi1> to vector<1024x1xi1>
    %broadcast_in_dim3A_127 = vector.broadcast %broadcast_in_dim3A_126 : vector<1024x1xi1> to vector<1024x128xi1>
    %select_n3A_128 = arith.select %broadcast_in_dim3A_127, %mul3A_125, %select_n3A_12 : vector<1024x128xi1>, vector<1024x128xf32>
    %jit3A_129 = arith.constant 0.000000e+00 : f32
    %broadcast_in_dim3A_130 = vector.shape_cast %gt3A_20 : vector<1024x1xi1> to vector<1024x1xi1>
    %broadcast_in_dim3A_131 = vector.broadcast %broadcast_in_dim3A_130 : vector<1024x1xi1> to vector<1024x128xi1>
    %broadcast_in_dim3A_132 = vector.broadcast %jit3A_129 : f32 to vector<1024x128xf32>
    %select_n3A_133 = arith.select %broadcast_in_dim3A_131, %mul3A_125, %broadcast_in_dim3A_132 : vector<1024x128xi1>, vector<1024x128xf32>
    %swap3A = arith.constant 0 : index
    %swap3A_134 = arith.constant 0 : index
    %swap3A_135 = arith.constant 0 : index
    %swap3A_136 = vector.load %arg18[%swap3A, %swap3A_134, %swap3A_135] : memref<8x1024x128xf32, #tpu.memory_space<vmem>>, vector<1x1024x128xf32>
    %swap3A_137 = vector.shape_cast %swap3A_136 : vector<1x1024x128xf32> to vector<1024x128xf32>
    %swap3A_138 = vector.shape_cast %select_n3A_133 : vector<1024x128xf32> to vector<1x1024x128xf32>
    tpu.vector_store %arg18[%swap3A, %swap3A_134, %swap3A_135], %swap3A_138 {strides = array<i32>} : memref<8x1024x128xf32, #tpu.memory_space<vmem>>, vector<1x1024x128xf32>,
    %mul3A_139 = arith.constant 8 : i32
    %mul3A_140 = arith.muli %arg0, %mul3A_139 : i32
    %add3A_141 = arith.constant 24 : i32
    %add3A_142 = arith.addi %add3A_141, %mul3A_140 : i32
    %add3A_143 = arith.constant 1 : i32
    %add3A_144 = arith.addi %add3A_142, %add3A_143 : i32
    %get3A_145 = arith.constant 0 : index
    %get3A_146 = arith.constant 0 : index
    %get3A_147 = vector.load %arg1[%get3A_145, %get3A_146] : memref<1024x1xi32, #tpu.memory_space<vmem>>, vector<1024x1xi32>
    %gt3A_148 = vector.broadcast %add3A_144 : i32 to vector<1024x1xi32>
    %gt3A_149 = arith.cmpi sgt, %get3A_147, %gt3A_148 : vector<1024x1xi32>
    %get3A_150 = arith.constant 1 : index
    %get3A_151 = arith.constant 0 : index
    %get3A_152 = arith.constant 0 : index
    %get3A_153 = vector.load %arg16[%get3A_150, %get3A_151, %get3A_152] : memref<8x1024x128xf32, #tpu.memory_space<vmem>>, vector<1x1024x128xf32>
    %get3A_154 = vector.shape_cast %get3A_153 : vector<1x1024x128xf32> to vector<1024x128xf32>
    %convert_element_type3A_155 = arith.truncf %get3A_154 : vector<1024x128xf32> to vector<1024x128xbf16>
    %convert_element_type3A_156 = arith.truncf %select_n3A_71 : vector<1024x128xf32> to vector<1024x128xbf16>
    %concatenate3A_157 = tpu.concatenate %convert_element_type3A_155, %convert_element_type3A_156 in 1 : vector<1024x128xbf16>, vector<1024x128xbf16> -> vector<1024x256xbf16>
    %get3A_158 = arith.constant 0 : index
    %get3A_159 = arith.constant 0 : index
    %get3A_160 = vector.load %arg2[%get3A_158, %get3A_159] : memref<256x256xbf16, #tpu.memory_space<vmem>>, vector<256x256xbf16>
    %dot_general3A_161 = arith.constant dense<0.000000e+00> : vector<1024x256xf32>
    %dot_general3A_162 = tpu.matmul %concatenate3A_157, %get3A_160, %dot_general3A_161 {dimension_numbers = #tpu.dot_dimension_numbers<[1], [0], [0], [1], [0, 0, 1, 1], [], []>, transpose_lhs_hint = false} : vector<1024x256xbf16>, vector<256x256xbf16>, vector<1024x256xf32> -> vector<1024x256xf32>
    %get3A_163 = arith.constant 0 : index
    %get3A_164 = arith.constant 0 : index
    %get3A_165 = vector.load %arg5[%get3A_163, %get3A_164] : memref<1x256xf32, #tpu.memory_space<vmem>>, vector<1x256xf32>
    %add3A_166 = vector.broadcast %get3A_165 : vector<1x256xf32> to vector<1024x256xf32>
    %add3A_167 = arith.addf %dot_general3A_162, %add3A_166 : vector<1024x256xf32>
    %get3A_168 = arith.constant 0 : index
    %get3A_169 = arith.constant 0 : index
    %get3A_170 = vector.load %arg3[%get3A_168, %get3A_169] : memref<128x128xbf16, #tpu.memory_space<vmem>>, vector<128x128xbf16>
    %dot_general3A_171 = arith.constant dense<0.000000e+00> : vector<1024x128xf32>
    %dot_general3A_172 = tpu.matmul %convert_element_type3A_155, %get3A_170, %dot_general3A_171 {dimension_numbers = #tpu.dot_dimension_numbers<[1], [0], [0], [1], [0, 0, 1, 1], [], []>, transpose_lhs_hint = false} : vector<1024x128xbf16>, vector<128x128xbf16>, vector<1024x128xf32> -> vector<1024x128xf32>
    %get3A_173 = arith.constant 0 : index
    %get3A_174 = arith.constant 0 : index
    %get3A_175 = vector.load %arg6[%get3A_173, %get3A_174] : memref<1x128xf32, #tpu.memory_space<vmem>>, vector<1x128xf32>
    %add3A_176 = vector.broadcast %get3A_175 : vector<1x128xf32> to vector<1024x128xf32>
    %add3A_177 = arith.addf %dot_general3A_172, %add3A_176 : vector<1024x128xf32>
    %get3A_178 = arith.constant 0 : index
    %get3A_179 = arith.constant 0 : index
    %get3A_180 = vector.load %arg4[%get3A_178, %get3A_179] : memref<128x128xbf16, #tpu.memory_space<vmem>>, vector<128x128xbf16>
    %dot_general3A_181 = arith.constant dense<0.000000e+00> : vector<1024x128xf32>
    %dot_general3A_182 = tpu.matmul %convert_element_type3A_156, %get3A_180, %dot_general3A_181 {dimension_numbers = #tpu.dot_dimension_numbers<[1], [0], [0], [1], [0, 0, 1, 1], [], []>, transpose_lhs_hint = false} : vector<1024x128xbf16>, vector<128x128xbf16>, vector<1024x128xf32> -> vector<1024x128xf32>
    %get3A_183 = arith.constant 0 : index
    %get3A_184 = arith.constant 0 : index
    %get3A_185 = vector.load %arg7[%get3A_183, %get3A_184] : memref<1x128xf32, #tpu.memory_space<vmem>>, vector<1x128xf32>
    %add3A_186 = vector.broadcast %get3A_185 : vector<1x128xf32> to vector<1024x128xf32>
    %add3A_187 = arith.addf %dot_general3A_182, %add3A_186 : vector<1024x128xf32>
    %slice3A_188 = vector.extract_strided_slice %add3A_167 {offsets = [0, 0], sizes = [1024, 128], strides = [1, 1]} : vector<1024x256xf32> to vector<1024x128xf32>
    %tanh3A_189 = math.tanh %slice3A_188 : vector<1024x128xf32>
    %slice3A_190 = vector.extract_strided_slice %add3A_167 {offsets = [0, 128], sizes = [1024, 128], strides = [1, 1]} : vector<1024x256xf32> to vector<1024x128xf32>
    %tanh3A_191 = math.tanh %slice3A_190 : vector<1024x128xf32>
    %add3A_192 = arith.constant 1.000000e+00 : f32
    %add3A_193 = vector.broadcast %add3A_192 : f32 to vector<1024x128xf32>
    %add3A_194 = arith.addf %tanh3A_189, %add3A_193 : vector<1024x128xf32>
    %mul3A_195 = arith.mulf %add3A_187, %add3A_194 : vector<1024x128xf32>
    %add3A_196 = arith.addf %add3A_177, %mul3A_195 : vector<1024x128xf32>
    %tanh3A_197 = math.tanh %add3A_196 : vector<1024x128xf32>
    %add3A_198 = arith.addf %select_n3A_71, %tanh3A_197 : vector<1024x128xf32>
    %sub3A_199 = arith.subf %select_n3A_71, %tanh3A_197 : vector<1024x128xf32>
    %mul3A_200 = arith.mulf %tanh3A_191, %sub3A_199 : vector<1024x128xf32>
    %add3A_201 = arith.addf %add3A_198, %mul3A_200 : vector<1024x128xf32>
    %mul3A_202 = arith.constant 5.000000e-01 : f32
    %mul3A_203 = vector.broadcast %mul3A_202 : f32 to vector<1024x128xf32>
    %mul3A_204 = arith.mulf %mul3A_203, %add3A_201 : vector<1024x128xf32>
    %broadcast_in_dim3A_205 = vector.shape_cast %gt3A_149 : vector<1024x1xi1> to vector<1024x1xi1>
    %broadcast_in_dim3A_206 = vector.broadcast %broadcast_in_dim3A_205 : vector<1024x1xi1> to vector<1024x128xi1>
    %select_n3A_207 = arith.select %broadcast_in_dim3A_206, %mul3A_204, %select_n3A_71 : vector<1024x128xi1>, vector<1024x128xf32>
    %jit3A_208 = arith.constant 0.000000e+00 : f32
    %broadcast_in_dim3A_209 = vector.shape_cast %gt3A_149 : vector<1024x1xi1> to vector<1024x1xi1>
    %broadcast_in_dim3A_210 = vector.broadcast %broadcast_in_dim3A_209 : vector<1024x1xi1> to vector<1024x128xi1>
    %broadcast_in_dim3A_211 = vector.broadcast %jit3A_208 : f32 to vector<1024x128xf32>
    %select_n3A_212 = arith.select %broadcast_in_dim3A_210, %mul3A_204, %broadcast_in_dim3A_211 : vector<1024x128xi1>, vector<1024x128xf32>
    %convert_element_type3A_213 = arith.truncf %select_n3A_212 : vector<1024x128xf32> to vector<1024x128xbf16>
    %convert_element_type3A_214 = arith.truncf %select_n3A_128 : vector<1024x128xf32> to vector<1024x128xbf16>
    %concatenate3A_215 = tpu.concatenate %convert_element_type3A_213, %convert_element_type3A_214 in 1 : vector<1024x128xbf16>, vector<1024x128xbf16> -> vector<1024x256xbf16>
    %get3A_216 = arith.constant 0 : index
    %get3A_217 = arith.constant 0 : index
    %get3A_218 = vector.load %arg8[%get3A_216, %get3A_217] : memref<256x256xbf16, #tpu.memory_space<vmem>>, vector<256x256xbf16>
    %dot_general3A_219 = arith.constant dense<0.000000e+00> : vector<1024x256xf32>
    %dot_general3A_220 = tpu.matmul %concatenate3A_215, %get3A_218, %dot_general3A_219 {dimension_numbers = #tpu.dot_dimension_numbers<[1], [0], [0], [1], [0, 0, 1, 1], [], []>, transpose_lhs_hint = false} : vector<1024x256xbf16>, vector<256x256xbf16>, vector<1024x256xf32> -> vector<1024x256xf32>
    %get3A_221 = arith.constant 0 : index
    %get3A_222 = arith.constant 0 : index
    %get3A_223 = vector.load %arg11[%get3A_221, %get3A_222] : memref<1x256xf32, #tpu.memory_space<vmem>>, vector<1x256xf32>
    %add3A_224 = vector.broadcast %get3A_223 : vector<1x256xf32> to vector<1024x256xf32>
    %add3A_225 = arith.addf %dot_general3A_220, %add3A_224 : vector<1024x256xf32>
    %get3A_226 = arith.constant 0 : index
    %get3A_227 = arith.constant 0 : index
    %get3A_228 = vector.load %arg9[%get3A_226, %get3A_227] : memref<128x128xbf16, #tpu.memory_space<vmem>>, vector<128x128xbf16>
    %dot_general3A_229 = arith.constant dense<0.000000e+00> : vector<1024x128xf32>
    %dot_general3A_230 = tpu.matmul %convert_element_type3A_213, %get3A_228, %dot_general3A_229 {dimension_numbers = #tpu.dot_dimension_numbers<[1], [0], [0], [1], [0, 0, 1, 1], [], []>, transpose_lhs_hint = false} : vector<1024x128xbf16>, vector<128x128xbf16>, vector<1024x128xf32> -> vector<1024x128xf32>
    %get3A_231 = arith.constant 0 : index
    %get3A_232 = arith.constant 0 : index
    %get3A_233 = vector.load %arg12[%get3A_231, %get3A_232] : memref<1x128xf32, #tpu.memory_space<vmem>>, vector<1x128xf32>
    %add3A_234 = vector.broadcast %get3A_233 : vector<1x128xf32> to vector<1024x128xf32>
    %add3A_235 = arith.addf %dot_general3A_230, %add3A_234 : vector<1024x128xf32>
    %get3A_236 = arith.constant 0 : index
    %get3A_237 = arith.constant 0 : index
    %get3A_238 = vector.load %arg10[%get3A_236, %get3A_237] : memref<128x128xbf16, #tpu.memory_space<vmem>>, vector<128x128xbf16>
    %dot_general3A_239 = arith.constant dense<0.000000e+00> : vector<1024x128xf32>
    %dot_general3A_240 = tpu.matmul %convert_element_type3A_214, %get3A_238, %dot_general3A_239 {dimension_numbers = #tpu.dot_dimension_numbers<[1], [0], [0], [1], [0, 0, 1, 1], [], []>, transpose_lhs_hint = false} : vector<1024x128xbf16>, vector<128x128xbf16>, vector<1024x128xf32> -> vector<1024x128xf32>
    %get3A_241 = arith.constant 0 : index
    %get3A_242 = arith.constant 0 : index
    %get3A_243 = vector.load %arg13[%get3A_241, %get3A_242] : memref<1x128xf32, #tpu.memory_space<vmem>>, vector<1x128xf32>
    %add3A_244 = vector.broadcast %get3A_243 : vector<1x128xf32> to vector<1024x128xf32>
    %add3A_245 = arith.addf %dot_general3A_240, %add3A_244 : vector<1024x128xf32>
    %slice3A_246 = vector.extract_strided_slice %add3A_225 {offsets = [0, 0], sizes = [1024, 128], strides = [1, 1]} : vector<1024x256xf32> to vector<1024x128xf32>
    %tanh3A_247 = math.tanh %slice3A_246 : vector<1024x128xf32>
    %slice3A_248 = vector.extract_strided_slice %add3A_225 {offsets = [0, 128], sizes = [1024, 128], strides = [1, 1]} : vector<1024x256xf32> to vector<1024x128xf32>
    %tanh3A_249 = math.tanh %slice3A_248 : vector<1024x128xf32>
    %add3A_250 = arith.constant 1.000000e+00 : f32
    %add3A_251 = vector.broadcast %add3A_250 : f32 to vector<1024x128xf32>
    %add3A_252 = arith.addf %tanh3A_247, %add3A_251 : vector<1024x128xf32>
    %mul3A_253 = arith.mulf %add3A_245, %add3A_252 : vector<1024x128xf32>
    %add3A_254 = arith.addf %add3A_235, %mul3A_253 : vector<1024x128xf32>
    %tanh3A_255 = math.tanh %add3A_254 : vector<1024x128xf32>
    %add3A_256 = arith.addf %select_n3A_128, %tanh3A_255 : vector<1024x128xf32>
    %sub3A_257 = arith.subf %select_n3A_128, %tanh3A_255 : vector<1024x128xf32>
    %mul3A_258 = arith.mulf %tanh3A_249, %sub3A_257 : vector<1024x128xf32>
    %add3A_259 = arith.addf %add3A_256, %mul3A_258 : vector<1024x128xf32>
    %mul3A_260 = arith.constant 5.000000e-01 : f32
    %mul3A_261 = vector.broadcast %mul3A_260 : f32 to vector<1024x128xf32>
    %mul3A_262 = arith.mulf %mul3A_261, %add3A_259 : vector<1024x128xf32>
    %broadcast_in_dim3A_263 = vector.shape_cast %gt3A_149 : vector<1024x1xi1> to vector<1024x1xi1>
    %broadcast_in_dim3A_264 = vector.broadcast %broadcast_in_dim3A_263 : vector<1024x1xi1> to vector<1024x128xi1>
    %select_n3A_265 = arith.select %broadcast_in_dim3A_264, %mul3A_262, %select_n3A_128 : vector<1024x128xi1>, vector<1024x128xf32>
    %jit3A_266 = arith.constant 0.000000e+00 : f32
    %broadcast_in_dim3A_267 = vector.shape_cast %gt3A_149 : vector<1024x1xi1> to vector<1024x1xi1>
    %broadcast_in_dim3A_268 = vector.broadcast %broadcast_in_dim3A_267 : vector<1024x1xi1> to vector<1024x128xi1>
    %broadcast_in_dim3A_269 = vector.broadcast %jit3A_266 : f32 to vector<1024x128xf32>
    %select_n3A_270 = arith.select %broadcast_in_dim3A_268, %mul3A_262, %broadcast_in_dim3A_269 : vector<1024x128xi1>, vector<1024x128xf32>
    %swap3A_271 = arith.constant 1 : index
    %swap3A_272 = arith.constant 0 : index
    %swap3A_273 = arith.constant 0 : index
    %swap3A_274 = vector.load %arg18[%swap3A_271, %swap3A_272, %swap3A_273] : memref<8x1024x128xf32, #tpu.memory_space<vmem>>, vector<1x1024x128xf32>
    %swap3A_275 = vector.shape_cast %swap3A_274 : vector<1x1024x128xf32> to vector<1024x128xf32>
    %swap3A_276 = vector.shape_cast %select_n3A_270 : vector<1024x128xf32> to vector<1x1024x128xf32>
    tpu.vector_store %arg18[%swap3A_271, %swap3A_272, %swap3A_273], %swap3A_276 {strides = array<i32>} : memref<8x1024x128xf32, #tpu.memory_space<vmem>>, vector<1x1024x128xf32>,
    %mul3A_277 = arith.constant 8 : i32
    %mul3A_278 = arith.muli %arg0, %mul3A_277 : i32
    %add3A_279 = arith.constant 24 : i32
    %add3A_280 = arith.addi %add3A_279, %mul3A_278 : i32
    %add3A_281 = arith.constant 2 : i32
    %add3A_282 = arith.addi %add3A_280, %add3A_281 : i32
    %get3A_283 = arith.constant 0 : index
    %get3A_284 = arith.constant 0 : index
    %get3A_285 = vector.load %arg1[%get3A_283, %get3A_284] : memref<1024x1xi32, #tpu.memory_space<vmem>>, vector<1024x1xi32>
    %gt3A_286 = vector.broadcast %add3A_282 : i32 to vector<1024x1xi32>
    %gt3A_287 = arith.cmpi sgt, %get3A_285, %gt3A_286 : vector<1024x1xi32>
    %get3A_288 = arith.constant 2 : index
    %get3A_289 = arith.constant 0 : index
    %get3A_290 = arith.constant 0 : index
    %get3A_291 = vector.load %arg16[%get3A_288, %get3A_289, %get3A_290] : memref<8x1024x128xf32, #tpu.memory_space<vmem>>, vector<1x1024x128xf32>
    %get3A_292 = vector.shape_cast %get3A_291 : vector<1x1024x128xf32> to vector<1024x128xf32>
    %convert_element_type3A_293 = arith.truncf %get3A_292 : vector<1024x128xf32> to vector<1024x128xbf16>
    %convert_element_type3A_294 = arith.truncf %select_n3A_207 : vector<1024x128xf32> to vector<1024x128xbf16>
    %concatenate3A_295 = tpu.concatenate %convert_element_type3A_293, %convert_element_type3A_294 in 1 : vector<1024x128xbf16>, vector<1024x128xbf16> -> vector<1024x256xbf16>
    %get3A_296 = arith.constant 0 : index
    %get3A_297 = arith.constant 0 : index
    %get3A_298 = vector.load %arg2[%get3A_296, %get3A_297] : memref<256x256xbf16, #tpu.memory_space<vmem>>, vector<256x256xbf16>
    %dot_general3A_299 = arith.constant dense<0.000000e+00> : vector<1024x256xf32>
    %dot_general3A_300 = tpu.matmul %concatenate3A_295, %get3A_298, %dot_general3A_299 {dimension_numbers = #tpu.dot_dimension_numbers<[1], [0], [0], [1], [0, 0, 1, 1], [], []>, transpose_lhs_hint = false} : vector<1024x256xbf16>, vector<256x256xbf16>, vector<1024x256xf32> -> vector<1024x256xf32>
    %get3A_301 = arith.constant 0 : index
    %get3A_302 = arith.constant 0 : index
    %get3A_303 = vector.load %arg5[%get3A_301, %get3A_302] : memref<1x256xf32, #tpu.memory_space<vmem>>, vector<1x256xf32>
    %add3A_304 = vector.broadcast %get3A_303 : vector<1x256xf32> to vector<1024x256xf32>
    %add3A_305 = arith.addf %dot_general3A_300, %add3A_304 : vector<1024x256xf32>
    %get3A_306 = arith.constant 0 : index
    %get3A_307 = arith.constant 0 : index
    %get3A_308 = vector.load %arg3[%get3A_306, %get3A_307] : memref<128x128xbf16, #tpu.memory_space<vmem>>, vector<128x128xbf16>
    %dot_general3A_309 = arith.constant dense<0.000000e+00> : vector<1024x128xf32>
    %dot_general3A_310 = tpu.matmul %convert_element_type3A_293, %get3A_308, %dot_general3A_309 {dimension_numbers = #tpu.dot_dimension_numbers<[1], [0], [0], [1], [0, 0, 1, 1], [], []>, transpose_lhs_hint = false} : vector<1024x128xbf16>, vector<128x128xbf16>, vector<1024x128xf32> -> vector<1024x128xf32>
    %get3A_311 = arith.constant 0 : index
    %get3A_312 = arith.constant 0 : index
    %get3A_313 = vector.load %arg6[%get3A_311, %get3A_312] : memref<1x128xf32, #tpu.memory_space<vmem>>, vector<1x128xf32>
    %add3A_314 = vector.broadcast %get3A_313 : vector<1x128xf32> to vector<1024x128xf32>
    %add3A_315 = arith.addf %dot_general3A_310, %add3A_314 : vector<1024x128xf32>
    %get3A_316 = arith.constant 0 : index
    %get3A_317 = arith.constant 0 : index
    %get3A_318 = vector.load %arg4[%get3A_316, %get3A_317] : memref<128x128xbf16, #tpu.memory_space<vmem>>, vector<128x128xbf16>
    %dot_general3A_319 = arith.constant dense<0.000000e+00> : vector<1024x128xf32>
    %dot_general3A_320 = tpu.matmul %convert_element_type3A_294, %get3A_318, %dot_general3A_319 {dimension_numbers = #tpu.dot_dimension_numbers<[1], [0], [0], [1], [0, 0, 1, 1], [], []>, transpose_lhs_hint = false} : vector<1024x128xbf16>, vector<128x128xbf16>, vector<1024x128xf32> -> vector<1024x128xf32>
    %get3A_321 = arith.constant 0 : index
    %get3A_322 = arith.constant 0 : index
    %get3A_323 = vector.load %arg7[%get3A_321, %get3A_322] : memref<1x128xf32, #tpu.memory_space<vmem>>, vector<1x128xf32>
    %add3A_324 = vector.broadcast %get3A_323 : vector<1x128xf32> to vector<1024x128xf32>
    %add3A_325 = arith.addf %dot_general3A_320, %add3A_324 : vector<1024x128xf32>
    %slice3A_326 = vector.extract_strided_slice %add3A_305 {offsets = [0, 0], sizes = [1024, 128], strides = [1, 1]} : vector<1024x256xf32> to vector<1024x128xf32>
    %tanh3A_327 = math.tanh %slice3A_326 : vector<1024x128xf32>
    %slice3A_328 = vector.extract_strided_slice %add3A_305 {offsets = [0, 128], sizes = [1024, 128], strides = [1, 1]} : vector<1024x256xf32> to vector<1024x128xf32>
    %tanh3A_329 = math.tanh %slice3A_328 : vector<1024x128xf32>
    %add3A_330 = arith.constant 1.000000e+00 : f32
    %add3A_331 = vector.broadcast %add3A_330 : f32 to vector<1024x128xf32>
    %add3A_332 = arith.addf %tanh3A_327, %add3A_331 : vector<1024x128xf32>
    %mul3A_333 = arith.mulf %add3A_325, %add3A_332 : vector<1024x128xf32>
    %add3A_334 = arith.addf %add3A_315, %mul3A_333 : vector<1024x128xf32>
    %tanh3A_335 = math.tanh %add3A_334 : vector<1024x128xf32>
    %add3A_336 = arith.addf %select_n3A_207, %tanh3A_335 : vector<1024x128xf32>
    %sub3A_337 = arith.subf %select_n3A_207, %tanh3A_335 : vector<1024x128xf32>
    %mul3A_338 = arith.mulf %tanh3A_329, %sub3A_337 : vector<1024x128xf32>
    %add3A_339 = arith.addf %add3A_336, %mul3A_338 : vector<1024x128xf32>
    %mul3A_340 = arith.constant 5.000000e-01 : f32
    %mul3A_341 = vector.broadcast %mul3A_340 : f32 to vector<1024x128xf32>
    %mul3A_342 = arith.mulf %mul3A_341, %add3A_339 : vector<1024x128xf32>
    %broadcast_in_dim3A_343 = vector.shape_cast %gt3A_287 : vector<1024x1xi1> to vector<1024x1xi1>
    %broadcast_in_dim3A_344 = vector.broadcast %broadcast_in_dim3A_343 : vector<1024x1xi1> to vector<1024x128xi1>
    %select_n3A_345 = arith.select %broadcast_in_dim3A_344, %mul3A_342, %select_n3A_207 : vector<1024x128xi1>, vector<1024x128xf32>
    %jit3A_346 = arith.constant 0.000000e+00 : f32
    %broadcast_in_dim3A_347 = vector.shape_cast %gt3A_287 : vector<1024x1xi1> to vector<1024x1xi1>
    %broadcast_in_dim3A_348 = vector.broadcast %broadcast_in_dim3A_347 : vector<1024x1xi1> to vector<1024x128xi1>
    %broadcast_in_dim3A_349 = vector.broadcast %jit3A_346 : f32 to vector<1024x128xf32>
    %select_n3A_350 = arith.select %broadcast_in_dim3A_348, %mul3A_342, %broadcast_in_dim3A_349 : vector<1024x128xi1>, vector<1024x128xf32>
    %convert_element_type3A_351 = arith.truncf %select_n3A_350 : vector<1024x128xf32> to vector<1024x128xbf16>
    %convert_element_type3A_352 = arith.truncf %select_n3A_265 : vector<1024x128xf32> to vector<1024x128xbf16>
    %concatenate3A_353 = tpu.concatenate %convert_element_type3A_351, %convert_element_type3A_352 in 1 : vector<1024x128xbf16>, vector<1024x128xbf16> -> vector<1024x256xbf16>
    %get3A_354 = arith.constant 0 : index
    %get3A_355 = arith.constant 0 : index
    %get3A_356 = vector.load %arg8[%get3A_354, %get3A_355] : memref<256x256xbf16, #tpu.memory_space<vmem>>, vector<256x256xbf16>
    %dot_general3A_357 = arith.constant dense<0.000000e+00> : vector<1024x256xf32>
    %dot_general3A_358 = tpu.matmul %concatenate3A_353, %get3A_356, %dot_general3A_357 {dimension_numbers = #tpu.dot_dimension_numbers<[1], [0], [0], [1], [0, 0, 1, 1], [], []>, transpose_lhs_hint = false} : vector<1024x256xbf16>, vector<256x256xbf16>, vector<1024x256xf32> -> vector<1024x256xf32>
    %get3A_359 = arith.constant 0 : index
    %get3A_360 = arith.constant 0 : index
    %get3A_361 = vector.load %arg11[%get3A_359, %get3A_360] : memref<1x256xf32, #tpu.memory_space<vmem>>, vector<1x256xf32>
    %add3A_362 = vector.broadcast %get3A_361 : vector<1x256xf32> to vector<1024x256xf32>
    %add3A_363 = arith.addf %dot_general3A_358, %add3A_362 : vector<1024x256xf32>
    %get3A_364 = arith.constant 0 : index
    %get3A_365 = arith.constant 0 : index
    %get3A_366 = vector.load %arg9[%get3A_364, %get3A_365] : memref<128x128xbf16, #tpu.memory_space<vmem>>, vector<128x128xbf16>
    %dot_general3A_367 = arith.constant dense<0.000000e+00> : vector<1024x128xf32>
    %dot_general3A_368 = tpu.matmul %convert_element_type3A_351, %get3A_366, %dot_general3A_367 {dimension_numbers = #tpu.dot_dimension_numbers<[1], [0], [0], [1], [0, 0, 1, 1], [], []>, transpose_lhs_hint = false} : vector<1024x128xbf16>, vector<128x128xbf16>, vector<1024x128xf32> -> vector<1024x128xf32>
    %get3A_369 = arith.constant 0 : index
    %get3A_370 = arith.constant 0 : index
    %get3A_371 = vector.load %arg12[%get3A_369, %get3A_370] : memref<1x128xf32, #tpu.memory_space<vmem>>, vector<1x128xf32>
    %add3A_372 = vector.broadcast %get3A_371 : vector<1x128xf32> to vector<1024x128xf32>
    %add3A_373 = arith.addf %dot_general3A_368, %add3A_372 : vector<1024x128xf32>
    %get3A_374 = arith.constant 0 : index
    %get3A_375 = arith.constant 0 : index
    %get3A_376 = vector.load %arg10[%get3A_374, %get3A_375] : memref<128x128xbf16, #tpu.memory_space<vmem>>, vector<128x128xbf16>
    %dot_general3A_377 = arith.constant dense<0.000000e+00> : vector<1024x128xf32>
    %dot_general3A_378 = tpu.matmul %convert_element_type3A_352, %get3A_376, %dot_general3A_377 {dimension_numbers = #tpu.dot_dimension_numbers<[1], [0], [0], [1], [0, 0, 1, 1], [], []>, transpose_lhs_hint = false} : vector<1024x128xbf16>, vector<128x128xbf16>, vector<1024x128xf32> -> vector<1024x128xf32>
    %get3A_379 = arith.constant 0 : index
    %get3A_380 = arith.constant 0 : index
    %get3A_381 = vector.load %arg13[%get3A_379, %get3A_380] : memref<1x128xf32, #tpu.memory_space<vmem>>, vector<1x128xf32>
    %add3A_382 = vector.broadcast %get3A_381 : vector<1x128xf32> to vector<1024x128xf32>
    %add3A_383 = arith.addf %dot_general3A_378, %add3A_382 : vector<1024x128xf32>
    %slice3A_384 = vector.extract_strided_slice %add3A_363 {offsets = [0, 0], sizes = [1024, 128], strides = [1, 1]} : vector<1024x256xf32> to vector<1024x128xf32>
    %tanh3A_385 = math.tanh %slice3A_384 : vector<1024x128xf32>
    %slice3A_386 = vector.extract_strided_slice %add3A_363 {offsets = [0, 128], sizes = [1024, 128], strides = [1, 1]} : vector<1024x256xf32> to vector<1024x128xf32>
    %tanh3A_387 = math.tanh %slice3A_386 : vector<1024x128xf32>
    %add3A_388 = arith.constant 1.000000e+00 : f32
    %add3A_389 = vector.broadcast %add3A_388 : f32 to vector<1024x128xf32>
    %add3A_390 = arith.addf %tanh3A_385, %add3A_389 : vector<1024x128xf32>
    %mul3A_391 = arith.mulf %add3A_383, %add3A_390 : vector<1024x128xf32>
    %add3A_392 = arith.addf %add3A_373, %mul3A_391 : vector<1024x128xf32>
    %tanh3A_393 = math.tanh %add3A_392 : vector<1024x128xf32>
    %add3A_394 = arith.addf %select_n3A_265, %tanh3A_393 : vector<1024x128xf32>
    %sub3A_395 = arith.subf %select_n3A_265, %tanh3A_393 : vector<1024x128xf32>
    %mul3A_396 = arith.mulf %tanh3A_387, %sub3A_395 : vector<1024x128xf32>
    %add3A_397 = arith.addf %add3A_394, %mul3A_396 : vector<1024x128xf32>
    %mul3A_398 = arith.constant 5.000000e-01 : f32
    %mul3A_399 = vector.broadcast %mul3A_398 : f32 to vector<1024x128xf32>
    %mul3A_400 = arith.mulf %mul3A_399, %add3A_397 : vector<1024x128xf32>
    %broadcast_in_dim3A_401 = vector.shape_cast %gt3A_287 : vector<1024x1xi1> to vector<1024x1xi1>
    %broadcast_in_dim3A_402 = vector.broadcast %broadcast_in_dim3A_401 : vector<1024x1xi1> to vector<1024x128xi1>
    %select_n3A_403 = arith.select %broadcast_in_dim3A_402, %mul3A_400, %select_n3A_265 : vector<1024x128xi1>, vector<1024x128xf32>
    %jit3A_404 = arith.constant 0.000000e+00 : f32
    %broadcast_in_dim3A_405 = vector.shape_cast %gt3A_287 : vector<1024x1xi1> to vector<1024x1xi1>
    %broadcast_in_dim3A_406 = vector.broadcast %broadcast_in_dim3A_405 : vector<1024x1xi1> to vector<1024x128xi1>
    %broadcast_in_dim3A_407 = vector.broadcast %jit3A_404 : f32 to vector<1024x128xf32>
    %select_n3A_408 = arith.select %broadcast_in_dim3A_406, %mul3A_400, %broadcast_in_dim3A_407 : vector<1024x128xi1>, vector<1024x128xf32>
    %swap3A_409 = arith.constant 2 : index
    %swap3A_410 = arith.constant 0 : index
    %swap3A_411 = arith.constant 0 : index
    %swap3A_412 = vector.load %arg18[%swap3A_409, %swap3A_410, %swap3A_411] : memref<8x1024x128xf32, #tpu.memory_space<vmem>>, vector<1x1024x128xf32>
    %swap3A_413 = vector.shape_cast %swap3A_412 : vector<1x1024x128xf32> to vector<1024x128xf32>
    %swap3A_414 = vector.shape_cast %select_n3A_408 : vector<1024x128xf32> to vector<1x1024x128xf32>
    tpu.vector_store %arg18[%swap3A_409, %swap3A_410, %swap3A_411], %swap3A_414 {strides = array<i32>} : memref<8x1024x128xf32, #tpu.memory_space<vmem>>, vector<1x1024x128xf32>,
    %mul3A_415 = arith.constant 8 : i32
    %mul3A_416 = arith.muli %arg0, %mul3A_415 : i32
    %add3A_417 = arith.constant 24 : i32
    %add3A_418 = arith.addi %add3A_417, %mul3A_416 : i32
    %add3A_419 = arith.constant 3 : i32
    %add3A_420 = arith.addi %add3A_418, %add3A_419 : i32
    %get3A_421 = arith.constant 0 : index
    %get3A_422 = arith.constant 0 : index
    %get3A_423 = vector.load %arg1[%get3A_421, %get3A_422] : memref<1024x1xi32, #tpu.memory_space<vmem>>, vector<1024x1xi32>
    %gt3A_424 = vector.broadcast %add3A_420 : i32 to vector<1024x1xi32>
    %gt3A_425 = arith.cmpi sgt, %get3A_423, %gt3A_424 : vector<1024x1xi32>
    %get3A_426 = arith.constant 3 : index
    %get3A_427 = arith.constant 0 : index
    %get3A_428 = arith.constant 0 : index
    %get3A_429 = vector.load %arg16[%get3A_426, %get3A_427, %get3A_428] : memref<8x1024x128xf32, #tpu.memory_space<vmem>>, vector<1x1024x128xf32>
    %get3A_430 = vector.shape_cast %get3A_429 : vector<1x1024x128xf32> to vector<1024x128xf32>
    %convert_element_type3A_431 = arith.truncf %get3A_430 : vector<1024x128xf32> to vector<1024x128xbf16>
    %convert_element_type3A_432 = arith.truncf %select_n3A_345 : vector<1024x128xf32> to vector<1024x128xbf16>
    %concatenate3A_433 = tpu.concatenate %convert_element_type3A_431, %convert_element_type3A_432 in 1 : vector<1024x128xbf16>, vector<1024x128xbf16> -> vector<1024x256xbf16>
    %get3A_434 = arith.constant 0 : index
    %get3A_435 = arith.constant 0 : index
    %get3A_436 = vector.load %arg2[%get3A_434, %get3A_435] : memref<256x256xbf16, #tpu.memory_space<vmem>>, vector<256x256xbf16>
    %dot_general3A_437 = arith.constant dense<0.000000e+00> : vector<1024x256xf32>
    %dot_general3A_438 = tpu.matmul %concatenate3A_433, %get3A_436, %dot_general3A_437 {dimension_numbers = #tpu.dot_dimension_numbers<[1], [0], [0], [1], [0, 0, 1, 1], [], []>, transpose_lhs_hint = false} : vector<1024x256xbf16>, vector<256x256xbf16>, vector<1024x256xf32> -> vector<1024x256xf32>
    %get3A_439 = arith.constant 0 : index
    %get3A_440 = arith.constant 0 : index
    %get3A_441 = vector.load %arg5[%get3A_439, %get3A_440] : memref<1x256xf32, #tpu.memory_space<vmem>>, vector<1x256xf32>
    %add3A_442 = vector.broadcast %get3A_441 : vector<1x256xf32> to vector<1024x256xf32>
    %add3A_443 = arith.addf %dot_general3A_438, %add3A_442 : vector<1024x256xf32>
    %get3A_444 = arith.constant 0 : index
    %get3A_445 = arith.constant 0 : index
    %get3A_446 = vector.load %arg3[%get3A_444, %get3A_445] : memref<128x128xbf16, #tpu.memory_space<vmem>>, vector<128x128xbf16>
    %dot_general3A_447 = arith.constant dense<0.000000e+00> : vector<1024x128xf32>
    %dot_general3A_448 = tpu.matmul %convert_element_type3A_431, %get3A_446, %dot_general3A_447 {dimension_numbers = #tpu.dot_dimension_numbers<[1], [0], [0], [1], [0, 0, 1, 1], [], []>, transpose_lhs_hint = false} : vector<1024x128xbf16>, vector<128x128xbf16>, vector<1024x128xf32> -> vector<1024x128xf32>
    %get3A_449 = arith.constant 0 : index
    %get3A_450 = arith.constant 0 : index
    %get3A_451 = vector.load %arg6[%get3A_449, %get3A_450] : memref<1x128xf32, #tpu.memory_space<vmem>>, vector<1x128xf32>
    %add3A_452 = vector.broadcast %get3A_451 : vector<1x128xf32> to vector<1024x128xf32>
    %add3A_453 = arith.addf %dot_general3A_448, %add3A_452 : vector<1024x128xf32>
    %get3A_454 = arith.constant 0 : index
    %get3A_455 = arith.constant 0 : index
    %get3A_456 = vector.load %arg4[%get3A_454, %get3A_455] : memref<128x128xbf16, #tpu.memory_space<vmem>>, vector<128x128xbf16>
    %dot_general3A_457 = arith.constant dense<0.000000e+00> : vector<1024x128xf32>
    %dot_general3A_458 = tpu.matmul %convert_element_type3A_432, %get3A_456, %dot_general3A_457 {dimension_numbers = #tpu.dot_dimension_numbers<[1], [0], [0], [1], [0, 0, 1, 1], [], []>, transpose_lhs_hint = false} : vector<1024x128xbf16>, vector<128x128xbf16>, vector<1024x128xf32> -> vector<1024x128xf32>
    %get3A_459 = arith.constant 0 : index
    %get3A_460 = arith.constant 0 : index
    %get3A_461 = vector.load %arg7[%get3A_459, %get3A_460] : memref<1x128xf32, #tpu.memory_space<vmem>>, vector<1x128xf32>
    %add3A_462 = vector.broadcast %get3A_461 : vector<1x128xf32> to vector<1024x128xf32>
    %add3A_463 = arith.addf %dot_general3A_458, %add3A_462 : vector<1024x128xf32>
    %slice3A_464 = vector.extract_strided_slice %add3A_443 {offsets = [0, 0], sizes = [1024, 128], strides = [1, 1]} : vector<1024x256xf32> to vector<1024x128xf32>
    %tanh3A_465 = math.tanh %slice3A_464 : vector<1024x128xf32>
    %slice3A_466 = vector.extract_strided_slice %add3A_443 {offsets = [0, 128], sizes = [1024, 128], strides = [1, 1]} : vector<1024x256xf32> to vector<1024x128xf32>
    %tanh3A_467 = math.tanh %slice3A_466 : vector<1024x128xf32>
    %add3A_468 = arith.constant 1.000000e+00 : f32
    %add3A_469 = vector.broadcast %add3A_468 : f32 to vector<1024x128xf32>
    %add3A_470 = arith.addf %tanh3A_465, %add3A_469 : vector<1024x128xf32>
    %mul3A_471 = arith.mulf %add3A_463, %add3A_470 : vector<1024x128xf32>
    %add3A_472 = arith.addf %add3A_453, %mul3A_471 : vector<1024x128xf32>
    %tanh3A_473 = math.tanh %add3A_472 : vector<1024x128xf32>
    %add3A_474 = arith.addf %select_n3A_345, %tanh3A_473 : vector<1024x128xf32>
    %sub3A_475 = arith.subf %select_n3A_345, %tanh3A_473 : vector<1024x128xf32>
    %mul3A_476 = arith.mulf %tanh3A_467, %sub3A_475 : vector<1024x128xf32>
    %add3A_477 = arith.addf %add3A_474, %mul3A_476 : vector<1024x128xf32>
    %mul3A_478 = arith.constant 5.000000e-01 : f32
    %mul3A_479 = vector.broadcast %mul3A_478 : f32 to vector<1024x128xf32>
    %mul3A_480 = arith.mulf %mul3A_479, %add3A_477 : vector<1024x128xf32>
    %broadcast_in_dim3A_481 = vector.shape_cast %gt3A_425 : vector<1024x1xi1> to vector<1024x1xi1>
    %broadcast_in_dim3A_482 = vector.broadcast %broadcast_in_dim3A_481 : vector<1024x1xi1> to vector<1024x128xi1>
    %select_n3A_483 = arith.select %broadcast_in_dim3A_482, %mul3A_480, %select_n3A_345 : vector<1024x128xi1>, vector<1024x128xf32>
    %jit3A_484 = arith.constant 0.000000e+00 : f32
    %broadcast_in_dim3A_485 = vector.shape_cast %gt3A_425 : vector<1024x1xi1> to vector<1024x1xi1>
    %broadcast_in_dim3A_486 = vector.broadcast %broadcast_in_dim3A_485 : vector<1024x1xi1> to vector<1024x128xi1>
    %broadcast_in_dim3A_487 = vector.broadcast %jit3A_484 : f32 to vector<1024x128xf32>
    %select_n3A_488 = arith.select %broadcast_in_dim3A_486, %mul3A_480, %broadcast_in_dim3A_487 : vector<1024x128xi1>, vector<1024x128xf32>
    %convert_element_type3A_489 = arith.truncf %select_n3A_488 : vector<1024x128xf32> to vector<1024x128xbf16>
    %convert_element_type3A_490 = arith.truncf %select_n3A_403 : vector<1024x128xf32> to vector<1024x128xbf16>
    %concatenate3A_491 = tpu.concatenate %convert_element_type3A_489, %convert_element_type3A_490 in 1 : vector<1024x128xbf16>, vector<1024x128xbf16> -> vector<1024x256xbf16>
    %get3A_492 = arith.constant 0 : index
    %get3A_493 = arith.constant 0 : index
    %get3A_494 = vector.load %arg8[%get3A_492, %get3A_493] : memref<256x256xbf16, #tpu.memory_space<vmem>>, vector<256x256xbf16>
    %dot_general3A_495 = arith.constant dense<0.000000e+00> : vector<1024x256xf32>
    %dot_general3A_496 = tpu.matmul %concatenate3A_491, %get3A_494, %dot_general3A_495 {dimension_numbers = #tpu.dot_dimension_numbers<[1], [0], [0], [1], [0, 0, 1, 1], [], []>, transpose_lhs_hint = false} : vector<1024x256xbf16>, vector<256x256xbf16>, vector<1024x256xf32> -> vector<1024x256xf32>
    %get3A_497 = arith.constant 0 : index
    %get3A_498 = arith.constant 0 : index
    %get3A_499 = vector.load %arg11[%get3A_497, %get3A_498] : memref<1x256xf32, #tpu.memory_space<vmem>>, vector<1x256xf32>
    %add3A_500 = vector.broadcast %get3A_499 : vector<1x256xf32> to vector<1024x256xf32>
    %add3A_501 = arith.addf %dot_general3A_496, %add3A_500 : vector<1024x256xf32>
    %get3A_502 = arith.constant 0 : index
    %get3A_503 = arith.constant 0 : index
    %get3A_504 = vector.load %arg9[%get3A_502, %get3A_503] : memref<128x128xbf16, #tpu.memory_space<vmem>>, vector<128x128xbf16>
    %dot_general3A_505 = arith.constant dense<0.000000e+00> : vector<1024x128xf32>
    %dot_general3A_506 = tpu.matmul %convert_element_type3A_489, %get3A_504, %dot_general3A_505 {dimension_numbers = #tpu.dot_dimension_numbers<[1], [0], [0], [1], [0, 0, 1, 1], [], []>, transpose_lhs_hint = false} : vector<1024x128xbf16>, vector<128x128xbf16>, vector<1024x128xf32> -> vector<1024x128xf32>
    %get3A_507 = arith.constant 0 : index
    %get3A_508 = arith.constant 0 : index
    %get3A_509 = vector.load %arg12[%get3A_507, %get3A_508] : memref<1x128xf32, #tpu.memory_space<vmem>>, vector<1x128xf32>
    %add3A_510 = vector.broadcast %get3A_509 : vector<1x128xf32> to vector<1024x128xf32>
    %add3A_511 = arith.addf %dot_general3A_506, %add3A_510 : vector<1024x128xf32>
    %get3A_512 = arith.constant 0 : index
    %get3A_513 = arith.constant 0 : index
    %get3A_514 = vector.load %arg10[%get3A_512, %get3A_513] : memref<128x128xbf16, #tpu.memory_space<vmem>>, vector<128x128xbf16>
    %dot_general3A_515 = arith.constant dense<0.000000e+00> : vector<1024x128xf32>
    %dot_general3A_516 = tpu.matmul %convert_element_type3A_490, %get3A_514, %dot_general3A_515 {dimension_numbers = #tpu.dot_dimension_numbers<[1], [0], [0], [1], [0, 0, 1, 1], [], []>, transpose_lhs_hint = false} : vector<1024x128xbf16>, vector<128x128xbf16>, vector<1024x128xf32> -> vector<1024x128xf32>
    %get3A_517 = arith.constant 0 : index
    %get3A_518 = arith.constant 0 : index
    %get3A_519 = vector.load %arg13[%get3A_517, %get3A_518] : memref<1x128xf32, #tpu.memory_space<vmem>>, vector<1x128xf32>
    %add3A_520 = vector.broadcast %get3A_519 : vector<1x128xf32> to vector<1024x128xf32>
    %add3A_521 = arith.addf %dot_general3A_516, %add3A_520 : vector<1024x128xf32>
    %slice3A_522 = vector.extract_strided_slice %add3A_501 {offsets = [0, 0], sizes = [1024, 128], strides = [1, 1]} : vector<1024x256xf32> to vector<1024x128xf32>
    %tanh3A_523 = math.tanh %slice3A_522 : vector<1024x128xf32>
    %slice3A_524 = vector.extract_strided_slice %add3A_501 {offsets = [0, 128], sizes = [1024, 128], strides = [1, 1]} : vector<1024x256xf32> to vector<1024x128xf32>
    %tanh3A_525 = math.tanh %slice3A_524 : vector<1024x128xf32>
    %add3A_526 = arith.constant 1.000000e+00 : f32
    %add3A_527 = vector.broadcast %add3A_526 : f32 to vector<1024x128xf32>
    %add3A_528 = arith.addf %tanh3A_523, %add3A_527 : vector<1024x128xf32>
    %mul3A_529 = arith.mulf %add3A_521, %add3A_528 : vector<1024x128xf32>
    %add3A_530 = arith.addf %add3A_511, %mul3A_529 : vector<1024x128xf32>
    %tanh3A_531 = math.tanh %add3A_530 : vector<1024x128xf32>
    %add3A_532 = arith.addf %select_n3A_403, %tanh3A_531 : vector<1024x128xf32>
    %sub3A_533 = arith.subf %select_n3A_403, %tanh3A_531 : vector<1024x128xf32>
    %mul3A_534 = arith.mulf %tanh3A_525, %sub3A_533 : vector<1024x128xf32>
    %add3A_535 = arith.addf %add3A_532, %mul3A_534 : vector<1024x128xf32>
    %mul3A_536 = arith.constant 5.000000e-01 : f32
    %mul3A_537 = vector.broadcast %mul3A_536 : f32 to vector<1024x128xf32>
    %mul3A_538 = arith.mulf %mul3A_537, %add3A_535 : vector<1024x128xf32>
    %broadcast_in_dim3A_539 = vector.shape_cast %gt3A_425 : vector<1024x1xi1> to vector<1024x1xi1>
    %broadcast_in_dim3A_540 = vector.broadcast %broadcast_in_dim3A_539 : vector<1024x1xi1> to vector<1024x128xi1>
    %select_n3A_541 = arith.select %broadcast_in_dim3A_540, %mul3A_538, %select_n3A_403 : vector<1024x128xi1>, vector<1024x128xf32>
    %jit3A_542 = arith.constant 0.000000e+00 : f32
    %broadcast_in_dim3A_543 = vector.shape_cast %gt3A_425 : vector<1024x1xi1> to vector<1024x1xi1>
    %broadcast_in_dim3A_544 = vector.broadcast %broadcast_in_dim3A_543 : vector<1024x1xi1> to vector<1024x128xi1>
    %broadcast_in_dim3A_545 = vector.broadcast %jit3A_542 : f32 to vector<1024x128xf32>
    %select_n3A_546 = arith.select %broadcast_in_dim3A_544, %mul3A_538, %broadcast_in_dim3A_545 : vector<1024x128xi1>, vector<1024x128xf32>
    %swap3A_547 = arith.constant 3 : index
    %swap3A_548 = arith.constant 0 : index
    %swap3A_549 = arith.constant 0 : index
    %swap3A_550 = vector.load %arg18[%swap3A_547, %swap3A_548, %swap3A_549] : memref<8x1024x128xf32, #tpu.memory_space<vmem>>, vector<1x1024x128xf32>
    %swap3A_551 = vector.shape_cast %swap3A_550 : vector<1x1024x128xf32> to vector<1024x128xf32>
    %swap3A_552 = vector.shape_cast %select_n3A_546 : vector<1024x128xf32> to vector<1x1024x128xf32>
    tpu.vector_store %arg18[%swap3A_547, %swap3A_548, %swap3A_549], %swap3A_552 {strides = array<i32>} : memref<8x1024x128xf32, #tpu.memory_space<vmem>>, vector<1x1024x128xf32>,
    %mul3A_553 = arith.constant 8 : i32
    %mul3A_554 = arith.muli %arg0, %mul3A_553 : i32
    %add3A_555 = arith.constant 24 : i32
    %add3A_556 = arith.addi %add3A_555, %mul3A_554 : i32
    %add3A_557 = arith.constant 4 : i32
    %add3A_558 = arith.addi %add3A_556, %add3A_557 : i32
    %get3A_559 = arith.constant 0 : index
    %get3A_560 = arith.constant 0 : index
    %get3A_561 = vector.load %arg1[%get3A_559, %get3A_560] : memref<1024x1xi32, #tpu.memory_space<vmem>>, vector<1024x1xi32>
    %gt3A_562 = vector.broadcast %add3A_558 : i32 to vector<1024x1xi32>
    %gt3A_563 = arith.cmpi sgt, %get3A_561, %gt3A_562 : vector<1024x1xi32>
    %get3A_564 = arith.constant 4 : index
    %get3A_565 = arith.constant 0 : index
    %get3A_566 = arith.constant 0 : index
    %get3A_567 = vector.load %arg16[%get3A_564, %get3A_565, %get3A_566] : memref<8x1024x128xf32, #tpu.memory_space<vmem>>, vector<1x1024x128xf32>
    %get3A_568 = vector.shape_cast %get3A_567 : vector<1x1024x128xf32> to vector<1024x128xf32>
    %convert_element_type3A_569 = arith.truncf %get3A_568 : vector<1024x128xf32> to vector<1024x128xbf16>
    %convert_element_type3A_570 = arith.truncf %select_n3A_483 : vector<1024x128xf32> to vector<1024x128xbf16>
    %concatenate3A_571 = tpu.concatenate %convert_element_type3A_569, %convert_element_type3A_570 in 1 : vector<1024x128xbf16>, vector<1024x128xbf16> -> vector<1024x256xbf16>
    %get3A_572 = arith.constant 0 : index
    %get3A_573 = arith.constant 0 : index
    %get3A_574 = vector.load %arg2[%get3A_572, %get3A_573] : memref<256x256xbf16, #tpu.memory_space<vmem>>, vector<256x256xbf16>
    %dot_general3A_575 = arith.constant dense<0.000000e+00> : vector<1024x256xf32>
    %dot_general3A_576 = tpu.matmul %concatenate3A_571, %get3A_574, %dot_general3A_575 {dimension_numbers = #tpu.dot_dimension_numbers<[1], [0], [0], [1], [0, 0, 1, 1], [], []>, transpose_lhs_hint = false} : vector<1024x256xbf16>, vector<256x256xbf16>, vector<1024x256xf32> -> vector<1024x256xf32>
    %get3A_577 = arith.constant 0 : index
    %get3A_578 = arith.constant 0 : index
    %get3A_579 = vector.load %arg5[%get3A_577, %get3A_578] : memref<1x256xf32, #tpu.memory_space<vmem>>, vector<1x256xf32>
    %add3A_580 = vector.broadcast %get3A_579 : vector<1x256xf32> to vector<1024x256xf32>
    %add3A_581 = arith.addf %dot_general3A_576, %add3A_580 : vector<1024x256xf32>
    %get3A_582 = arith.constant 0 : index
    %get3A_583 = arith.constant 0 : index
    %get3A_584 = vector.load %arg3[%get3A_582, %get3A_583] : memref<128x128xbf16, #tpu.memory_space<vmem>>, vector<128x128xbf16>
    %dot_general3A_585 = arith.constant dense<0.000000e+00> : vector<1024x128xf32>
    %dot_general3A_586 = tpu.matmul %convert_element_type3A_569, %get3A_584, %dot_general3A_585 {dimension_numbers = #tpu.dot_dimension_numbers<[1], [0], [0], [1], [0, 0, 1, 1], [], []>, transpose_lhs_hint = false} : vector<1024x128xbf16>, vector<128x128xbf16>, vector<1024x128xf32> -> vector<1024x128xf32>
    %get3A_587 = arith.constant 0 : index
    %get3A_588 = arith.constant 0 : index
    %get3A_589 = vector.load %arg6[%get3A_587, %get3A_588] : memref<1x128xf32, #tpu.memory_space<vmem>>, vector<1x128xf32>
    %add3A_590 = vector.broadcast %get3A_589 : vector<1x128xf32> to vector<1024x128xf32>
    %add3A_591 = arith.addf %dot_general3A_586, %add3A_590 : vector<1024x128xf32>
    %get3A_592 = arith.constant 0 : index
    %get3A_593 = arith.constant 0 : index
    %get3A_594 = vector.load %arg4[%get3A_592, %get3A_593] : memref<128x128xbf16, #tpu.memory_space<vmem>>, vector<128x128xbf16>
    %dot_general3A_595 = arith.constant dense<0.000000e+00> : vector<1024x128xf32>
    %dot_general3A_596 = tpu.matmul %convert_element_type3A_570, %get3A_594, %dot_general3A_595 {dimension_numbers = #tpu.dot_dimension_numbers<[1], [0], [0], [1], [0, 0, 1, 1], [], []>, transpose_lhs_hint = false} : vector<1024x128xbf16>, vector<128x128xbf16>, vector<1024x128xf32> -> vector<1024x128xf32>
    %get3A_597 = arith.constant 0 : index
    %get3A_598 = arith.constant 0 : index
    %get3A_599 = vector.load %arg7[%get3A_597, %get3A_598] : memref<1x128xf32, #tpu.memory_space<vmem>>, vector<1x128xf32>
    %add3A_600 = vector.broadcast %get3A_599 : vector<1x128xf32> to vector<1024x128xf32>
    %add3A_601 = arith.addf %dot_general3A_596, %add3A_600 : vector<1024x128xf32>
    %slice3A_602 = vector.extract_strided_slice %add3A_581 {offsets = [0, 0], sizes = [1024, 128], strides = [1, 1]} : vector<1024x256xf32> to vector<1024x128xf32>
    %tanh3A_603 = math.tanh %slice3A_602 : vector<1024x128xf32>
    %slice3A_604 = vector.extract_strided_slice %add3A_581 {offsets = [0, 128], sizes = [1024, 128], strides = [1, 1]} : vector<1024x256xf32> to vector<1024x128xf32>
    %tanh3A_605 = math.tanh %slice3A_604 : vector<1024x128xf32>
    %add3A_606 = arith.constant 1.000000e+00 : f32
    %add3A_607 = vector.broadcast %add3A_606 : f32 to vector<1024x128xf32>
    %add3A_608 = arith.addf %tanh3A_603, %add3A_607 : vector<1024x128xf32>
    %mul3A_609 = arith.mulf %add3A_601, %add3A_608 : vector<1024x128xf32>
    %add3A_610 = arith.addf %add3A_591, %mul3A_609 : vector<1024x128xf32>
    %tanh3A_611 = math.tanh %add3A_610 : vector<1024x128xf32>
    %add3A_612 = arith.addf %select_n3A_483, %tanh3A_611 : vector<1024x128xf32>
    %sub3A_613 = arith.subf %select_n3A_483, %tanh3A_611 : vector<1024x128xf32>
    %mul3A_614 = arith.mulf %tanh3A_605, %sub3A_613 : vector<1024x128xf32>
    %add3A_615 = arith.addf %add3A_612, %mul3A_614 : vector<1024x128xf32>
    %mul3A_616 = arith.constant 5.000000e-01 : f32
    %mul3A_617 = vector.broadcast %mul3A_616 : f32 to vector<1024x128xf32>
    %mul3A_618 = arith.mulf %mul3A_617, %add3A_615 : vector<1024x128xf32>
    %broadcast_in_dim3A_619 = vector.shape_cast %gt3A_563 : vector<1024x1xi1> to vector<1024x1xi1>
    %broadcast_in_dim3A_620 = vector.broadcast %broadcast_in_dim3A_619 : vector<1024x1xi1> to vector<1024x128xi1>
    %select_n3A_621 = arith.select %broadcast_in_dim3A_620, %mul3A_618, %select_n3A_483 : vector<1024x128xi1>, vector<1024x128xf32>
    %jit3A_622 = arith.constant 0.000000e+00 : f32
    %broadcast_in_dim3A_623 = vector.shape_cast %gt3A_563 : vector<1024x1xi1> to vector<1024x1xi1>
    %broadcast_in_dim3A_624 = vector.broadcast %broadcast_in_dim3A_623 : vector<1024x1xi1> to vector<1024x128xi1>
    %broadcast_in_dim3A_625 = vector.broadcast %jit3A_622 : f32 to vector<1024x128xf32>
    %select_n3A_626 = arith.select %broadcast_in_dim3A_624, %mul3A_618, %broadcast_in_dim3A_625 : vector<1024x128xi1>, vector<1024x128xf32>
    %convert_element_type3A_627 = arith.truncf %select_n3A_626 : vector<1024x128xf32> to vector<1024x128xbf16>
    %convert_element_type3A_628 = arith.truncf %select_n3A_541 : vector<1024x128xf32> to vector<1024x128xbf16>
    %concatenate3A_629 = tpu.concatenate %convert_element_type3A_627, %convert_element_type3A_628 in 1 : vector<1024x128xbf16>, vector<1024x128xbf16> -> vector<1024x256xbf16>
    %get3A_630 = arith.constant 0 : index
    %get3A_631 = arith.constant 0 : index
    %get3A_632 = vector.load %arg8[%get3A_630, %get3A_631] : memref<256x256xbf16, #tpu.memory_space<vmem>>, vector<256x256xbf16>
    %dot_general3A_633 = arith.constant dense<0.000000e+00> : vector<1024x256xf32>
    %dot_general3A_634 = tpu.matmul %concatenate3A_629, %get3A_632, %dot_general3A_633 {dimension_numbers = #tpu.dot_dimension_numbers<[1], [0], [0], [1], [0, 0, 1, 1], [], []>, transpose_lhs_hint = false} : vector<1024x256xbf16>, vector<256x256xbf16>, vector<1024x256xf32> -> vector<1024x256xf32>
    %get3A_635 = arith.constant 0 : index
    %get3A_636 = arith.constant 0 : index
    %get3A_637 = vector.load %arg11[%get3A_635, %get3A_636] : memref<1x256xf32, #tpu.memory_space<vmem>>, vector<1x256xf32>
    %add3A_638 = vector.broadcast %get3A_637 : vector<1x256xf32> to vector<1024x256xf32>
    %add3A_639 = arith.addf %dot_general3A_634, %add3A_638 : vector<1024x256xf32>
    %get3A_640 = arith.constant 0 : index
    %get3A_641 = arith.constant 0 : index
    %get3A_642 = vector.load %arg9[%get3A_640, %get3A_641] : memref<128x128xbf16, #tpu.memory_space<vmem>>, vector<128x128xbf16>
    %dot_general3A_643 = arith.constant dense<0.000000e+00> : vector<1024x128xf32>
    %dot_general3A_644 = tpu.matmul %convert_element_type3A_627, %get3A_642, %dot_general3A_643 {dimension_numbers = #tpu.dot_dimension_numbers<[1], [0], [0], [1], [0, 0, 1, 1], [], []>, transpose_lhs_hint = false} : vector<1024x128xbf16>, vector<128x128xbf16>, vector<1024x128xf32> -> vector<1024x128xf32>
    %get3A_645 = arith.constant 0 : index
    %get3A_646 = arith.constant 0 : index
    %get3A_647 = vector.load %arg12[%get3A_645, %get3A_646] : memref<1x128xf32, #tpu.memory_space<vmem>>, vector<1x128xf32>
    %add3A_648 = vector.broadcast %get3A_647 : vector<1x128xf32> to vector<1024x128xf32>
    %add3A_649 = arith.addf %dot_general3A_644, %add3A_648 : vector<1024x128xf32>
    %get3A_650 = arith.constant 0 : index
    %get3A_651 = arith.constant 0 : index
    %get3A_652 = vector.load %arg10[%get3A_650, %get3A_651] : memref<128x128xbf16, #tpu.memory_space<vmem>>, vector<128x128xbf16>
    %dot_general3A_653 = arith.constant dense<0.000000e+00> : vector<1024x128xf32>
    %dot_general3A_654 = tpu.matmul %convert_element_type3A_628, %get3A_652, %dot_general3A_653 {dimension_numbers = #tpu.dot_dimension_numbers<[1], [0], [0], [1], [0, 0, 1, 1], [], []>, transpose_lhs_hint = false} : vector<1024x128xbf16>, vector<128x128xbf16>, vector<1024x128xf32> -> vector<1024x128xf32>
    %get3A_655 = arith.constant 0 : index
    %get3A_656 = arith.constant 0 : index
    %get3A_657 = vector.load %arg13[%get3A_655, %get3A_656] : memref<1x128xf32, #tpu.memory_space<vmem>>, vector<1x128xf32>
    %add3A_658 = vector.broadcast %get3A_657 : vector<1x128xf32> to vector<1024x128xf32>
    %add3A_659 = arith.addf %dot_general3A_654, %add3A_658 : vector<1024x128xf32>
    %slice3A_660 = vector.extract_strided_slice %add3A_639 {offsets = [0, 0], sizes = [1024, 128], strides = [1, 1]} : vector<1024x256xf32> to vector<1024x128xf32>
    %tanh3A_661 = math.tanh %slice3A_660 : vector<1024x128xf32>
    %slice3A_662 = vector.extract_strided_slice %add3A_639 {offsets = [0, 128], sizes = [1024, 128], strides = [1, 1]} : vector<1024x256xf32> to vector<1024x128xf32>
    %tanh3A_663 = math.tanh %slice3A_662 : vector<1024x128xf32>
    %add3A_664 = arith.constant 1.000000e+00 : f32
    %add3A_665 = vector.broadcast %add3A_664 : f32 to vector<1024x128xf32>
    %add3A_666 = arith.addf %tanh3A_661, %add3A_665 : vector<1024x128xf32>
    %mul3A_667 = arith.mulf %add3A_659, %add3A_666 : vector<1024x128xf32>
    %add3A_668 = arith.addf %add3A_649, %mul3A_667 : vector<1024x128xf32>
    %tanh3A_669 = math.tanh %add3A_668 : vector<1024x128xf32>
    %add3A_670 = arith.addf %select_n3A_541, %tanh3A_669 : vector<1024x128xf32>
    %sub3A_671 = arith.subf %select_n3A_541, %tanh3A_669 : vector<1024x128xf32>
    %mul3A_672 = arith.mulf %tanh3A_663, %sub3A_671 : vector<1024x128xf32>
    %add3A_673 = arith.addf %add3A_670, %mul3A_672 : vector<1024x128xf32>
    %mul3A_674 = arith.constant 5.000000e-01 : f32
    %mul3A_675 = vector.broadcast %mul3A_674 : f32 to vector<1024x128xf32>
    %mul3A_676 = arith.mulf %mul3A_675, %add3A_673 : vector<1024x128xf32>
    %broadcast_in_dim3A_677 = vector.shape_cast %gt3A_563 : vector<1024x1xi1> to vector<1024x1xi1>
    %broadcast_in_dim3A_678 = vector.broadcast %broadcast_in_dim3A_677 : vector<1024x1xi1> to vector<1024x128xi1>
    %select_n3A_679 = arith.select %broadcast_in_dim3A_678, %mul3A_676, %select_n3A_541 : vector<1024x128xi1>, vector<1024x128xf32>
    %jit3A_680 = arith.constant 0.000000e+00 : f32
    %broadcast_in_dim3A_681 = vector.shape_cast %gt3A_563 : vector<1024x1xi1> to vector<1024x1xi1>
    %broadcast_in_dim3A_682 = vector.broadcast %broadcast_in_dim3A_681 : vector<1024x1xi1> to vector<1024x128xi1>
    %broadcast_in_dim3A_683 = vector.broadcast %jit3A_680 : f32 to vector<1024x128xf32>
    %select_n3A_684 = arith.select %broadcast_in_dim3A_682, %mul3A_676, %broadcast_in_dim3A_683 : vector<1024x128xi1>, vector<1024x128xf32>
    %swap3A_685 = arith.constant 4 : index
    %swap3A_686 = arith.constant 0 : index
    %swap3A_687 = arith.constant 0 : index
    %swap3A_688 = vector.load %arg18[%swap3A_685, %swap3A_686, %swap3A_687] : memref<8x1024x128xf32, #tpu.memory_space<vmem>>, vector<1x1024x128xf32>
    %swap3A_689 = vector.shape_cast %swap3A_688 : vector<1x1024x128xf32> to vector<1024x128xf32>
    %swap3A_690 = vector.shape_cast %select_n3A_684 : vector<1024x128xf32> to vector<1x1024x128xf32>
    tpu.vector_store %arg18[%swap3A_685, %swap3A_686, %swap3A_687], %swap3A_690 {strides = array<i32>} : memref<8x1024x128xf32, #tpu.memory_space<vmem>>, vector<1x1024x128xf32>,
    %mul3A_691 = arith.constant 8 : i32
    %mul3A_692 = arith.muli %arg0, %mul3A_691 : i32
    %add3A_693 = arith.constant 24 : i32
    %add3A_694 = arith.addi %add3A_693, %mul3A_692 : i32
    %add3A_695 = arith.constant 5 : i32
    %add3A_696 = arith.addi %add3A_694, %add3A_695 : i32
    %get3A_697 = arith.constant 0 : index
    %get3A_698 = arith.constant 0 : index
    %get3A_699 = vector.load %arg1[%get3A_697, %get3A_698] : memref<1024x1xi32, #tpu.memory_space<vmem>>, vector<1024x1xi32>
    %gt3A_700 = vector.broadcast %add3A_696 : i32 to vector<1024x1xi32>
    %gt3A_701 = arith.cmpi sgt, %get3A_699, %gt3A_700 : vector<1024x1xi32>
    %get3A_702 = arith.constant 5 : index
    %get3A_703 = arith.constant 0 : index
    %get3A_704 = arith.constant 0 : index
    %get3A_705 = vector.load %arg16[%get3A_702, %get3A_703, %get3A_704] : memref<8x1024x128xf32, #tpu.memory_space<vmem>>, vector<1x1024x128xf32>
    %get3A_706 = vector.shape_cast %get3A_705 : vector<1x1024x128xf32> to vector<1024x128xf32>
    %convert_element_type3A_707 = arith.truncf %get3A_706 : vector<1024x128xf32> to vector<1024x128xbf16>
    %convert_element_type3A_708 = arith.truncf %select_n3A_621 : vector<1024x128xf32> to vector<1024x128xbf16>
    %concatenate3A_709 = tpu.concatenate %convert_element_type3A_707, %convert_element_type3A_708 in 1 : vector<1024x128xbf16>, vector<1024x128xbf16> -> vector<1024x256xbf16>
    %get3A_710 = arith.constant 0 : index
    %get3A_711 = arith.constant 0 : index
    %get3A_712 = vector.load %arg2[%get3A_710, %get3A_711] : memref<256x256xbf16, #tpu.memory_space<vmem>>, vector<256x256xbf16>
    %dot_general3A_713 = arith.constant dense<0.000000e+00> : vector<1024x256xf32>
    %dot_general3A_714 = tpu.matmul %concatenate3A_709, %get3A_712, %dot_general3A_713 {dimension_numbers = #tpu.dot_dimension_numbers<[1], [0], [0], [1], [0, 0, 1, 1], [], []>, transpose_lhs_hint = false} : vector<1024x256xbf16>, vector<256x256xbf16>, vector<1024x256xf32> -> vector<1024x256xf32>
    %get3A_715 = arith.constant 0 : index
    %get3A_716 = arith.constant 0 : index
    %get3A_717 = vector.load %arg5[%get3A_715, %get3A_716] : memref<1x256xf32, #tpu.memory_space<vmem>>, vector<1x256xf32>
    %add3A_718 = vector.broadcast %get3A_717 : vector<1x256xf32> to vector<1024x256xf32>
    %add3A_719 = arith.addf %dot_general3A_714, %add3A_718 : vector<1024x256xf32>
    %get3A_720 = arith.constant 0 : index
    %get3A_721 = arith.constant 0 : index
    %get3A_722 = vector.load %arg3[%get3A_720, %get3A_721] : memref<128x128xbf16, #tpu.memory_space<vmem>>, vector<128x128xbf16>
    %dot_general3A_723 = arith.constant dense<0.000000e+00> : vector<1024x128xf32>
    %dot_general3A_724 = tpu.matmul %convert_element_type3A_707, %get3A_722, %dot_general3A_723 {dimension_numbers = #tpu.dot_dimension_numbers<[1], [0], [0], [1], [0, 0, 1, 1], [], []>, transpose_lhs_hint = false} : vector<1024x128xbf16>, vector<128x128xbf16>, vector<1024x128xf32> -> vector<1024x128xf32>
    %get3A_725 = arith.constant 0 : index
    %get3A_726 = arith.constant 0 : index
    %get3A_727 = vector.load %arg6[%get3A_725, %get3A_726] : memref<1x128xf32, #tpu.memory_space<vmem>>, vector<1x128xf32>
    %add3A_728 = vector.broadcast %get3A_727 : vector<1x128xf32> to vector<1024x128xf32>
    %add3A_729 = arith.addf %dot_general3A_724, %add3A_728 : vector<1024x128xf32>
    %get3A_730 = arith.constant 0 : index
    %get3A_731 = arith.constant 0 : index
    %get3A_732 = vector.load %arg4[%get3A_730, %get3A_731] : memref<128x128xbf16, #tpu.memory_space<vmem>>, vector<128x128xbf16>
    %dot_general3A_733 = arith.constant dense<0.000000e+00> : vector<1024x128xf32>
    %dot_general3A_734 = tpu.matmul %convert_element_type3A_708, %get3A_732, %dot_general3A_733 {dimension_numbers = #tpu.dot_dimension_numbers<[1], [0], [0], [1], [0, 0, 1, 1], [], []>, transpose_lhs_hint = false} : vector<1024x128xbf16>, vector<128x128xbf16>, vector<1024x128xf32> -> vector<1024x128xf32>
    %get3A_735 = arith.constant 0 : index
    %get3A_736 = arith.constant 0 : index
    %get3A_737 = vector.load %arg7[%get3A_735, %get3A_736] : memref<1x128xf32, #tpu.memory_space<vmem>>, vector<1x128xf32>
    %add3A_738 = vector.broadcast %get3A_737 : vector<1x128xf32> to vector<1024x128xf32>
    %add3A_739 = arith.addf %dot_general3A_734, %add3A_738 : vector<1024x128xf32>
    %slice3A_740 = vector.extract_strided_slice %add3A_719 {offsets = [0, 0], sizes = [1024, 128], strides = [1, 1]} : vector<1024x256xf32> to vector<1024x128xf32>
    %tanh3A_741 = math.tanh %slice3A_740 : vector<1024x128xf32>
    %slice3A_742 = vector.extract_strided_slice %add3A_719 {offsets = [0, 128], sizes = [1024, 128], strides = [1, 1]} : vector<1024x256xf32> to vector<1024x128xf32>
    %tanh3A_743 = math.tanh %slice3A_742 : vector<1024x128xf32>
    %add3A_744 = arith.constant 1.000000e+00 : f32
    %add3A_745 = vector.broadcast %add3A_744 : f32 to vector<1024x128xf32>
    %add3A_746 = arith.addf %tanh3A_741, %add3A_745 : vector<1024x128xf32>
    %mul3A_747 = arith.mulf %add3A_739, %add3A_746 : vector<1024x128xf32>
    %add3A_748 = arith.addf %add3A_729, %mul3A_747 : vector<1024x128xf32>
    %tanh3A_749 = math.tanh %add3A_748 : vector<1024x128xf32>
    %add3A_750 = arith.addf %select_n3A_621, %tanh3A_749 : vector<1024x128xf32>
    %sub3A_751 = arith.subf %select_n3A_621, %tanh3A_749 : vector<1024x128xf32>
    %mul3A_752 = arith.mulf %tanh3A_743, %sub3A_751 : vector<1024x128xf32>
    %add3A_753 = arith.addf %add3A_750, %mul3A_752 : vector<1024x128xf32>
    %mul3A_754 = arith.constant 5.000000e-01 : f32
    %mul3A_755 = vector.broadcast %mul3A_754 : f32 to vector<1024x128xf32>
    %mul3A_756 = arith.mulf %mul3A_755, %add3A_753 : vector<1024x128xf32>
    %broadcast_in_dim3A_757 = vector.shape_cast %gt3A_701 : vector<1024x1xi1> to vector<1024x1xi1>
    %broadcast_in_dim3A_758 = vector.broadcast %broadcast_in_dim3A_757 : vector<1024x1xi1> to vector<1024x128xi1>
    %select_n3A_759 = arith.select %broadcast_in_dim3A_758, %mul3A_756, %select_n3A_621 : vector<1024x128xi1>, vector<1024x128xf32>
    %jit3A_760 = arith.constant 0.000000e+00 : f32
    %broadcast_in_dim3A_761 = vector.shape_cast %gt3A_701 : vector<1024x1xi1> to vector<1024x1xi1>
    %broadcast_in_dim3A_762 = vector.broadcast %broadcast_in_dim3A_761 : vector<1024x1xi1> to vector<1024x128xi1>
    %broadcast_in_dim3A_763 = vector.broadcast %jit3A_760 : f32 to vector<1024x128xf32>
    %select_n3A_764 = arith.select %broadcast_in_dim3A_762, %mul3A_756, %broadcast_in_dim3A_763 : vector<1024x128xi1>, vector<1024x128xf32>
    %convert_element_type3A_765 = arith.truncf %select_n3A_764 : vector<1024x128xf32> to vector<1024x128xbf16>
    %convert_element_type3A_766 = arith.truncf %select_n3A_679 : vector<1024x128xf32> to vector<1024x128xbf16>
    %concatenate3A_767 = tpu.concatenate %convert_element_type3A_765, %convert_element_type3A_766 in 1 : vector<1024x128xbf16>, vector<1024x128xbf16> -> vector<1024x256xbf16>
    %get3A_768 = arith.constant 0 : index
    %get3A_769 = arith.constant 0 : index
    %get3A_770 = vector.load %arg8[%get3A_768, %get3A_769] : memref<256x256xbf16, #tpu.memory_space<vmem>>, vector<256x256xbf16>
    %dot_general3A_771 = arith.constant dense<0.000000e+00> : vector<1024x256xf32>
    %dot_general3A_772 = tpu.matmul %concatenate3A_767, %get3A_770, %dot_general3A_771 {dimension_numbers = #tpu.dot_dimension_numbers<[1], [0], [0], [1], [0, 0, 1, 1], [], []>, transpose_lhs_hint = false} : vector<1024x256xbf16>, vector<256x256xbf16>, vector<1024x256xf32> -> vector<1024x256xf32>
    %get3A_773 = arith.constant 0 : index
    %get3A_774 = arith.constant 0 : index
    %get3A_775 = vector.load %arg11[%get3A_773, %get3A_774] : memref<1x256xf32, #tpu.memory_space<vmem>>, vector<1x256xf32>
    %add3A_776 = vector.broadcast %get3A_775 : vector<1x256xf32> to vector<1024x256xf32>
    %add3A_777 = arith.addf %dot_general3A_772, %add3A_776 : vector<1024x256xf32>
    %get3A_778 = arith.constant 0 : index
    %get3A_779 = arith.constant 0 : index
    %get3A_780 = vector.load %arg9[%get3A_778, %get3A_779] : memref<128x128xbf16, #tpu.memory_space<vmem>>, vector<128x128xbf16>
    %dot_general3A_781 = arith.constant dense<0.000000e+00> : vector<1024x128xf32>
    %dot_general3A_782 = tpu.matmul %convert_element_type3A_765, %get3A_780, %dot_general3A_781 {dimension_numbers = #tpu.dot_dimension_numbers<[1], [0], [0], [1], [0, 0, 1, 1], [], []>, transpose_lhs_hint = false} : vector<1024x128xbf16>, vector<128x128xbf16>, vector<1024x128xf32> -> vector<1024x128xf32>
    %get3A_783 = arith.constant 0 : index
    %get3A_784 = arith.constant 0 : index
    %get3A_785 = vector.load %arg12[%get3A_783, %get3A_784] : memref<1x128xf32, #tpu.memory_space<vmem>>, vector<1x128xf32>
    %add3A_786 = vector.broadcast %get3A_785 : vector<1x128xf32> to vector<1024x128xf32>
    %add3A_787 = arith.addf %dot_general3A_782, %add3A_786 : vector<1024x128xf32>
    %get3A_788 = arith.constant 0 : index
    %get3A_789 = arith.constant 0 : index
    %get3A_790 = vector.load %arg10[%get3A_788, %get3A_789] : memref<128x128xbf16, #tpu.memory_space<vmem>>, vector<128x128xbf16>
    %dot_general3A_791 = arith.constant dense<0.000000e+00> : vector<1024x128xf32>
    %dot_general3A_792 = tpu.matmul %convert_element_type3A_766, %get3A_790, %dot_general3A_791 {dimension_numbers = #tpu.dot_dimension_numbers<[1], [0], [0], [1], [0, 0, 1, 1], [], []>, transpose_lhs_hint = false} : vector<1024x128xbf16>, vector<128x128xbf16>, vector<1024x128xf32> -> vector<1024x128xf32>
    %get3A_793 = arith.constant 0 : index
    %get3A_794 = arith.constant 0 : index
    %get3A_795 = vector.load %arg13[%get3A_793, %get3A_794] : memref<1x128xf32, #tpu.memory_space<vmem>>, vector<1x128xf32>
    %add3A_796 = vector.broadcast %get3A_795 : vector<1x128xf32> to vector<1024x128xf32>
    %add3A_797 = arith.addf %dot_general3A_792, %add3A_796 : vector<1024x128xf32>
    %slice3A_798 = vector.extract_strided_slice %add3A_777 {offsets = [0, 0], sizes = [1024, 128], strides = [1, 1]} : vector<1024x256xf32> to vector<1024x128xf32>
    %tanh3A_799 = math.tanh %slice3A_798 : vector<1024x128xf32>
    %slice3A_800 = vector.extract_strided_slice %add3A_777 {offsets = [0, 128], sizes = [1024, 128], strides = [1, 1]} : vector<1024x256xf32> to vector<1024x128xf32>
    %tanh3A_801 = math.tanh %slice3A_800 : vector<1024x128xf32>
    %add3A_802 = arith.constant 1.000000e+00 : f32
    %add3A_803 = vector.broadcast %add3A_802 : f32 to vector<1024x128xf32>
    %add3A_804 = arith.addf %tanh3A_799, %add3A_803 : vector<1024x128xf32>
    %mul3A_805 = arith.mulf %add3A_797, %add3A_804 : vector<1024x128xf32>
    %add3A_806 = arith.addf %add3A_787, %mul3A_805 : vector<1024x128xf32>
    %tanh3A_807 = math.tanh %add3A_806 : vector<1024x128xf32>
    %add3A_808 = arith.addf %select_n3A_679, %tanh3A_807 : vector<1024x128xf32>
    %sub3A_809 = arith.subf %select_n3A_679, %tanh3A_807 : vector<1024x128xf32>
    %mul3A_810 = arith.mulf %tanh3A_801, %sub3A_809 : vector<1024x128xf32>
    %add3A_811 = arith.addf %add3A_808, %mul3A_810 : vector<1024x128xf32>
    %mul3A_812 = arith.constant 5.000000e-01 : f32
    %mul3A_813 = vector.broadcast %mul3A_812 : f32 to vector<1024x128xf32>
    %mul3A_814 = arith.mulf %mul3A_813, %add3A_811 : vector<1024x128xf32>
    %broadcast_in_dim3A_815 = vector.shape_cast %gt3A_701 : vector<1024x1xi1> to vector<1024x1xi1>
    %broadcast_in_dim3A_816 = vector.broadcast %broadcast_in_dim3A_815 : vector<1024x1xi1> to vector<1024x128xi1>
    %select_n3A_817 = arith.select %broadcast_in_dim3A_816, %mul3A_814, %select_n3A_679 : vector<1024x128xi1>, vector<1024x128xf32>
    %jit3A_818 = arith.constant 0.000000e+00 : f32
    %broadcast_in_dim3A_819 = vector.shape_cast %gt3A_701 : vector<1024x1xi1> to vector<1024x1xi1>
    %broadcast_in_dim3A_820 = vector.broadcast %broadcast_in_dim3A_819 : vector<1024x1xi1> to vector<1024x128xi1>
    %broadcast_in_dim3A_821 = vector.broadcast %jit3A_818 : f32 to vector<1024x128xf32>
    %select_n3A_822 = arith.select %broadcast_in_dim3A_820, %mul3A_814, %broadcast_in_dim3A_821 : vector<1024x128xi1>, vector<1024x128xf32>
    %swap3A_823 = arith.constant 5 : index
    %swap3A_824 = arith.constant 0 : index
    %swap3A_825 = arith.constant 0 : index
    %swap3A_826 = vector.load %arg18[%swap3A_823, %swap3A_824, %swap3A_825] : memref<8x1024x128xf32, #tpu.memory_space<vmem>>, vector<1x1024x128xf32>
    %swap3A_827 = vector.shape_cast %swap3A_826 : vector<1x1024x128xf32> to vector<1024x128xf32>
    %swap3A_828 = vector.shape_cast %select_n3A_822 : vector<1024x128xf32> to vector<1x1024x128xf32>
    tpu.vector_store %arg18[%swap3A_823, %swap3A_824, %swap3A_825], %swap3A_828 {strides = array<i32>} : memref<8x1024x128xf32, #tpu.memory_space<vmem>>, vector<1x1024x128xf32>,
    %mul3A_829 = arith.constant 8 : i32
    %mul3A_830 = arith.muli %arg0, %mul3A_829 : i32
    %add3A_831 = arith.constant 24 : i32
    %add3A_832 = arith.addi %add3A_831, %mul3A_830 : i32
    %add3A_833 = arith.constant 6 : i32
    %add3A_834 = arith.addi %add3A_832, %add3A_833 : i32
    %get3A_835 = arith.constant 0 : index
    %get3A_836 = arith.constant 0 : index
    %get3A_837 = vector.load %arg1[%get3A_835, %get3A_836] : memref<1024x1xi32, #tpu.memory_space<vmem>>, vector<1024x1xi32>
    %gt3A_838 = vector.broadcast %add3A_834 : i32 to vector<1024x1xi32>
    %gt3A_839 = arith.cmpi sgt, %get3A_837, %gt3A_838 : vector<1024x1xi32>
    %get3A_840 = arith.constant 6 : index
    %get3A_841 = arith.constant 0 : index
    %get3A_842 = arith.constant 0 : index
    %get3A_843 = vector.load %arg16[%get3A_840, %get3A_841, %get3A_842] : memref<8x1024x128xf32, #tpu.memory_space<vmem>>, vector<1x1024x128xf32>
    %get3A_844 = vector.shape_cast %get3A_843 : vector<1x1024x128xf32> to vector<1024x128xf32>
    %convert_element_type3A_845 = arith.truncf %get3A_844 : vector<1024x128xf32> to vector<1024x128xbf16>
    %convert_element_type3A_846 = arith.truncf %select_n3A_759 : vector<1024x128xf32> to vector<1024x128xbf16>
    %concatenate3A_847 = tpu.concatenate %convert_element_type3A_845, %convert_element_type3A_846 in 1 : vector<1024x128xbf16>, vector<1024x128xbf16> -> vector<1024x256xbf16>
    %get3A_848 = arith.constant 0 : index
    %get3A_849 = arith.constant 0 : index
    %get3A_850 = vector.load %arg2[%get3A_848, %get3A_849] : memref<256x256xbf16, #tpu.memory_space<vmem>>, vector<256x256xbf16>
    %dot_general3A_851 = arith.constant dense<0.000000e+00> : vector<1024x256xf32>
    %dot_general3A_852 = tpu.matmul %concatenate3A_847, %get3A_850, %dot_general3A_851 {dimension_numbers = #tpu.dot_dimension_numbers<[1], [0], [0], [1], [0, 0, 1, 1], [], []>, transpose_lhs_hint = false} : vector<1024x256xbf16>, vector<256x256xbf16>, vector<1024x256xf32> -> vector<1024x256xf32>
    %get3A_853 = arith.constant 0 : index
    %get3A_854 = arith.constant 0 : index
    %get3A_855 = vector.load %arg5[%get3A_853, %get3A_854] : memref<1x256xf32, #tpu.memory_space<vmem>>, vector<1x256xf32>
    %add3A_856 = vector.broadcast %get3A_855 : vector<1x256xf32> to vector<1024x256xf32>
    %add3A_857 = arith.addf %dot_general3A_852, %add3A_856 : vector<1024x256xf32>
    %get3A_858 = arith.constant 0 : index
    %get3A_859 = arith.constant 0 : index
    %get3A_860 = vector.load %arg3[%get3A_858, %get3A_859] : memref<128x128xbf16, #tpu.memory_space<vmem>>, vector<128x128xbf16>
    %dot_general3A_861 = arith.constant dense<0.000000e+00> : vector<1024x128xf32>
    %dot_general3A_862 = tpu.matmul %convert_element_type3A_845, %get3A_860, %dot_general3A_861 {dimension_numbers = #tpu.dot_dimension_numbers<[1], [0], [0], [1], [0, 0, 1, 1], [], []>, transpose_lhs_hint = false} : vector<1024x128xbf16>, vector<128x128xbf16>, vector<1024x128xf32> -> vector<1024x128xf32>
    %get3A_863 = arith.constant 0 : index
    %get3A_864 = arith.constant 0 : index
    %get3A_865 = vector.load %arg6[%get3A_863, %get3A_864] : memref<1x128xf32, #tpu.memory_space<vmem>>, vector<1x128xf32>
    %add3A_866 = vector.broadcast %get3A_865 : vector<1x128xf32> to vector<1024x128xf32>
    %add3A_867 = arith.addf %dot_general3A_862, %add3A_866 : vector<1024x128xf32>
    %get3A_868 = arith.constant 0 : index
    %get3A_869 = arith.constant 0 : index
    %get3A_870 = vector.load %arg4[%get3A_868, %get3A_869] : memref<128x128xbf16, #tpu.memory_space<vmem>>, vector<128x128xbf16>
    %dot_general3A_871 = arith.constant dense<0.000000e+00> : vector<1024x128xf32>
    %dot_general3A_872 = tpu.matmul %convert_element_type3A_846, %get3A_870, %dot_general3A_871 {dimension_numbers = #tpu.dot_dimension_numbers<[1], [0], [0], [1], [0, 0, 1, 1], [], []>, transpose_lhs_hint = false} : vector<1024x128xbf16>, vector<128x128xbf16>, vector<1024x128xf32> -> vector<1024x128xf32>
    %get3A_873 = arith.constant 0 : index
    %get3A_874 = arith.constant 0 : index
    %get3A_875 = vector.load %arg7[%get3A_873, %get3A_874] : memref<1x128xf32, #tpu.memory_space<vmem>>, vector<1x128xf32>
    %add3A_876 = vector.broadcast %get3A_875 : vector<1x128xf32> to vector<1024x128xf32>
    %add3A_877 = arith.addf %dot_general3A_872, %add3A_876 : vector<1024x128xf32>
    %slice3A_878 = vector.extract_strided_slice %add3A_857 {offsets = [0, 0], sizes = [1024, 128], strides = [1, 1]} : vector<1024x256xf32> to vector<1024x128xf32>
    %tanh3A_879 = math.tanh %slice3A_878 : vector<1024x128xf32>
    %slice3A_880 = vector.extract_strided_slice %add3A_857 {offsets = [0, 128], sizes = [1024, 128], strides = [1, 1]} : vector<1024x256xf32> to vector<1024x128xf32>
    %tanh3A_881 = math.tanh %slice3A_880 : vector<1024x128xf32>
    %add3A_882 = arith.constant 1.000000e+00 : f32
    %add3A_883 = vector.broadcast %add3A_882 : f32 to vector<1024x128xf32>
    %add3A_884 = arith.addf %tanh3A_879, %add3A_883 : vector<1024x128xf32>
    %mul3A_885 = arith.mulf %add3A_877, %add3A_884 : vector<1024x128xf32>
    %add3A_886 = arith.addf %add3A_867, %mul3A_885 : vector<1024x128xf32>
    %tanh3A_887 = math.tanh %add3A_886 : vector<1024x128xf32>
    %add3A_888 = arith.addf %select_n3A_759, %tanh3A_887 : vector<1024x128xf32>
    %sub3A_889 = arith.subf %select_n3A_759, %tanh3A_887 : vector<1024x128xf32>
    %mul3A_890 = arith.mulf %tanh3A_881, %sub3A_889 : vector<1024x128xf32>
    %add3A_891 = arith.addf %add3A_888, %mul3A_890 : vector<1024x128xf32>
    %mul3A_892 = arith.constant 5.000000e-01 : f32
    %mul3A_893 = vector.broadcast %mul3A_892 : f32 to vector<1024x128xf32>
    %mul3A_894 = arith.mulf %mul3A_893, %add3A_891 : vector<1024x128xf32>
    %broadcast_in_dim3A_895 = vector.shape_cast %gt3A_839 : vector<1024x1xi1> to vector<1024x1xi1>
    %broadcast_in_dim3A_896 = vector.broadcast %broadcast_in_dim3A_895 : vector<1024x1xi1> to vector<1024x128xi1>
    %select_n3A_897 = arith.select %broadcast_in_dim3A_896, %mul3A_894, %select_n3A_759 : vector<1024x128xi1>, vector<1024x128xf32>
    %jit3A_898 = arith.constant 0.000000e+00 : f32
    %broadcast_in_dim3A_899 = vector.shape_cast %gt3A_839 : vector<1024x1xi1> to vector<1024x1xi1>
    %broadcast_in_dim3A_900 = vector.broadcast %broadcast_in_dim3A_899 : vector<1024x1xi1> to vector<1024x128xi1>
    %broadcast_in_dim3A_901 = vector.broadcast %jit3A_898 : f32 to vector<1024x128xf32>
    %select_n3A_902 = arith.select %broadcast_in_dim3A_900, %mul3A_894, %broadcast_in_dim3A_901 : vector<1024x128xi1>, vector<1024x128xf32>
    %convert_element_type3A_903 = arith.truncf %select_n3A_902 : vector<1024x128xf32> to vector<1024x128xbf16>
    %convert_element_type3A_904 = arith.truncf %select_n3A_817 : vector<1024x128xf32> to vector<1024x128xbf16>
    %concatenate3A_905 = tpu.concatenate %convert_element_type3A_903, %convert_element_type3A_904 in 1 : vector<1024x128xbf16>, vector<1024x128xbf16> -> vector<1024x256xbf16>
    %get3A_906 = arith.constant 0 : index
    %get3A_907 = arith.constant 0 : index
    %get3A_908 = vector.load %arg8[%get3A_906, %get3A_907] : memref<256x256xbf16, #tpu.memory_space<vmem>>, vector<256x256xbf16>
    %dot_general3A_909 = arith.constant dense<0.000000e+00> : vector<1024x256xf32>
    %dot_general3A_910 = tpu.matmul %concatenate3A_905, %get3A_908, %dot_general3A_909 {dimension_numbers = #tpu.dot_dimension_numbers<[1], [0], [0], [1], [0, 0, 1, 1], [], []>, transpose_lhs_hint = false} : vector<1024x256xbf16>, vector<256x256xbf16>, vector<1024x256xf32> -> vector<1024x256xf32>
    %get3A_911 = arith.constant 0 : index
    %get3A_912 = arith.constant 0 : index
    %get3A_913 = vector.load %arg11[%get3A_911, %get3A_912] : memref<1x256xf32, #tpu.memory_space<vmem>>, vector<1x256xf32>
    %add3A_914 = vector.broadcast %get3A_913 : vector<1x256xf32> to vector<1024x256xf32>
    %add3A_915 = arith.addf %dot_general3A_910, %add3A_914 : vector<1024x256xf32>
    %get3A_916 = arith.constant 0 : index
    %get3A_917 = arith.constant 0 : index
    %get3A_918 = vector.load %arg9[%get3A_916, %get3A_917] : memref<128x128xbf16, #tpu.memory_space<vmem>>, vector<128x128xbf16>
    %dot_general3A_919 = arith.constant dense<0.000000e+00> : vector<1024x128xf32>
    %dot_general3A_920 = tpu.matmul %convert_element_type3A_903, %get3A_918, %dot_general3A_919 {dimension_numbers = #tpu.dot_dimension_numbers<[1], [0], [0], [1], [0, 0, 1, 1], [], []>, transpose_lhs_hint = false} : vector<1024x128xbf16>, vector<128x128xbf16>, vector<1024x128xf32> -> vector<1024x128xf32>
    %get3A_921 = arith.constant 0 : index
    %get3A_922 = arith.constant 0 : index
    %get3A_923 = vector.load %arg12[%get3A_921, %get3A_922] : memref<1x128xf32, #tpu.memory_space<vmem>>, vector<1x128xf32>
    %add3A_924 = vector.broadcast %get3A_923 : vector<1x128xf32> to vector<1024x128xf32>
    %add3A_925 = arith.addf %dot_general3A_920, %add3A_924 : vector<1024x128xf32>
    %get3A_926 = arith.constant 0 : index
    %get3A_927 = arith.constant 0 : index
    %get3A_928 = vector.load %arg10[%get3A_926, %get3A_927] : memref<128x128xbf16, #tpu.memory_space<vmem>>, vector<128x128xbf16>
    %dot_general3A_929 = arith.constant dense<0.000000e+00> : vector<1024x128xf32>
    %dot_general3A_930 = tpu.matmul %convert_element_type3A_904, %get3A_928, %dot_general3A_929 {dimension_numbers = #tpu.dot_dimension_numbers<[1], [0], [0], [1], [0, 0, 1, 1], [], []>, transpose_lhs_hint = false} : vector<1024x128xbf16>, vector<128x128xbf16>, vector<1024x128xf32> -> vector<1024x128xf32>
    %get3A_931 = arith.constant 0 : index
    %get3A_932 = arith.constant 0 : index
    %get3A_933 = vector.load %arg13[%get3A_931, %get3A_932] : memref<1x128xf32, #tpu.memory_space<vmem>>, vector<1x128xf32>
    %add3A_934 = vector.broadcast %get3A_933 : vector<1x128xf32> to vector<1024x128xf32>
    %add3A_935 = arith.addf %dot_general3A_930, %add3A_934 : vector<1024x128xf32>
    %slice3A_936 = vector.extract_strided_slice %add3A_915 {offsets = [0, 0], sizes = [1024, 128], strides = [1, 1]} : vector<1024x256xf32> to vector<1024x128xf32>
    %tanh3A_937 = math.tanh %slice3A_936 : vector<1024x128xf32>
    %slice3A_938 = vector.extract_strided_slice %add3A_915 {offsets = [0, 128], sizes = [1024, 128], strides = [1, 1]} : vector<1024x256xf32> to vector<1024x128xf32>
    %tanh3A_939 = math.tanh %slice3A_938 : vector<1024x128xf32>
    %add3A_940 = arith.constant 1.000000e+00 : f32
    %add3A_941 = vector.broadcast %add3A_940 : f32 to vector<1024x128xf32>
    %add3A_942 = arith.addf %tanh3A_937, %add3A_941 : vector<1024x128xf32>
    %mul3A_943 = arith.mulf %add3A_935, %add3A_942 : vector<1024x128xf32>
    %add3A_944 = arith.addf %add3A_925, %mul3A_943 : vector<1024x128xf32>
    %tanh3A_945 = math.tanh %add3A_944 : vector<1024x128xf32>
    %add3A_946 = arith.addf %select_n3A_817, %tanh3A_945 : vector<1024x128xf32>
    %sub3A_947 = arith.subf %select_n3A_817, %tanh3A_945 : vector<1024x128xf32>
    %mul3A_948 = arith.mulf %tanh3A_939, %sub3A_947 : vector<1024x128xf32>
    %add3A_949 = arith.addf %add3A_946, %mul3A_948 : vector<1024x128xf32>
    %mul3A_950 = arith.constant 5.000000e-01 : f32
    %mul3A_951 = vector.broadcast %mul3A_950 : f32 to vector<1024x128xf32>
    %mul3A_952 = arith.mulf %mul3A_951, %add3A_949 : vector<1024x128xf32>
    %broadcast_in_dim3A_953 = vector.shape_cast %gt3A_839 : vector<1024x1xi1> to vector<1024x1xi1>
    %broadcast_in_dim3A_954 = vector.broadcast %broadcast_in_dim3A_953 : vector<1024x1xi1> to vector<1024x128xi1>
    %select_n3A_955 = arith.select %broadcast_in_dim3A_954, %mul3A_952, %select_n3A_817 : vector<1024x128xi1>, vector<1024x128xf32>
    %jit3A_956 = arith.constant 0.000000e+00 : f32
    %broadcast_in_dim3A_957 = vector.shape_cast %gt3A_839 : vector<1024x1xi1> to vector<1024x1xi1>
    %broadcast_in_dim3A_958 = vector.broadcast %broadcast_in_dim3A_957 : vector<1024x1xi1> to vector<1024x128xi1>
    %broadcast_in_dim3A_959 = vector.broadcast %jit3A_956 : f32 to vector<1024x128xf32>
    %select_n3A_960 = arith.select %broadcast_in_dim3A_958, %mul3A_952, %broadcast_in_dim3A_959 : vector<1024x128xi1>, vector<1024x128xf32>
    %swap3A_961 = arith.constant 6 : index
    %swap3A_962 = arith.constant 0 : index
    %swap3A_963 = arith.constant 0 : index
    %swap3A_964 = vector.load %arg18[%swap3A_961, %swap3A_962, %swap3A_963] : memref<8x1024x128xf32, #tpu.memory_space<vmem>>, vector<1x1024x128xf32>
    %swap3A_965 = vector.shape_cast %swap3A_964 : vector<1x1024x128xf32> to vector<1024x128xf32>
    %swap3A_966 = vector.shape_cast %select_n3A_960 : vector<1024x128xf32> to vector<1x1024x128xf32>
    tpu.vector_store %arg18[%swap3A_961, %swap3A_962, %swap3A_963], %swap3A_966 {strides = array<i32>} : memref<8x1024x128xf32, #tpu.memory_space<vmem>>, vector<1x1024x128xf32>,
    %mul3A_967 = arith.constant 8 : i32
    %mul3A_968 = arith.muli %arg0, %mul3A_967 : i32
    %add3A_969 = arith.constant 24 : i32
    %add3A_970 = arith.addi %add3A_969, %mul3A_968 : i32
    %add3A_971 = arith.constant 7 : i32
    %add3A_972 = arith.addi %add3A_970, %add3A_971 : i32
    %get3A_973 = arith.constant 0 : index
    %get3A_974 = arith.constant 0 : index
    %get3A_975 = vector.load %arg1[%get3A_973, %get3A_974] : memref<1024x1xi32, #tpu.memory_space<vmem>>, vector<1024x1xi32>
    %gt3A_976 = vector.broadcast %add3A_972 : i32 to vector<1024x1xi32>
    %gt3A_977 = arith.cmpi sgt, %get3A_975, %gt3A_976 : vector<1024x1xi32>
    %get3A_978 = arith.constant 7 : index
    %get3A_979 = arith.constant 0 : index
    %get3A_980 = arith.constant 0 : index
    %get3A_981 = vector.load %arg16[%get3A_978, %get3A_979, %get3A_980] : memref<8x1024x128xf32, #tpu.memory_space<vmem>>, vector<1x1024x128xf32>
    %get3A_982 = vector.shape_cast %get3A_981 : vector<1x1024x128xf32> to vector<1024x128xf32>
    %convert_element_type3A_983 = arith.truncf %get3A_982 : vector<1024x128xf32> to vector<1024x128xbf16>
    %convert_element_type3A_984 = arith.truncf %select_n3A_897 : vector<1024x128xf32> to vector<1024x128xbf16>
    %concatenate3A_985 = tpu.concatenate %convert_element_type3A_983, %convert_element_type3A_984 in 1 : vector<1024x128xbf16>, vector<1024x128xbf16> -> vector<1024x256xbf16>
    %get3A_986 = arith.constant 0 : index
    %get3A_987 = arith.constant 0 : index
    %get3A_988 = vector.load %arg2[%get3A_986, %get3A_987] : memref<256x256xbf16, #tpu.memory_space<vmem>>, vector<256x256xbf16>
    %dot_general3A_989 = arith.constant dense<0.000000e+00> : vector<1024x256xf32>
    %dot_general3A_990 = tpu.matmul %concatenate3A_985, %get3A_988, %dot_general3A_989 {dimension_numbers = #tpu.dot_dimension_numbers<[1], [0], [0], [1], [0, 0, 1, 1], [], []>, transpose_lhs_hint = false} : vector<1024x256xbf16>, vector<256x256xbf16>, vector<1024x256xf32> -> vector<1024x256xf32>
    %get3A_991 = arith.constant 0 : index
    %get3A_992 = arith.constant 0 : index
    %get3A_993 = vector.load %arg5[%get3A_991, %get3A_992] : memref<1x256xf32, #tpu.memory_space<vmem>>, vector<1x256xf32>
    %add3A_994 = vector.broadcast %get3A_993 : vector<1x256xf32> to vector<1024x256xf32>
    %add3A_995 = arith.addf %dot_general3A_990, %add3A_994 : vector<1024x256xf32>
    %get3A_996 = arith.constant 0 : index
    %get3A_997 = arith.constant 0 : index
    %get3A_998 = vector.load %arg3[%get3A_996, %get3A_997] : memref<128x128xbf16, #tpu.memory_space<vmem>>, vector<128x128xbf16>
    %dot_general3A_999 = arith.constant dense<0.000000e+00> : vector<1024x128xf32>
    %dot_general3A_1000 = tpu.matmul %convert_element_type3A_983, %get3A_998, %dot_general3A_999 {dimension_numbers = #tpu.dot_dimension_numbers<[1], [0], [0], [1], [0, 0, 1, 1], [], []>, transpose_lhs_hint = false} : vector<1024x128xbf16>, vector<128x128xbf16>, vector<1024x128xf32> -> vector<1024x128xf32>
    %get3A_1001 = arith.constant 0 : index
    %get3A_1002 = arith.constant 0 : index
    %get3A_1003 = vector.load %arg6[%get3A_1001, %get3A_1002] : memref<1x128xf32, #tpu.memory_space<vmem>>, vector<1x128xf32>
    %add3A_1004 = vector.broadcast %get3A_1003 : vector<1x128xf32> to vector<1024x128xf32>
    %add3A_1005 = arith.addf %dot_general3A_1000, %add3A_1004 : vector<1024x128xf32>
    %get3A_1006 = arith.constant 0 : index
    %get3A_1007 = arith.constant 0 : index
    %get3A_1008 = vector.load %arg4[%get3A_1006, %get3A_1007] : memref<128x128xbf16, #tpu.memory_space<vmem>>, vector<128x128xbf16>
    %dot_general3A_1009 = arith.constant dense<0.000000e+00> : vector<1024x128xf32>
    %dot_general3A_1010 = tpu.matmul %convert_element_type3A_984, %get3A_1008, %dot_general3A_1009 {dimension_numbers = #tpu.dot_dimension_numbers<[1], [0], [0], [1], [0, 0, 1, 1], [], []>, transpose_lhs_hint = false} : vector<1024x128xbf16>, vector<128x128xbf16>, vector<1024x128xf32> -> vector<1024x128xf32>
    %get3A_1011 = arith.constant 0 : index
    %get3A_1012 = arith.constant 0 : index
    %get3A_1013 = vector.load %arg7[%get3A_1011, %get3A_1012] : memref<1x128xf32, #tpu.memory_space<vmem>>, vector<1x128xf32>
    %add3A_1014 = vector.broadcast %get3A_1013 : vector<1x128xf32> to vector<1024x128xf32>
    %add3A_1015 = arith.addf %dot_general3A_1010, %add3A_1014 : vector<1024x128xf32>
    %slice3A_1016 = vector.extract_strided_slice %add3A_995 {offsets = [0, 0], sizes = [1024, 128], strides = [1, 1]} : vector<1024x256xf32> to vector<1024x128xf32>
    %tanh3A_1017 = math.tanh %slice3A_1016 : vector<1024x128xf32>
    %slice3A_1018 = vector.extract_strided_slice %add3A_995 {offsets = [0, 128], sizes = [1024, 128], strides = [1, 1]} : vector<1024x256xf32> to vector<1024x128xf32>
    %tanh3A_1019 = math.tanh %slice3A_1018 : vector<1024x128xf32>
    %add3A_1020 = arith.constant 1.000000e+00 : f32
    %add3A_1021 = vector.broadcast %add3A_1020 : f32 to vector<1024x128xf32>
    %add3A_1022 = arith.addf %tanh3A_1017, %add3A_1021 : vector<1024x128xf32>
    %mul3A_1023 = arith.mulf %add3A_1015, %add3A_1022 : vector<1024x128xf32>
    %add3A_1024 = arith.addf %add3A_1005, %mul3A_1023 : vector<1024x128xf32>
    %tanh3A_1025 = math.tanh %add3A_1024 : vector<1024x128xf32>
    %add3A_1026 = arith.addf %select_n3A_897, %tanh3A_1025 : vector<1024x128xf32>
    %sub3A_1027 = arith.subf %select_n3A_897, %tanh3A_1025 : vector<1024x128xf32>
    %mul3A_1028 = arith.mulf %tanh3A_1019, %sub3A_1027 : vector<1024x128xf32>
    %add3A_1029 = arith.addf %add3A_1026, %mul3A_1028 : vector<1024x128xf32>
    %mul3A_1030 = arith.constant 5.000000e-01 : f32
    %mul3A_1031 = vector.broadcast %mul3A_1030 : f32 to vector<1024x128xf32>
    %mul3A_1032 = arith.mulf %mul3A_1031, %add3A_1029 : vector<1024x128xf32>
    %broadcast_in_dim3A_1033 = vector.shape_cast %gt3A_977 : vector<1024x1xi1> to vector<1024x1xi1>
    %broadcast_in_dim3A_1034 = vector.broadcast %broadcast_in_dim3A_1033 : vector<1024x1xi1> to vector<1024x128xi1>
    %select_n3A_1035 = arith.select %broadcast_in_dim3A_1034, %mul3A_1032, %select_n3A_897 : vector<1024x128xi1>, vector<1024x128xf32>
    %jit3A_1036 = arith.constant 0.000000e+00 : f32
    %broadcast_in_dim3A_1037 = vector.shape_cast %gt3A_977 : vector<1024x1xi1> to vector<1024x1xi1>
    %broadcast_in_dim3A_1038 = vector.broadcast %broadcast_in_dim3A_1037 : vector<1024x1xi1> to vector<1024x128xi1>
    %broadcast_in_dim3A_1039 = vector.broadcast %jit3A_1036 : f32 to vector<1024x128xf32>
    %select_n3A_1040 = arith.select %broadcast_in_dim3A_1038, %mul3A_1032, %broadcast_in_dim3A_1039 : vector<1024x128xi1>, vector<1024x128xf32>
    %convert_element_type3A_1041 = arith.truncf %select_n3A_1040 : vector<1024x128xf32> to vector<1024x128xbf16>
    %convert_element_type3A_1042 = arith.truncf %select_n3A_955 : vector<1024x128xf32> to vector<1024x128xbf16>
    %concatenate3A_1043 = tpu.concatenate %convert_element_type3A_1041, %convert_element_type3A_1042 in 1 : vector<1024x128xbf16>, vector<1024x128xbf16> -> vector<1024x256xbf16>
    %get3A_1044 = arith.constant 0 : index
    %get3A_1045 = arith.constant 0 : index
    %get3A_1046 = vector.load %arg8[%get3A_1044, %get3A_1045] : memref<256x256xbf16, #tpu.memory_space<vmem>>, vector<256x256xbf16>
    %dot_general3A_1047 = arith.constant dense<0.000000e+00> : vector<1024x256xf32>
    %dot_general3A_1048 = tpu.matmul %concatenate3A_1043, %get3A_1046, %dot_general3A_1047 {dimension_numbers = #tpu.dot_dimension_numbers<[1], [0], [0], [1], [0, 0, 1, 1], [], []>, transpose_lhs_hint = false} : vector<1024x256xbf16>, vector<256x256xbf16>, vector<1024x256xf32> -> vector<1024x256xf32>
    %get3A_1049 = arith.constant 0 : index
    %get3A_1050 = arith.constant 0 : index
    %get3A_1051 = vector.load %arg11[%get3A_1049, %get3A_1050] : memref<1x256xf32, #tpu.memory_space<vmem>>, vector<1x256xf32>
    %add3A_1052 = vector.broadcast %get3A_1051 : vector<1x256xf32> to vector<1024x256xf32>
    %add3A_1053 = arith.addf %dot_general3A_1048, %add3A_1052 : vector<1024x256xf32>
    %get3A_1054 = arith.constant 0 : index
    %get3A_1055 = arith.constant 0 : index
    %get3A_1056 = vector.load %arg9[%get3A_1054, %get3A_1055] : memref<128x128xbf16, #tpu.memory_space<vmem>>, vector<128x128xbf16>
    %dot_general3A_1057 = arith.constant dense<0.000000e+00> : vector<1024x128xf32>
    %dot_general3A_1058 = tpu.matmul %convert_element_type3A_1041, %get3A_1056, %dot_general3A_1057 {dimension_numbers = #tpu.dot_dimension_numbers<[1], [0], [0], [1], [0, 0, 1, 1], [], []>, transpose_lhs_hint = false} : vector<1024x128xbf16>, vector<128x128xbf16>, vector<1024x128xf32> -> vector<1024x128xf32>
    %get3A_1059 = arith.constant 0 : index
    %get3A_1060 = arith.constant 0 : index
    %get3A_1061 = vector.load %arg12[%get3A_1059, %get3A_1060] : memref<1x128xf32, #tpu.memory_space<vmem>>, vector<1x128xf32>
    %add3A_1062 = vector.broadcast %get3A_1061 : vector<1x128xf32> to vector<1024x128xf32>
    %add3A_1063 = arith.addf %dot_general3A_1058, %add3A_1062 : vector<1024x128xf32>
    %get3A_1064 = arith.constant 0 : index
    %get3A_1065 = arith.constant 0 : index
    %get3A_1066 = vector.load %arg10[%get3A_1064, %get3A_1065] : memref<128x128xbf16, #tpu.memory_space<vmem>>, vector<128x128xbf16>
    %dot_general3A_1067 = arith.constant dense<0.000000e+00> : vector<1024x128xf32>
    %dot_general3A_1068 = tpu.matmul %convert_element_type3A_1042, %get3A_1066, %dot_general3A_1067 {dimension_numbers = #tpu.dot_dimension_numbers<[1], [0], [0], [1], [0, 0, 1, 1], [], []>, transpose_lhs_hint = false} : vector<1024x128xbf16>, vector<128x128xbf16>, vector<1024x128xf32> -> vector<1024x128xf32>
    %get3A_1069 = arith.constant 0 : index
    %get3A_1070 = arith.constant 0 : index
    %get3A_1071 = vector.load %arg13[%get3A_1069, %get3A_1070] : memref<1x128xf32, #tpu.memory_space<vmem>>, vector<1x128xf32>
    %add3A_1072 = vector.broadcast %get3A_1071 : vector<1x128xf32> to vector<1024x128xf32>
    %add3A_1073 = arith.addf %dot_general3A_1068, %add3A_1072 : vector<1024x128xf32>
    %slice3A_1074 = vector.extract_strided_slice %add3A_1053 {offsets = [0, 0], sizes = [1024, 128], strides = [1, 1]} : vector<1024x256xf32> to vector<1024x128xf32>
    %tanh3A_1075 = math.tanh %slice3A_1074 : vector<1024x128xf32>
    %slice3A_1076 = vector.extract_strided_slice %add3A_1053 {offsets = [0, 128], sizes = [1024, 128], strides = [1, 1]} : vector<1024x256xf32> to vector<1024x128xf32>
    %tanh3A_1077 = math.tanh %slice3A_1076 : vector<1024x128xf32>
    %add3A_1078 = arith.constant 1.000000e+00 : f32
    %add3A_1079 = vector.broadcast %add3A_1078 : f32 to vector<1024x128xf32>
    %add3A_1080 = arith.addf %tanh3A_1075, %add3A_1079 : vector<1024x128xf32>
    %mul3A_1081 = arith.mulf %add3A_1073, %add3A_1080 : vector<1024x128xf32>
    %add3A_1082 = arith.addf %add3A_1063, %mul3A_1081 : vector<1024x128xf32>
    %tanh3A_1083 = math.tanh %add3A_1082 : vector<1024x128xf32>
    %add3A_1084 = arith.addf %select_n3A_955, %tanh3A_1083 : vector<1024x128xf32>
    %sub3A_1085 = arith.subf %select_n3A_955, %tanh3A_1083 : vector<1024x128xf32>
    %mul3A_1086 = arith.mulf %tanh3A_1077, %sub3A_1085 : vector<1024x128xf32>
    %add3A_1087 = arith.addf %add3A_1084, %mul3A_1086 : vector<1024x128xf32>
    %mul3A_1088 = arith.constant 5.000000e-01 : f32
    %mul3A_1089 = vector.broadcast %mul3A_1088 : f32 to vector<1024x128xf32>
    %mul3A_1090 = arith.mulf %mul3A_1089, %add3A_1087 : vector<1024x128xf32>
    %broadcast_in_dim3A_1091 = vector.shape_cast %gt3A_977 : vector<1024x1xi1> to vector<1024x1xi1>
    %broadcast_in_dim3A_1092 = vector.broadcast %broadcast_in_dim3A_1091 : vector<1024x1xi1> to vector<1024x128xi1>
    %select_n3A_1093 = arith.select %broadcast_in_dim3A_1092, %mul3A_1090, %select_n3A_955 : vector<1024x128xi1>, vector<1024x128xf32>
    %jit3A_1094 = arith.constant 0.000000e+00 : f32
    %broadcast_in_dim3A_1095 = vector.shape_cast %gt3A_977 : vector<1024x1xi1> to vector<1024x1xi1>
    %broadcast_in_dim3A_1096 = vector.broadcast %broadcast_in_dim3A_1095 : vector<1024x1xi1> to vector<1024x128xi1>
    %broadcast_in_dim3A_1097 = vector.broadcast %jit3A_1094 : f32 to vector<1024x128xf32>
    %select_n3A_1098 = arith.select %broadcast_in_dim3A_1096, %mul3A_1090, %broadcast_in_dim3A_1097 : vector<1024x128xi1>, vector<1024x128xf32>
    %swap3A_1099 = arith.constant 7 : index
    %swap3A_1100 = arith.constant 0 : index
    %swap3A_1101 = arith.constant 0 : index
    %swap3A_1102 = vector.load %arg18[%swap3A_1099, %swap3A_1100, %swap3A_1101] : memref<8x1024x128xf32, #tpu.memory_space<vmem>>, vector<1x1024x128xf32>
    %swap3A_1103 = vector.shape_cast %swap3A_1102 : vector<1x1024x128xf32> to vector<1024x128xf32>
    %swap3A_1104 = vector.shape_cast %select_n3A_1098 : vector<1024x128xf32> to vector<1x1024x128xf32>
    tpu.vector_store %arg18[%swap3A_1099, %swap3A_1100, %swap3A_1101], %swap3A_1104 {strides = array<i32>} : memref<8x1024x128xf32, #tpu.memory_space<vmem>>, vector<1x1024x128xf32>,
    %swap3A_1105 = arith.constant 0 : index
    %swap3A_1106 = arith.constant 0 : index
    %swap3A_1107 = vector.load %arg19[%swap3A_1105, %swap3A_1106] : memref<1024x128xf32, #tpu.memory_space<vmem>>, vector<1024x128xf32>
    tpu.vector_store %arg19[%swap3A_1105, %swap3A_1106], %select_n3A_1035 {strides = array<i32>} : memref<1024x128xf32, #tpu.memory_space<vmem>>, vector<1024x128xf32>,
    %swap3A_1108 = arith.constant 0 : index
    %swap3A_1109 = arith.constant 0 : index
    %swap3A_1110 = vector.load %arg20[%swap3A_1108, %swap3A_1109] : memref<1024x128xf32, #tpu.memory_space<vmem>>, vector<1024x128xf32>
    tpu.vector_store %arg20[%swap3A_1108, %swap3A_1109], %select_n3A_1093 {strides = array<i32>} : memref<1024x128xf32, #tpu.memory_space<vmem>>, vector<1024x128xf32>,
    return
  }
  func.func @transform_0(%arg0: i32) -> (i32, i32) {
    %c0_i32 = arith.constant 0 : i32
    %c0_i32_0 = arith.constant 0 : i32
    %c0_i32_1 = arith.constant 0 : i32
    return %c0_i32, %c0_i32_0 : i32, i32
  }
  func.func @transform_1(%arg0: i32) -> (i32, i32) {
    %c0_i32 = arith.constant 0 : i32
    %c0_i32_0 = arith.constant 0 : i32
    %c0_i32_1 = arith.constant 0 : i32
    return %c0_i32, %c0_i32_0 : i32, i32
  }
  func.func @transform_2(%arg0: i32) -> (i32, i32) {
    %c0_i32 = arith.constant 0 : i32
    %c0_i32_0 = arith.constant 0 : i32
    %c0_i32_1 = arith.constant 0 : i32
    return %c0_i32, %c0_i32_0 : i32, i32
  }
  func.func @transform_3(%arg0: i32) -> (i32, i32) {
    %c0_i32 = arith.constant 0 : i32
    %c0_i32_0 = arith.constant 0 : i32
    %c0_i32_1 = arith.constant 0 : i32
    return %c0_i32, %c0_i32_0 : i32, i32
  }
  func.func @transform_4(%arg0: i32) -> (i32, i32) {
    %c0_i32 = arith.constant 0 : i32
    %c0_i32_0 = arith.constant 0 : i32
    %c0_i32_1 = arith.constant 0 : i32
    return %c0_i32, %c0_i32_0 : i32, i32
  }
  func.func @transform_5(%arg0: i32) -> (i32, i32) {
    %c0_i32 = arith.constant 0 : i32
    %c0_i32_0 = arith.constant 0 : i32
    %c0_i32_1 = arith.constant 0 : i32
    return %c0_i32, %c0_i32_0 : i32, i32
  }
  func.func @transform_6(%arg0: i32) -> (i32, i32) {
    %c0_i32 = arith.constant 0 : i32
    %c0_i32_0 = arith.constant 0 : i32
    %c0_i32_1 = arith.constant 0 : i32
    return %c0_i32, %c0_i32_0 : i32, i32
  }
  func.func @transform_7(%arg0: i32) -> (i32, i32) {
    %c0_i32 = arith.constant 0 : i32
    %c0_i32_0 = arith.constant 0 : i32
    %c0_i32_1 = arith.constant 0 : i32
    return %c0_i32, %c0_i32_0 : i32, i32
  }
  func.func @transform_8(%arg0: i32) -> (i32, i32) {
    %c0_i32 = arith.constant 0 : i32
    %c0_i32_0 = arith.constant 0 : i32
    %c0_i32_1 = arith.constant 0 : i32
    return %c0_i32, %c0_i32_0 : i32, i32
  }
  func.func @transform_9(%arg0: i32) -> (i32, i32) {
    %c0_i32 = arith.constant 0 : i32
    %c0_i32_0 = arith.constant 0 : i32
    %c0_i32_1 = arith.constant 0 : i32
    return %c0_i32, %c0_i32_0 : i32, i32
  }
  func.func @transform_10(%arg0: i32) -> (i32, i32) {
    %c0_i32 = arith.constant 0 : i32
    %c0_i32_0 = arith.constant 0 : i32
    %c0_i32_1 = arith.constant 0 : i32
    return %c0_i32, %c0_i32_0 : i32, i32
  }
  func.func @transform_11(%arg0: i32) -> (i32, i32) {
    %c0_i32 = arith.constant 0 : i32
    %c0_i32_0 = arith.constant 0 : i32
    %c0_i32_1 = arith.constant 0 : i32
    return %c0_i32, %c0_i32_0 : i32, i32
  }
  func.func @transform_12(%arg0: i32) -> (i32, i32) {
    %c0_i32 = arith.constant 0 : i32
    %c0_i32_0 = arith.constant 0 : i32
    %c0_i32_1 = arith.constant 0 : i32
    return %c0_i32, %c0_i32_0 : i32, i32
  }
  func.func @transform_13(%arg0: i32) -> (i32, i32) {
    %c0_i32 = arith.constant 0 : i32
    %c0_i32_0 = arith.constant 0 : i32
    %c0_i32_1 = arith.constant 0 : i32
    return %c0_i32, %c0_i32_0 : i32, i32
  }
  func.func @transform_14(%arg0: i32) -> (i32, i32) {
    %c0_i32 = arith.constant 0 : i32
    %c0_i32_0 = arith.constant 0 : i32
    %c0_i32_1 = arith.constant 0 : i32
    return %c0_i32, %c0_i32_0 : i32, i32
  }
  func.func @transform_15(%arg0: i32) -> (i32, i32, i32) {
    %c0_i32 = arith.constant 0 : i32
    %c0_i32_0 = arith.constant 0 : i32
    %c0_i32_1 = arith.constant 0 : i32
    return %arg0, %c0_i32, %c0_i32_0 : i32, i32, i32
  }
  func.func @transform_17(%arg0: i32) -> (i32, i32, i32) {
    %add3A = arith.constant 3 : i32
    %add3A_0 = arith.addi %arg0, %add3A : i32
    %c0_i32 = arith.constant 0 : i32
    %c0_i32_1 = arith.constant 0 : i32
    %c0_i32_2 = arith.constant 0 : i32
    return %add3A_0, %c0_i32, %c0_i32_1 : i32, i32, i32
  }
  func.func @transform_18(%arg0: i32) -> (i32, i32) {
    %c0_i32 = arith.constant 0 : i32
    %c0_i32_0 = arith.constant 0 : i32
    %c0_i32_1 = arith.constant 0 : i32
    return %c0_i32, %c0_i32_0 : i32, i32
  }
  func.func @transform_19(%arg0: i32) -> (i32, i32) {
    %c0_i32 = arith.constant 0 : i32
    %c0_i32_0 = arith.constant 0 : i32
    %c0_i32_1 = arith.constant 0 : i32
    return %c0_i32, %c0_i32_0 : i32, i32
  }
}

module attributes {stable_mosaic.version = 14 : i64} {
  func.func @body(%arg0: i32, %arg1: memref<1024x1xi32, #tpu.memory_space<vmem>>, %arg2: memref<256x256xbf16, #tpu.memory_space<vmem>>, %arg3: memref<128x128xbf16, #tpu.memory_space<vmem>>, %arg4: memref<128x128xbf16, #tpu.memory_space<vmem>>, %arg5: memref<1x256xf32, #tpu.memory_space<vmem>>, %arg6: memref<1x128xf32, #tpu.memory_space<vmem>>, %arg7: memref<1x128xf32, #tpu.memory_space<vmem>>, %arg8: memref<256x256xbf16, #tpu.memory_space<vmem>>, %arg9: memref<128x128xbf16, #tpu.memory_space<vmem>>, %arg10: memref<128x128xbf16, #tpu.memory_space<vmem>>, %arg11: memref<1x256xf32, #tpu.memory_space<vmem>>, %arg12: memref<1x128xf32, #tpu.memory_space<vmem>>, %arg13: memref<1x128xf32, #tpu.memory_space<vmem>>, %arg14: memref<1024x128xf32, #tpu.memory_space<vmem>>, %arg15: memref<1024x128xf32, #tpu.memory_space<vmem>>, %arg16: memref<8x1024x128xf32, #tpu.memory_space<vmem>>, %arg17: memref<8x1024x128xf32, #tpu.memory_space<vmem>>, %arg18: memref<1024x128xf32, #tpu.memory_space<vmem>>, %arg19: memref<1024x128xf32, #tpu.memory_space<vmem>>) attributes {dimension_semantics = [#tpu.dimension_semantics<arbitrary>], iteration_bounds = array<i64: 3>, scalar_prefetch = 0 : i64, scratch_operands = 0 : i64, tpu.core_type = #tpu.core_type<tc>, window_params = [{pipeline_mode = #tpu.pipeline_mode<synchronous>, transform_indices = @transform_0, window_bounds = array<i64: 1024, 1>}, {pipeline_mode = #tpu.pipeline_mode<synchronous>, transform_indices = @transform_1, window_bounds = array<i64: 256, 256>}, {pipeline_mode = #tpu.pipeline_mode<synchronous>, transform_indices = @transform_2, window_bounds = array<i64: 128, 128>}, {pipeline_mode = #tpu.pipeline_mode<synchronous>, transform_indices = @transform_3, window_bounds = array<i64: 128, 128>}, {pipeline_mode = #tpu.pipeline_mode<synchronous>, transform_indices = @transform_4, window_bounds = array<i64: 1, 256>}, {pipeline_mode = #tpu.pipeline_mode<synchronous>, transform_indices = @transform_5, window_bounds = array<i64: 1, 128>}, {pipeline_mode = #tpu.pipeline_mode<synchronous>, transform_indices = @transform_6, window_bounds = array<i64: 1, 128>}, {pipeline_mode = #tpu.pipeline_mode<synchronous>, transform_indices = @transform_7, window_bounds = array<i64: 256, 256>}, {pipeline_mode = #tpu.pipeline_mode<synchronous>, transform_indices = @transform_8, window_bounds = array<i64: 128, 128>}, {pipeline_mode = #tpu.pipeline_mode<synchronous>, transform_indices = @transform_9, window_bounds = array<i64: 128, 128>}, {pipeline_mode = #tpu.pipeline_mode<synchronous>, transform_indices = @transform_10, window_bounds = array<i64: 1, 256>}, {pipeline_mode = #tpu.pipeline_mode<synchronous>, transform_indices = @transform_11, window_bounds = array<i64: 1, 128>}, {pipeline_mode = #tpu.pipeline_mode<synchronous>, transform_indices = @transform_12, window_bounds = array<i64: 1, 128>}, {pipeline_mode = #tpu.pipeline_mode<synchronous>, transform_indices = @transform_13, window_bounds = array<i64: 1024, 128>}, {pipeline_mode = #tpu.pipeline_mode<synchronous>, transform_indices = @transform_14, window_bounds = array<i64: 1024, 128>}, {transform_indices = @transform_15, window_bounds = array<i64: 8, 1024, 128>}, {transform_indices = @transform_16, window_bounds = array<i64: 8, 1024, 128>}, {pipeline_mode = #tpu.pipeline_mode<synchronous>, transform_indices = @transform_17, window_bounds = array<i64: 1024, 128>}, {pipeline_mode = #tpu.pipeline_mode<synchronous>, transform_indices = @transform_18, window_bounds = array<i64: 1024, 128>}]} {
    %eq3A = arith.constant 0 : i32
    %eq3A_0 = arith.cmpi eq, %arg0, %eq3A : i32
    %get3A = arith.constant 0 : index
    %get3A_1 = arith.constant 0 : index
    %get3A_2 = vector.load %arg14[%get3A, %get3A_1] : memref<1024x128xf32, #tpu.memory_space<vmem>>, vector<1024x128xf32>
    %get3A_3 = arith.constant 0 : index
    %get3A_4 = arith.constant 0 : index
    %get3A_5 = vector.load %arg18[%get3A_3, %get3A_4] : memref<1024x128xf32, #tpu.memory_space<vmem>>, vector<1024x128xf32>
    %select_n3A = arith.select %eq3A_0, %get3A_2, %get3A_5 : vector<1024x128xf32>
    %get3A_6 = arith.constant 0 : index
    %get3A_7 = arith.constant 0 : index
    %get3A_8 = vector.load %arg15[%get3A_6, %get3A_7] : memref<1024x128xf32, #tpu.memory_space<vmem>>, vector<1024x128xf32>
    %get3A_9 = arith.constant 0 : index
    %get3A_10 = arith.constant 0 : index
    %get3A_11 = vector.load %arg19[%get3A_9, %get3A_10] : memref<1024x128xf32, #tpu.memory_space<vmem>>, vector<1024x128xf32>
    %select_n3A_12 = arith.select %eq3A_0, %get3A_8, %get3A_11 : vector<1024x128xf32>
    %mul3A = arith.constant 8 : i32
    %mul3A_13 = arith.muli %arg0, %mul3A : i32
    %add3A = arith.constant 0 : i32
    %add3A_14 = arith.addi %add3A, %mul3A_13 : i32
    %add3A_15 = arith.constant 0 : i32
    %add3A_16 = arith.addi %add3A_14, %add3A_15 : i32
    %get3A_17 = arith.constant 0 : index
    %get3A_18 = arith.constant 0 : index
    %get3A_19 = vector.load %arg1[%get3A_17, %get3A_18] : memref<1024x1xi32, #tpu.memory_space<vmem>>, vector<1024x1xi32>
    %gt3A = vector.broadcast %add3A_16 : i32 to vector<1024x1xi32>
    %gt3A_20 = arith.cmpi sgt, %get3A_19, %gt3A : vector<1024x1xi32>
    %get3A_21 = arith.constant 0 : index
    %get3A_22 = arith.constant 0 : index
    %get3A_23 = arith.constant 0 : index
    %get3A_24 = vector.load %arg16[%get3A_21, %get3A_22, %get3A_23] : memref<8x1024x128xf32, #tpu.memory_space<vmem>>, vector<1x1024x128xf32>
    %get3A_25 = vector.shape_cast %get3A_24 : vector<1x1024x128xf32> to vector<1024x128xf32>
    %convert_element_type3A = arith.truncf %get3A_25 : vector<1024x128xf32> to vector<1024x128xbf16>
    %convert_element_type3A_26 = arith.truncf %select_n3A : vector<1024x128xf32> to vector<1024x128xbf16>
    %concatenate3A = tpu.concatenate %convert_element_type3A, %convert_element_type3A_26 in 1 : vector<1024x128xbf16>, vector<1024x128xbf16> -> vector<1024x256xbf16>
    %get3A_27 = arith.constant 0 : index
    %get3A_28 = arith.constant 0 : index
    %get3A_29 = vector.load %arg2[%get3A_27, %get3A_28] : memref<256x256xbf16, #tpu.memory_space<vmem>>, vector<256x256xbf16>
    %dot_general3A = arith.constant dense<0.000000e+00> : vector<1024x256xf32>
    %dot_general3A_30 = tpu.matmul %concatenate3A, %get3A_29, %dot_general3A {dimension_numbers = #tpu.dot_dimension_numbers<[1], [0], [0], [1], [0, 0, 1, 1], [], []>, transpose_lhs_hint = false} : vector<1024x256xbf16>, vector<256x256xbf16>, vector<1024x256xf32> -> vector<1024x256xf32>
    %get3A_31 = arith.constant 0 : index
    %get3A_32 = arith.constant 0 : index
    %get3A_33 = vector.load %arg5[%get3A_31, %get3A_32] : memref<1x256xf32, #tpu.memory_space<vmem>>, vector<1x256xf32>
    %add3A_34 = vector.broadcast %get3A_33 : vector<1x256xf32> to vector<1024x256xf32>
    %add3A_35 = arith.addf %dot_general3A_30, %add3A_34 : vector<1024x256xf32>
    %get3A_36 = arith.constant 0 : index
    %get3A_37 = arith.constant 0 : index
    %get3A_38 = vector.load %arg3[%get3A_36, %get3A_37] : memref<128x128xbf16, #tpu.memory_space<vmem>>, vector<128x128xbf16>
    %dot_general3A_39 = arith.constant dense<0.000000e+00> : vector<1024x128xf32>
    %dot_general3A_40 = tpu.matmul %convert_element_type3A, %get3A_38, %dot_general3A_39 {dimension_numbers = #tpu.dot_dimension_numbers<[1], [0], [0], [1], [0, 0, 1, 1], [], []>, transpose_lhs_hint = false} : vector<1024x128xbf16>, vector<128x128xbf16>, vector<1024x128xf32> -> vector<1024x128xf32>
    %get3A_41 = arith.constant 0 : index
    %get3A_42 = arith.constant 0 : index
    %get3A_43 = vector.load %arg6[%get3A_41, %get3A_42] : memref<1x128xf32, #tpu.memory_space<vmem>>, vector<1x128xf32>
    %add3A_44 = vector.broadcast %get3A_43 : vector<1x128xf32> to vector<1024x128xf32>
    %add3A_45 = arith.addf %dot_general3A_40, %add3A_44 : vector<1024x128xf32>
    %get3A_46 = arith.constant 0 : index
    %get3A_47 = arith.constant 0 : index
    %get3A_48 = vector.load %arg4[%get3A_46, %get3A_47] : memref<128x128xbf16, #tpu.memory_space<vmem>>, vector<128x128xbf16>
    %dot_general3A_49 = arith.constant dense<0.000000e+00> : vector<1024x128xf32>
    %dot_general3A_50 = tpu.matmul %convert_element_type3A_26, %get3A_48, %dot_general3A_49 {dimension_numbers = #tpu.dot_dimension_numbers<[1], [0], [0], [1], [0, 0, 1, 1], [], []>, transpose_lhs_hint = false} : vector<1024x128xbf16>, vector<128x128xbf16>, vector<1024x128xf32> -> vector<1024x128xf32>
    %get3A_51 = arith.constant 0 : index
    %get3A_52 = arith.constant 0 : index
    %get3A_53 = vector.load %arg7[%get3A_51, %get3A_52] : memref<1x128xf32, #tpu.memory_space<vmem>>, vector<1x128xf32>
    %add3A_54 = vector.broadcast %get3A_53 : vector<1x128xf32> to vector<1024x128xf32>
    %add3A_55 = arith.addf %dot_general3A_50, %add3A_54 : vector<1024x128xf32>
    %slice3A = vector.extract_strided_slice %add3A_35 {offsets = [0, 0], sizes = [1024, 128], strides = [1, 1]} : vector<1024x256xf32> to vector<1024x128xf32>
    %tanh3A = math.tanh %slice3A : vector<1024x128xf32>
    %slice3A_56 = vector.extract_strided_slice %add3A_35 {offsets = [0, 128], sizes = [1024, 128], strides = [1, 1]} : vector<1024x256xf32> to vector<1024x128xf32>
    %tanh3A_57 = math.tanh %slice3A_56 : vector<1024x128xf32>
    %add3A_58 = arith.constant 1.000000e+00 : f32
    %add3A_59 = vector.broadcast %add3A_58 : f32 to vector<1024x128xf32>
    %add3A_60 = arith.addf %tanh3A, %add3A_59 : vector<1024x128xf32>
    %mul3A_61 = arith.mulf %add3A_55, %add3A_60 : vector<1024x128xf32>
    %add3A_62 = arith.addf %add3A_45, %mul3A_61 : vector<1024x128xf32>
    %tanh3A_63 = math.tanh %add3A_62 : vector<1024x128xf32>
    %add3A_64 = arith.addf %select_n3A, %tanh3A_63 : vector<1024x128xf32>
    %sub3A = arith.subf %select_n3A, %tanh3A_63 : vector<1024x128xf32>
    %mul3A_65 = arith.mulf %tanh3A_57, %sub3A : vector<1024x128xf32>
    %add3A_66 = arith.addf %add3A_64, %mul3A_65 : vector<1024x128xf32>
    %mul3A_67 = arith.constant 5.000000e-01 : f32
    %mul3A_68 = vector.broadcast %mul3A_67 : f32 to vector<1024x128xf32>
    %mul3A_69 = arith.mulf %mul3A_68, %add3A_66 : vector<1024x128xf32>
    %broadcast_in_dim3A = vector.shape_cast %gt3A_20 : vector<1024x1xi1> to vector<1024x1xi1>
    %broadcast_in_dim3A_70 = vector.broadcast %broadcast_in_dim3A : vector<1024x1xi1> to vector<1024x128xi1>
    %select_n3A_71 = arith.select %broadcast_in_dim3A_70, %mul3A_69, %select_n3A : vector<1024x128xi1>, vector<1024x128xf32>
    %jit3A = arith.constant 0.000000e+00 : f32
    %broadcast_in_dim3A_72 = vector.shape_cast %gt3A_20 : vector<1024x1xi1> to vector<1024x1xi1>
    %broadcast_in_dim3A_73 = vector.broadcast %broadcast_in_dim3A_72 : vector<1024x1xi1> to vector<1024x128xi1>
    %broadcast_in_dim3A_74 = vector.broadcast %jit3A : f32 to vector<1024x128xf32>
    %select_n3A_75 = arith.select %broadcast_in_dim3A_73, %mul3A_69, %broadcast_in_dim3A_74 : vector<1024x128xi1>, vector<1024x128xf32>
    %convert_element_type3A_76 = arith.truncf %select_n3A_75 : vector<1024x128xf32> to vector<1024x128xbf16>
    %convert_element_type3A_77 = arith.truncf %select_n3A_12 : vector<1024x128xf32> to vector<1024x128xbf16>
    %concatenate3A_78 = tpu.concatenate %convert_element_type3A_76, %convert_element_type3A_77 in 1 : vector<1024x128xbf16>, vector<1024x128xbf16> -> vector<1024x256xbf16>
    %get3A_79 = arith.constant 0 : index
    %get3A_80 = arith.constant 0 : index
    %get3A_81 = vector.load %arg8[%get3A_79, %get3A_80] : memref<256x256xbf16, #tpu.memory_space<vmem>>, vector<256x256xbf16>
    %dot_general3A_82 = arith.constant dense<0.000000e+00> : vector<1024x256xf32>
    %dot_general3A_83 = tpu.matmul %concatenate3A_78, %get3A_81, %dot_general3A_82 {dimension_numbers = #tpu.dot_dimension_numbers<[1], [0], [0], [1], [0, 0, 1, 1], [], []>, transpose_lhs_hint = false} : vector<1024x256xbf16>, vector<256x256xbf16>, vector<1024x256xf32> -> vector<1024x256xf32>
    %get3A_84 = arith.constant 0 : index
    %get3A_85 = arith.constant 0 : index
    %get3A_86 = vector.load %arg11[%get3A_84, %get3A_85] : memref<1x256xf32, #tpu.memory_space<vmem>>, vector<1x256xf32>
    %add3A_87 = vector.broadcast %get3A_86 : vector<1x256xf32> to vector<1024x256xf32>
    %add3A_88 = arith.addf %dot_general3A_83, %add3A_87 : vector<1024x256xf32>
    %get3A_89 = arith.constant 0 : index
    %get3A_90 = arith.constant 0 : index
    %get3A_91 = vector.load %arg9[%get3A_89, %get3A_90] : memref<128x128xbf16, #tpu.memory_space<vmem>>, vector<128x128xbf16>
    %dot_general3A_92 = arith.constant dense<0.000000e+00> : vector<1024x128xf32>
    %dot_general3A_93 = tpu.matmul %convert_element_type3A_76, %get3A_91, %dot_general3A_92 {dimension_numbers = #tpu.dot_dimension_numbers<[1], [0], [0], [1], [0, 0, 1, 1], [], []>, transpose_lhs_hint = false} : vector<1024x128xbf16>, vector<128x128xbf16>, vector<1024x128xf32> -> vector<1024x128xf32>
    %get3A_94 = arith.constant 0 : index
    %get3A_95 = arith.constant 0 : index
    %get3A_96 = vector.load %arg12[%get3A_94, %get3A_95] : memref<1x128xf32, #tpu.memory_space<vmem>>, vector<1x128xf32>
    %add3A_97 = vector.broadcast %get3A_96 : vector<1x128xf32> to vector<1024x128xf32>
    %add3A_98 = arith.addf %dot_general3A_93, %add3A_97 : vector<1024x128xf32>
    %get3A_99 = arith.constant 0 : index
    %get3A_100 = arith.constant 0 : index
    %get3A_101 = vector.load %arg10[%get3A_99, %get3A_100] : memref<128x128xbf16, #tpu.memory_space<vmem>>, vector<128x128xbf16>
    %dot_general3A_102 = arith.constant dense<0.000000e+00> : vector<1024x128xf32>
    %dot_general3A_103 = tpu.matmul %convert_element_type3A_77, %get3A_101, %dot_general3A_102 {dimension_numbers = #tpu.dot_dimension_numbers<[1], [0], [0], [1], [0, 0, 1, 1], [], []>, transpose_lhs_hint = false} : vector<1024x128xbf16>, vector<128x128xbf16>, vector<1024x128xf32> -> vector<1024x128xf32>
    %get3A_104 = arith.constant 0 : index
    %get3A_105 = arith.constant 0 : index
    %get3A_106 = vector.load %arg13[%get3A_104, %get3A_105] : memref<1x128xf32, #tpu.memory_space<vmem>>, vector<1x128xf32>
    %add3A_107 = vector.broadcast %get3A_106 : vector<1x128xf32> to vector<1024x128xf32>
    %add3A_108 = arith.addf %dot_general3A_103, %add3A_107 : vector<1024x128xf32>
    %slice3A_109 = vector.extract_strided_slice %add3A_88 {offsets = [0, 0], sizes = [1024, 128], strides = [1, 1]} : vector<1024x256xf32> to vector<1024x128xf32>
    %tanh3A_110 = math.tanh %slice3A_109 : vector<1024x128xf32>
    %slice3A_111 = vector.extract_strided_slice %add3A_88 {offsets = [0, 128], sizes = [1024, 128], strides = [1, 1]} : vector<1024x256xf32> to vector<1024x128xf32>
    %tanh3A_112 = math.tanh %slice3A_111 : vector<1024x128xf32>
    %add3A_113 = arith.constant 1.000000e+00 : f32
    %add3A_114 = vector.broadcast %add3A_113 : f32 to vector<1024x128xf32>
    %add3A_115 = arith.addf %tanh3A_110, %add3A_114 : vector<1024x128xf32>
    %mul3A_116 = arith.mulf %add3A_108, %add3A_115 : vector<1024x128xf32>
    %add3A_117 = arith.addf %add3A_98, %mul3A_116 : vector<1024x128xf32>
    %tanh3A_118 = math.tanh %add3A_117 : vector<1024x128xf32>
    %add3A_119 = arith.addf %select_n3A_12, %tanh3A_118 : vector<1024x128xf32>
    %sub3A_120 = arith.subf %select_n3A_12, %tanh3A_118 : vector<1024x128xf32>
    %mul3A_121 = arith.mulf %tanh3A_112, %sub3A_120 : vector<1024x128xf32>
    %add3A_122 = arith.addf %add3A_119, %mul3A_121 : vector<1024x128xf32>
    %mul3A_123 = arith.constant 5.000000e-01 : f32
    %mul3A_124 = vector.broadcast %mul3A_123 : f32 to vector<1024x128xf32>
    %mul3A_125 = arith.mulf %mul3A_124, %add3A_122 : vector<1024x128xf32>
    %broadcast_in_dim3A_126 = vector.shape_cast %gt3A_20 : vector<1024x1xi1> to vector<1024x1xi1>
    %broadcast_in_dim3A_127 = vector.broadcast %broadcast_in_dim3A_126 : vector<1024x1xi1> to vector<1024x128xi1>
    %select_n3A_128 = arith.select %broadcast_in_dim3A_127, %mul3A_125, %select_n3A_12 : vector<1024x128xi1>, vector<1024x128xf32>
    %jit3A_129 = arith.constant 0.000000e+00 : f32
    %broadcast_in_dim3A_130 = vector.shape_cast %gt3A_20 : vector<1024x1xi1> to vector<1024x1xi1>
    %broadcast_in_dim3A_131 = vector.broadcast %broadcast_in_dim3A_130 : vector<1024x1xi1> to vector<1024x128xi1>
    %broadcast_in_dim3A_132 = vector.broadcast %jit3A_129 : f32 to vector<1024x128xf32>
    %select_n3A_133 = arith.select %broadcast_in_dim3A_131, %mul3A_125, %broadcast_in_dim3A_132 : vector<1024x128xi1>, vector<1024x128xf32>
    %swap3A = arith.constant 0 : index
    %swap3A_134 = arith.constant 0 : index
    %swap3A_135 = arith.constant 0 : index
    %swap3A_136 = vector.load %arg17[%swap3A, %swap3A_134, %swap3A_135] : memref<8x1024x128xf32, #tpu.memory_space<vmem>>, vector<1x1024x128xf32>
    %swap3A_137 = vector.shape_cast %swap3A_136 : vector<1x1024x128xf32> to vector<1024x128xf32>
    %swap3A_138 = vector.shape_cast %select_n3A_133 : vector<1024x128xf32> to vector<1x1024x128xf32>
    tpu.vector_store %arg17[%swap3A, %swap3A_134, %swap3A_135], %swap3A_138 {strides = array<i32>} : memref<8x1024x128xf32, #tpu.memory_space<vmem>>, vector<1x1024x128xf32>,
    %mul3A_139 = arith.constant 8 : i32
    %mul3A_140 = arith.muli %arg0, %mul3A_139 : i32
    %add3A_141 = arith.constant 0 : i32
    %add3A_142 = arith.addi %add3A_141, %mul3A_140 : i32
    %add3A_143 = arith.constant 1 : i32
    %add3A_144 = arith.addi %add3A_142, %add3A_143 : i32
    %get3A_145 = arith.constant 0 : index
    %get3A_146 = arith.constant 0 : index
    %get3A_147 = vector.load %arg1[%get3A_145, %get3A_146] : memref<1024x1xi32, #tpu.memory_space<vmem>>, vector<1024x1xi32>
    %gt3A_148 = vector.broadcast %add3A_144 : i32 to vector<1024x1xi32>
    %gt3A_149 = arith.cmpi sgt, %get3A_147, %gt3A_148 : vector<1024x1xi32>
    %get3A_150 = arith.constant 1 : index
    %get3A_151 = arith.constant 0 : index
    %get3A_152 = arith.constant 0 : index
    %get3A_153 = vector.load %arg16[%get3A_150, %get3A_151, %get3A_152] : memref<8x1024x128xf32, #tpu.memory_space<vmem>>, vector<1x1024x128xf32>
    %get3A_154 = vector.shape_cast %get3A_153 : vector<1x1024x128xf32> to vector<1024x128xf32>
    %convert_element_type3A_155 = arith.truncf %get3A_154 : vector<1024x128xf32> to vector<1024x128xbf16>
    %convert_element_type3A_156 = arith.truncf %select_n3A_71 : vector<1024x128xf32> to vector<1024x128xbf16>
    %concatenate3A_157 = tpu.concatenate %convert_element_type3A_155, %convert_element_type3A_156 in 1 : vector<1024x128xbf16>, vector<1024x128xbf16> -> vector<1024x256xbf16>
    %get3A_158 = arith.constant 0 : index
    %get3A_159 = arith.constant 0 : index
    %get3A_160 = vector.load %arg2[%get3A_158, %get3A_159] : memref<256x256xbf16, #tpu.memory_space<vmem>>, vector<256x256xbf16>
    %dot_general3A_161 = arith.constant dense<0.000000e+00> : vector<1024x256xf32>
    %dot_general3A_162 = tpu.matmul %concatenate3A_157, %get3A_160, %dot_general3A_161 {dimension_numbers = #tpu.dot_dimension_numbers<[1], [0], [0], [1], [0, 0, 1, 1], [], []>, transpose_lhs_hint = false} : vector<1024x256xbf16>, vector<256x256xbf16>, vector<1024x256xf32> -> vector<1024x256xf32>
    %get3A_163 = arith.constant 0 : index
    %get3A_164 = arith.constant 0 : index
    %get3A_165 = vector.load %arg5[%get3A_163, %get3A_164] : memref<1x256xf32, #tpu.memory_space<vmem>>, vector<1x256xf32>
    %add3A_166 = vector.broadcast %get3A_165 : vector<1x256xf32> to vector<1024x256xf32>
    %add3A_167 = arith.addf %dot_general3A_162, %add3A_166 : vector<1024x256xf32>
    %get3A_168 = arith.constant 0 : index
    %get3A_169 = arith.constant 0 : index
    %get3A_170 = vector.load %arg3[%get3A_168, %get3A_169] : memref<128x128xbf16, #tpu.memory_space<vmem>>, vector<128x128xbf16>
    %dot_general3A_171 = arith.constant dense<0.000000e+00> : vector<1024x128xf32>
    %dot_general3A_172 = tpu.matmul %convert_element_type3A_155, %get3A_170, %dot_general3A_171 {dimension_numbers = #tpu.dot_dimension_numbers<[1], [0], [0], [1], [0, 0, 1, 1], [], []>, transpose_lhs_hint = false} : vector<1024x128xbf16>, vector<128x128xbf16>, vector<1024x128xf32> -> vector<1024x128xf32>
    %get3A_173 = arith.constant 0 : index
    %get3A_174 = arith.constant 0 : index
    %get3A_175 = vector.load %arg6[%get3A_173, %get3A_174] : memref<1x128xf32, #tpu.memory_space<vmem>>, vector<1x128xf32>
    %add3A_176 = vector.broadcast %get3A_175 : vector<1x128xf32> to vector<1024x128xf32>
    %add3A_177 = arith.addf %dot_general3A_172, %add3A_176 : vector<1024x128xf32>
    %get3A_178 = arith.constant 0 : index
    %get3A_179 = arith.constant 0 : index
    %get3A_180 = vector.load %arg4[%get3A_178, %get3A_179] : memref<128x128xbf16, #tpu.memory_space<vmem>>, vector<128x128xbf16>
    %dot_general3A_181 = arith.constant dense<0.000000e+00> : vector<1024x128xf32>
    %dot_general3A_182 = tpu.matmul %convert_element_type3A_156, %get3A_180, %dot_general3A_181 {dimension_numbers = #tpu.dot_dimension_numbers<[1], [0], [0], [1], [0, 0, 1, 1], [], []>, transpose_lhs_hint = false} : vector<1024x128xbf16>, vector<128x128xbf16>, vector<1024x128xf32> -> vector<1024x128xf32>
    %get3A_183 = arith.constant 0 : index
    %get3A_184 = arith.constant 0 : index
    %get3A_185 = vector.load %arg7[%get3A_183, %get3A_184] : memref<1x128xf32, #tpu.memory_space<vmem>>, vector<1x128xf32>
    %add3A_186 = vector.broadcast %get3A_185 : vector<1x128xf32> to vector<1024x128xf32>
    %add3A_187 = arith.addf %dot_general3A_182, %add3A_186 : vector<1024x128xf32>
    %slice3A_188 = vector.extract_strided_slice %add3A_167 {offsets = [0, 0], sizes = [1024, 128], strides = [1, 1]} : vector<1024x256xf32> to vector<1024x128xf32>
    %tanh3A_189 = math.tanh %slice3A_188 : vector<1024x128xf32>
    %slice3A_190 = vector.extract_strided_slice %add3A_167 {offsets = [0, 128], sizes = [1024, 128], strides = [1, 1]} : vector<1024x256xf32> to vector<1024x128xf32>
    %tanh3A_191 = math.tanh %slice3A_190 : vector<1024x128xf32>
    %add3A_192 = arith.constant 1.000000e+00 : f32
    %add3A_193 = vector.broadcast %add3A_192 : f32 to vector<1024x128xf32>
    %add3A_194 = arith.addf %tanh3A_189, %add3A_193 : vector<1024x128xf32>
    %mul3A_195 = arith.mulf %add3A_187, %add3A_194 : vector<1024x128xf32>
    %add3A_196 = arith.addf %add3A_177, %mul3A_195 : vector<1024x128xf32>
    %tanh3A_197 = math.tanh %add3A_196 : vector<1024x128xf32>
    %add3A_198 = arith.addf %select_n3A_71, %tanh3A_197 : vector<1024x128xf32>
    %sub3A_199 = arith.subf %select_n3A_71, %tanh3A_197 : vector<1024x128xf32>
    %mul3A_200 = arith.mulf %tanh3A_191, %sub3A_199 : vector<1024x128xf32>
    %add3A_201 = arith.addf %add3A_198, %mul3A_200 : vector<1024x128xf32>
    %mul3A_202 = arith.constant 5.000000e-01 : f32
    %mul3A_203 = vector.broadcast %mul3A_202 : f32 to vector<1024x128xf32>
    %mul3A_204 = arith.mulf %mul3A_203, %add3A_201 : vector<1024x128xf32>
    %broadcast_in_dim3A_205 = vector.shape_cast %gt3A_149 : vector<1024x1xi1> to vector<1024x1xi1>
    %broadcast_in_dim3A_206 = vector.broadcast %broadcast_in_dim3A_205 : vector<1024x1xi1> to vector<1024x128xi1>
    %select_n3A_207 = arith.select %broadcast_in_dim3A_206, %mul3A_204, %select_n3A_71 : vector<1024x128xi1>, vector<1024x128xf32>
    %jit3A_208 = arith.constant 0.000000e+00 : f32
    %broadcast_in_dim3A_209 = vector.shape_cast %gt3A_149 : vector<1024x1xi1> to vector<1024x1xi1>
    %broadcast_in_dim3A_210 = vector.broadcast %broadcast_in_dim3A_209 : vector<1024x1xi1> to vector<1024x128xi1>
    %broadcast_in_dim3A_211 = vector.broadcast %jit3A_208 : f32 to vector<1024x128xf32>
    %select_n3A_212 = arith.select %broadcast_in_dim3A_210, %mul3A_204, %broadcast_in_dim3A_211 : vector<1024x128xi1>, vector<1024x128xf32>
    %convert_element_type3A_213 = arith.truncf %select_n3A_212 : vector<1024x128xf32> to vector<1024x128xbf16>
    %convert_element_type3A_214 = arith.truncf %select_n3A_128 : vector<1024x128xf32> to vector<1024x128xbf16>
    %concatenate3A_215 = tpu.concatenate %convert_element_type3A_213, %convert_element_type3A_214 in 1 : vector<1024x128xbf16>, vector<1024x128xbf16> -> vector<1024x256xbf16>
    %get3A_216 = arith.constant 0 : index
    %get3A_217 = arith.constant 0 : index
    %get3A_218 = vector.load %arg8[%get3A_216, %get3A_217] : memref<256x256xbf16, #tpu.memory_space<vmem>>, vector<256x256xbf16>
    %dot_general3A_219 = arith.constant dense<0.000000e+00> : vector<1024x256xf32>
    %dot_general3A_220 = tpu.matmul %concatenate3A_215, %get3A_218, %dot_general3A_219 {dimension_numbers = #tpu.dot_dimension_numbers<[1], [0], [0], [1], [0, 0, 1, 1], [], []>, transpose_lhs_hint = false} : vector<1024x256xbf16>, vector<256x256xbf16>, vector<1024x256xf32> -> vector<1024x256xf32>
    %get3A_221 = arith.constant 0 : index
    %get3A_222 = arith.constant 0 : index
    %get3A_223 = vector.load %arg11[%get3A_221, %get3A_222] : memref<1x256xf32, #tpu.memory_space<vmem>>, vector<1x256xf32>
    %add3A_224 = vector.broadcast %get3A_223 : vector<1x256xf32> to vector<1024x256xf32>
    %add3A_225 = arith.addf %dot_general3A_220, %add3A_224 : vector<1024x256xf32>
    %get3A_226 = arith.constant 0 : index
    %get3A_227 = arith.constant 0 : index
    %get3A_228 = vector.load %arg9[%get3A_226, %get3A_227] : memref<128x128xbf16, #tpu.memory_space<vmem>>, vector<128x128xbf16>
    %dot_general3A_229 = arith.constant dense<0.000000e+00> : vector<1024x128xf32>
    %dot_general3A_230 = tpu.matmul %convert_element_type3A_213, %get3A_228, %dot_general3A_229 {dimension_numbers = #tpu.dot_dimension_numbers<[1], [0], [0], [1], [0, 0, 1, 1], [], []>, transpose_lhs_hint = false} : vector<1024x128xbf16>, vector<128x128xbf16>, vector<1024x128xf32> -> vector<1024x128xf32>
    %get3A_231 = arith.constant 0 : index
    %get3A_232 = arith.constant 0 : index
    %get3A_233 = vector.load %arg12[%get3A_231, %get3A_232] : memref<1x128xf32, #tpu.memory_space<vmem>>, vector<1x128xf32>
    %add3A_234 = vector.broadcast %get3A_233 : vector<1x128xf32> to vector<1024x128xf32>
    %add3A_235 = arith.addf %dot_general3A_230, %add3A_234 : vector<1024x128xf32>
    %get3A_236 = arith.constant 0 : index
    %get3A_237 = arith.constant 0 : index
    %get3A_238 = vector.load %arg10[%get3A_236, %get3A_237] : memref<128x128xbf16, #tpu.memory_space<vmem>>, vector<128x128xbf16>
    %dot_general3A_239 = arith.constant dense<0.000000e+00> : vector<1024x128xf32>
    %dot_general3A_240 = tpu.matmul %convert_element_type3A_214, %get3A_238, %dot_general3A_239 {dimension_numbers = #tpu.dot_dimension_numbers<[1], [0], [0], [1], [0, 0, 1, 1], [], []>, transpose_lhs_hint = false} : vector<1024x128xbf16>, vector<128x128xbf16>, vector<1024x128xf32> -> vector<1024x128xf32>
    %get3A_241 = arith.constant 0 : index
    %get3A_242 = arith.constant 0 : index
    %get3A_243 = vector.load %arg13[%get3A_241, %get3A_242] : memref<1x128xf32, #tpu.memory_space<vmem>>, vector<1x128xf32>
    %add3A_244 = vector.broadcast %get3A_243 : vector<1x128xf32> to vector<1024x128xf32>
    %add3A_245 = arith.addf %dot_general3A_240, %add3A_244 : vector<1024x128xf32>
    %slice3A_246 = vector.extract_strided_slice %add3A_225 {offsets = [0, 0], sizes = [1024, 128], strides = [1, 1]} : vector<1024x256xf32> to vector<1024x128xf32>
    %tanh3A_247 = math.tanh %slice3A_246 : vector<1024x128xf32>
    %slice3A_248 = vector.extract_strided_slice %add3A_225 {offsets = [0, 128], sizes = [1024, 128], strides = [1, 1]} : vector<1024x256xf32> to vector<1024x128xf32>
    %tanh3A_249 = math.tanh %slice3A_248 : vector<1024x128xf32>
    %add3A_250 = arith.constant 1.000000e+00 : f32
    %add3A_251 = vector.broadcast %add3A_250 : f32 to vector<1024x128xf32>
    %add3A_252 = arith.addf %tanh3A_247, %add3A_251 : vector<1024x128xf32>
    %mul3A_253 = arith.mulf %add3A_245, %add3A_252 : vector<1024x128xf32>
    %add3A_254 = arith.addf %add3A_235, %mul3A_253 : vector<1024x128xf32>
    %tanh3A_255 = math.tanh %add3A_254 : vector<1024x128xf32>
    %add3A_256 = arith.addf %select_n3A_128, %tanh3A_255 : vector<1024x128xf32>
    %sub3A_257 = arith.subf %select_n3A_128, %tanh3A_255 : vector<1024x128xf32>
    %mul3A_258 = arith.mulf %tanh3A_249, %sub3A_257 : vector<1024x128xf32>
    %add3A_259 = arith.addf %add3A_256, %mul3A_258 : vector<1024x128xf32>
    %mul3A_260 = arith.constant 5.000000e-01 : f32
    %mul3A_261 = vector.broadcast %mul3A_260 : f32 to vector<1024x128xf32>
    %mul3A_262 = arith.mulf %mul3A_261, %add3A_259 : vector<1024x128xf32>
    %broadcast_in_dim3A_263 = vector.shape_cast %gt3A_149 : vector<1024x1xi1> to vector<1024x1xi1>
    %broadcast_in_dim3A_264 = vector.broadcast %broadcast_in_dim3A_263 : vector<1024x1xi1> to vector<1024x128xi1>
    %select_n3A_265 = arith.select %broadcast_in_dim3A_264, %mul3A_262, %select_n3A_128 : vector<1024x128xi1>, vector<1024x128xf32>
    %jit3A_266 = arith.constant 0.000000e+00 : f32
    %broadcast_in_dim3A_267 = vector.shape_cast %gt3A_149 : vector<1024x1xi1> to vector<1024x1xi1>
    %broadcast_in_dim3A_268 = vector.broadcast %broadcast_in_dim3A_267 : vector<1024x1xi1> to vector<1024x128xi1>
    %broadcast_in_dim3A_269 = vector.broadcast %jit3A_266 : f32 to vector<1024x128xf32>
    %select_n3A_270 = arith.select %broadcast_in_dim3A_268, %mul3A_262, %broadcast_in_dim3A_269 : vector<1024x128xi1>, vector<1024x128xf32>
    %swap3A_271 = arith.constant 1 : index
    %swap3A_272 = arith.constant 0 : index
    %swap3A_273 = arith.constant 0 : index
    %swap3A_274 = vector.load %arg17[%swap3A_271, %swap3A_272, %swap3A_273] : memref<8x1024x128xf32, #tpu.memory_space<vmem>>, vector<1x1024x128xf32>
    %swap3A_275 = vector.shape_cast %swap3A_274 : vector<1x1024x128xf32> to vector<1024x128xf32>
    %swap3A_276 = vector.shape_cast %select_n3A_270 : vector<1024x128xf32> to vector<1x1024x128xf32>
    tpu.vector_store %arg17[%swap3A_271, %swap3A_272, %swap3A_273], %swap3A_276 {strides = array<i32>} : memref<8x1024x128xf32, #tpu.memory_space<vmem>>, vector<1x1024x128xf32>,
    %mul3A_277 = arith.constant 8 : i32
    %mul3A_278 = arith.muli %arg0, %mul3A_277 : i32
    %add3A_279 = arith.constant 0 : i32
    %add3A_280 = arith.addi %add3A_279, %mul3A_278 : i32
    %add3A_281 = arith.constant 2 : i32
    %add3A_282 = arith.addi %add3A_280, %add3A_281 : i32
    %get3A_283 = arith.constant 0 : index
    %get3A_284 = arith.constant 0 : index
    %get3A_285 = vector.load %arg1[%get3A_283, %get3A_284] : memref<1024x1xi32, #tpu.memory_space<vmem>>, vector<1024x1xi32>
    %gt3A_286 = vector.broadcast %add3A_282 : i32 to vector<1024x1xi32>
    %gt3A_287 = arith.cmpi sgt, %get3A_285, %gt3A_286 : vector<1024x1xi32>
    %get3A_288 = arith.constant 2 : index
    %get3A_289 = arith.constant 0 : index
    %get3A_290 = arith.constant 0 : index
    %get3A_291 = vector.load %arg16[%get3A_288, %get3A_289, %get3A_290] : memref<8x1024x128xf32, #tpu.memory_space<vmem>>, vector<1x1024x128xf32>
    %get3A_292 = vector.shape_cast %get3A_291 : vector<1x1024x128xf32> to vector<1024x128xf32>
    %convert_element_type3A_293 = arith.truncf %get3A_292 : vector<1024x128xf32> to vector<1024x128xbf16>
    %convert_element_type3A_294 = arith.truncf %select_n3A_207 : vector<1024x128xf32> to vector<1024x128xbf16>
    %concatenate3A_295 = tpu.concatenate %convert_element_type3A_293, %convert_element_type3A_294 in 1 : vector<1024x128xbf16>, vector<1024x128xbf16> -> vector<1024x256xbf16>
    %get3A_296 = arith.constant 0 : index
    %get3A_297 = arith.constant 0 : index
    %get3A_298 = vector.load %arg2[%get3A_296, %get3A_297] : memref<256x256xbf16, #tpu.memory_space<vmem>>, vector<256x256xbf16>
    %dot_general3A_299 = arith.constant dense<0.000000e+00> : vector<1024x256xf32>
    %dot_general3A_300 = tpu.matmul %concatenate3A_295, %get3A_298, %dot_general3A_299 {dimension_numbers = #tpu.dot_dimension_numbers<[1], [0], [0], [1], [0, 0, 1, 1], [], []>, transpose_lhs_hint = false} : vector<1024x256xbf16>, vector<256x256xbf16>, vector<1024x256xf32> -> vector<1024x256xf32>
    %get3A_301 = arith.constant 0 : index
    %get3A_302 = arith.constant 0 : index
    %get3A_303 = vector.load %arg5[%get3A_301, %get3A_302] : memref<1x256xf32, #tpu.memory_space<vmem>>, vector<1x256xf32>
    %add3A_304 = vector.broadcast %get3A_303 : vector<1x256xf32> to vector<1024x256xf32>
    %add3A_305 = arith.addf %dot_general3A_300, %add3A_304 : vector<1024x256xf32>
    %get3A_306 = arith.constant 0 : index
    %get3A_307 = arith.constant 0 : index
    %get3A_308 = vector.load %arg3[%get3A_306, %get3A_307] : memref<128x128xbf16, #tpu.memory_space<vmem>>, vector<128x128xbf16>
    %dot_general3A_309 = arith.constant dense<0.000000e+00> : vector<1024x128xf32>
    %dot_general3A_310 = tpu.matmul %convert_element_type3A_293, %get3A_308, %dot_general3A_309 {dimension_numbers = #tpu.dot_dimension_numbers<[1], [0], [0], [1], [0, 0, 1, 1], [], []>, transpose_lhs_hint = false} : vector<1024x128xbf16>, vector<128x128xbf16>, vector<1024x128xf32> -> vector<1024x128xf32>
    %get3A_311 = arith.constant 0 : index
    %get3A_312 = arith.constant 0 : index
    %get3A_313 = vector.load %arg6[%get3A_311, %get3A_312] : memref<1x128xf32, #tpu.memory_space<vmem>>, vector<1x128xf32>
    %add3A_314 = vector.broadcast %get3A_313 : vector<1x128xf32> to vector<1024x128xf32>
    %add3A_315 = arith.addf %dot_general3A_310, %add3A_314 : vector<1024x128xf32>
    %get3A_316 = arith.constant 0 : index
    %get3A_317 = arith.constant 0 : index
    %get3A_318 = vector.load %arg4[%get3A_316, %get3A_317] : memref<128x128xbf16, #tpu.memory_space<vmem>>, vector<128x128xbf16>
    %dot_general3A_319 = arith.constant dense<0.000000e+00> : vector<1024x128xf32>
    %dot_general3A_320 = tpu.matmul %convert_element_type3A_294, %get3A_318, %dot_general3A_319 {dimension_numbers = #tpu.dot_dimension_numbers<[1], [0], [0], [1], [0, 0, 1, 1], [], []>, transpose_lhs_hint = false} : vector<1024x128xbf16>, vector<128x128xbf16>, vector<1024x128xf32> -> vector<1024x128xf32>
    %get3A_321 = arith.constant 0 : index
    %get3A_322 = arith.constant 0 : index
    %get3A_323 = vector.load %arg7[%get3A_321, %get3A_322] : memref<1x128xf32, #tpu.memory_space<vmem>>, vector<1x128xf32>
    %add3A_324 = vector.broadcast %get3A_323 : vector<1x128xf32> to vector<1024x128xf32>
    %add3A_325 = arith.addf %dot_general3A_320, %add3A_324 : vector<1024x128xf32>
    %slice3A_326 = vector.extract_strided_slice %add3A_305 {offsets = [0, 0], sizes = [1024, 128], strides = [1, 1]} : vector<1024x256xf32> to vector<1024x128xf32>
    %tanh3A_327 = math.tanh %slice3A_326 : vector<1024x128xf32>
    %slice3A_328 = vector.extract_strided_slice %add3A_305 {offsets = [0, 128], sizes = [1024, 128], strides = [1, 1]} : vector<1024x256xf32> to vector<1024x128xf32>
    %tanh3A_329 = math.tanh %slice3A_328 : vector<1024x128xf32>
    %add3A_330 = arith.constant 1.000000e+00 : f32
    %add3A_331 = vector.broadcast %add3A_330 : f32 to vector<1024x128xf32>
    %add3A_332 = arith.addf %tanh3A_327, %add3A_331 : vector<1024x128xf32>
    %mul3A_333 = arith.mulf %add3A_325, %add3A_332 : vector<1024x128xf32>
    %add3A_334 = arith.addf %add3A_315, %mul3A_333 : vector<1024x128xf32>
    %tanh3A_335 = math.tanh %add3A_334 : vector<1024x128xf32>
    %add3A_336 = arith.addf %select_n3A_207, %tanh3A_335 : vector<1024x128xf32>
    %sub3A_337 = arith.subf %select_n3A_207, %tanh3A_335 : vector<1024x128xf32>
    %mul3A_338 = arith.mulf %tanh3A_329, %sub3A_337 : vector<1024x128xf32>
    %add3A_339 = arith.addf %add3A_336, %mul3A_338 : vector<1024x128xf32>
    %mul3A_340 = arith.constant 5.000000e-01 : f32
    %mul3A_341 = vector.broadcast %mul3A_340 : f32 to vector<1024x128xf32>
    %mul3A_342 = arith.mulf %mul3A_341, %add3A_339 : vector<1024x128xf32>
    %broadcast_in_dim3A_343 = vector.shape_cast %gt3A_287 : vector<1024x1xi1> to vector<1024x1xi1>
    %broadcast_in_dim3A_344 = vector.broadcast %broadcast_in_dim3A_343 : vector<1024x1xi1> to vector<1024x128xi1>
    %select_n3A_345 = arith.select %broadcast_in_dim3A_344, %mul3A_342, %select_n3A_207 : vector<1024x128xi1>, vector<1024x128xf32>
    %jit3A_346 = arith.constant 0.000000e+00 : f32
    %broadcast_in_dim3A_347 = vector.shape_cast %gt3A_287 : vector<1024x1xi1> to vector<1024x1xi1>
    %broadcast_in_dim3A_348 = vector.broadcast %broadcast_in_dim3A_347 : vector<1024x1xi1> to vector<1024x128xi1>
    %broadcast_in_dim3A_349 = vector.broadcast %jit3A_346 : f32 to vector<1024x128xf32>
    %select_n3A_350 = arith.select %broadcast_in_dim3A_348, %mul3A_342, %broadcast_in_dim3A_349 : vector<1024x128xi1>, vector<1024x128xf32>
    %convert_element_type3A_351 = arith.truncf %select_n3A_350 : vector<1024x128xf32> to vector<1024x128xbf16>
    %convert_element_type3A_352 = arith.truncf %select_n3A_265 : vector<1024x128xf32> to vector<1024x128xbf16>
    %concatenate3A_353 = tpu.concatenate %convert_element_type3A_351, %convert_element_type3A_352 in 1 : vector<1024x128xbf16>, vector<1024x128xbf16> -> vector<1024x256xbf16>
    %get3A_354 = arith.constant 0 : index
    %get3A_355 = arith.constant 0 : index
    %get3A_356 = vector.load %arg8[%get3A_354, %get3A_355] : memref<256x256xbf16, #tpu.memory_space<vmem>>, vector<256x256xbf16>
    %dot_general3A_357 = arith.constant dense<0.000000e+00> : vector<1024x256xf32>
    %dot_general3A_358 = tpu.matmul %concatenate3A_353, %get3A_356, %dot_general3A_357 {dimension_numbers = #tpu.dot_dimension_numbers<[1], [0], [0], [1], [0, 0, 1, 1], [], []>, transpose_lhs_hint = false} : vector<1024x256xbf16>, vector<256x256xbf16>, vector<1024x256xf32> -> vector<1024x256xf32>
    %get3A_359 = arith.constant 0 : index
    %get3A_360 = arith.constant 0 : index
    %get3A_361 = vector.load %arg11[%get3A_359, %get3A_360] : memref<1x256xf32, #tpu.memory_space<vmem>>, vector<1x256xf32>
    %add3A_362 = vector.broadcast %get3A_361 : vector<1x256xf32> to vector<1024x256xf32>
    %add3A_363 = arith.addf %dot_general3A_358, %add3A_362 : vector<1024x256xf32>
    %get3A_364 = arith.constant 0 : index
    %get3A_365 = arith.constant 0 : index
    %get3A_366 = vector.load %arg9[%get3A_364, %get3A_365] : memref<128x128xbf16, #tpu.memory_space<vmem>>, vector<128x128xbf16>
    %dot_general3A_367 = arith.constant dense<0.000000e+00> : vector<1024x128xf32>
    %dot_general3A_368 = tpu.matmul %convert_element_type3A_351, %get3A_366, %dot_general3A_367 {dimension_numbers = #tpu.dot_dimension_numbers<[1], [0], [0], [1], [0, 0, 1, 1], [], []>, transpose_lhs_hint = false} : vector<1024x128xbf16>, vector<128x128xbf16>, vector<1024x128xf32> -> vector<1024x128xf32>
    %get3A_369 = arith.constant 0 : index
    %get3A_370 = arith.constant 0 : index
    %get3A_371 = vector.load %arg12[%get3A_369, %get3A_370] : memref<1x128xf32, #tpu.memory_space<vmem>>, vector<1x128xf32>
    %add3A_372 = vector.broadcast %get3A_371 : vector<1x128xf32> to vector<1024x128xf32>
    %add3A_373 = arith.addf %dot_general3A_368, %add3A_372 : vector<1024x128xf32>
    %get3A_374 = arith.constant 0 : index
    %get3A_375 = arith.constant 0 : index
    %get3A_376 = vector.load %arg10[%get3A_374, %get3A_375] : memref<128x128xbf16, #tpu.memory_space<vmem>>, vector<128x128xbf16>
    %dot_general3A_377 = arith.constant dense<0.000000e+00> : vector<1024x128xf32>
    %dot_general3A_378 = tpu.matmul %convert_element_type3A_352, %get3A_376, %dot_general3A_377 {dimension_numbers = #tpu.dot_dimension_numbers<[1], [0], [0], [1], [0, 0, 1, 1], [], []>, transpose_lhs_hint = false} : vector<1024x128xbf16>, vector<128x128xbf16>, vector<1024x128xf32> -> vector<1024x128xf32>
    %get3A_379 = arith.constant 0 : index
    %get3A_380 = arith.constant 0 : index
    %get3A_381 = vector.load %arg13[%get3A_379, %get3A_380] : memref<1x128xf32, #tpu.memory_space<vmem>>, vector<1x128xf32>
    %add3A_382 = vector.broadcast %get3A_381 : vector<1x128xf32> to vector<1024x128xf32>
    %add3A_383 = arith.addf %dot_general3A_378, %add3A_382 : vector<1024x128xf32>
    %slice3A_384 = vector.extract_strided_slice %add3A_363 {offsets = [0, 0], sizes = [1024, 128], strides = [1, 1]} : vector<1024x256xf32> to vector<1024x128xf32>
    %tanh3A_385 = math.tanh %slice3A_384 : vector<1024x128xf32>
    %slice3A_386 = vector.extract_strided_slice %add3A_363 {offsets = [0, 128], sizes = [1024, 128], strides = [1, 1]} : vector<1024x256xf32> to vector<1024x128xf32>
    %tanh3A_387 = math.tanh %slice3A_386 : vector<1024x128xf32>
    %add3A_388 = arith.constant 1.000000e+00 : f32
    %add3A_389 = vector.broadcast %add3A_388 : f32 to vector<1024x128xf32>
    %add3A_390 = arith.addf %tanh3A_385, %add3A_389 : vector<1024x128xf32>
    %mul3A_391 = arith.mulf %add3A_383, %add3A_390 : vector<1024x128xf32>
    %add3A_392 = arith.addf %add3A_373, %mul3A_391 : vector<1024x128xf32>
    %tanh3A_393 = math.tanh %add3A_392 : vector<1024x128xf32>
    %add3A_394 = arith.addf %select_n3A_265, %tanh3A_393 : vector<1024x128xf32>
    %sub3A_395 = arith.subf %select_n3A_265, %tanh3A_393 : vector<1024x128xf32>
    %mul3A_396 = arith.mulf %tanh3A_387, %sub3A_395 : vector<1024x128xf32>
    %add3A_397 = arith.addf %add3A_394, %mul3A_396 : vector<1024x128xf32>
    %mul3A_398 = arith.constant 5.000000e-01 : f32
    %mul3A_399 = vector.broadcast %mul3A_398 : f32 to vector<1024x128xf32>
    %mul3A_400 = arith.mulf %mul3A_399, %add3A_397 : vector<1024x128xf32>
    %broadcast_in_dim3A_401 = vector.shape_cast %gt3A_287 : vector<1024x1xi1> to vector<1024x1xi1>
    %broadcast_in_dim3A_402 = vector.broadcast %broadcast_in_dim3A_401 : vector<1024x1xi1> to vector<1024x128xi1>
    %select_n3A_403 = arith.select %broadcast_in_dim3A_402, %mul3A_400, %select_n3A_265 : vector<1024x128xi1>, vector<1024x128xf32>
    %jit3A_404 = arith.constant 0.000000e+00 : f32
    %broadcast_in_dim3A_405 = vector.shape_cast %gt3A_287 : vector<1024x1xi1> to vector<1024x1xi1>
    %broadcast_in_dim3A_406 = vector.broadcast %broadcast_in_dim3A_405 : vector<1024x1xi1> to vector<1024x128xi1>
    %broadcast_in_dim3A_407 = vector.broadcast %jit3A_404 : f32 to vector<1024x128xf32>
    %select_n3A_408 = arith.select %broadcast_in_dim3A_406, %mul3A_400, %broadcast_in_dim3A_407 : vector<1024x128xi1>, vector<1024x128xf32>
    %swap3A_409 = arith.constant 2 : index
    %swap3A_410 = arith.constant 0 : index
    %swap3A_411 = arith.constant 0 : index
    %swap3A_412 = vector.load %arg17[%swap3A_409, %swap3A_410, %swap3A_411] : memref<8x1024x128xf32, #tpu.memory_space<vmem>>, vector<1x1024x128xf32>
    %swap3A_413 = vector.shape_cast %swap3A_412 : vector<1x1024x128xf32> to vector<1024x128xf32>
    %swap3A_414 = vector.shape_cast %select_n3A_408 : vector<1024x128xf32> to vector<1x1024x128xf32>
    tpu.vector_store %arg17[%swap3A_409, %swap3A_410, %swap3A_411], %swap3A_414 {strides = array<i32>} : memref<8x1024x128xf32, #tpu.memory_space<vmem>>, vector<1x1024x128xf32>,
    %mul3A_415 = arith.constant 8 : i32
    %mul3A_416 = arith.muli %arg0, %mul3A_415 : i32
    %add3A_417 = arith.constant 0 : i32
    %add3A_418 = arith.addi %add3A_417, %mul3A_416 : i32
    %add3A_419 = arith.constant 3 : i32
    %add3A_420 = arith.addi %add3A_418, %add3A_419 : i32
    %get3A_421 = arith.constant 0 : index
    %get3A_422 = arith.constant 0 : index
    %get3A_423 = vector.load %arg1[%get3A_421, %get3A_422] : memref<1024x1xi32, #tpu.memory_space<vmem>>, vector<1024x1xi32>
    %gt3A_424 = vector.broadcast %add3A_420 : i32 to vector<1024x1xi32>
    %gt3A_425 = arith.cmpi sgt, %get3A_423, %gt3A_424 : vector<1024x1xi32>
    %get3A_426 = arith.constant 3 : index
    %get3A_427 = arith.constant 0 : index
    %get3A_428 = arith.constant 0 : index
    %get3A_429 = vector.load %arg16[%get3A_426, %get3A_427, %get3A_428] : memref<8x1024x128xf32, #tpu.memory_space<vmem>>, vector<1x1024x128xf32>
    %get3A_430 = vector.shape_cast %get3A_429 : vector<1x1024x128xf32> to vector<1024x128xf32>
    %convert_element_type3A_431 = arith.truncf %get3A_430 : vector<1024x128xf32> to vector<1024x128xbf16>
    %convert_element_type3A_432 = arith.truncf %select_n3A_345 : vector<1024x128xf32> to vector<1024x128xbf16>
    %concatenate3A_433 = tpu.concatenate %convert_element_type3A_431, %convert_element_type3A_432 in 1 : vector<1024x128xbf16>, vector<1024x128xbf16> -> vector<1024x256xbf16>
    %get3A_434 = arith.constant 0 : index
    %get3A_435 = arith.constant 0 : index
    %get3A_436 = vector.load %arg2[%get3A_434, %get3A_435] : memref<256x256xbf16, #tpu.memory_space<vmem>>, vector<256x256xbf16>
    %dot_general3A_437 = arith.constant dense<0.000000e+00> : vector<1024x256xf32>
    %dot_general3A_438 = tpu.matmul %concatenate3A_433, %get3A_436, %dot_general3A_437 {dimension_numbers = #tpu.dot_dimension_numbers<[1], [0], [0], [1], [0, 0, 1, 1], [], []>, transpose_lhs_hint = false} : vector<1024x256xbf16>, vector<256x256xbf16>, vector<1024x256xf32> -> vector<1024x256xf32>
    %get3A_439 = arith.constant 0 : index
    %get3A_440 = arith.constant 0 : index
    %get3A_441 = vector.load %arg5[%get3A_439, %get3A_440] : memref<1x256xf32, #tpu.memory_space<vmem>>, vector<1x256xf32>
    %add3A_442 = vector.broadcast %get3A_441 : vector<1x256xf32> to vector<1024x256xf32>
    %add3A_443 = arith.addf %dot_general3A_438, %add3A_442 : vector<1024x256xf32>
    %get3A_444 = arith.constant 0 : index
    %get3A_445 = arith.constant 0 : index
    %get3A_446 = vector.load %arg3[%get3A_444, %get3A_445] : memref<128x128xbf16, #tpu.memory_space<vmem>>, vector<128x128xbf16>
    %dot_general3A_447 = arith.constant dense<0.000000e+00> : vector<1024x128xf32>
    %dot_general3A_448 = tpu.matmul %convert_element_type3A_431, %get3A_446, %dot_general3A_447 {dimension_numbers = #tpu.dot_dimension_numbers<[1], [0], [0], [1], [0, 0, 1, 1], [], []>, transpose_lhs_hint = false} : vector<1024x128xbf16>, vector<128x128xbf16>, vector<1024x128xf32> -> vector<1024x128xf32>
    %get3A_449 = arith.constant 0 : index
    %get3A_450 = arith.constant 0 : index
    %get3A_451 = vector.load %arg6[%get3A_449, %get3A_450] : memref<1x128xf32, #tpu.memory_space<vmem>>, vector<1x128xf32>
    %add3A_452 = vector.broadcast %get3A_451 : vector<1x128xf32> to vector<1024x128xf32>
    %add3A_453 = arith.addf %dot_general3A_448, %add3A_452 : vector<1024x128xf32>
    %get3A_454 = arith.constant 0 : index
    %get3A_455 = arith.constant 0 : index
    %get3A_456 = vector.load %arg4[%get3A_454, %get3A_455] : memref<128x128xbf16, #tpu.memory_space<vmem>>, vector<128x128xbf16>
    %dot_general3A_457 = arith.constant dense<0.000000e+00> : vector<1024x128xf32>
    %dot_general3A_458 = tpu.matmul %convert_element_type3A_432, %get3A_456, %dot_general3A_457 {dimension_numbers = #tpu.dot_dimension_numbers<[1], [0], [0], [1], [0, 0, 1, 1], [], []>, transpose_lhs_hint = false} : vector<1024x128xbf16>, vector<128x128xbf16>, vector<1024x128xf32> -> vector<1024x128xf32>
    %get3A_459 = arith.constant 0 : index
    %get3A_460 = arith.constant 0 : index
    %get3A_461 = vector.load %arg7[%get3A_459, %get3A_460] : memref<1x128xf32, #tpu.memory_space<vmem>>, vector<1x128xf32>
    %add3A_462 = vector.broadcast %get3A_461 : vector<1x128xf32> to vector<1024x128xf32>
    %add3A_463 = arith.addf %dot_general3A_458, %add3A_462 : vector<1024x128xf32>
    %slice3A_464 = vector.extract_strided_slice %add3A_443 {offsets = [0, 0], sizes = [1024, 128], strides = [1, 1]} : vector<1024x256xf32> to vector<1024x128xf32>
    %tanh3A_465 = math.tanh %slice3A_464 : vector<1024x128xf32>
    %slice3A_466 = vector.extract_strided_slice %add3A_443 {offsets = [0, 128], sizes = [1024, 128], strides = [1, 1]} : vector<1024x256xf32> to vector<1024x128xf32>
    %tanh3A_467 = math.tanh %slice3A_466 : vector<1024x128xf32>
    %add3A_468 = arith.constant 1.000000e+00 : f32
    %add3A_469 = vector.broadcast %add3A_468 : f32 to vector<1024x128xf32>
    %add3A_470 = arith.addf %tanh3A_465, %add3A_469 : vector<1024x128xf32>
    %mul3A_471 = arith.mulf %add3A_463, %add3A_470 : vector<1024x128xf32>
    %add3A_472 = arith.addf %add3A_453, %mul3A_471 : vector<1024x128xf32>
    %tanh3A_473 = math.tanh %add3A_472 : vector<1024x128xf32>
    %add3A_474 = arith.addf %select_n3A_345, %tanh3A_473 : vector<1024x128xf32>
    %sub3A_475 = arith.subf %select_n3A_345, %tanh3A_473 : vector<1024x128xf32>
    %mul3A_476 = arith.mulf %tanh3A_467, %sub3A_475 : vector<1024x128xf32>
    %add3A_477 = arith.addf %add3A_474, %mul3A_476 : vector<1024x128xf32>
    %mul3A_478 = arith.constant 5.000000e-01 : f32
    %mul3A_479 = vector.broadcast %mul3A_478 : f32 to vector<1024x128xf32>
    %mul3A_480 = arith.mulf %mul3A_479, %add3A_477 : vector<1024x128xf32>
    %broadcast_in_dim3A_481 = vector.shape_cast %gt3A_425 : vector<1024x1xi1> to vector<1024x1xi1>
    %broadcast_in_dim3A_482 = vector.broadcast %broadcast_in_dim3A_481 : vector<1024x1xi1> to vector<1024x128xi1>
    %select_n3A_483 = arith.select %broadcast_in_dim3A_482, %mul3A_480, %select_n3A_345 : vector<1024x128xi1>, vector<1024x128xf32>
    %jit3A_484 = arith.constant 0.000000e+00 : f32
    %broadcast_in_dim3A_485 = vector.shape_cast %gt3A_425 : vector<1024x1xi1> to vector<1024x1xi1>
    %broadcast_in_dim3A_486 = vector.broadcast %broadcast_in_dim3A_485 : vector<1024x1xi1> to vector<1024x128xi1>
    %broadcast_in_dim3A_487 = vector.broadcast %jit3A_484 : f32 to vector<1024x128xf32>
    %select_n3A_488 = arith.select %broadcast_in_dim3A_486, %mul3A_480, %broadcast_in_dim3A_487 : vector<1024x128xi1>, vector<1024x128xf32>
    %convert_element_type3A_489 = arith.truncf %select_n3A_488 : vector<1024x128xf32> to vector<1024x128xbf16>
    %convert_element_type3A_490 = arith.truncf %select_n3A_403 : vector<1024x128xf32> to vector<1024x128xbf16>
    %concatenate3A_491 = tpu.concatenate %convert_element_type3A_489, %convert_element_type3A_490 in 1 : vector<1024x128xbf16>, vector<1024x128xbf16> -> vector<1024x256xbf16>
    %get3A_492 = arith.constant 0 : index
    %get3A_493 = arith.constant 0 : index
    %get3A_494 = vector.load %arg8[%get3A_492, %get3A_493] : memref<256x256xbf16, #tpu.memory_space<vmem>>, vector<256x256xbf16>
    %dot_general3A_495 = arith.constant dense<0.000000e+00> : vector<1024x256xf32>
    %dot_general3A_496 = tpu.matmul %concatenate3A_491, %get3A_494, %dot_general3A_495 {dimension_numbers = #tpu.dot_dimension_numbers<[1], [0], [0], [1], [0, 0, 1, 1], [], []>, transpose_lhs_hint = false} : vector<1024x256xbf16>, vector<256x256xbf16>, vector<1024x256xf32> -> vector<1024x256xf32>
    %get3A_497 = arith.constant 0 : index
    %get3A_498 = arith.constant 0 : index
    %get3A_499 = vector.load %arg11[%get3A_497, %get3A_498] : memref<1x256xf32, #tpu.memory_space<vmem>>, vector<1x256xf32>
    %add3A_500 = vector.broadcast %get3A_499 : vector<1x256xf32> to vector<1024x256xf32>
    %add3A_501 = arith.addf %dot_general3A_496, %add3A_500 : vector<1024x256xf32>
    %get3A_502 = arith.constant 0 : index
    %get3A_503 = arith.constant 0 : index
    %get3A_504 = vector.load %arg9[%get3A_502, %get3A_503] : memref<128x128xbf16, #tpu.memory_space<vmem>>, vector<128x128xbf16>
    %dot_general3A_505 = arith.constant dense<0.000000e+00> : vector<1024x128xf32>
    %dot_general3A_506 = tpu.matmul %convert_element_type3A_489, %get3A_504, %dot_general3A_505 {dimension_numbers = #tpu.dot_dimension_numbers<[1], [0], [0], [1], [0, 0, 1, 1], [], []>, transpose_lhs_hint = false} : vector<1024x128xbf16>, vector<128x128xbf16>, vector<1024x128xf32> -> vector<1024x128xf32>
    %get3A_507 = arith.constant 0 : index
    %get3A_508 = arith.constant 0 : index
    %get3A_509 = vector.load %arg12[%get3A_507, %get3A_508] : memref<1x128xf32, #tpu.memory_space<vmem>>, vector<1x128xf32>
    %add3A_510 = vector.broadcast %get3A_509 : vector<1x128xf32> to vector<1024x128xf32>
    %add3A_511 = arith.addf %dot_general3A_506, %add3A_510 : vector<1024x128xf32>
    %get3A_512 = arith.constant 0 : index
    %get3A_513 = arith.constant 0 : index
    %get3A_514 = vector.load %arg10[%get3A_512, %get3A_513] : memref<128x128xbf16, #tpu.memory_space<vmem>>, vector<128x128xbf16>
    %dot_general3A_515 = arith.constant dense<0.000000e+00> : vector<1024x128xf32>
    %dot_general3A_516 = tpu.matmul %convert_element_type3A_490, %get3A_514, %dot_general3A_515 {dimension_numbers = #tpu.dot_dimension_numbers<[1], [0], [0], [1], [0, 0, 1, 1], [], []>, transpose_lhs_hint = false} : vector<1024x128xbf16>, vector<128x128xbf16>, vector<1024x128xf32> -> vector<1024x128xf32>
    %get3A_517 = arith.constant 0 : index
    %get3A_518 = arith.constant 0 : index
    %get3A_519 = vector.load %arg13[%get3A_517, %get3A_518] : memref<1x128xf32, #tpu.memory_space<vmem>>, vector<1x128xf32>
    %add3A_520 = vector.broadcast %get3A_519 : vector<1x128xf32> to vector<1024x128xf32>
    %add3A_521 = arith.addf %dot_general3A_516, %add3A_520 : vector<1024x128xf32>
    %slice3A_522 = vector.extract_strided_slice %add3A_501 {offsets = [0, 0], sizes = [1024, 128], strides = [1, 1]} : vector<1024x256xf32> to vector<1024x128xf32>
    %tanh3A_523 = math.tanh %slice3A_522 : vector<1024x128xf32>
    %slice3A_524 = vector.extract_strided_slice %add3A_501 {offsets = [0, 128], sizes = [1024, 128], strides = [1, 1]} : vector<1024x256xf32> to vector<1024x128xf32>
    %tanh3A_525 = math.tanh %slice3A_524 : vector<1024x128xf32>
    %add3A_526 = arith.constant 1.000000e+00 : f32
    %add3A_527 = vector.broadcast %add3A_526 : f32 to vector<1024x128xf32>
    %add3A_528 = arith.addf %tanh3A_523, %add3A_527 : vector<1024x128xf32>
    %mul3A_529 = arith.mulf %add3A_521, %add3A_528 : vector<1024x128xf32>
    %add3A_530 = arith.addf %add3A_511, %mul3A_529 : vector<1024x128xf32>
    %tanh3A_531 = math.tanh %add3A_530 : vector<1024x128xf32>
    %add3A_532 = arith.addf %select_n3A_403, %tanh3A_531 : vector<1024x128xf32>
    %sub3A_533 = arith.subf %select_n3A_403, %tanh3A_531 : vector<1024x128xf32>
    %mul3A_534 = arith.mulf %tanh3A_525, %sub3A_533 : vector<1024x128xf32>
    %add3A_535 = arith.addf %add3A_532, %mul3A_534 : vector<1024x128xf32>
    %mul3A_536 = arith.constant 5.000000e-01 : f32
    %mul3A_537 = vector.broadcast %mul3A_536 : f32 to vector<1024x128xf32>
    %mul3A_538 = arith.mulf %mul3A_537, %add3A_535 : vector<1024x128xf32>
    %broadcast_in_dim3A_539 = vector.shape_cast %gt3A_425 : vector<1024x1xi1> to vector<1024x1xi1>
    %broadcast_in_dim3A_540 = vector.broadcast %broadcast_in_dim3A_539 : vector<1024x1xi1> to vector<1024x128xi1>
    %select_n3A_541 = arith.select %broadcast_in_dim3A_540, %mul3A_538, %select_n3A_403 : vector<1024x128xi1>, vector<1024x128xf32>
    %jit3A_542 = arith.constant 0.000000e+00 : f32
    %broadcast_in_dim3A_543 = vector.shape_cast %gt3A_425 : vector<1024x1xi1> to vector<1024x1xi1>
    %broadcast_in_dim3A_544 = vector.broadcast %broadcast_in_dim3A_543 : vector<1024x1xi1> to vector<1024x128xi1>
    %broadcast_in_dim3A_545 = vector.broadcast %jit3A_542 : f32 to vector<1024x128xf32>
    %select_n3A_546 = arith.select %broadcast_in_dim3A_544, %mul3A_538, %broadcast_in_dim3A_545 : vector<1024x128xi1>, vector<1024x128xf32>
    %swap3A_547 = arith.constant 3 : index
    %swap3A_548 = arith.constant 0 : index
    %swap3A_549 = arith.constant 0 : index
    %swap3A_550 = vector.load %arg17[%swap3A_547, %swap3A_548, %swap3A_549] : memref<8x1024x128xf32, #tpu.memory_space<vmem>>, vector<1x1024x128xf32>
    %swap3A_551 = vector.shape_cast %swap3A_550 : vector<1x1024x128xf32> to vector<1024x128xf32>
    %swap3A_552 = vector.shape_cast %select_n3A_546 : vector<1024x128xf32> to vector<1x1024x128xf32>
    tpu.vector_store %arg17[%swap3A_547, %swap3A_548, %swap3A_549], %swap3A_552 {strides = array<i32>} : memref<8x1024x128xf32, #tpu.memory_space<vmem>>, vector<1x1024x128xf32>,
    %mul3A_553 = arith.constant 8 : i32
    %mul3A_554 = arith.muli %arg0, %mul3A_553 : i32
    %add3A_555 = arith.constant 0 : i32
    %add3A_556 = arith.addi %add3A_555, %mul3A_554 : i32
    %add3A_557 = arith.constant 4 : i32
    %add3A_558 = arith.addi %add3A_556, %add3A_557 : i32
    %get3A_559 = arith.constant 0 : index
    %get3A_560 = arith.constant 0 : index
    %get3A_561 = vector.load %arg1[%get3A_559, %get3A_560] : memref<1024x1xi32, #tpu.memory_space<vmem>>, vector<1024x1xi32>
    %gt3A_562 = vector.broadcast %add3A_558 : i32 to vector<1024x1xi32>
    %gt3A_563 = arith.cmpi sgt, %get3A_561, %gt3A_562 : vector<1024x1xi32>
    %get3A_564 = arith.constant 4 : index
    %get3A_565 = arith.constant 0 : index
    %get3A_566 = arith.constant 0 : index
    %get3A_567 = vector.load %arg16[%get3A_564, %get3A_565, %get3A_566] : memref<8x1024x128xf32, #tpu.memory_space<vmem>>, vector<1x1024x128xf32>
    %get3A_568 = vector.shape_cast %get3A_567 : vector<1x1024x128xf32> to vector<1024x128xf32>
    %convert_element_type3A_569 = arith.truncf %get3A_568 : vector<1024x128xf32> to vector<1024x128xbf16>
    %convert_element_type3A_570 = arith.truncf %select_n3A_483 : vector<1024x128xf32> to vector<1024x128xbf16>
    %concatenate3A_571 = tpu.concatenate %convert_element_type3A_569, %convert_element_type3A_570 in 1 : vector<1024x128xbf16>, vector<1024x128xbf16> -> vector<1024x256xbf16>
    %get3A_572 = arith.constant 0 : index
    %get3A_573 = arith.constant 0 : index
    %get3A_574 = vector.load %arg2[%get3A_572, %get3A_573] : memref<256x256xbf16, #tpu.memory_space<vmem>>, vector<256x256xbf16>
    %dot_general3A_575 = arith.constant dense<0.000000e+00> : vector<1024x256xf32>
    %dot_general3A_576 = tpu.matmul %concatenate3A_571, %get3A_574, %dot_general3A_575 {dimension_numbers = #tpu.dot_dimension_numbers<[1], [0], [0], [1], [0, 0, 1, 1], [], []>, transpose_lhs_hint = false} : vector<1024x256xbf16>, vector<256x256xbf16>, vector<1024x256xf32> -> vector<1024x256xf32>
    %get3A_577 = arith.constant 0 : index
    %get3A_578 = arith.constant 0 : index
    %get3A_579 = vector.load %arg5[%get3A_577, %get3A_578] : memref<1x256xf32, #tpu.memory_space<vmem>>, vector<1x256xf32>
    %add3A_580 = vector.broadcast %get3A_579 : vector<1x256xf32> to vector<1024x256xf32>
    %add3A_581 = arith.addf %dot_general3A_576, %add3A_580 : vector<1024x256xf32>
    %get3A_582 = arith.constant 0 : index
    %get3A_583 = arith.constant 0 : index
    %get3A_584 = vector.load %arg3[%get3A_582, %get3A_583] : memref<128x128xbf16, #tpu.memory_space<vmem>>, vector<128x128xbf16>
    %dot_general3A_585 = arith.constant dense<0.000000e+00> : vector<1024x128xf32>
    %dot_general3A_586 = tpu.matmul %convert_element_type3A_569, %get3A_584, %dot_general3A_585 {dimension_numbers = #tpu.dot_dimension_numbers<[1], [0], [0], [1], [0, 0, 1, 1], [], []>, transpose_lhs_hint = false} : vector<1024x128xbf16>, vector<128x128xbf16>, vector<1024x128xf32> -> vector<1024x128xf32>
    %get3A_587 = arith.constant 0 : index
    %get3A_588 = arith.constant 0 : index
    %get3A_589 = vector.load %arg6[%get3A_587, %get3A_588] : memref<1x128xf32, #tpu.memory_space<vmem>>, vector<1x128xf32>
    %add3A_590 = vector.broadcast %get3A_589 : vector<1x128xf32> to vector<1024x128xf32>
    %add3A_591 = arith.addf %dot_general3A_586, %add3A_590 : vector<1024x128xf32>
    %get3A_592 = arith.constant 0 : index
    %get3A_593 = arith.constant 0 : index
    %get3A_594 = vector.load %arg4[%get3A_592, %get3A_593] : memref<128x128xbf16, #tpu.memory_space<vmem>>, vector<128x128xbf16>
    %dot_general3A_595 = arith.constant dense<0.000000e+00> : vector<1024x128xf32>
    %dot_general3A_596 = tpu.matmul %convert_element_type3A_570, %get3A_594, %dot_general3A_595 {dimension_numbers = #tpu.dot_dimension_numbers<[1], [0], [0], [1], [0, 0, 1, 1], [], []>, transpose_lhs_hint = false} : vector<1024x128xbf16>, vector<128x128xbf16>, vector<1024x128xf32> -> vector<1024x128xf32>
    %get3A_597 = arith.constant 0 : index
    %get3A_598 = arith.constant 0 : index
    %get3A_599 = vector.load %arg7[%get3A_597, %get3A_598] : memref<1x128xf32, #tpu.memory_space<vmem>>, vector<1x128xf32>
    %add3A_600 = vector.broadcast %get3A_599 : vector<1x128xf32> to vector<1024x128xf32>
    %add3A_601 = arith.addf %dot_general3A_596, %add3A_600 : vector<1024x128xf32>
    %slice3A_602 = vector.extract_strided_slice %add3A_581 {offsets = [0, 0], sizes = [1024, 128], strides = [1, 1]} : vector<1024x256xf32> to vector<1024x128xf32>
    %tanh3A_603 = math.tanh %slice3A_602 : vector<1024x128xf32>
    %slice3A_604 = vector.extract_strided_slice %add3A_581 {offsets = [0, 128], sizes = [1024, 128], strides = [1, 1]} : vector<1024x256xf32> to vector<1024x128xf32>
    %tanh3A_605 = math.tanh %slice3A_604 : vector<1024x128xf32>
    %add3A_606 = arith.constant 1.000000e+00 : f32
    %add3A_607 = vector.broadcast %add3A_606 : f32 to vector<1024x128xf32>
    %add3A_608 = arith.addf %tanh3A_603, %add3A_607 : vector<1024x128xf32>
    %mul3A_609 = arith.mulf %add3A_601, %add3A_608 : vector<1024x128xf32>
    %add3A_610 = arith.addf %add3A_591, %mul3A_609 : vector<1024x128xf32>
    %tanh3A_611 = math.tanh %add3A_610 : vector<1024x128xf32>
    %add3A_612 = arith.addf %select_n3A_483, %tanh3A_611 : vector<1024x128xf32>
    %sub3A_613 = arith.subf %select_n3A_483, %tanh3A_611 : vector<1024x128xf32>
    %mul3A_614 = arith.mulf %tanh3A_605, %sub3A_613 : vector<1024x128xf32>
    %add3A_615 = arith.addf %add3A_612, %mul3A_614 : vector<1024x128xf32>
    %mul3A_616 = arith.constant 5.000000e-01 : f32
    %mul3A_617 = vector.broadcast %mul3A_616 : f32 to vector<1024x128xf32>
    %mul3A_618 = arith.mulf %mul3A_617, %add3A_615 : vector<1024x128xf32>
    %broadcast_in_dim3A_619 = vector.shape_cast %gt3A_563 : vector<1024x1xi1> to vector<1024x1xi1>
    %broadcast_in_dim3A_620 = vector.broadcast %broadcast_in_dim3A_619 : vector<1024x1xi1> to vector<1024x128xi1>
    %select_n3A_621 = arith.select %broadcast_in_dim3A_620, %mul3A_618, %select_n3A_483 : vector<1024x128xi1>, vector<1024x128xf32>
    %jit3A_622 = arith.constant 0.000000e+00 : f32
    %broadcast_in_dim3A_623 = vector.shape_cast %gt3A_563 : vector<1024x1xi1> to vector<1024x1xi1>
    %broadcast_in_dim3A_624 = vector.broadcast %broadcast_in_dim3A_623 : vector<1024x1xi1> to vector<1024x128xi1>
    %broadcast_in_dim3A_625 = vector.broadcast %jit3A_622 : f32 to vector<1024x128xf32>
    %select_n3A_626 = arith.select %broadcast_in_dim3A_624, %mul3A_618, %broadcast_in_dim3A_625 : vector<1024x128xi1>, vector<1024x128xf32>
    %convert_element_type3A_627 = arith.truncf %select_n3A_626 : vector<1024x128xf32> to vector<1024x128xbf16>
    %convert_element_type3A_628 = arith.truncf %select_n3A_541 : vector<1024x128xf32> to vector<1024x128xbf16>
    %concatenate3A_629 = tpu.concatenate %convert_element_type3A_627, %convert_element_type3A_628 in 1 : vector<1024x128xbf16>, vector<1024x128xbf16> -> vector<1024x256xbf16>
    %get3A_630 = arith.constant 0 : index
    %get3A_631 = arith.constant 0 : index
    %get3A_632 = vector.load %arg8[%get3A_630, %get3A_631] : memref<256x256xbf16, #tpu.memory_space<vmem>>, vector<256x256xbf16>
    %dot_general3A_633 = arith.constant dense<0.000000e+00> : vector<1024x256xf32>
    %dot_general3A_634 = tpu.matmul %concatenate3A_629, %get3A_632, %dot_general3A_633 {dimension_numbers = #tpu.dot_dimension_numbers<[1], [0], [0], [1], [0, 0, 1, 1], [], []>, transpose_lhs_hint = false} : vector<1024x256xbf16>, vector<256x256xbf16>, vector<1024x256xf32> -> vector<1024x256xf32>
    %get3A_635 = arith.constant 0 : index
    %get3A_636 = arith.constant 0 : index
    %get3A_637 = vector.load %arg11[%get3A_635, %get3A_636] : memref<1x256xf32, #tpu.memory_space<vmem>>, vector<1x256xf32>
    %add3A_638 = vector.broadcast %get3A_637 : vector<1x256xf32> to vector<1024x256xf32>
    %add3A_639 = arith.addf %dot_general3A_634, %add3A_638 : vector<1024x256xf32>
    %get3A_640 = arith.constant 0 : index
    %get3A_641 = arith.constant 0 : index
    %get3A_642 = vector.load %arg9[%get3A_640, %get3A_641] : memref<128x128xbf16, #tpu.memory_space<vmem>>, vector<128x128xbf16>
    %dot_general3A_643 = arith.constant dense<0.000000e+00> : vector<1024x128xf32>
    %dot_general3A_644 = tpu.matmul %convert_element_type3A_627, %get3A_642, %dot_general3A_643 {dimension_numbers = #tpu.dot_dimension_numbers<[1], [0], [0], [1], [0, 0, 1, 1], [], []>, transpose_lhs_hint = false} : vector<1024x128xbf16>, vector<128x128xbf16>, vector<1024x128xf32> -> vector<1024x128xf32>
    %get3A_645 = arith.constant 0 : index
    %get3A_646 = arith.constant 0 : index
    %get3A_647 = vector.load %arg12[%get3A_645, %get3A_646] : memref<1x128xf32, #tpu.memory_space<vmem>>, vector<1x128xf32>
    %add3A_648 = vector.broadcast %get3A_647 : vector<1x128xf32> to vector<1024x128xf32>
    %add3A_649 = arith.addf %dot_general3A_644, %add3A_648 : vector<1024x128xf32>
    %get3A_650 = arith.constant 0 : index
    %get3A_651 = arith.constant 0 : index
    %get3A_652 = vector.load %arg10[%get3A_650, %get3A_651] : memref<128x128xbf16, #tpu.memory_space<vmem>>, vector<128x128xbf16>
    %dot_general3A_653 = arith.constant dense<0.000000e+00> : vector<1024x128xf32>
    %dot_general3A_654 = tpu.matmul %convert_element_type3A_628, %get3A_652, %dot_general3A_653 {dimension_numbers = #tpu.dot_dimension_numbers<[1], [0], [0], [1], [0, 0, 1, 1], [], []>, transpose_lhs_hint = false} : vector<1024x128xbf16>, vector<128x128xbf16>, vector<1024x128xf32> -> vector<1024x128xf32>
    %get3A_655 = arith.constant 0 : index
    %get3A_656 = arith.constant 0 : index
    %get3A_657 = vector.load %arg13[%get3A_655, %get3A_656] : memref<1x128xf32, #tpu.memory_space<vmem>>, vector<1x128xf32>
    %add3A_658 = vector.broadcast %get3A_657 : vector<1x128xf32> to vector<1024x128xf32>
    %add3A_659 = arith.addf %dot_general3A_654, %add3A_658 : vector<1024x128xf32>
    %slice3A_660 = vector.extract_strided_slice %add3A_639 {offsets = [0, 0], sizes = [1024, 128], strides = [1, 1]} : vector<1024x256xf32> to vector<1024x128xf32>
    %tanh3A_661 = math.tanh %slice3A_660 : vector<1024x128xf32>
    %slice3A_662 = vector.extract_strided_slice %add3A_639 {offsets = [0, 128], sizes = [1024, 128], strides = [1, 1]} : vector<1024x256xf32> to vector<1024x128xf32>
    %tanh3A_663 = math.tanh %slice3A_662 : vector<1024x128xf32>
    %add3A_664 = arith.constant 1.000000e+00 : f32
    %add3A_665 = vector.broadcast %add3A_664 : f32 to vector<1024x128xf32>
    %add3A_666 = arith.addf %tanh3A_661, %add3A_665 : vector<1024x128xf32>
    %mul3A_667 = arith.mulf %add3A_659, %add3A_666 : vector<1024x128xf32>
    %add3A_668 = arith.addf %add3A_649, %mul3A_667 : vector<1024x128xf32>
    %tanh3A_669 = math.tanh %add3A_668 : vector<1024x128xf32>
    %add3A_670 = arith.addf %select_n3A_541, %tanh3A_669 : vector<1024x128xf32>
    %sub3A_671 = arith.subf %select_n3A_541, %tanh3A_669 : vector<1024x128xf32>
    %mul3A_672 = arith.mulf %tanh3A_663, %sub3A_671 : vector<1024x128xf32>
    %add3A_673 = arith.addf %add3A_670, %mul3A_672 : vector<1024x128xf32>
    %mul3A_674 = arith.constant 5.000000e-01 : f32
    %mul3A_675 = vector.broadcast %mul3A_674 : f32 to vector<1024x128xf32>
    %mul3A_676 = arith.mulf %mul3A_675, %add3A_673 : vector<1024x128xf32>
    %broadcast_in_dim3A_677 = vector.shape_cast %gt3A_563 : vector<1024x1xi1> to vector<1024x1xi1>
    %broadcast_in_dim3A_678 = vector.broadcast %broadcast_in_dim3A_677 : vector<1024x1xi1> to vector<1024x128xi1>
    %select_n3A_679 = arith.select %broadcast_in_dim3A_678, %mul3A_676, %select_n3A_541 : vector<1024x128xi1>, vector<1024x128xf32>
    %jit3A_680 = arith.constant 0.000000e+00 : f32
    %broadcast_in_dim3A_681 = vector.shape_cast %gt3A_563 : vector<1024x1xi1> to vector<1024x1xi1>
    %broadcast_in_dim3A_682 = vector.broadcast %broadcast_in_dim3A_681 : vector<1024x1xi1> to vector<1024x128xi1>
    %broadcast_in_dim3A_683 = vector.broadcast %jit3A_680 : f32 to vector<1024x128xf32>
    %select_n3A_684 = arith.select %broadcast_in_dim3A_682, %mul3A_676, %broadcast_in_dim3A_683 : vector<1024x128xi1>, vector<1024x128xf32>
    %swap3A_685 = arith.constant 4 : index
    %swap3A_686 = arith.constant 0 : index
    %swap3A_687 = arith.constant 0 : index
    %swap3A_688 = vector.load %arg17[%swap3A_685, %swap3A_686, %swap3A_687] : memref<8x1024x128xf32, #tpu.memory_space<vmem>>, vector<1x1024x128xf32>
    %swap3A_689 = vector.shape_cast %swap3A_688 : vector<1x1024x128xf32> to vector<1024x128xf32>
    %swap3A_690 = vector.shape_cast %select_n3A_684 : vector<1024x128xf32> to vector<1x1024x128xf32>
    tpu.vector_store %arg17[%swap3A_685, %swap3A_686, %swap3A_687], %swap3A_690 {strides = array<i32>} : memref<8x1024x128xf32, #tpu.memory_space<vmem>>, vector<1x1024x128xf32>,
    %mul3A_691 = arith.constant 8 : i32
    %mul3A_692 = arith.muli %arg0, %mul3A_691 : i32
    %add3A_693 = arith.constant 0 : i32
    %add3A_694 = arith.addi %add3A_693, %mul3A_692 : i32
    %add3A_695 = arith.constant 5 : i32
    %add3A_696 = arith.addi %add3A_694, %add3A_695 : i32
    %get3A_697 = arith.constant 0 : index
    %get3A_698 = arith.constant 0 : index
    %get3A_699 = vector.load %arg1[%get3A_697, %get3A_698] : memref<1024x1xi32, #tpu.memory_space<vmem>>, vector<1024x1xi32>
    %gt3A_700 = vector.broadcast %add3A_696 : i32 to vector<1024x1xi32>
    %gt3A_701 = arith.cmpi sgt, %get3A_699, %gt3A_700 : vector<1024x1xi32>
    %get3A_702 = arith.constant 5 : index
    %get3A_703 = arith.constant 0 : index
    %get3A_704 = arith.constant 0 : index
    %get3A_705 = vector.load %arg16[%get3A_702, %get3A_703, %get3A_704] : memref<8x1024x128xf32, #tpu.memory_space<vmem>>, vector<1x1024x128xf32>
    %get3A_706 = vector.shape_cast %get3A_705 : vector<1x1024x128xf32> to vector<1024x128xf32>
    %convert_element_type3A_707 = arith.truncf %get3A_706 : vector<1024x128xf32> to vector<1024x128xbf16>
    %convert_element_type3A_708 = arith.truncf %select_n3A_621 : vector<1024x128xf32> to vector<1024x128xbf16>
    %concatenate3A_709 = tpu.concatenate %convert_element_type3A_707, %convert_element_type3A_708 in 1 : vector<1024x128xbf16>, vector<1024x128xbf16> -> vector<1024x256xbf16>
    %get3A_710 = arith.constant 0 : index
    %get3A_711 = arith.constant 0 : index
    %get3A_712 = vector.load %arg2[%get3A_710, %get3A_711] : memref<256x256xbf16, #tpu.memory_space<vmem>>, vector<256x256xbf16>
    %dot_general3A_713 = arith.constant dense<0.000000e+00> : vector<1024x256xf32>
    %dot_general3A_714 = tpu.matmul %concatenate3A_709, %get3A_712, %dot_general3A_713 {dimension_numbers = #tpu.dot_dimension_numbers<[1], [0], [0], [1], [0, 0, 1, 1], [], []>, transpose_lhs_hint = false} : vector<1024x256xbf16>, vector<256x256xbf16>, vector<1024x256xf32> -> vector<1024x256xf32>
    %get3A_715 = arith.constant 0 : index
    %get3A_716 = arith.constant 0 : index
    %get3A_717 = vector.load %arg5[%get3A_715, %get3A_716] : memref<1x256xf32, #tpu.memory_space<vmem>>, vector<1x256xf32>
    %add3A_718 = vector.broadcast %get3A_717 : vector<1x256xf32> to vector<1024x256xf32>
    %add3A_719 = arith.addf %dot_general3A_714, %add3A_718 : vector<1024x256xf32>
    %get3A_720 = arith.constant 0 : index
    %get3A_721 = arith.constant 0 : index
    %get3A_722 = vector.load %arg3[%get3A_720, %get3A_721] : memref<128x128xbf16, #tpu.memory_space<vmem>>, vector<128x128xbf16>
    %dot_general3A_723 = arith.constant dense<0.000000e+00> : vector<1024x128xf32>
    %dot_general3A_724 = tpu.matmul %convert_element_type3A_707, %get3A_722, %dot_general3A_723 {dimension_numbers = #tpu.dot_dimension_numbers<[1], [0], [0], [1], [0, 0, 1, 1], [], []>, transpose_lhs_hint = false} : vector<1024x128xbf16>, vector<128x128xbf16>, vector<1024x128xf32> -> vector<1024x128xf32>
    %get3A_725 = arith.constant 0 : index
    %get3A_726 = arith.constant 0 : index
    %get3A_727 = vector.load %arg6[%get3A_725, %get3A_726] : memref<1x128xf32, #tpu.memory_space<vmem>>, vector<1x128xf32>
    %add3A_728 = vector.broadcast %get3A_727 : vector<1x128xf32> to vector<1024x128xf32>
    %add3A_729 = arith.addf %dot_general3A_724, %add3A_728 : vector<1024x128xf32>
    %get3A_730 = arith.constant 0 : index
    %get3A_731 = arith.constant 0 : index
    %get3A_732 = vector.load %arg4[%get3A_730, %get3A_731] : memref<128x128xbf16, #tpu.memory_space<vmem>>, vector<128x128xbf16>
    %dot_general3A_733 = arith.constant dense<0.000000e+00> : vector<1024x128xf32>
    %dot_general3A_734 = tpu.matmul %convert_element_type3A_708, %get3A_732, %dot_general3A_733 {dimension_numbers = #tpu.dot_dimension_numbers<[1], [0], [0], [1], [0, 0, 1, 1], [], []>, transpose_lhs_hint = false} : vector<1024x128xbf16>, vector<128x128xbf16>, vector<1024x128xf32> -> vector<1024x128xf32>
    %get3A_735 = arith.constant 0 : index
    %get3A_736 = arith.constant 0 : index
    %get3A_737 = vector.load %arg7[%get3A_735, %get3A_736] : memref<1x128xf32, #tpu.memory_space<vmem>>, vector<1x128xf32>
    %add3A_738 = vector.broadcast %get3A_737 : vector<1x128xf32> to vector<1024x128xf32>
    %add3A_739 = arith.addf %dot_general3A_734, %add3A_738 : vector<1024x128xf32>
    %slice3A_740 = vector.extract_strided_slice %add3A_719 {offsets = [0, 0], sizes = [1024, 128], strides = [1, 1]} : vector<1024x256xf32> to vector<1024x128xf32>
    %tanh3A_741 = math.tanh %slice3A_740 : vector<1024x128xf32>
    %slice3A_742 = vector.extract_strided_slice %add3A_719 {offsets = [0, 128], sizes = [1024, 128], strides = [1, 1]} : vector<1024x256xf32> to vector<1024x128xf32>
    %tanh3A_743 = math.tanh %slice3A_742 : vector<1024x128xf32>
    %add3A_744 = arith.constant 1.000000e+00 : f32
    %add3A_745 = vector.broadcast %add3A_744 : f32 to vector<1024x128xf32>
    %add3A_746 = arith.addf %tanh3A_741, %add3A_745 : vector<1024x128xf32>
    %mul3A_747 = arith.mulf %add3A_739, %add3A_746 : vector<1024x128xf32>
    %add3A_748 = arith.addf %add3A_729, %mul3A_747 : vector<1024x128xf32>
    %tanh3A_749 = math.tanh %add3A_748 : vector<1024x128xf32>
    %add3A_750 = arith.addf %select_n3A_621, %tanh3A_749 : vector<1024x128xf32>
    %sub3A_751 = arith.subf %select_n3A_621, %tanh3A_749 : vector<1024x128xf32>
    %mul3A_752 = arith.mulf %tanh3A_743, %sub3A_751 : vector<1024x128xf32>
    %add3A_753 = arith.addf %add3A_750, %mul3A_752 : vector<1024x128xf32>
    %mul3A_754 = arith.constant 5.000000e-01 : f32
    %mul3A_755 = vector.broadcast %mul3A_754 : f32 to vector<1024x128xf32>
    %mul3A_756 = arith.mulf %mul3A_755, %add3A_753 : vector<1024x128xf32>
    %broadcast_in_dim3A_757 = vector.shape_cast %gt3A_701 : vector<1024x1xi1> to vector<1024x1xi1>
    %broadcast_in_dim3A_758 = vector.broadcast %broadcast_in_dim3A_757 : vector<1024x1xi1> to vector<1024x128xi1>
    %select_n3A_759 = arith.select %broadcast_in_dim3A_758, %mul3A_756, %select_n3A_621 : vector<1024x128xi1>, vector<1024x128xf32>
    %jit3A_760 = arith.constant 0.000000e+00 : f32
    %broadcast_in_dim3A_761 = vector.shape_cast %gt3A_701 : vector<1024x1xi1> to vector<1024x1xi1>
    %broadcast_in_dim3A_762 = vector.broadcast %broadcast_in_dim3A_761 : vector<1024x1xi1> to vector<1024x128xi1>
    %broadcast_in_dim3A_763 = vector.broadcast %jit3A_760 : f32 to vector<1024x128xf32>
    %select_n3A_764 = arith.select %broadcast_in_dim3A_762, %mul3A_756, %broadcast_in_dim3A_763 : vector<1024x128xi1>, vector<1024x128xf32>
    %convert_element_type3A_765 = arith.truncf %select_n3A_764 : vector<1024x128xf32> to vector<1024x128xbf16>
    %convert_element_type3A_766 = arith.truncf %select_n3A_679 : vector<1024x128xf32> to vector<1024x128xbf16>
    %concatenate3A_767 = tpu.concatenate %convert_element_type3A_765, %convert_element_type3A_766 in 1 : vector<1024x128xbf16>, vector<1024x128xbf16> -> vector<1024x256xbf16>
    %get3A_768 = arith.constant 0 : index
    %get3A_769 = arith.constant 0 : index
    %get3A_770 = vector.load %arg8[%get3A_768, %get3A_769] : memref<256x256xbf16, #tpu.memory_space<vmem>>, vector<256x256xbf16>
    %dot_general3A_771 = arith.constant dense<0.000000e+00> : vector<1024x256xf32>
    %dot_general3A_772 = tpu.matmul %concatenate3A_767, %get3A_770, %dot_general3A_771 {dimension_numbers = #tpu.dot_dimension_numbers<[1], [0], [0], [1], [0, 0, 1, 1], [], []>, transpose_lhs_hint = false} : vector<1024x256xbf16>, vector<256x256xbf16>, vector<1024x256xf32> -> vector<1024x256xf32>
    %get3A_773 = arith.constant 0 : index
    %get3A_774 = arith.constant 0 : index
    %get3A_775 = vector.load %arg11[%get3A_773, %get3A_774] : memref<1x256xf32, #tpu.memory_space<vmem>>, vector<1x256xf32>
    %add3A_776 = vector.broadcast %get3A_775 : vector<1x256xf32> to vector<1024x256xf32>
    %add3A_777 = arith.addf %dot_general3A_772, %add3A_776 : vector<1024x256xf32>
    %get3A_778 = arith.constant 0 : index
    %get3A_779 = arith.constant 0 : index
    %get3A_780 = vector.load %arg9[%get3A_778, %get3A_779] : memref<128x128xbf16, #tpu.memory_space<vmem>>, vector<128x128xbf16>
    %dot_general3A_781 = arith.constant dense<0.000000e+00> : vector<1024x128xf32>
    %dot_general3A_782 = tpu.matmul %convert_element_type3A_765, %get3A_780, %dot_general3A_781 {dimension_numbers = #tpu.dot_dimension_numbers<[1], [0], [0], [1], [0, 0, 1, 1], [], []>, transpose_lhs_hint = false} : vector<1024x128xbf16>, vector<128x128xbf16>, vector<1024x128xf32> -> vector<1024x128xf32>
    %get3A_783 = arith.constant 0 : index
    %get3A_784 = arith.constant 0 : index
    %get3A_785 = vector.load %arg12[%get3A_783, %get3A_784] : memref<1x128xf32, #tpu.memory_space<vmem>>, vector<1x128xf32>
    %add3A_786 = vector.broadcast %get3A_785 : vector<1x128xf32> to vector<1024x128xf32>
    %add3A_787 = arith.addf %dot_general3A_782, %add3A_786 : vector<1024x128xf32>
    %get3A_788 = arith.constant 0 : index
    %get3A_789 = arith.constant 0 : index
    %get3A_790 = vector.load %arg10[%get3A_788, %get3A_789] : memref<128x128xbf16, #tpu.memory_space<vmem>>, vector<128x128xbf16>
    %dot_general3A_791 = arith.constant dense<0.000000e+00> : vector<1024x128xf32>
    %dot_general3A_792 = tpu.matmul %convert_element_type3A_766, %get3A_790, %dot_general3A_791 {dimension_numbers = #tpu.dot_dimension_numbers<[1], [0], [0], [1], [0, 0, 1, 1], [], []>, transpose_lhs_hint = false} : vector<1024x128xbf16>, vector<128x128xbf16>, vector<1024x128xf32> -> vector<1024x128xf32>
    %get3A_793 = arith.constant 0 : index
    %get3A_794 = arith.constant 0 : index
    %get3A_795 = vector.load %arg13[%get3A_793, %get3A_794] : memref<1x128xf32, #tpu.memory_space<vmem>>, vector<1x128xf32>
    %add3A_796 = vector.broadcast %get3A_795 : vector<1x128xf32> to vector<1024x128xf32>
    %add3A_797 = arith.addf %dot_general3A_792, %add3A_796 : vector<1024x128xf32>
    %slice3A_798 = vector.extract_strided_slice %add3A_777 {offsets = [0, 0], sizes = [1024, 128], strides = [1, 1]} : vector<1024x256xf32> to vector<1024x128xf32>
    %tanh3A_799 = math.tanh %slice3A_798 : vector<1024x128xf32>
    %slice3A_800 = vector.extract_strided_slice %add3A_777 {offsets = [0, 128], sizes = [1024, 128], strides = [1, 1]} : vector<1024x256xf32> to vector<1024x128xf32>
    %tanh3A_801 = math.tanh %slice3A_800 : vector<1024x128xf32>
    %add3A_802 = arith.constant 1.000000e+00 : f32
    %add3A_803 = vector.broadcast %add3A_802 : f32 to vector<1024x128xf32>
    %add3A_804 = arith.addf %tanh3A_799, %add3A_803 : vector<1024x128xf32>
    %mul3A_805 = arith.mulf %add3A_797, %add3A_804 : vector<1024x128xf32>
    %add3A_806 = arith.addf %add3A_787, %mul3A_805 : vector<1024x128xf32>
    %tanh3A_807 = math.tanh %add3A_806 : vector<1024x128xf32>
    %add3A_808 = arith.addf %select_n3A_679, %tanh3A_807 : vector<1024x128xf32>
    %sub3A_809 = arith.subf %select_n3A_679, %tanh3A_807 : vector<1024x128xf32>
    %mul3A_810 = arith.mulf %tanh3A_801, %sub3A_809 : vector<1024x128xf32>
    %add3A_811 = arith.addf %add3A_808, %mul3A_810 : vector<1024x128xf32>
    %mul3A_812 = arith.constant 5.000000e-01 : f32
    %mul3A_813 = vector.broadcast %mul3A_812 : f32 to vector<1024x128xf32>
    %mul3A_814 = arith.mulf %mul3A_813, %add3A_811 : vector<1024x128xf32>
    %broadcast_in_dim3A_815 = vector.shape_cast %gt3A_701 : vector<1024x1xi1> to vector<1024x1xi1>
    %broadcast_in_dim3A_816 = vector.broadcast %broadcast_in_dim3A_815 : vector<1024x1xi1> to vector<1024x128xi1>
    %select_n3A_817 = arith.select %broadcast_in_dim3A_816, %mul3A_814, %select_n3A_679 : vector<1024x128xi1>, vector<1024x128xf32>
    %jit3A_818 = arith.constant 0.000000e+00 : f32
    %broadcast_in_dim3A_819 = vector.shape_cast %gt3A_701 : vector<1024x1xi1> to vector<1024x1xi1>
    %broadcast_in_dim3A_820 = vector.broadcast %broadcast_in_dim3A_819 : vector<1024x1xi1> to vector<1024x128xi1>
    %broadcast_in_dim3A_821 = vector.broadcast %jit3A_818 : f32 to vector<1024x128xf32>
    %select_n3A_822 = arith.select %broadcast_in_dim3A_820, %mul3A_814, %broadcast_in_dim3A_821 : vector<1024x128xi1>, vector<1024x128xf32>
    %swap3A_823 = arith.constant 5 : index
    %swap3A_824 = arith.constant 0 : index
    %swap3A_825 = arith.constant 0 : index
    %swap3A_826 = vector.load %arg17[%swap3A_823, %swap3A_824, %swap3A_825] : memref<8x1024x128xf32, #tpu.memory_space<vmem>>, vector<1x1024x128xf32>
    %swap3A_827 = vector.shape_cast %swap3A_826 : vector<1x1024x128xf32> to vector<1024x128xf32>
    %swap3A_828 = vector.shape_cast %select_n3A_822 : vector<1024x128xf32> to vector<1x1024x128xf32>
    tpu.vector_store %arg17[%swap3A_823, %swap3A_824, %swap3A_825], %swap3A_828 {strides = array<i32>} : memref<8x1024x128xf32, #tpu.memory_space<vmem>>, vector<1x1024x128xf32>,
    %mul3A_829 = arith.constant 8 : i32
    %mul3A_830 = arith.muli %arg0, %mul3A_829 : i32
    %add3A_831 = arith.constant 0 : i32
    %add3A_832 = arith.addi %add3A_831, %mul3A_830 : i32
    %add3A_833 = arith.constant 6 : i32
    %add3A_834 = arith.addi %add3A_832, %add3A_833 : i32
    %get3A_835 = arith.constant 0 : index
    %get3A_836 = arith.constant 0 : index
    %get3A_837 = vector.load %arg1[%get3A_835, %get3A_836] : memref<1024x1xi32, #tpu.memory_space<vmem>>, vector<1024x1xi32>
    %gt3A_838 = vector.broadcast %add3A_834 : i32 to vector<1024x1xi32>
    %gt3A_839 = arith.cmpi sgt, %get3A_837, %gt3A_838 : vector<1024x1xi32>
    %get3A_840 = arith.constant 6 : index
    %get3A_841 = arith.constant 0 : index
    %get3A_842 = arith.constant 0 : index
    %get3A_843 = vector.load %arg16[%get3A_840, %get3A_841, %get3A_842] : memref<8x1024x128xf32, #tpu.memory_space<vmem>>, vector<1x1024x128xf32>
    %get3A_844 = vector.shape_cast %get3A_843 : vector<1x1024x128xf32> to vector<1024x128xf32>
    %convert_element_type3A_845 = arith.truncf %get3A_844 : vector<1024x128xf32> to vector<1024x128xbf16>
    %convert_element_type3A_846 = arith.truncf %select_n3A_759 : vector<1024x128xf32> to vector<1024x128xbf16>
    %concatenate3A_847 = tpu.concatenate %convert_element_type3A_845, %convert_element_type3A_846 in 1 : vector<1024x128xbf16>, vector<1024x128xbf16> -> vector<1024x256xbf16>
    %get3A_848 = arith.constant 0 : index
    %get3A_849 = arith.constant 0 : index
    %get3A_850 = vector.load %arg2[%get3A_848, %get3A_849] : memref<256x256xbf16, #tpu.memory_space<vmem>>, vector<256x256xbf16>
    %dot_general3A_851 = arith.constant dense<0.000000e+00> : vector<1024x256xf32>
    %dot_general3A_852 = tpu.matmul %concatenate3A_847, %get3A_850, %dot_general3A_851 {dimension_numbers = #tpu.dot_dimension_numbers<[1], [0], [0], [1], [0, 0, 1, 1], [], []>, transpose_lhs_hint = false} : vector<1024x256xbf16>, vector<256x256xbf16>, vector<1024x256xf32> -> vector<1024x256xf32>
    %get3A_853 = arith.constant 0 : index
    %get3A_854 = arith.constant 0 : index
    %get3A_855 = vector.load %arg5[%get3A_853, %get3A_854] : memref<1x256xf32, #tpu.memory_space<vmem>>, vector<1x256xf32>
    %add3A_856 = vector.broadcast %get3A_855 : vector<1x256xf32> to vector<1024x256xf32>
    %add3A_857 = arith.addf %dot_general3A_852, %add3A_856 : vector<1024x256xf32>
    %get3A_858 = arith.constant 0 : index
    %get3A_859 = arith.constant 0 : index
    %get3A_860 = vector.load %arg3[%get3A_858, %get3A_859] : memref<128x128xbf16, #tpu.memory_space<vmem>>, vector<128x128xbf16>
    %dot_general3A_861 = arith.constant dense<0.000000e+00> : vector<1024x128xf32>
    %dot_general3A_862 = tpu.matmul %convert_element_type3A_845, %get3A_860, %dot_general3A_861 {dimension_numbers = #tpu.dot_dimension_numbers<[1], [0], [0], [1], [0, 0, 1, 1], [], []>, transpose_lhs_hint = false} : vector<1024x128xbf16>, vector<128x128xbf16>, vector<1024x128xf32> -> vector<1024x128xf32>
    %get3A_863 = arith.constant 0 : index
    %get3A_864 = arith.constant 0 : index
    %get3A_865 = vector.load %arg6[%get3A_863, %get3A_864] : memref<1x128xf32, #tpu.memory_space<vmem>>, vector<1x128xf32>
    %add3A_866 = vector.broadcast %get3A_865 : vector<1x128xf32> to vector<1024x128xf32>
    %add3A_867 = arith.addf %dot_general3A_862, %add3A_866 : vector<1024x128xf32>
    %get3A_868 = arith.constant 0 : index
    %get3A_869 = arith.constant 0 : index
    %get3A_870 = vector.load %arg4[%get3A_868, %get3A_869] : memref<128x128xbf16, #tpu.memory_space<vmem>>, vector<128x128xbf16>
    %dot_general3A_871 = arith.constant dense<0.000000e+00> : vector<1024x128xf32>
    %dot_general3A_872 = tpu.matmul %convert_element_type3A_846, %get3A_870, %dot_general3A_871 {dimension_numbers = #tpu.dot_dimension_numbers<[1], [0], [0], [1], [0, 0, 1, 1], [], []>, transpose_lhs_hint = false} : vector<1024x128xbf16>, vector<128x128xbf16>, vector<1024x128xf32> -> vector<1024x128xf32>
    %get3A_873 = arith.constant 0 : index
    %get3A_874 = arith.constant 0 : index
    %get3A_875 = vector.load %arg7[%get3A_873, %get3A_874] : memref<1x128xf32, #tpu.memory_space<vmem>>, vector<1x128xf32>
    %add3A_876 = vector.broadcast %get3A_875 : vector<1x128xf32> to vector<1024x128xf32>
    %add3A_877 = arith.addf %dot_general3A_872, %add3A_876 : vector<1024x128xf32>
    %slice3A_878 = vector.extract_strided_slice %add3A_857 {offsets = [0, 0], sizes = [1024, 128], strides = [1, 1]} : vector<1024x256xf32> to vector<1024x128xf32>
    %tanh3A_879 = math.tanh %slice3A_878 : vector<1024x128xf32>
    %slice3A_880 = vector.extract_strided_slice %add3A_857 {offsets = [0, 128], sizes = [1024, 128], strides = [1, 1]} : vector<1024x256xf32> to vector<1024x128xf32>
    %tanh3A_881 = math.tanh %slice3A_880 : vector<1024x128xf32>
    %add3A_882 = arith.constant 1.000000e+00 : f32
    %add3A_883 = vector.broadcast %add3A_882 : f32 to vector<1024x128xf32>
    %add3A_884 = arith.addf %tanh3A_879, %add3A_883 : vector<1024x128xf32>
    %mul3A_885 = arith.mulf %add3A_877, %add3A_884 : vector<1024x128xf32>
    %add3A_886 = arith.addf %add3A_867, %mul3A_885 : vector<1024x128xf32>
    %tanh3A_887 = math.tanh %add3A_886 : vector<1024x128xf32>
    %add3A_888 = arith.addf %select_n3A_759, %tanh3A_887 : vector<1024x128xf32>
    %sub3A_889 = arith.subf %select_n3A_759, %tanh3A_887 : vector<1024x128xf32>
    %mul3A_890 = arith.mulf %tanh3A_881, %sub3A_889 : vector<1024x128xf32>
    %add3A_891 = arith.addf %add3A_888, %mul3A_890 : vector<1024x128xf32>
    %mul3A_892 = arith.constant 5.000000e-01 : f32
    %mul3A_893 = vector.broadcast %mul3A_892 : f32 to vector<1024x128xf32>
    %mul3A_894 = arith.mulf %mul3A_893, %add3A_891 : vector<1024x128xf32>
    %broadcast_in_dim3A_895 = vector.shape_cast %gt3A_839 : vector<1024x1xi1> to vector<1024x1xi1>
    %broadcast_in_dim3A_896 = vector.broadcast %broadcast_in_dim3A_895 : vector<1024x1xi1> to vector<1024x128xi1>
    %select_n3A_897 = arith.select %broadcast_in_dim3A_896, %mul3A_894, %select_n3A_759 : vector<1024x128xi1>, vector<1024x128xf32>
    %jit3A_898 = arith.constant 0.000000e+00 : f32
    %broadcast_in_dim3A_899 = vector.shape_cast %gt3A_839 : vector<1024x1xi1> to vector<1024x1xi1>
    %broadcast_in_dim3A_900 = vector.broadcast %broadcast_in_dim3A_899 : vector<1024x1xi1> to vector<1024x128xi1>
    %broadcast_in_dim3A_901 = vector.broadcast %jit3A_898 : f32 to vector<1024x128xf32>
    %select_n3A_902 = arith.select %broadcast_in_dim3A_900, %mul3A_894, %broadcast_in_dim3A_901 : vector<1024x128xi1>, vector<1024x128xf32>
    %convert_element_type3A_903 = arith.truncf %select_n3A_902 : vector<1024x128xf32> to vector<1024x128xbf16>
    %convert_element_type3A_904 = arith.truncf %select_n3A_817 : vector<1024x128xf32> to vector<1024x128xbf16>
    %concatenate3A_905 = tpu.concatenate %convert_element_type3A_903, %convert_element_type3A_904 in 1 : vector<1024x128xbf16>, vector<1024x128xbf16> -> vector<1024x256xbf16>
    %get3A_906 = arith.constant 0 : index
    %get3A_907 = arith.constant 0 : index
    %get3A_908 = vector.load %arg8[%get3A_906, %get3A_907] : memref<256x256xbf16, #tpu.memory_space<vmem>>, vector<256x256xbf16>
    %dot_general3A_909 = arith.constant dense<0.000000e+00> : vector<1024x256xf32>
    %dot_general3A_910 = tpu.matmul %concatenate3A_905, %get3A_908, %dot_general3A_909 {dimension_numbers = #tpu.dot_dimension_numbers<[1], [0], [0], [1], [0, 0, 1, 1], [], []>, transpose_lhs_hint = false} : vector<1024x256xbf16>, vector<256x256xbf16>, vector<1024x256xf32> -> vector<1024x256xf32>
    %get3A_911 = arith.constant 0 : index
    %get3A_912 = arith.constant 0 : index
    %get3A_913 = vector.load %arg11[%get3A_911, %get3A_912] : memref<1x256xf32, #tpu.memory_space<vmem>>, vector<1x256xf32>
    %add3A_914 = vector.broadcast %get3A_913 : vector<1x256xf32> to vector<1024x256xf32>
    %add3A_915 = arith.addf %dot_general3A_910, %add3A_914 : vector<1024x256xf32>
    %get3A_916 = arith.constant 0 : index
    %get3A_917 = arith.constant 0 : index
    %get3A_918 = vector.load %arg9[%get3A_916, %get3A_917] : memref<128x128xbf16, #tpu.memory_space<vmem>>, vector<128x128xbf16>
    %dot_general3A_919 = arith.constant dense<0.000000e+00> : vector<1024x128xf32>
    %dot_general3A_920 = tpu.matmul %convert_element_type3A_903, %get3A_918, %dot_general3A_919 {dimension_numbers = #tpu.dot_dimension_numbers<[1], [0], [0], [1], [0, 0, 1, 1], [], []>, transpose_lhs_hint = false} : vector<1024x128xbf16>, vector<128x128xbf16>, vector<1024x128xf32> -> vector<1024x128xf32>
    %get3A_921 = arith.constant 0 : index
    %get3A_922 = arith.constant 0 : index
    %get3A_923 = vector.load %arg12[%get3A_921, %get3A_922] : memref<1x128xf32, #tpu.memory_space<vmem>>, vector<1x128xf32>
    %add3A_924 = vector.broadcast %get3A_923 : vector<1x128xf32> to vector<1024x128xf32>
    %add3A_925 = arith.addf %dot_general3A_920, %add3A_924 : vector<1024x128xf32>
    %get3A_926 = arith.constant 0 : index
    %get3A_927 = arith.constant 0 : index
    %get3A_928 = vector.load %arg10[%get3A_926, %get3A_927] : memref<128x128xbf16, #tpu.memory_space<vmem>>, vector<128x128xbf16>
    %dot_general3A_929 = arith.constant dense<0.000000e+00> : vector<1024x128xf32>
    %dot_general3A_930 = tpu.matmul %convert_element_type3A_904, %get3A_928, %dot_general3A_929 {dimension_numbers = #tpu.dot_dimension_numbers<[1], [0], [0], [1], [0, 0, 1, 1], [], []>, transpose_lhs_hint = false} : vector<1024x128xbf16>, vector<128x128xbf16>, vector<1024x128xf32> -> vector<1024x128xf32>
    %get3A_931 = arith.constant 0 : index
    %get3A_932 = arith.constant 0 : index
    %get3A_933 = vector.load %arg13[%get3A_931, %get3A_932] : memref<1x128xf32, #tpu.memory_space<vmem>>, vector<1x128xf32>
    %add3A_934 = vector.broadcast %get3A_933 : vector<1x128xf32> to vector<1024x128xf32>
    %add3A_935 = arith.addf %dot_general3A_930, %add3A_934 : vector<1024x128xf32>
    %slice3A_936 = vector.extract_strided_slice %add3A_915 {offsets = [0, 0], sizes = [1024, 128], strides = [1, 1]} : vector<1024x256xf32> to vector<1024x128xf32>
    %tanh3A_937 = math.tanh %slice3A_936 : vector<1024x128xf32>
    %slice3A_938 = vector.extract_strided_slice %add3A_915 {offsets = [0, 128], sizes = [1024, 128], strides = [1, 1]} : vector<1024x256xf32> to vector<1024x128xf32>
    %tanh3A_939 = math.tanh %slice3A_938 : vector<1024x128xf32>
    %add3A_940 = arith.constant 1.000000e+00 : f32
    %add3A_941 = vector.broadcast %add3A_940 : f32 to vector<1024x128xf32>
    %add3A_942 = arith.addf %tanh3A_937, %add3A_941 : vector<1024x128xf32>
    %mul3A_943 = arith.mulf %add3A_935, %add3A_942 : vector<1024x128xf32>
    %add3A_944 = arith.addf %add3A_925, %mul3A_943 : vector<1024x128xf32>
    %tanh3A_945 = math.tanh %add3A_944 : vector<1024x128xf32>
    %add3A_946 = arith.addf %select_n3A_817, %tanh3A_945 : vector<1024x128xf32>
    %sub3A_947 = arith.subf %select_n3A_817, %tanh3A_945 : vector<1024x128xf32>
    %mul3A_948 = arith.mulf %tanh3A_939, %sub3A_947 : vector<1024x128xf32>
    %add3A_949 = arith.addf %add3A_946, %mul3A_948 : vector<1024x128xf32>
    %mul3A_950 = arith.constant 5.000000e-01 : f32
    %mul3A_951 = vector.broadcast %mul3A_950 : f32 to vector<1024x128xf32>
    %mul3A_952 = arith.mulf %mul3A_951, %add3A_949 : vector<1024x128xf32>
    %broadcast_in_dim3A_953 = vector.shape_cast %gt3A_839 : vector<1024x1xi1> to vector<1024x1xi1>
    %broadcast_in_dim3A_954 = vector.broadcast %broadcast_in_dim3A_953 : vector<1024x1xi1> to vector<1024x128xi1>
    %select_n3A_955 = arith.select %broadcast_in_dim3A_954, %mul3A_952, %select_n3A_817 : vector<1024x128xi1>, vector<1024x128xf32>
    %jit3A_956 = arith.constant 0.000000e+00 : f32
    %broadcast_in_dim3A_957 = vector.shape_cast %gt3A_839 : vector<1024x1xi1> to vector<1024x1xi1>
    %broadcast_in_dim3A_958 = vector.broadcast %broadcast_in_dim3A_957 : vector<1024x1xi1> to vector<1024x128xi1>
    %broadcast_in_dim3A_959 = vector.broadcast %jit3A_956 : f32 to vector<1024x128xf32>
    %select_n3A_960 = arith.select %broadcast_in_dim3A_958, %mul3A_952, %broadcast_in_dim3A_959 : vector<1024x128xi1>, vector<1024x128xf32>
    %swap3A_961 = arith.constant 6 : index
    %swap3A_962 = arith.constant 0 : index
    %swap3A_963 = arith.constant 0 : index
    %swap3A_964 = vector.load %arg17[%swap3A_961, %swap3A_962, %swap3A_963] : memref<8x1024x128xf32, #tpu.memory_space<vmem>>, vector<1x1024x128xf32>
    %swap3A_965 = vector.shape_cast %swap3A_964 : vector<1x1024x128xf32> to vector<1024x128xf32>
    %swap3A_966 = vector.shape_cast %select_n3A_960 : vector<1024x128xf32> to vector<1x1024x128xf32>
    tpu.vector_store %arg17[%swap3A_961, %swap3A_962, %swap3A_963], %swap3A_966 {strides = array<i32>} : memref<8x1024x128xf32, #tpu.memory_space<vmem>>, vector<1x1024x128xf32>,
    %mul3A_967 = arith.constant 8 : i32
    %mul3A_968 = arith.muli %arg0, %mul3A_967 : i32
    %add3A_969 = arith.constant 0 : i32
    %add3A_970 = arith.addi %add3A_969, %mul3A_968 : i32
    %add3A_971 = arith.constant 7 : i32
    %add3A_972 = arith.addi %add3A_970, %add3A_971 : i32
    %get3A_973 = arith.constant 0 : index
    %get3A_974 = arith.constant 0 : index
    %get3A_975 = vector.load %arg1[%get3A_973, %get3A_974] : memref<1024x1xi32, #tpu.memory_space<vmem>>, vector<1024x1xi32>
    %gt3A_976 = vector.broadcast %add3A_972 : i32 to vector<1024x1xi32>
    %gt3A_977 = arith.cmpi sgt, %get3A_975, %gt3A_976 : vector<1024x1xi32>
    %get3A_978 = arith.constant 7 : index
    %get3A_979 = arith.constant 0 : index
    %get3A_980 = arith.constant 0 : index
    %get3A_981 = vector.load %arg16[%get3A_978, %get3A_979, %get3A_980] : memref<8x1024x128xf32, #tpu.memory_space<vmem>>, vector<1x1024x128xf32>
    %get3A_982 = vector.shape_cast %get3A_981 : vector<1x1024x128xf32> to vector<1024x128xf32>
    %convert_element_type3A_983 = arith.truncf %get3A_982 : vector<1024x128xf32> to vector<1024x128xbf16>
    %convert_element_type3A_984 = arith.truncf %select_n3A_897 : vector<1024x128xf32> to vector<1024x128xbf16>
    %concatenate3A_985 = tpu.concatenate %convert_element_type3A_983, %convert_element_type3A_984 in 1 : vector<1024x128xbf16>, vector<1024x128xbf16> -> vector<1024x256xbf16>
    %get3A_986 = arith.constant 0 : index
    %get3A_987 = arith.constant 0 : index
    %get3A_988 = vector.load %arg2[%get3A_986, %get3A_987] : memref<256x256xbf16, #tpu.memory_space<vmem>>, vector<256x256xbf16>
    %dot_general3A_989 = arith.constant dense<0.000000e+00> : vector<1024x256xf32>
    %dot_general3A_990 = tpu.matmul %concatenate3A_985, %get3A_988, %dot_general3A_989 {dimension_numbers = #tpu.dot_dimension_numbers<[1], [0], [0], [1], [0, 0, 1, 1], [], []>, transpose_lhs_hint = false} : vector<1024x256xbf16>, vector<256x256xbf16>, vector<1024x256xf32> -> vector<1024x256xf32>
    %get3A_991 = arith.constant 0 : index
    %get3A_992 = arith.constant 0 : index
    %get3A_993 = vector.load %arg5[%get3A_991, %get3A_992] : memref<1x256xf32, #tpu.memory_space<vmem>>, vector<1x256xf32>
    %add3A_994 = vector.broadcast %get3A_993 : vector<1x256xf32> to vector<1024x256xf32>
    %add3A_995 = arith.addf %dot_general3A_990, %add3A_994 : vector<1024x256xf32>
    %get3A_996 = arith.constant 0 : index
    %get3A_997 = arith.constant 0 : index
    %get3A_998 = vector.load %arg3[%get3A_996, %get3A_997] : memref<128x128xbf16, #tpu.memory_space<vmem>>, vector<128x128xbf16>
    %dot_general3A_999 = arith.constant dense<0.000000e+00> : vector<1024x128xf32>
    %dot_general3A_1000 = tpu.matmul %convert_element_type3A_983, %get3A_998, %dot_general3A_999 {dimension_numbers = #tpu.dot_dimension_numbers<[1], [0], [0], [1], [0, 0, 1, 1], [], []>, transpose_lhs_hint = false} : vector<1024x128xbf16>, vector<128x128xbf16>, vector<1024x128xf32> -> vector<1024x128xf32>
    %get3A_1001 = arith.constant 0 : index
    %get3A_1002 = arith.constant 0 : index
    %get3A_1003 = vector.load %arg6[%get3A_1001, %get3A_1002] : memref<1x128xf32, #tpu.memory_space<vmem>>, vector<1x128xf32>
    %add3A_1004 = vector.broadcast %get3A_1003 : vector<1x128xf32> to vector<1024x128xf32>
    %add3A_1005 = arith.addf %dot_general3A_1000, %add3A_1004 : vector<1024x128xf32>
    %get3A_1006 = arith.constant 0 : index
    %get3A_1007 = arith.constant 0 : index
    %get3A_1008 = vector.load %arg4[%get3A_1006, %get3A_1007] : memref<128x128xbf16, #tpu.memory_space<vmem>>, vector<128x128xbf16>
    %dot_general3A_1009 = arith.constant dense<0.000000e+00> : vector<1024x128xf32>
    %dot_general3A_1010 = tpu.matmul %convert_element_type3A_984, %get3A_1008, %dot_general3A_1009 {dimension_numbers = #tpu.dot_dimension_numbers<[1], [0], [0], [1], [0, 0, 1, 1], [], []>, transpose_lhs_hint = false} : vector<1024x128xbf16>, vector<128x128xbf16>, vector<1024x128xf32> -> vector<1024x128xf32>
    %get3A_1011 = arith.constant 0 : index
    %get3A_1012 = arith.constant 0 : index
    %get3A_1013 = vector.load %arg7[%get3A_1011, %get3A_1012] : memref<1x128xf32, #tpu.memory_space<vmem>>, vector<1x128xf32>
    %add3A_1014 = vector.broadcast %get3A_1013 : vector<1x128xf32> to vector<1024x128xf32>
    %add3A_1015 = arith.addf %dot_general3A_1010, %add3A_1014 : vector<1024x128xf32>
    %slice3A_1016 = vector.extract_strided_slice %add3A_995 {offsets = [0, 0], sizes = [1024, 128], strides = [1, 1]} : vector<1024x256xf32> to vector<1024x128xf32>
    %tanh3A_1017 = math.tanh %slice3A_1016 : vector<1024x128xf32>
    %slice3A_1018 = vector.extract_strided_slice %add3A_995 {offsets = [0, 128], sizes = [1024, 128], strides = [1, 1]} : vector<1024x256xf32> to vector<1024x128xf32>
    %tanh3A_1019 = math.tanh %slice3A_1018 : vector<1024x128xf32>
    %add3A_1020 = arith.constant 1.000000e+00 : f32
    %add3A_1021 = vector.broadcast %add3A_1020 : f32 to vector<1024x128xf32>
    %add3A_1022 = arith.addf %tanh3A_1017, %add3A_1021 : vector<1024x128xf32>
    %mul3A_1023 = arith.mulf %add3A_1015, %add3A_1022 : vector<1024x128xf32>
    %add3A_1024 = arith.addf %add3A_1005, %mul3A_1023 : vector<1024x128xf32>
    %tanh3A_1025 = math.tanh %add3A_1024 : vector<1024x128xf32>
    %add3A_1026 = arith.addf %select_n3A_897, %tanh3A_1025 : vector<1024x128xf32>
    %sub3A_1027 = arith.subf %select_n3A_897, %tanh3A_1025 : vector<1024x128xf32>
    %mul3A_1028 = arith.mulf %tanh3A_1019, %sub3A_1027 : vector<1024x128xf32>
    %add3A_1029 = arith.addf %add3A_1026, %mul3A_1028 : vector<1024x128xf32>
    %mul3A_1030 = arith.constant 5.000000e-01 : f32
    %mul3A_1031 = vector.broadcast %mul3A_1030 : f32 to vector<1024x128xf32>
    %mul3A_1032 = arith.mulf %mul3A_1031, %add3A_1029 : vector<1024x128xf32>
    %broadcast_in_dim3A_1033 = vector.shape_cast %gt3A_977 : vector<1024x1xi1> to vector<1024x1xi1>
    %broadcast_in_dim3A_1034 = vector.broadcast %broadcast_in_dim3A_1033 : vector<1024x1xi1> to vector<1024x128xi1>
    %select_n3A_1035 = arith.select %broadcast_in_dim3A_1034, %mul3A_1032, %select_n3A_897 : vector<1024x128xi1>, vector<1024x128xf32>
    %jit3A_1036 = arith.constant 0.000000e+00 : f32
    %broadcast_in_dim3A_1037 = vector.shape_cast %gt3A_977 : vector<1024x1xi1> to vector<1024x1xi1>
    %broadcast_in_dim3A_1038 = vector.broadcast %broadcast_in_dim3A_1037 : vector<1024x1xi1> to vector<1024x128xi1>
    %broadcast_in_dim3A_1039 = vector.broadcast %jit3A_1036 : f32 to vector<1024x128xf32>
    %select_n3A_1040 = arith.select %broadcast_in_dim3A_1038, %mul3A_1032, %broadcast_in_dim3A_1039 : vector<1024x128xi1>, vector<1024x128xf32>
    %convert_element_type3A_1041 = arith.truncf %select_n3A_1040 : vector<1024x128xf32> to vector<1024x128xbf16>
    %convert_element_type3A_1042 = arith.truncf %select_n3A_955 : vector<1024x128xf32> to vector<1024x128xbf16>
    %concatenate3A_1043 = tpu.concatenate %convert_element_type3A_1041, %convert_element_type3A_1042 in 1 : vector<1024x128xbf16>, vector<1024x128xbf16> -> vector<1024x256xbf16>
    %get3A_1044 = arith.constant 0 : index
    %get3A_1045 = arith.constant 0 : index
    %get3A_1046 = vector.load %arg8[%get3A_1044, %get3A_1045] : memref<256x256xbf16, #tpu.memory_space<vmem>>, vector<256x256xbf16>
    %dot_general3A_1047 = arith.constant dense<0.000000e+00> : vector<1024x256xf32>
    %dot_general3A_1048 = tpu.matmul %concatenate3A_1043, %get3A_1046, %dot_general3A_1047 {dimension_numbers = #tpu.dot_dimension_numbers<[1], [0], [0], [1], [0, 0, 1, 1], [], []>, transpose_lhs_hint = false} : vector<1024x256xbf16>, vector<256x256xbf16>, vector<1024x256xf32> -> vector<1024x256xf32>
    %get3A_1049 = arith.constant 0 : index
    %get3A_1050 = arith.constant 0 : index
    %get3A_1051 = vector.load %arg11[%get3A_1049, %get3A_1050] : memref<1x256xf32, #tpu.memory_space<vmem>>, vector<1x256xf32>
    %add3A_1052 = vector.broadcast %get3A_1051 : vector<1x256xf32> to vector<1024x256xf32>
    %add3A_1053 = arith.addf %dot_general3A_1048, %add3A_1052 : vector<1024x256xf32>
    %get3A_1054 = arith.constant 0 : index
    %get3A_1055 = arith.constant 0 : index
    %get3A_1056 = vector.load %arg9[%get3A_1054, %get3A_1055] : memref<128x128xbf16, #tpu.memory_space<vmem>>, vector<128x128xbf16>
    %dot_general3A_1057 = arith.constant dense<0.000000e+00> : vector<1024x128xf32>
    %dot_general3A_1058 = tpu.matmul %convert_element_type3A_1041, %get3A_1056, %dot_general3A_1057 {dimension_numbers = #tpu.dot_dimension_numbers<[1], [0], [0], [1], [0, 0, 1, 1], [], []>, transpose_lhs_hint = false} : vector<1024x128xbf16>, vector<128x128xbf16>, vector<1024x128xf32> -> vector<1024x128xf32>
    %get3A_1059 = arith.constant 0 : index
    %get3A_1060 = arith.constant 0 : index
    %get3A_1061 = vector.load %arg12[%get3A_1059, %get3A_1060] : memref<1x128xf32, #tpu.memory_space<vmem>>, vector<1x128xf32>
    %add3A_1062 = vector.broadcast %get3A_1061 : vector<1x128xf32> to vector<1024x128xf32>
    %add3A_1063 = arith.addf %dot_general3A_1058, %add3A_1062 : vector<1024x128xf32>
    %get3A_1064 = arith.constant 0 : index
    %get3A_1065 = arith.constant 0 : index
    %get3A_1066 = vector.load %arg10[%get3A_1064, %get3A_1065] : memref<128x128xbf16, #tpu.memory_space<vmem>>, vector<128x128xbf16>
    %dot_general3A_1067 = arith.constant dense<0.000000e+00> : vector<1024x128xf32>
    %dot_general3A_1068 = tpu.matmul %convert_element_type3A_1042, %get3A_1066, %dot_general3A_1067 {dimension_numbers = #tpu.dot_dimension_numbers<[1], [0], [0], [1], [0, 0, 1, 1], [], []>, transpose_lhs_hint = false} : vector<1024x128xbf16>, vector<128x128xbf16>, vector<1024x128xf32> -> vector<1024x128xf32>
    %get3A_1069 = arith.constant 0 : index
    %get3A_1070 = arith.constant 0 : index
    %get3A_1071 = vector.load %arg13[%get3A_1069, %get3A_1070] : memref<1x128xf32, #tpu.memory_space<vmem>>, vector<1x128xf32>
    %add3A_1072 = vector.broadcast %get3A_1071 : vector<1x128xf32> to vector<1024x128xf32>
    %add3A_1073 = arith.addf %dot_general3A_1068, %add3A_1072 : vector<1024x128xf32>
    %slice3A_1074 = vector.extract_strided_slice %add3A_1053 {offsets = [0, 0], sizes = [1024, 128], strides = [1, 1]} : vector<1024x256xf32> to vector<1024x128xf32>
    %tanh3A_1075 = math.tanh %slice3A_1074 : vector<1024x128xf32>
    %slice3A_1076 = vector.extract_strided_slice %add3A_1053 {offsets = [0, 128], sizes = [1024, 128], strides = [1, 1]} : vector<1024x256xf32> to vector<1024x128xf32>
    %tanh3A_1077 = math.tanh %slice3A_1076 : vector<1024x128xf32>
    %add3A_1078 = arith.constant 1.000000e+00 : f32
    %add3A_1079 = vector.broadcast %add3A_1078 : f32 to vector<1024x128xf32>
    %add3A_1080 = arith.addf %tanh3A_1075, %add3A_1079 : vector<1024x128xf32>
    %mul3A_1081 = arith.mulf %add3A_1073, %add3A_1080 : vector<1024x128xf32>
    %add3A_1082 = arith.addf %add3A_1063, %mul3A_1081 : vector<1024x128xf32>
    %tanh3A_1083 = math.tanh %add3A_1082 : vector<1024x128xf32>
    %add3A_1084 = arith.addf %select_n3A_955, %tanh3A_1083 : vector<1024x128xf32>
    %sub3A_1085 = arith.subf %select_n3A_955, %tanh3A_1083 : vector<1024x128xf32>
    %mul3A_1086 = arith.mulf %tanh3A_1077, %sub3A_1085 : vector<1024x128xf32>
    %add3A_1087 = arith.addf %add3A_1084, %mul3A_1086 : vector<1024x128xf32>
    %mul3A_1088 = arith.constant 5.000000e-01 : f32
    %mul3A_1089 = vector.broadcast %mul3A_1088 : f32 to vector<1024x128xf32>
    %mul3A_1090 = arith.mulf %mul3A_1089, %add3A_1087 : vector<1024x128xf32>
    %broadcast_in_dim3A_1091 = vector.shape_cast %gt3A_977 : vector<1024x1xi1> to vector<1024x1xi1>
    %broadcast_in_dim3A_1092 = vector.broadcast %broadcast_in_dim3A_1091 : vector<1024x1xi1> to vector<1024x128xi1>
    %select_n3A_1093 = arith.select %broadcast_in_dim3A_1092, %mul3A_1090, %select_n3A_955 : vector<1024x128xi1>, vector<1024x128xf32>
    %jit3A_1094 = arith.constant 0.000000e+00 : f32
    %broadcast_in_dim3A_1095 = vector.shape_cast %gt3A_977 : vector<1024x1xi1> to vector<1024x1xi1>
    %broadcast_in_dim3A_1096 = vector.broadcast %broadcast_in_dim3A_1095 : vector<1024x1xi1> to vector<1024x128xi1>
    %broadcast_in_dim3A_1097 = vector.broadcast %jit3A_1094 : f32 to vector<1024x128xf32>
    %select_n3A_1098 = arith.select %broadcast_in_dim3A_1096, %mul3A_1090, %broadcast_in_dim3A_1097 : vector<1024x128xi1>, vector<1024x128xf32>
    %swap3A_1099 = arith.constant 7 : index
    %swap3A_1100 = arith.constant 0 : index
    %swap3A_1101 = arith.constant 0 : index
    %swap3A_1102 = vector.load %arg17[%swap3A_1099, %swap3A_1100, %swap3A_1101] : memref<8x1024x128xf32, #tpu.memory_space<vmem>>, vector<1x1024x128xf32>
    %swap3A_1103 = vector.shape_cast %swap3A_1102 : vector<1x1024x128xf32> to vector<1024x128xf32>
    %swap3A_1104 = vector.shape_cast %select_n3A_1098 : vector<1024x128xf32> to vector<1x1024x128xf32>
    tpu.vector_store %arg17[%swap3A_1099, %swap3A_1100, %swap3A_1101], %swap3A_1104 {strides = array<i32>} : memref<8x1024x128xf32, #tpu.memory_space<vmem>>, vector<1x1024x128xf32>,
    %swap3A_1105 = arith.constant 0 : index
    %swap3A_1106 = arith.constant 0 : index
    %swap3A_1107 = vector.load %arg18[%swap3A_1105, %swap3A_1106] : memref<1024x128xf32, #tpu.memory_space<vmem>>, vector<1024x128xf32>
    tpu.vector_store %arg18[%swap3A_1105, %swap3A_1106], %select_n3A_1035 {strides = array<i32>} : memref<1024x128xf32, #tpu.memory_space<vmem>>, vector<1024x128xf32>,
    %swap3A_1108 = arith.constant 0 : index
    %swap3A_1109 = arith.constant 0 : index
    %swap3A_1110 = vector.load %arg19[%swap3A_1108, %swap3A_1109] : memref<1024x128xf32, #tpu.memory_space<vmem>>, vector<1024x128xf32>
    tpu.vector_store %arg19[%swap3A_1108, %swap3A_1109], %select_n3A_1093 {strides = array<i32>} : memref<1024x128xf32, #tpu.memory_space<vmem>>, vector<1024x128xf32>,
    return
  }
  func.func @transform_0(%arg0: i32) -> (i32, i32) {
    %c0_i32 = arith.constant 0 : i32
    %c0_i32_0 = arith.constant 0 : i32
    %c0_i32_1 = arith.constant 0 : i32
    return %c0_i32, %c0_i32_0 : i32, i32
  }
  func.func @transform_1(%arg0: i32) -> (i32, i32) {
    %c0_i32 = arith.constant 0 : i32
    %c0_i32_0 = arith.constant 0 : i32
    %c0_i32_1 = arith.constant 0 : i32
    return %c0_i32, %c0_i32_0 : i32, i32
  }
  func.func @transform_2(%arg0: i32) -> (i32, i32) {
    %c0_i32 = arith.constant 0 : i32
    %c0_i32_0 = arith.constant 0 : i32
    %c0_i32_1 = arith.constant 0 : i32
    return %c0_i32, %c0_i32_0 : i32, i32
  }
  func.func @transform_3(%arg0: i32) -> (i32, i32) {
    %c0_i32 = arith.constant 0 : i32
    %c0_i32_0 = arith.constant 0 : i32
    %c0_i32_1 = arith.constant 0 : i32
    return %c0_i32, %c0_i32_0 : i32, i32
  }
  func.func @transform_4(%arg0: i32) -> (i32, i32) {
    %c0_i32 = arith.constant 0 : i32
    %c0_i32_0 = arith.constant 0 : i32
    %c0_i32_1 = arith.constant 0 : i32
    return %c0_i32, %c0_i32_0 : i32, i32
  }
  func.func @transform_5(%arg0: i32) -> (i32, i32) {
    %c0_i32 = arith.constant 0 : i32
    %c0_i32_0 = arith.constant 0 : i32
    %c0_i32_1 = arith.constant 0 : i32
    return %c0_i32, %c0_i32_0 : i32, i32
  }
  func.func @transform_6(%arg0: i32) -> (i32, i32) {
    %c0_i32 = arith.constant 0 : i32
    %c0_i32_0 = arith.constant 0 : i32
    %c0_i32_1 = arith.constant 0 : i32
    return %c0_i32, %c0_i32_0 : i32, i32
  }
  func.func @transform_7(%arg0: i32) -> (i32, i32) {
    %c0_i32 = arith.constant 0 : i32
    %c0_i32_0 = arith.constant 0 : i32
    %c0_i32_1 = arith.constant 0 : i32
    return %c0_i32, %c0_i32_0 : i32, i32
  }
  func.func @transform_8(%arg0: i32) -> (i32, i32) {
    %c0_i32 = arith.constant 0 : i32
    %c0_i32_0 = arith.constant 0 : i32
    %c0_i32_1 = arith.constant 0 : i32
    return %c0_i32, %c0_i32_0 : i32, i32
  }
  func.func @transform_9(%arg0: i32) -> (i32, i32) {
    %c0_i32 = arith.constant 0 : i32
    %c0_i32_0 = arith.constant 0 : i32
    %c0_i32_1 = arith.constant 0 : i32
    return %c0_i32, %c0_i32_0 : i32, i32
  }
  func.func @transform_10(%arg0: i32) -> (i32, i32) {
    %c0_i32 = arith.constant 0 : i32
    %c0_i32_0 = arith.constant 0 : i32
    %c0_i32_1 = arith.constant 0 : i32
    return %c0_i32, %c0_i32_0 : i32, i32
  }
  func.func @transform_11(%arg0: i32) -> (i32, i32) {
    %c0_i32 = arith.constant 0 : i32
    %c0_i32_0 = arith.constant 0 : i32
    %c0_i32_1 = arith.constant 0 : i32
    return %c0_i32, %c0_i32_0 : i32, i32
  }
  func.func @transform_12(%arg0: i32) -> (i32, i32) {
    %c0_i32 = arith.constant 0 : i32
    %c0_i32_0 = arith.constant 0 : i32
    %c0_i32_1 = arith.constant 0 : i32
    return %c0_i32, %c0_i32_0 : i32, i32
  }
  func.func @transform_13(%arg0: i32) -> (i32, i32) {
    %c0_i32 = arith.constant 0 : i32
    %c0_i32_0 = arith.constant 0 : i32
    %c0_i32_1 = arith.constant 0 : i32
    return %c0_i32, %c0_i32_0 : i32, i32
  }
  func.func @transform_14(%arg0: i32) -> (i32, i32) {
    %c0_i32 = arith.constant 0 : i32
    %c0_i32_0 = arith.constant 0 : i32
    %c0_i32_1 = arith.constant 0 : i32
    return %c0_i32, %c0_i32_0 : i32, i32
  }
  func.func @transform_15(%arg0: i32) -> (i32, i32, i32) {
    %c0_i32 = arith.constant 0 : i32
    %c0_i32_0 = arith.constant 0 : i32
    %c0_i32_1 = arith.constant 0 : i32
    return %arg0, %c0_i32, %c0_i32_0 : i32, i32, i32
  }
  func.func @transform_16(%arg0: i32) -> (i32, i32, i32) {
    %add3A = arith.constant 0 : i32
    %add3A_0 = arith.addi %arg0, %add3A : i32
    %c0_i32 = arith.constant 0 : i32
    %c0_i32_1 = arith.constant 0 : i32
    %c0_i32_2 = arith.constant 0 : i32
    return %add3A_0, %c0_i32, %c0_i32_1 : i32, i32, i32
  }
  func.func @transform_17(%arg0: i32) -> (i32, i32) {
    %c0_i32 = arith.constant 0 : i32
    %c0_i32_0 = arith.constant 0 : i32
    %c0_i32_1 = arith.constant 0 : i32
    return %c0_i32, %c0_i32_0 : i32, i32
  }
  func.func @transform_18(%arg0: i32) -> (i32, i32) {
    %c0_i32 = arith.constant 0 : i32
    %c0_i32_0 = arith.constant 0 : i32
    %c0_i32_1 = arith.constant 0 : i32
    return %c0_i32, %c0_i32_0 : i32, i32
  }
}

module attributes {stable_mosaic.version = 14 : i64} {
  func.func @body(%arg0: i32, %arg1: memref<1024x1xi32, #tpu.memory_space<vmem>>, %arg2: memref<256x256xbf16, #tpu.memory_space<vmem>>, %arg3: memref<128x128xbf16, #tpu.memory_space<vmem>>, %arg4: memref<128x128xbf16, #tpu.memory_space<vmem>>, %arg5: memref<1x256xf32, #tpu.memory_space<vmem>>, %arg6: memref<1x128xf32, #tpu.memory_space<vmem>>, %arg7: memref<1x128xf32, #tpu.memory_space<vmem>>, %arg8: memref<256x256xbf16, #tpu.memory_space<vmem>>, %arg9: memref<128x128xbf16, #tpu.memory_space<vmem>>, %arg10: memref<128x128xbf16, #tpu.memory_space<vmem>>, %arg11: memref<1x256xf32, #tpu.memory_space<vmem>>, %arg12: memref<1x128xf32, #tpu.memory_space<vmem>>, %arg13: memref<1x128xf32, #tpu.memory_space<vmem>>, %arg14: memref<1024x128xf32, #tpu.memory_space<vmem>>, %arg15: memref<1024x128xf32, #tpu.memory_space<vmem>>, %arg16: memref<8x1024x128xf32, #tpu.memory_space<vmem>>, %arg17: memref<200x1024x128xf32, #tpu.memory_space<any>>, %arg18: memref<8x1024x128xf32, #tpu.memory_space<vmem>>, %arg19: memref<1024x128xf32, #tpu.memory_space<vmem>>, %arg20: memref<1024x128xf32, #tpu.memory_space<vmem>>) attributes {dimension_semantics = [#tpu.dimension_semantics<arbitrary>], iteration_bounds = array<i64: 11>, scalar_prefetch = 0 : i64, scratch_operands = 0 : i64, tpu.core_type = #tpu.core_type<tc>, window_params = [{pipeline_mode = #tpu.pipeline_mode<synchronous>, transform_indices = @transform_0, window_bounds = array<i64: 1024, 1>}, {pipeline_mode = #tpu.pipeline_mode<synchronous>, transform_indices = @transform_1, window_bounds = array<i64: 256, 256>}, {pipeline_mode = #tpu.pipeline_mode<synchronous>, transform_indices = @transform_2, window_bounds = array<i64: 128, 128>}, {pipeline_mode = #tpu.pipeline_mode<synchronous>, transform_indices = @transform_3, window_bounds = array<i64: 128, 128>}, {pipeline_mode = #tpu.pipeline_mode<synchronous>, transform_indices = @transform_4, window_bounds = array<i64: 1, 256>}, {pipeline_mode = #tpu.pipeline_mode<synchronous>, transform_indices = @transform_5, window_bounds = array<i64: 1, 128>}, {pipeline_mode = #tpu.pipeline_mode<synchronous>, transform_indices = @transform_6, window_bounds = array<i64: 1, 128>}, {pipeline_mode = #tpu.pipeline_mode<synchronous>, transform_indices = @transform_7, window_bounds = array<i64: 256, 256>}, {pipeline_mode = #tpu.pipeline_mode<synchronous>, transform_indices = @transform_8, window_bounds = array<i64: 128, 128>}, {pipeline_mode = #tpu.pipeline_mode<synchronous>, transform_indices = @transform_9, window_bounds = array<i64: 128, 128>}, {pipeline_mode = #tpu.pipeline_mode<synchronous>, transform_indices = @transform_10, window_bounds = array<i64: 1, 256>}, {pipeline_mode = #tpu.pipeline_mode<synchronous>, transform_indices = @transform_11, window_bounds = array<i64: 1, 128>}, {pipeline_mode = #tpu.pipeline_mode<synchronous>, transform_indices = @transform_12, window_bounds = array<i64: 1, 128>}, {pipeline_mode = #tpu.pipeline_mode<synchronous>, transform_indices = @transform_13, window_bounds = array<i64: 1024, 128>}, {pipeline_mode = #tpu.pipeline_mode<synchronous>, transform_indices = @transform_14, window_bounds = array<i64: 1024, 128>}, {transform_indices = @transform_15, window_bounds = array<i64: 8, 1024, 128>}, {}, {transform_indices = @transform_17, window_bounds = array<i64: 8, 1024, 128>}, {pipeline_mode = #tpu.pipeline_mode<synchronous>, transform_indices = @transform_18, window_bounds = array<i64: 1024, 128>}, {pipeline_mode = #tpu.pipeline_mode<synchronous>, transform_indices = @transform_19, window_bounds = array<i64: 1024, 128>}]} {
    %eq3A = arith.constant 0 : i32
    %eq3A_0 = arith.cmpi eq, %arg0, %eq3A : i32
    %get3A = arith.constant 0 : index
    %get3A_1 = arith.constant 0 : index
    %get3A_2 = vector.load %arg14[%get3A, %get3A_1] : memref<1024x128xf32, #tpu.memory_space<vmem>>, vector<1024x128xf32>
    %get3A_3 = arith.constant 0 : index
    %get3A_4 = arith.constant 0 : index
    %get3A_5 = vector.load %arg19[%get3A_3, %get3A_4] : memref<1024x128xf32, #tpu.memory_space<vmem>>, vector<1024x128xf32>
    %select_n3A = arith.select %eq3A_0, %get3A_2, %get3A_5 : vector<1024x128xf32>
    %get3A_6 = arith.constant 0 : index
    %get3A_7 = arith.constant 0 : index
    %get3A_8 = vector.load %arg15[%get3A_6, %get3A_7] : memref<1024x128xf32, #tpu.memory_space<vmem>>, vector<1024x128xf32>
    %get3A_9 = arith.constant 0 : index
    %get3A_10 = arith.constant 0 : index
    %get3A_11 = vector.load %arg20[%get3A_9, %get3A_10] : memref<1024x128xf32, #tpu.memory_space<vmem>>, vector<1024x128xf32>
    %select_n3A_12 = arith.select %eq3A_0, %get3A_8, %get3A_11 : vector<1024x128xf32>
    %mul3A = arith.constant 8 : i32
    %mul3A_13 = arith.muli %arg0, %mul3A : i32
    %add3A = arith.constant 112 : i32
    %add3A_14 = arith.addi %add3A, %mul3A_13 : i32
    %add3A_15 = arith.constant 0 : i32
    %add3A_16 = arith.addi %add3A_14, %add3A_15 : i32
    %get3A_17 = arith.constant 0 : index
    %get3A_18 = arith.constant 0 : index
    %get3A_19 = vector.load %arg1[%get3A_17, %get3A_18] : memref<1024x1xi32, #tpu.memory_space<vmem>>, vector<1024x1xi32>
    %gt3A = vector.broadcast %add3A_16 : i32 to vector<1024x1xi32>
    %gt3A_20 = arith.cmpi sgt, %get3A_19, %gt3A : vector<1024x1xi32>
    %get3A_21 = arith.constant 0 : index
    %get3A_22 = arith.constant 0 : index
    %get3A_23 = arith.constant 0 : index
    %get3A_24 = vector.load %arg16[%get3A_21, %get3A_22, %get3A_23] : memref<8x1024x128xf32, #tpu.memory_space<vmem>>, vector<1x1024x128xf32>
    %get3A_25 = vector.shape_cast %get3A_24 : vector<1x1024x128xf32> to vector<1024x128xf32>
    %convert_element_type3A = arith.truncf %get3A_25 : vector<1024x128xf32> to vector<1024x128xbf16>
    %convert_element_type3A_26 = arith.truncf %select_n3A : vector<1024x128xf32> to vector<1024x128xbf16>
    %concatenate3A = tpu.concatenate %convert_element_type3A, %convert_element_type3A_26 in 1 : vector<1024x128xbf16>, vector<1024x128xbf16> -> vector<1024x256xbf16>
    %get3A_27 = arith.constant 0 : index
    %get3A_28 = arith.constant 0 : index
    %get3A_29 = vector.load %arg2[%get3A_27, %get3A_28] : memref<256x256xbf16, #tpu.memory_space<vmem>>, vector<256x256xbf16>
    %dot_general3A = arith.constant dense<0.000000e+00> : vector<1024x256xf32>
    %dot_general3A_30 = tpu.matmul %concatenate3A, %get3A_29, %dot_general3A {dimension_numbers = #tpu.dot_dimension_numbers<[1], [0], [0], [1], [0, 0, 1, 1], [], []>, transpose_lhs_hint = false} : vector<1024x256xbf16>, vector<256x256xbf16>, vector<1024x256xf32> -> vector<1024x256xf32>
    %get3A_31 = arith.constant 0 : index
    %get3A_32 = arith.constant 0 : index
    %get3A_33 = vector.load %arg5[%get3A_31, %get3A_32] : memref<1x256xf32, #tpu.memory_space<vmem>>, vector<1x256xf32>
    %add3A_34 = vector.broadcast %get3A_33 : vector<1x256xf32> to vector<1024x256xf32>
    %add3A_35 = arith.addf %dot_general3A_30, %add3A_34 : vector<1024x256xf32>
    %get3A_36 = arith.constant 0 : index
    %get3A_37 = arith.constant 0 : index
    %get3A_38 = vector.load %arg3[%get3A_36, %get3A_37] : memref<128x128xbf16, #tpu.memory_space<vmem>>, vector<128x128xbf16>
    %dot_general3A_39 = arith.constant dense<0.000000e+00> : vector<1024x128xf32>
    %dot_general3A_40 = tpu.matmul %convert_element_type3A, %get3A_38, %dot_general3A_39 {dimension_numbers = #tpu.dot_dimension_numbers<[1], [0], [0], [1], [0, 0, 1, 1], [], []>, transpose_lhs_hint = false} : vector<1024x128xbf16>, vector<128x128xbf16>, vector<1024x128xf32> -> vector<1024x128xf32>
    %get3A_41 = arith.constant 0 : index
    %get3A_42 = arith.constant 0 : index
    %get3A_43 = vector.load %arg6[%get3A_41, %get3A_42] : memref<1x128xf32, #tpu.memory_space<vmem>>, vector<1x128xf32>
    %add3A_44 = vector.broadcast %get3A_43 : vector<1x128xf32> to vector<1024x128xf32>
    %add3A_45 = arith.addf %dot_general3A_40, %add3A_44 : vector<1024x128xf32>
    %get3A_46 = arith.constant 0 : index
    %get3A_47 = arith.constant 0 : index
    %get3A_48 = vector.load %arg4[%get3A_46, %get3A_47] : memref<128x128xbf16, #tpu.memory_space<vmem>>, vector<128x128xbf16>
    %dot_general3A_49 = arith.constant dense<0.000000e+00> : vector<1024x128xf32>
    %dot_general3A_50 = tpu.matmul %convert_element_type3A_26, %get3A_48, %dot_general3A_49 {dimension_numbers = #tpu.dot_dimension_numbers<[1], [0], [0], [1], [0, 0, 1, 1], [], []>, transpose_lhs_hint = false} : vector<1024x128xbf16>, vector<128x128xbf16>, vector<1024x128xf32> -> vector<1024x128xf32>
    %get3A_51 = arith.constant 0 : index
    %get3A_52 = arith.constant 0 : index
    %get3A_53 = vector.load %arg7[%get3A_51, %get3A_52] : memref<1x128xf32, #tpu.memory_space<vmem>>, vector<1x128xf32>
    %add3A_54 = vector.broadcast %get3A_53 : vector<1x128xf32> to vector<1024x128xf32>
    %add3A_55 = arith.addf %dot_general3A_50, %add3A_54 : vector<1024x128xf32>
    %slice3A = vector.extract_strided_slice %add3A_35 {offsets = [0, 0], sizes = [1024, 128], strides = [1, 1]} : vector<1024x256xf32> to vector<1024x128xf32>
    %tanh3A = math.tanh %slice3A : vector<1024x128xf32>
    %slice3A_56 = vector.extract_strided_slice %add3A_35 {offsets = [0, 128], sizes = [1024, 128], strides = [1, 1]} : vector<1024x256xf32> to vector<1024x128xf32>
    %tanh3A_57 = math.tanh %slice3A_56 : vector<1024x128xf32>
    %add3A_58 = arith.constant 1.000000e+00 : f32
    %add3A_59 = vector.broadcast %add3A_58 : f32 to vector<1024x128xf32>
    %add3A_60 = arith.addf %tanh3A, %add3A_59 : vector<1024x128xf32>
    %mul3A_61 = arith.mulf %add3A_55, %add3A_60 : vector<1024x128xf32>
    %add3A_62 = arith.addf %add3A_45, %mul3A_61 : vector<1024x128xf32>
    %tanh3A_63 = math.tanh %add3A_62 : vector<1024x128xf32>
    %add3A_64 = arith.addf %select_n3A, %tanh3A_63 : vector<1024x128xf32>
    %sub3A = arith.subf %select_n3A, %tanh3A_63 : vector<1024x128xf32>
    %mul3A_65 = arith.mulf %tanh3A_57, %sub3A : vector<1024x128xf32>
    %add3A_66 = arith.addf %add3A_64, %mul3A_65 : vector<1024x128xf32>
    %mul3A_67 = arith.constant 5.000000e-01 : f32
    %mul3A_68 = vector.broadcast %mul3A_67 : f32 to vector<1024x128xf32>
    %mul3A_69 = arith.mulf %mul3A_68, %add3A_66 : vector<1024x128xf32>
    %broadcast_in_dim3A = vector.shape_cast %gt3A_20 : vector<1024x1xi1> to vector<1024x1xi1>
    %broadcast_in_dim3A_70 = vector.broadcast %broadcast_in_dim3A : vector<1024x1xi1> to vector<1024x128xi1>
    %select_n3A_71 = arith.select %broadcast_in_dim3A_70, %mul3A_69, %select_n3A : vector<1024x128xi1>, vector<1024x128xf32>
    %jit3A = arith.constant 0.000000e+00 : f32
    %broadcast_in_dim3A_72 = vector.shape_cast %gt3A_20 : vector<1024x1xi1> to vector<1024x1xi1>
    %broadcast_in_dim3A_73 = vector.broadcast %broadcast_in_dim3A_72 : vector<1024x1xi1> to vector<1024x128xi1>
    %broadcast_in_dim3A_74 = vector.broadcast %jit3A : f32 to vector<1024x128xf32>
    %select_n3A_75 = arith.select %broadcast_in_dim3A_73, %mul3A_69, %broadcast_in_dim3A_74 : vector<1024x128xi1>, vector<1024x128xf32>
    %convert_element_type3A_76 = arith.truncf %select_n3A_75 : vector<1024x128xf32> to vector<1024x128xbf16>
    %convert_element_type3A_77 = arith.truncf %select_n3A_12 : vector<1024x128xf32> to vector<1024x128xbf16>
    %concatenate3A_78 = tpu.concatenate %convert_element_type3A_76, %convert_element_type3A_77 in 1 : vector<1024x128xbf16>, vector<1024x128xbf16> -> vector<1024x256xbf16>
    %get3A_79 = arith.constant 0 : index
    %get3A_80 = arith.constant 0 : index
    %get3A_81 = vector.load %arg8[%get3A_79, %get3A_80] : memref<256x256xbf16, #tpu.memory_space<vmem>>, vector<256x256xbf16>
    %dot_general3A_82 = arith.constant dense<0.000000e+00> : vector<1024x256xf32>
    %dot_general3A_83 = tpu.matmul %concatenate3A_78, %get3A_81, %dot_general3A_82 {dimension_numbers = #tpu.dot_dimension_numbers<[1], [0], [0], [1], [0, 0, 1, 1], [], []>, transpose_lhs_hint = false} : vector<1024x256xbf16>, vector<256x256xbf16>, vector<1024x256xf32> -> vector<1024x256xf32>
    %get3A_84 = arith.constant 0 : index
    %get3A_85 = arith.constant 0 : index
    %get3A_86 = vector.load %arg11[%get3A_84, %get3A_85] : memref<1x256xf32, #tpu.memory_space<vmem>>, vector<1x256xf32>
    %add3A_87 = vector.broadcast %get3A_86 : vector<1x256xf32> to vector<1024x256xf32>
    %add3A_88 = arith.addf %dot_general3A_83, %add3A_87 : vector<1024x256xf32>
    %get3A_89 = arith.constant 0 : index
    %get3A_90 = arith.constant 0 : index
    %get3A_91 = vector.load %arg9[%get3A_89, %get3A_90] : memref<128x128xbf16, #tpu.memory_space<vmem>>, vector<128x128xbf16>
    %dot_general3A_92 = arith.constant dense<0.000000e+00> : vector<1024x128xf32>
    %dot_general3A_93 = tpu.matmul %convert_element_type3A_76, %get3A_91, %dot_general3A_92 {dimension_numbers = #tpu.dot_dimension_numbers<[1], [0], [0], [1], [0, 0, 1, 1], [], []>, transpose_lhs_hint = false} : vector<1024x128xbf16>, vector<128x128xbf16>, vector<1024x128xf32> -> vector<1024x128xf32>
    %get3A_94 = arith.constant 0 : index
    %get3A_95 = arith.constant 0 : index
    %get3A_96 = vector.load %arg12[%get3A_94, %get3A_95] : memref<1x128xf32, #tpu.memory_space<vmem>>, vector<1x128xf32>
    %add3A_97 = vector.broadcast %get3A_96 : vector<1x128xf32> to vector<1024x128xf32>
    %add3A_98 = arith.addf %dot_general3A_93, %add3A_97 : vector<1024x128xf32>
    %get3A_99 = arith.constant 0 : index
    %get3A_100 = arith.constant 0 : index
    %get3A_101 = vector.load %arg10[%get3A_99, %get3A_100] : memref<128x128xbf16, #tpu.memory_space<vmem>>, vector<128x128xbf16>
    %dot_general3A_102 = arith.constant dense<0.000000e+00> : vector<1024x128xf32>
    %dot_general3A_103 = tpu.matmul %convert_element_type3A_77, %get3A_101, %dot_general3A_102 {dimension_numbers = #tpu.dot_dimension_numbers<[1], [0], [0], [1], [0, 0, 1, 1], [], []>, transpose_lhs_hint = false} : vector<1024x128xbf16>, vector<128x128xbf16>, vector<1024x128xf32> -> vector<1024x128xf32>
    %get3A_104 = arith.constant 0 : index
    %get3A_105 = arith.constant 0 : index
    %get3A_106 = vector.load %arg13[%get3A_104, %get3A_105] : memref<1x128xf32, #tpu.memory_space<vmem>>, vector<1x128xf32>
    %add3A_107 = vector.broadcast %get3A_106 : vector<1x128xf32> to vector<1024x128xf32>
    %add3A_108 = arith.addf %dot_general3A_103, %add3A_107 : vector<1024x128xf32>
    %slice3A_109 = vector.extract_strided_slice %add3A_88 {offsets = [0, 0], sizes = [1024, 128], strides = [1, 1]} : vector<1024x256xf32> to vector<1024x128xf32>
    %tanh3A_110 = math.tanh %slice3A_109 : vector<1024x128xf32>
    %slice3A_111 = vector.extract_strided_slice %add3A_88 {offsets = [0, 128], sizes = [1024, 128], strides = [1, 1]} : vector<1024x256xf32> to vector<1024x128xf32>
    %tanh3A_112 = math.tanh %slice3A_111 : vector<1024x128xf32>
    %add3A_113 = arith.constant 1.000000e+00 : f32
    %add3A_114 = vector.broadcast %add3A_113 : f32 to vector<1024x128xf32>
    %add3A_115 = arith.addf %tanh3A_110, %add3A_114 : vector<1024x128xf32>
    %mul3A_116 = arith.mulf %add3A_108, %add3A_115 : vector<1024x128xf32>
    %add3A_117 = arith.addf %add3A_98, %mul3A_116 : vector<1024x128xf32>
    %tanh3A_118 = math.tanh %add3A_117 : vector<1024x128xf32>
    %add3A_119 = arith.addf %select_n3A_12, %tanh3A_118 : vector<1024x128xf32>
    %sub3A_120 = arith.subf %select_n3A_12, %tanh3A_118 : vector<1024x128xf32>
    %mul3A_121 = arith.mulf %tanh3A_112, %sub3A_120 : vector<1024x128xf32>
    %add3A_122 = arith.addf %add3A_119, %mul3A_121 : vector<1024x128xf32>
    %mul3A_123 = arith.constant 5.000000e-01 : f32
    %mul3A_124 = vector.broadcast %mul3A_123 : f32 to vector<1024x128xf32>
    %mul3A_125 = arith.mulf %mul3A_124, %add3A_122 : vector<1024x128xf32>
    %broadcast_in_dim3A_126 = vector.shape_cast %gt3A_20 : vector<1024x1xi1> to vector<1024x1xi1>
    %broadcast_in_dim3A_127 = vector.broadcast %broadcast_in_dim3A_126 : vector<1024x1xi1> to vector<1024x128xi1>
    %select_n3A_128 = arith.select %broadcast_in_dim3A_127, %mul3A_125, %select_n3A_12 : vector<1024x128xi1>, vector<1024x128xf32>
    %jit3A_129 = arith.constant 0.000000e+00 : f32
    %broadcast_in_dim3A_130 = vector.shape_cast %gt3A_20 : vector<1024x1xi1> to vector<1024x1xi1>
    %broadcast_in_dim3A_131 = vector.broadcast %broadcast_in_dim3A_130 : vector<1024x1xi1> to vector<1024x128xi1>
    %broadcast_in_dim3A_132 = vector.broadcast %jit3A_129 : f32 to vector<1024x128xf32>
    %select_n3A_133 = arith.select %broadcast_in_dim3A_131, %mul3A_125, %broadcast_in_dim3A_132 : vector<1024x128xi1>, vector<1024x128xf32>
    %swap3A = arith.constant 0 : index
    %swap3A_134 = arith.constant 0 : index
    %swap3A_135 = arith.constant 0 : index
    %swap3A_136 = vector.load %arg18[%swap3A, %swap3A_134, %swap3A_135] : memref<8x1024x128xf32, #tpu.memory_space<vmem>>, vector<1x1024x128xf32>
    %swap3A_137 = vector.shape_cast %swap3A_136 : vector<1x1024x128xf32> to vector<1024x128xf32>
    %swap3A_138 = vector.shape_cast %select_n3A_133 : vector<1024x128xf32> to vector<1x1024x128xf32>
    tpu.vector_store %arg18[%swap3A, %swap3A_134, %swap3A_135], %swap3A_138 {strides = array<i32>} : memref<8x1024x128xf32, #tpu.memory_space<vmem>>, vector<1x1024x128xf32>,
    %mul3A_139 = arith.constant 8 : i32
    %mul3A_140 = arith.muli %arg0, %mul3A_139 : i32
    %add3A_141 = arith.constant 112 : i32
    %add3A_142 = arith.addi %add3A_141, %mul3A_140 : i32
    %add3A_143 = arith.constant 1 : i32
    %add3A_144 = arith.addi %add3A_142, %add3A_143 : i32
    %get3A_145 = arith.constant 0 : index
    %get3A_146 = arith.constant 0 : index
    %get3A_147 = vector.load %arg1[%get3A_145, %get3A_146] : memref<1024x1xi32, #tpu.memory_space<vmem>>, vector<1024x1xi32>
    %gt3A_148 = vector.broadcast %add3A_144 : i32 to vector<1024x1xi32>
    %gt3A_149 = arith.cmpi sgt, %get3A_147, %gt3A_148 : vector<1024x1xi32>
    %get3A_150 = arith.constant 1 : index
    %get3A_151 = arith.constant 0 : index
    %get3A_152 = arith.constant 0 : index
    %get3A_153 = vector.load %arg16[%get3A_150, %get3A_151, %get3A_152] : memref<8x1024x128xf32, #tpu.memory_space<vmem>>, vector<1x1024x128xf32>
    %get3A_154 = vector.shape_cast %get3A_153 : vector<1x1024x128xf32> to vector<1024x128xf32>
    %convert_element_type3A_155 = arith.truncf %get3A_154 : vector<1024x128xf32> to vector<1024x128xbf16>
    %convert_element_type3A_156 = arith.truncf %select_n3A_71 : vector<1024x128xf32> to vector<1024x128xbf16>
    %concatenate3A_157 = tpu.concatenate %convert_element_type3A_155, %convert_element_type3A_156 in 1 : vector<1024x128xbf16>, vector<1024x128xbf16> -> vector<1024x256xbf16>
    %get3A_158 = arith.constant 0 : index
    %get3A_159 = arith.constant 0 : index
    %get3A_160 = vector.load %arg2[%get3A_158, %get3A_159] : memref<256x256xbf16, #tpu.memory_space<vmem>>, vector<256x256xbf16>
    %dot_general3A_161 = arith.constant dense<0.000000e+00> : vector<1024x256xf32>
    %dot_general3A_162 = tpu.matmul %concatenate3A_157, %get3A_160, %dot_general3A_161 {dimension_numbers = #tpu.dot_dimension_numbers<[1], [0], [0], [1], [0, 0, 1, 1], [], []>, transpose_lhs_hint = false} : vector<1024x256xbf16>, vector<256x256xbf16>, vector<1024x256xf32> -> vector<1024x256xf32>
    %get3A_163 = arith.constant 0 : index
    %get3A_164 = arith.constant 0 : index
    %get3A_165 = vector.load %arg5[%get3A_163, %get3A_164] : memref<1x256xf32, #tpu.memory_space<vmem>>, vector<1x256xf32>
    %add3A_166 = vector.broadcast %get3A_165 : vector<1x256xf32> to vector<1024x256xf32>
    %add3A_167 = arith.addf %dot_general3A_162, %add3A_166 : vector<1024x256xf32>
    %get3A_168 = arith.constant 0 : index
    %get3A_169 = arith.constant 0 : index
    %get3A_170 = vector.load %arg3[%get3A_168, %get3A_169] : memref<128x128xbf16, #tpu.memory_space<vmem>>, vector<128x128xbf16>
    %dot_general3A_171 = arith.constant dense<0.000000e+00> : vector<1024x128xf32>
    %dot_general3A_172 = tpu.matmul %convert_element_type3A_155, %get3A_170, %dot_general3A_171 {dimension_numbers = #tpu.dot_dimension_numbers<[1], [0], [0], [1], [0, 0, 1, 1], [], []>, transpose_lhs_hint = false} : vector<1024x128xbf16>, vector<128x128xbf16>, vector<1024x128xf32> -> vector<1024x128xf32>
    %get3A_173 = arith.constant 0 : index
    %get3A_174 = arith.constant 0 : index
    %get3A_175 = vector.load %arg6[%get3A_173, %get3A_174] : memref<1x128xf32, #tpu.memory_space<vmem>>, vector<1x128xf32>
    %add3A_176 = vector.broadcast %get3A_175 : vector<1x128xf32> to vector<1024x128xf32>
    %add3A_177 = arith.addf %dot_general3A_172, %add3A_176 : vector<1024x128xf32>
    %get3A_178 = arith.constant 0 : index
    %get3A_179 = arith.constant 0 : index
    %get3A_180 = vector.load %arg4[%get3A_178, %get3A_179] : memref<128x128xbf16, #tpu.memory_space<vmem>>, vector<128x128xbf16>
    %dot_general3A_181 = arith.constant dense<0.000000e+00> : vector<1024x128xf32>
    %dot_general3A_182 = tpu.matmul %convert_element_type3A_156, %get3A_180, %dot_general3A_181 {dimension_numbers = #tpu.dot_dimension_numbers<[1], [0], [0], [1], [0, 0, 1, 1], [], []>, transpose_lhs_hint = false} : vector<1024x128xbf16>, vector<128x128xbf16>, vector<1024x128xf32> -> vector<1024x128xf32>
    %get3A_183 = arith.constant 0 : index
    %get3A_184 = arith.constant 0 : index
    %get3A_185 = vector.load %arg7[%get3A_183, %get3A_184] : memref<1x128xf32, #tpu.memory_space<vmem>>, vector<1x128xf32>
    %add3A_186 = vector.broadcast %get3A_185 : vector<1x128xf32> to vector<1024x128xf32>
    %add3A_187 = arith.addf %dot_general3A_182, %add3A_186 : vector<1024x128xf32>
    %slice3A_188 = vector.extract_strided_slice %add3A_167 {offsets = [0, 0], sizes = [1024, 128], strides = [1, 1]} : vector<1024x256xf32> to vector<1024x128xf32>
    %tanh3A_189 = math.tanh %slice3A_188 : vector<1024x128xf32>
    %slice3A_190 = vector.extract_strided_slice %add3A_167 {offsets = [0, 128], sizes = [1024, 128], strides = [1, 1]} : vector<1024x256xf32> to vector<1024x128xf32>
    %tanh3A_191 = math.tanh %slice3A_190 : vector<1024x128xf32>
    %add3A_192 = arith.constant 1.000000e+00 : f32
    %add3A_193 = vector.broadcast %add3A_192 : f32 to vector<1024x128xf32>
    %add3A_194 = arith.addf %tanh3A_189, %add3A_193 : vector<1024x128xf32>
    %mul3A_195 = arith.mulf %add3A_187, %add3A_194 : vector<1024x128xf32>
    %add3A_196 = arith.addf %add3A_177, %mul3A_195 : vector<1024x128xf32>
    %tanh3A_197 = math.tanh %add3A_196 : vector<1024x128xf32>
    %add3A_198 = arith.addf %select_n3A_71, %tanh3A_197 : vector<1024x128xf32>
    %sub3A_199 = arith.subf %select_n3A_71, %tanh3A_197 : vector<1024x128xf32>
    %mul3A_200 = arith.mulf %tanh3A_191, %sub3A_199 : vector<1024x128xf32>
    %add3A_201 = arith.addf %add3A_198, %mul3A_200 : vector<1024x128xf32>
    %mul3A_202 = arith.constant 5.000000e-01 : f32
    %mul3A_203 = vector.broadcast %mul3A_202 : f32 to vector<1024x128xf32>
    %mul3A_204 = arith.mulf %mul3A_203, %add3A_201 : vector<1024x128xf32>
    %broadcast_in_dim3A_205 = vector.shape_cast %gt3A_149 : vector<1024x1xi1> to vector<1024x1xi1>
    %broadcast_in_dim3A_206 = vector.broadcast %broadcast_in_dim3A_205 : vector<1024x1xi1> to vector<1024x128xi1>
    %select_n3A_207 = arith.select %broadcast_in_dim3A_206, %mul3A_204, %select_n3A_71 : vector<1024x128xi1>, vector<1024x128xf32>
    %jit3A_208 = arith.constant 0.000000e+00 : f32
    %broadcast_in_dim3A_209 = vector.shape_cast %gt3A_149 : vector<1024x1xi1> to vector<1024x1xi1>
    %broadcast_in_dim3A_210 = vector.broadcast %broadcast_in_dim3A_209 : vector<1024x1xi1> to vector<1024x128xi1>
    %broadcast_in_dim3A_211 = vector.broadcast %jit3A_208 : f32 to vector<1024x128xf32>
    %select_n3A_212 = arith.select %broadcast_in_dim3A_210, %mul3A_204, %broadcast_in_dim3A_211 : vector<1024x128xi1>, vector<1024x128xf32>
    %convert_element_type3A_213 = arith.truncf %select_n3A_212 : vector<1024x128xf32> to vector<1024x128xbf16>
    %convert_element_type3A_214 = arith.truncf %select_n3A_128 : vector<1024x128xf32> to vector<1024x128xbf16>
    %concatenate3A_215 = tpu.concatenate %convert_element_type3A_213, %convert_element_type3A_214 in 1 : vector<1024x128xbf16>, vector<1024x128xbf16> -> vector<1024x256xbf16>
    %get3A_216 = arith.constant 0 : index
    %get3A_217 = arith.constant 0 : index
    %get3A_218 = vector.load %arg8[%get3A_216, %get3A_217] : memref<256x256xbf16, #tpu.memory_space<vmem>>, vector<256x256xbf16>
    %dot_general3A_219 = arith.constant dense<0.000000e+00> : vector<1024x256xf32>
    %dot_general3A_220 = tpu.matmul %concatenate3A_215, %get3A_218, %dot_general3A_219 {dimension_numbers = #tpu.dot_dimension_numbers<[1], [0], [0], [1], [0, 0, 1, 1], [], []>, transpose_lhs_hint = false} : vector<1024x256xbf16>, vector<256x256xbf16>, vector<1024x256xf32> -> vector<1024x256xf32>
    %get3A_221 = arith.constant 0 : index
    %get3A_222 = arith.constant 0 : index
    %get3A_223 = vector.load %arg11[%get3A_221, %get3A_222] : memref<1x256xf32, #tpu.memory_space<vmem>>, vector<1x256xf32>
    %add3A_224 = vector.broadcast %get3A_223 : vector<1x256xf32> to vector<1024x256xf32>
    %add3A_225 = arith.addf %dot_general3A_220, %add3A_224 : vector<1024x256xf32>
    %get3A_226 = arith.constant 0 : index
    %get3A_227 = arith.constant 0 : index
    %get3A_228 = vector.load %arg9[%get3A_226, %get3A_227] : memref<128x128xbf16, #tpu.memory_space<vmem>>, vector<128x128xbf16>
    %dot_general3A_229 = arith.constant dense<0.000000e+00> : vector<1024x128xf32>
    %dot_general3A_230 = tpu.matmul %convert_element_type3A_213, %get3A_228, %dot_general3A_229 {dimension_numbers = #tpu.dot_dimension_numbers<[1], [0], [0], [1], [0, 0, 1, 1], [], []>, transpose_lhs_hint = false} : vector<1024x128xbf16>, vector<128x128xbf16>, vector<1024x128xf32> -> vector<1024x128xf32>
    %get3A_231 = arith.constant 0 : index
    %get3A_232 = arith.constant 0 : index
    %get3A_233 = vector.load %arg12[%get3A_231, %get3A_232] : memref<1x128xf32, #tpu.memory_space<vmem>>, vector<1x128xf32>
    %add3A_234 = vector.broadcast %get3A_233 : vector<1x128xf32> to vector<1024x128xf32>
    %add3A_235 = arith.addf %dot_general3A_230, %add3A_234 : vector<1024x128xf32>
    %get3A_236 = arith.constant 0 : index
    %get3A_237 = arith.constant 0 : index
    %get3A_238 = vector.load %arg10[%get3A_236, %get3A_237] : memref<128x128xbf16, #tpu.memory_space<vmem>>, vector<128x128xbf16>
    %dot_general3A_239 = arith.constant dense<0.000000e+00> : vector<1024x128xf32>
    %dot_general3A_240 = tpu.matmul %convert_element_type3A_214, %get3A_238, %dot_general3A_239 {dimension_numbers = #tpu.dot_dimension_numbers<[1], [0], [0], [1], [0, 0, 1, 1], [], []>, transpose_lhs_hint = false} : vector<1024x128xbf16>, vector<128x128xbf16>, vector<1024x128xf32> -> vector<1024x128xf32>
    %get3A_241 = arith.constant 0 : index
    %get3A_242 = arith.constant 0 : index
    %get3A_243 = vector.load %arg13[%get3A_241, %get3A_242] : memref<1x128xf32, #tpu.memory_space<vmem>>, vector<1x128xf32>
    %add3A_244 = vector.broadcast %get3A_243 : vector<1x128xf32> to vector<1024x128xf32>
    %add3A_245 = arith.addf %dot_general3A_240, %add3A_244 : vector<1024x128xf32>
    %slice3A_246 = vector.extract_strided_slice %add3A_225 {offsets = [0, 0], sizes = [1024, 128], strides = [1, 1]} : vector<1024x256xf32> to vector<1024x128xf32>
    %tanh3A_247 = math.tanh %slice3A_246 : vector<1024x128xf32>
    %slice3A_248 = vector.extract_strided_slice %add3A_225 {offsets = [0, 128], sizes = [1024, 128], strides = [1, 1]} : vector<1024x256xf32> to vector<1024x128xf32>
    %tanh3A_249 = math.tanh %slice3A_248 : vector<1024x128xf32>
    %add3A_250 = arith.constant 1.000000e+00 : f32
    %add3A_251 = vector.broadcast %add3A_250 : f32 to vector<1024x128xf32>
    %add3A_252 = arith.addf %tanh3A_247, %add3A_251 : vector<1024x128xf32>
    %mul3A_253 = arith.mulf %add3A_245, %add3A_252 : vector<1024x128xf32>
    %add3A_254 = arith.addf %add3A_235, %mul3A_253 : vector<1024x128xf32>
    %tanh3A_255 = math.tanh %add3A_254 : vector<1024x128xf32>
    %add3A_256 = arith.addf %select_n3A_128, %tanh3A_255 : vector<1024x128xf32>
    %sub3A_257 = arith.subf %select_n3A_128, %tanh3A_255 : vector<1024x128xf32>
    %mul3A_258 = arith.mulf %tanh3A_249, %sub3A_257 : vector<1024x128xf32>
    %add3A_259 = arith.addf %add3A_256, %mul3A_258 : vector<1024x128xf32>
    %mul3A_260 = arith.constant 5.000000e-01 : f32
    %mul3A_261 = vector.broadcast %mul3A_260 : f32 to vector<1024x128xf32>
    %mul3A_262 = arith.mulf %mul3A_261, %add3A_259 : vector<1024x128xf32>
    %broadcast_in_dim3A_263 = vector.shape_cast %gt3A_149 : vector<1024x1xi1> to vector<1024x1xi1>
    %broadcast_in_dim3A_264 = vector.broadcast %broadcast_in_dim3A_263 : vector<1024x1xi1> to vector<1024x128xi1>
    %select_n3A_265 = arith.select %broadcast_in_dim3A_264, %mul3A_262, %select_n3A_128 : vector<1024x128xi1>, vector<1024x128xf32>
    %jit3A_266 = arith.constant 0.000000e+00 : f32
    %broadcast_in_dim3A_267 = vector.shape_cast %gt3A_149 : vector<1024x1xi1> to vector<1024x1xi1>
    %broadcast_in_dim3A_268 = vector.broadcast %broadcast_in_dim3A_267 : vector<1024x1xi1> to vector<1024x128xi1>
    %broadcast_in_dim3A_269 = vector.broadcast %jit3A_266 : f32 to vector<1024x128xf32>
    %select_n3A_270 = arith.select %broadcast_in_dim3A_268, %mul3A_262, %broadcast_in_dim3A_269 : vector<1024x128xi1>, vector<1024x128xf32>
    %swap3A_271 = arith.constant 1 : index
    %swap3A_272 = arith.constant 0 : index
    %swap3A_273 = arith.constant 0 : index
    %swap3A_274 = vector.load %arg18[%swap3A_271, %swap3A_272, %swap3A_273] : memref<8x1024x128xf32, #tpu.memory_space<vmem>>, vector<1x1024x128xf32>
    %swap3A_275 = vector.shape_cast %swap3A_274 : vector<1x1024x128xf32> to vector<1024x128xf32>
    %swap3A_276 = vector.shape_cast %select_n3A_270 : vector<1024x128xf32> to vector<1x1024x128xf32>
    tpu.vector_store %arg18[%swap3A_271, %swap3A_272, %swap3A_273], %swap3A_276 {strides = array<i32>} : memref<8x1024x128xf32, #tpu.memory_space<vmem>>, vector<1x1024x128xf32>,
    %mul3A_277 = arith.constant 8 : i32
    %mul3A_278 = arith.muli %arg0, %mul3A_277 : i32
    %add3A_279 = arith.constant 112 : i32
    %add3A_280 = arith.addi %add3A_279, %mul3A_278 : i32
    %add3A_281 = arith.constant 2 : i32
    %add3A_282 = arith.addi %add3A_280, %add3A_281 : i32
    %get3A_283 = arith.constant 0 : index
    %get3A_284 = arith.constant 0 : index
    %get3A_285 = vector.load %arg1[%get3A_283, %get3A_284] : memref<1024x1xi32, #tpu.memory_space<vmem>>, vector<1024x1xi32>
    %gt3A_286 = vector.broadcast %add3A_282 : i32 to vector<1024x1xi32>
    %gt3A_287 = arith.cmpi sgt, %get3A_285, %gt3A_286 : vector<1024x1xi32>
    %get3A_288 = arith.constant 2 : index
    %get3A_289 = arith.constant 0 : index
    %get3A_290 = arith.constant 0 : index
    %get3A_291 = vector.load %arg16[%get3A_288, %get3A_289, %get3A_290] : memref<8x1024x128xf32, #tpu.memory_space<vmem>>, vector<1x1024x128xf32>
    %get3A_292 = vector.shape_cast %get3A_291 : vector<1x1024x128xf32> to vector<1024x128xf32>
    %convert_element_type3A_293 = arith.truncf %get3A_292 : vector<1024x128xf32> to vector<1024x128xbf16>
    %convert_element_type3A_294 = arith.truncf %select_n3A_207 : vector<1024x128xf32> to vector<1024x128xbf16>
    %concatenate3A_295 = tpu.concatenate %convert_element_type3A_293, %convert_element_type3A_294 in 1 : vector<1024x128xbf16>, vector<1024x128xbf16> -> vector<1024x256xbf16>
    %get3A_296 = arith.constant 0 : index
    %get3A_297 = arith.constant 0 : index
    %get3A_298 = vector.load %arg2[%get3A_296, %get3A_297] : memref<256x256xbf16, #tpu.memory_space<vmem>>, vector<256x256xbf16>
    %dot_general3A_299 = arith.constant dense<0.000000e+00> : vector<1024x256xf32>
    %dot_general3A_300 = tpu.matmul %concatenate3A_295, %get3A_298, %dot_general3A_299 {dimension_numbers = #tpu.dot_dimension_numbers<[1], [0], [0], [1], [0, 0, 1, 1], [], []>, transpose_lhs_hint = false} : vector<1024x256xbf16>, vector<256x256xbf16>, vector<1024x256xf32> -> vector<1024x256xf32>
    %get3A_301 = arith.constant 0 : index
    %get3A_302 = arith.constant 0 : index
    %get3A_303 = vector.load %arg5[%get3A_301, %get3A_302] : memref<1x256xf32, #tpu.memory_space<vmem>>, vector<1x256xf32>
    %add3A_304 = vector.broadcast %get3A_303 : vector<1x256xf32> to vector<1024x256xf32>
    %add3A_305 = arith.addf %dot_general3A_300, %add3A_304 : vector<1024x256xf32>
    %get3A_306 = arith.constant 0 : index
    %get3A_307 = arith.constant 0 : index
    %get3A_308 = vector.load %arg3[%get3A_306, %get3A_307] : memref<128x128xbf16, #tpu.memory_space<vmem>>, vector<128x128xbf16>
    %dot_general3A_309 = arith.constant dense<0.000000e+00> : vector<1024x128xf32>
    %dot_general3A_310 = tpu.matmul %convert_element_type3A_293, %get3A_308, %dot_general3A_309 {dimension_numbers = #tpu.dot_dimension_numbers<[1], [0], [0], [1], [0, 0, 1, 1], [], []>, transpose_lhs_hint = false} : vector<1024x128xbf16>, vector<128x128xbf16>, vector<1024x128xf32> -> vector<1024x128xf32>
    %get3A_311 = arith.constant 0 : index
    %get3A_312 = arith.constant 0 : index
    %get3A_313 = vector.load %arg6[%get3A_311, %get3A_312] : memref<1x128xf32, #tpu.memory_space<vmem>>, vector<1x128xf32>
    %add3A_314 = vector.broadcast %get3A_313 : vector<1x128xf32> to vector<1024x128xf32>
    %add3A_315 = arith.addf %dot_general3A_310, %add3A_314 : vector<1024x128xf32>
    %get3A_316 = arith.constant 0 : index
    %get3A_317 = arith.constant 0 : index
    %get3A_318 = vector.load %arg4[%get3A_316, %get3A_317] : memref<128x128xbf16, #tpu.memory_space<vmem>>, vector<128x128xbf16>
    %dot_general3A_319 = arith.constant dense<0.000000e+00> : vector<1024x128xf32>
    %dot_general3A_320 = tpu.matmul %convert_element_type3A_294, %get3A_318, %dot_general3A_319 {dimension_numbers = #tpu.dot_dimension_numbers<[1], [0], [0], [1], [0, 0, 1, 1], [], []>, transpose_lhs_hint = false} : vector<1024x128xbf16>, vector<128x128xbf16>, vector<1024x128xf32> -> vector<1024x128xf32>
    %get3A_321 = arith.constant 0 : index
    %get3A_322 = arith.constant 0 : index
    %get3A_323 = vector.load %arg7[%get3A_321, %get3A_322] : memref<1x128xf32, #tpu.memory_space<vmem>>, vector<1x128xf32>
    %add3A_324 = vector.broadcast %get3A_323 : vector<1x128xf32> to vector<1024x128xf32>
    %add3A_325 = arith.addf %dot_general3A_320, %add3A_324 : vector<1024x128xf32>
    %slice3A_326 = vector.extract_strided_slice %add3A_305 {offsets = [0, 0], sizes = [1024, 128], strides = [1, 1]} : vector<1024x256xf32> to vector<1024x128xf32>
    %tanh3A_327 = math.tanh %slice3A_326 : vector<1024x128xf32>
    %slice3A_328 = vector.extract_strided_slice %add3A_305 {offsets = [0, 128], sizes = [1024, 128], strides = [1, 1]} : vector<1024x256xf32> to vector<1024x128xf32>
    %tanh3A_329 = math.tanh %slice3A_328 : vector<1024x128xf32>
    %add3A_330 = arith.constant 1.000000e+00 : f32
    %add3A_331 = vector.broadcast %add3A_330 : f32 to vector<1024x128xf32>
    %add3A_332 = arith.addf %tanh3A_327, %add3A_331 : vector<1024x128xf32>
    %mul3A_333 = arith.mulf %add3A_325, %add3A_332 : vector<1024x128xf32>
    %add3A_334 = arith.addf %add3A_315, %mul3A_333 : vector<1024x128xf32>
    %tanh3A_335 = math.tanh %add3A_334 : vector<1024x128xf32>
    %add3A_336 = arith.addf %select_n3A_207, %tanh3A_335 : vector<1024x128xf32>
    %sub3A_337 = arith.subf %select_n3A_207, %tanh3A_335 : vector<1024x128xf32>
    %mul3A_338 = arith.mulf %tanh3A_329, %sub3A_337 : vector<1024x128xf32>
    %add3A_339 = arith.addf %add3A_336, %mul3A_338 : vector<1024x128xf32>
    %mul3A_340 = arith.constant 5.000000e-01 : f32
    %mul3A_341 = vector.broadcast %mul3A_340 : f32 to vector<1024x128xf32>
    %mul3A_342 = arith.mulf %mul3A_341, %add3A_339 : vector<1024x128xf32>
    %broadcast_in_dim3A_343 = vector.shape_cast %gt3A_287 : vector<1024x1xi1> to vector<1024x1xi1>
    %broadcast_in_dim3A_344 = vector.broadcast %broadcast_in_dim3A_343 : vector<1024x1xi1> to vector<1024x128xi1>
    %select_n3A_345 = arith.select %broadcast_in_dim3A_344, %mul3A_342, %select_n3A_207 : vector<1024x128xi1>, vector<1024x128xf32>
    %jit3A_346 = arith.constant 0.000000e+00 : f32
    %broadcast_in_dim3A_347 = vector.shape_cast %gt3A_287 : vector<1024x1xi1> to vector<1024x1xi1>
    %broadcast_in_dim3A_348 = vector.broadcast %broadcast_in_dim3A_347 : vector<1024x1xi1> to vector<1024x128xi1>
    %broadcast_in_dim3A_349 = vector.broadcast %jit3A_346 : f32 to vector<1024x128xf32>
    %select_n3A_350 = arith.select %broadcast_in_dim3A_348, %mul3A_342, %broadcast_in_dim3A_349 : vector<1024x128xi1>, vector<1024x128xf32>
    %convert_element_type3A_351 = arith.truncf %select_n3A_350 : vector<1024x128xf32> to vector<1024x128xbf16>
    %convert_element_type3A_352 = arith.truncf %select_n3A_265 : vector<1024x128xf32> to vector<1024x128xbf16>
    %concatenate3A_353 = tpu.concatenate %convert_element_type3A_351, %convert_element_type3A_352 in 1 : vector<1024x128xbf16>, vector<1024x128xbf16> -> vector<1024x256xbf16>
    %get3A_354 = arith.constant 0 : index
    %get3A_355 = arith.constant 0 : index
    %get3A_356 = vector.load %arg8[%get3A_354, %get3A_355] : memref<256x256xbf16, #tpu.memory_space<vmem>>, vector<256x256xbf16>
    %dot_general3A_357 = arith.constant dense<0.000000e+00> : vector<1024x256xf32>
    %dot_general3A_358 = tpu.matmul %concatenate3A_353, %get3A_356, %dot_general3A_357 {dimension_numbers = #tpu.dot_dimension_numbers<[1], [0], [0], [1], [0, 0, 1, 1], [], []>, transpose_lhs_hint = false} : vector<1024x256xbf16>, vector<256x256xbf16>, vector<1024x256xf32> -> vector<1024x256xf32>
    %get3A_359 = arith.constant 0 : index
    %get3A_360 = arith.constant 0 : index
    %get3A_361 = vector.load %arg11[%get3A_359, %get3A_360] : memref<1x256xf32, #tpu.memory_space<vmem>>, vector<1x256xf32>
    %add3A_362 = vector.broadcast %get3A_361 : vector<1x256xf32> to vector<1024x256xf32>
    %add3A_363 = arith.addf %dot_general3A_358, %add3A_362 : vector<1024x256xf32>
    %get3A_364 = arith.constant 0 : index
    %get3A_365 = arith.constant 0 : index
    %get3A_366 = vector.load %arg9[%get3A_364, %get3A_365] : memref<128x128xbf16, #tpu.memory_space<vmem>>, vector<128x128xbf16>
    %dot_general3A_367 = arith.constant dense<0.000000e+00> : vector<1024x128xf32>
    %dot_general3A_368 = tpu.matmul %convert_element_type3A_351, %get3A_366, %dot_general3A_367 {dimension_numbers = #tpu.dot_dimension_numbers<[1], [0], [0], [1], [0, 0, 1, 1], [], []>, transpose_lhs_hint = false} : vector<1024x128xbf16>, vector<128x128xbf16>, vector<1024x128xf32> -> vector<1024x128xf32>
    %get3A_369 = arith.constant 0 : index
    %get3A_370 = arith.constant 0 : index
    %get3A_371 = vector.load %arg12[%get3A_369, %get3A_370] : memref<1x128xf32, #tpu.memory_space<vmem>>, vector<1x128xf32>
    %add3A_372 = vector.broadcast %get3A_371 : vector<1x128xf32> to vector<1024x128xf32>
    %add3A_373 = arith.addf %dot_general3A_368, %add3A_372 : vector<1024x128xf32>
    %get3A_374 = arith.constant 0 : index
    %get3A_375 = arith.constant 0 : index
    %get3A_376 = vector.load %arg10[%get3A_374, %get3A_375] : memref<128x128xbf16, #tpu.memory_space<vmem>>, vector<128x128xbf16>
    %dot_general3A_377 = arith.constant dense<0.000000e+00> : vector<1024x128xf32>
    %dot_general3A_378 = tpu.matmul %convert_element_type3A_352, %get3A_376, %dot_general3A_377 {dimension_numbers = #tpu.dot_dimension_numbers<[1], [0], [0], [1], [0, 0, 1, 1], [], []>, transpose_lhs_hint = false} : vector<1024x128xbf16>, vector<128x128xbf16>, vector<1024x128xf32> -> vector<1024x128xf32>
    %get3A_379 = arith.constant 0 : index
    %get3A_380 = arith.constant 0 : index
    %get3A_381 = vector.load %arg13[%get3A_379, %get3A_380] : memref<1x128xf32, #tpu.memory_space<vmem>>, vector<1x128xf32>
    %add3A_382 = vector.broadcast %get3A_381 : vector<1x128xf32> to vector<1024x128xf32>
    %add3A_383 = arith.addf %dot_general3A_378, %add3A_382 : vector<1024x128xf32>
    %slice3A_384 = vector.extract_strided_slice %add3A_363 {offsets = [0, 0], sizes = [1024, 128], strides = [1, 1]} : vector<1024x256xf32> to vector<1024x128xf32>
    %tanh3A_385 = math.tanh %slice3A_384 : vector<1024x128xf32>
    %slice3A_386 = vector.extract_strided_slice %add3A_363 {offsets = [0, 128], sizes = [1024, 128], strides = [1, 1]} : vector<1024x256xf32> to vector<1024x128xf32>
    %tanh3A_387 = math.tanh %slice3A_386 : vector<1024x128xf32>
    %add3A_388 = arith.constant 1.000000e+00 : f32
    %add3A_389 = vector.broadcast %add3A_388 : f32 to vector<1024x128xf32>
    %add3A_390 = arith.addf %tanh3A_385, %add3A_389 : vector<1024x128xf32>
    %mul3A_391 = arith.mulf %add3A_383, %add3A_390 : vector<1024x128xf32>
    %add3A_392 = arith.addf %add3A_373, %mul3A_391 : vector<1024x128xf32>
    %tanh3A_393 = math.tanh %add3A_392 : vector<1024x128xf32>
    %add3A_394 = arith.addf %select_n3A_265, %tanh3A_393 : vector<1024x128xf32>
    %sub3A_395 = arith.subf %select_n3A_265, %tanh3A_393 : vector<1024x128xf32>
    %mul3A_396 = arith.mulf %tanh3A_387, %sub3A_395 : vector<1024x128xf32>
    %add3A_397 = arith.addf %add3A_394, %mul3A_396 : vector<1024x128xf32>
    %mul3A_398 = arith.constant 5.000000e-01 : f32
    %mul3A_399 = vector.broadcast %mul3A_398 : f32 to vector<1024x128xf32>
    %mul3A_400 = arith.mulf %mul3A_399, %add3A_397 : vector<1024x128xf32>
    %broadcast_in_dim3A_401 = vector.shape_cast %gt3A_287 : vector<1024x1xi1> to vector<1024x1xi1>
    %broadcast_in_dim3A_402 = vector.broadcast %broadcast_in_dim3A_401 : vector<1024x1xi1> to vector<1024x128xi1>
    %select_n3A_403 = arith.select %broadcast_in_dim3A_402, %mul3A_400, %select_n3A_265 : vector<1024x128xi1>, vector<1024x128xf32>
    %jit3A_404 = arith.constant 0.000000e+00 : f32
    %broadcast_in_dim3A_405 = vector.shape_cast %gt3A_287 : vector<1024x1xi1> to vector<1024x1xi1>
    %broadcast_in_dim3A_406 = vector.broadcast %broadcast_in_dim3A_405 : vector<1024x1xi1> to vector<1024x128xi1>
    %broadcast_in_dim3A_407 = vector.broadcast %jit3A_404 : f32 to vector<1024x128xf32>
    %select_n3A_408 = arith.select %broadcast_in_dim3A_406, %mul3A_400, %broadcast_in_dim3A_407 : vector<1024x128xi1>, vector<1024x128xf32>
    %swap3A_409 = arith.constant 2 : index
    %swap3A_410 = arith.constant 0 : index
    %swap3A_411 = arith.constant 0 : index
    %swap3A_412 = vector.load %arg18[%swap3A_409, %swap3A_410, %swap3A_411] : memref<8x1024x128xf32, #tpu.memory_space<vmem>>, vector<1x1024x128xf32>
    %swap3A_413 = vector.shape_cast %swap3A_412 : vector<1x1024x128xf32> to vector<1024x128xf32>
    %swap3A_414 = vector.shape_cast %select_n3A_408 : vector<1024x128xf32> to vector<1x1024x128xf32>
    tpu.vector_store %arg18[%swap3A_409, %swap3A_410, %swap3A_411], %swap3A_414 {strides = array<i32>} : memref<8x1024x128xf32, #tpu.memory_space<vmem>>, vector<1x1024x128xf32>,
    %mul3A_415 = arith.constant 8 : i32
    %mul3A_416 = arith.muli %arg0, %mul3A_415 : i32
    %add3A_417 = arith.constant 112 : i32
    %add3A_418 = arith.addi %add3A_417, %mul3A_416 : i32
    %add3A_419 = arith.constant 3 : i32
    %add3A_420 = arith.addi %add3A_418, %add3A_419 : i32
    %get3A_421 = arith.constant 0 : index
    %get3A_422 = arith.constant 0 : index
    %get3A_423 = vector.load %arg1[%get3A_421, %get3A_422] : memref<1024x1xi32, #tpu.memory_space<vmem>>, vector<1024x1xi32>
    %gt3A_424 = vector.broadcast %add3A_420 : i32 to vector<1024x1xi32>
    %gt3A_425 = arith.cmpi sgt, %get3A_423, %gt3A_424 : vector<1024x1xi32>
    %get3A_426 = arith.constant 3 : index
    %get3A_427 = arith.constant 0 : index
    %get3A_428 = arith.constant 0 : index
    %get3A_429 = vector.load %arg16[%get3A_426, %get3A_427, %get3A_428] : memref<8x1024x128xf32, #tpu.memory_space<vmem>>, vector<1x1024x128xf32>
    %get3A_430 = vector.shape_cast %get3A_429 : vector<1x1024x128xf32> to vector<1024x128xf32>
    %convert_element_type3A_431 = arith.truncf %get3A_430 : vector<1024x128xf32> to vector<1024x128xbf16>
    %convert_element_type3A_432 = arith.truncf %select_n3A_345 : vector<1024x128xf32> to vector<1024x128xbf16>
    %concatenate3A_433 = tpu.concatenate %convert_element_type3A_431, %convert_element_type3A_432 in 1 : vector<1024x128xbf16>, vector<1024x128xbf16> -> vector<1024x256xbf16>
    %get3A_434 = arith.constant 0 : index
    %get3A_435 = arith.constant 0 : index
    %get3A_436 = vector.load %arg2[%get3A_434, %get3A_435] : memref<256x256xbf16, #tpu.memory_space<vmem>>, vector<256x256xbf16>
    %dot_general3A_437 = arith.constant dense<0.000000e+00> : vector<1024x256xf32>
    %dot_general3A_438 = tpu.matmul %concatenate3A_433, %get3A_436, %dot_general3A_437 {dimension_numbers = #tpu.dot_dimension_numbers<[1], [0], [0], [1], [0, 0, 1, 1], [], []>, transpose_lhs_hint = false} : vector<1024x256xbf16>, vector<256x256xbf16>, vector<1024x256xf32> -> vector<1024x256xf32>
    %get3A_439 = arith.constant 0 : index
    %get3A_440 = arith.constant 0 : index
    %get3A_441 = vector.load %arg5[%get3A_439, %get3A_440] : memref<1x256xf32, #tpu.memory_space<vmem>>, vector<1x256xf32>
    %add3A_442 = vector.broadcast %get3A_441 : vector<1x256xf32> to vector<1024x256xf32>
    %add3A_443 = arith.addf %dot_general3A_438, %add3A_442 : vector<1024x256xf32>
    %get3A_444 = arith.constant 0 : index
    %get3A_445 = arith.constant 0 : index
    %get3A_446 = vector.load %arg3[%get3A_444, %get3A_445] : memref<128x128xbf16, #tpu.memory_space<vmem>>, vector<128x128xbf16>
    %dot_general3A_447 = arith.constant dense<0.000000e+00> : vector<1024x128xf32>
    %dot_general3A_448 = tpu.matmul %convert_element_type3A_431, %get3A_446, %dot_general3A_447 {dimension_numbers = #tpu.dot_dimension_numbers<[1], [0], [0], [1], [0, 0, 1, 1], [], []>, transpose_lhs_hint = false} : vector<1024x128xbf16>, vector<128x128xbf16>, vector<1024x128xf32> -> vector<1024x128xf32>
    %get3A_449 = arith.constant 0 : index
    %get3A_450 = arith.constant 0 : index
    %get3A_451 = vector.load %arg6[%get3A_449, %get3A_450] : memref<1x128xf32, #tpu.memory_space<vmem>>, vector<1x128xf32>
    %add3A_452 = vector.broadcast %get3A_451 : vector<1x128xf32> to vector<1024x128xf32>
    %add3A_453 = arith.addf %dot_general3A_448, %add3A_452 : vector<1024x128xf32>
    %get3A_454 = arith.constant 0 : index
    %get3A_455 = arith.constant 0 : index
    %get3A_456 = vector.load %arg4[%get3A_454, %get3A_455] : memref<128x128xbf16, #tpu.memory_space<vmem>>, vector<128x128xbf16>
    %dot_general3A_457 = arith.constant dense<0.000000e+00> : vector<1024x128xf32>
    %dot_general3A_458 = tpu.matmul %convert_element_type3A_432, %get3A_456, %dot_general3A_457 {dimension_numbers = #tpu.dot_dimension_numbers<[1], [0], [0], [1], [0, 0, 1, 1], [], []>, transpose_lhs_hint = false} : vector<1024x128xbf16>, vector<128x128xbf16>, vector<1024x128xf32> -> vector<1024x128xf32>
    %get3A_459 = arith.constant 0 : index
    %get3A_460 = arith.constant 0 : index
    %get3A_461 = vector.load %arg7[%get3A_459, %get3A_460] : memref<1x128xf32, #tpu.memory_space<vmem>>, vector<1x128xf32>
    %add3A_462 = vector.broadcast %get3A_461 : vector<1x128xf32> to vector<1024x128xf32>
    %add3A_463 = arith.addf %dot_general3A_458, %add3A_462 : vector<1024x128xf32>
    %slice3A_464 = vector.extract_strided_slice %add3A_443 {offsets = [0, 0], sizes = [1024, 128], strides = [1, 1]} : vector<1024x256xf32> to vector<1024x128xf32>
    %tanh3A_465 = math.tanh %slice3A_464 : vector<1024x128xf32>
    %slice3A_466 = vector.extract_strided_slice %add3A_443 {offsets = [0, 128], sizes = [1024, 128], strides = [1, 1]} : vector<1024x256xf32> to vector<1024x128xf32>
    %tanh3A_467 = math.tanh %slice3A_466 : vector<1024x128xf32>
    %add3A_468 = arith.constant 1.000000e+00 : f32
    %add3A_469 = vector.broadcast %add3A_468 : f32 to vector<1024x128xf32>
    %add3A_470 = arith.addf %tanh3A_465, %add3A_469 : vector<1024x128xf32>
    %mul3A_471 = arith.mulf %add3A_463, %add3A_470 : vector<1024x128xf32>
    %add3A_472 = arith.addf %add3A_453, %mul3A_471 : vector<1024x128xf32>
    %tanh3A_473 = math.tanh %add3A_472 : vector<1024x128xf32>
    %add3A_474 = arith.addf %select_n3A_345, %tanh3A_473 : vector<1024x128xf32>
    %sub3A_475 = arith.subf %select_n3A_345, %tanh3A_473 : vector<1024x128xf32>
    %mul3A_476 = arith.mulf %tanh3A_467, %sub3A_475 : vector<1024x128xf32>
    %add3A_477 = arith.addf %add3A_474, %mul3A_476 : vector<1024x128xf32>
    %mul3A_478 = arith.constant 5.000000e-01 : f32
    %mul3A_479 = vector.broadcast %mul3A_478 : f32 to vector<1024x128xf32>
    %mul3A_480 = arith.mulf %mul3A_479, %add3A_477 : vector<1024x128xf32>
    %broadcast_in_dim3A_481 = vector.shape_cast %gt3A_425 : vector<1024x1xi1> to vector<1024x1xi1>
    %broadcast_in_dim3A_482 = vector.broadcast %broadcast_in_dim3A_481 : vector<1024x1xi1> to vector<1024x128xi1>
    %select_n3A_483 = arith.select %broadcast_in_dim3A_482, %mul3A_480, %select_n3A_345 : vector<1024x128xi1>, vector<1024x128xf32>
    %jit3A_484 = arith.constant 0.000000e+00 : f32
    %broadcast_in_dim3A_485 = vector.shape_cast %gt3A_425 : vector<1024x1xi1> to vector<1024x1xi1>
    %broadcast_in_dim3A_486 = vector.broadcast %broadcast_in_dim3A_485 : vector<1024x1xi1> to vector<1024x128xi1>
    %broadcast_in_dim3A_487 = vector.broadcast %jit3A_484 : f32 to vector<1024x128xf32>
    %select_n3A_488 = arith.select %broadcast_in_dim3A_486, %mul3A_480, %broadcast_in_dim3A_487 : vector<1024x128xi1>, vector<1024x128xf32>
    %convert_element_type3A_489 = arith.truncf %select_n3A_488 : vector<1024x128xf32> to vector<1024x128xbf16>
    %convert_element_type3A_490 = arith.truncf %select_n3A_403 : vector<1024x128xf32> to vector<1024x128xbf16>
    %concatenate3A_491 = tpu.concatenate %convert_element_type3A_489, %convert_element_type3A_490 in 1 : vector<1024x128xbf16>, vector<1024x128xbf16> -> vector<1024x256xbf16>
    %get3A_492 = arith.constant 0 : index
    %get3A_493 = arith.constant 0 : index
    %get3A_494 = vector.load %arg8[%get3A_492, %get3A_493] : memref<256x256xbf16, #tpu.memory_space<vmem>>, vector<256x256xbf16>
    %dot_general3A_495 = arith.constant dense<0.000000e+00> : vector<1024x256xf32>
    %dot_general3A_496 = tpu.matmul %concatenate3A_491, %get3A_494, %dot_general3A_495 {dimension_numbers = #tpu.dot_dimension_numbers<[1], [0], [0], [1], [0, 0, 1, 1], [], []>, transpose_lhs_hint = false} : vector<1024x256xbf16>, vector<256x256xbf16>, vector<1024x256xf32> -> vector<1024x256xf32>
    %get3A_497 = arith.constant 0 : index
    %get3A_498 = arith.constant 0 : index
    %get3A_499 = vector.load %arg11[%get3A_497, %get3A_498] : memref<1x256xf32, #tpu.memory_space<vmem>>, vector<1x256xf32>
    %add3A_500 = vector.broadcast %get3A_499 : vector<1x256xf32> to vector<1024x256xf32>
    %add3A_501 = arith.addf %dot_general3A_496, %add3A_500 : vector<1024x256xf32>
    %get3A_502 = arith.constant 0 : index
    %get3A_503 = arith.constant 0 : index
    %get3A_504 = vector.load %arg9[%get3A_502, %get3A_503] : memref<128x128xbf16, #tpu.memory_space<vmem>>, vector<128x128xbf16>
    %dot_general3A_505 = arith.constant dense<0.000000e+00> : vector<1024x128xf32>
    %dot_general3A_506 = tpu.matmul %convert_element_type3A_489, %get3A_504, %dot_general3A_505 {dimension_numbers = #tpu.dot_dimension_numbers<[1], [0], [0], [1], [0, 0, 1, 1], [], []>, transpose_lhs_hint = false} : vector<1024x128xbf16>, vector<128x128xbf16>, vector<1024x128xf32> -> vector<1024x128xf32>
    %get3A_507 = arith.constant 0 : index
    %get3A_508 = arith.constant 0 : index
    %get3A_509 = vector.load %arg12[%get3A_507, %get3A_508] : memref<1x128xf32, #tpu.memory_space<vmem>>, vector<1x128xf32>
    %add3A_510 = vector.broadcast %get3A_509 : vector<1x128xf32> to vector<1024x128xf32>
    %add3A_511 = arith.addf %dot_general3A_506, %add3A_510 : vector<1024x128xf32>
    %get3A_512 = arith.constant 0 : index
    %get3A_513 = arith.constant 0 : index
    %get3A_514 = vector.load %arg10[%get3A_512, %get3A_513] : memref<128x128xbf16, #tpu.memory_space<vmem>>, vector<128x128xbf16>
    %dot_general3A_515 = arith.constant dense<0.000000e+00> : vector<1024x128xf32>
    %dot_general3A_516 = tpu.matmul %convert_element_type3A_490, %get3A_514, %dot_general3A_515 {dimension_numbers = #tpu.dot_dimension_numbers<[1], [0], [0], [1], [0, 0, 1, 1], [], []>, transpose_lhs_hint = false} : vector<1024x128xbf16>, vector<128x128xbf16>, vector<1024x128xf32> -> vector<1024x128xf32>
    %get3A_517 = arith.constant 0 : index
    %get3A_518 = arith.constant 0 : index
    %get3A_519 = vector.load %arg13[%get3A_517, %get3A_518] : memref<1x128xf32, #tpu.memory_space<vmem>>, vector<1x128xf32>
    %add3A_520 = vector.broadcast %get3A_519 : vector<1x128xf32> to vector<1024x128xf32>
    %add3A_521 = arith.addf %dot_general3A_516, %add3A_520 : vector<1024x128xf32>
    %slice3A_522 = vector.extract_strided_slice %add3A_501 {offsets = [0, 0], sizes = [1024, 128], strides = [1, 1]} : vector<1024x256xf32> to vector<1024x128xf32>
    %tanh3A_523 = math.tanh %slice3A_522 : vector<1024x128xf32>
    %slice3A_524 = vector.extract_strided_slice %add3A_501 {offsets = [0, 128], sizes = [1024, 128], strides = [1, 1]} : vector<1024x256xf32> to vector<1024x128xf32>
    %tanh3A_525 = math.tanh %slice3A_524 : vector<1024x128xf32>
    %add3A_526 = arith.constant 1.000000e+00 : f32
    %add3A_527 = vector.broadcast %add3A_526 : f32 to vector<1024x128xf32>
    %add3A_528 = arith.addf %tanh3A_523, %add3A_527 : vector<1024x128xf32>
    %mul3A_529 = arith.mulf %add3A_521, %add3A_528 : vector<1024x128xf32>
    %add3A_530 = arith.addf %add3A_511, %mul3A_529 : vector<1024x128xf32>
    %tanh3A_531 = math.tanh %add3A_530 : vector<1024x128xf32>
    %add3A_532 = arith.addf %select_n3A_403, %tanh3A_531 : vector<1024x128xf32>
    %sub3A_533 = arith.subf %select_n3A_403, %tanh3A_531 : vector<1024x128xf32>
    %mul3A_534 = arith.mulf %tanh3A_525, %sub3A_533 : vector<1024x128xf32>
    %add3A_535 = arith.addf %add3A_532, %mul3A_534 : vector<1024x128xf32>
    %mul3A_536 = arith.constant 5.000000e-01 : f32
    %mul3A_537 = vector.broadcast %mul3A_536 : f32 to vector<1024x128xf32>
    %mul3A_538 = arith.mulf %mul3A_537, %add3A_535 : vector<1024x128xf32>
    %broadcast_in_dim3A_539 = vector.shape_cast %gt3A_425 : vector<1024x1xi1> to vector<1024x1xi1>
    %broadcast_in_dim3A_540 = vector.broadcast %broadcast_in_dim3A_539 : vector<1024x1xi1> to vector<1024x128xi1>
    %select_n3A_541 = arith.select %broadcast_in_dim3A_540, %mul3A_538, %select_n3A_403 : vector<1024x128xi1>, vector<1024x128xf32>
    %jit3A_542 = arith.constant 0.000000e+00 : f32
    %broadcast_in_dim3A_543 = vector.shape_cast %gt3A_425 : vector<1024x1xi1> to vector<1024x1xi1>
    %broadcast_in_dim3A_544 = vector.broadcast %broadcast_in_dim3A_543 : vector<1024x1xi1> to vector<1024x128xi1>
    %broadcast_in_dim3A_545 = vector.broadcast %jit3A_542 : f32 to vector<1024x128xf32>
    %select_n3A_546 = arith.select %broadcast_in_dim3A_544, %mul3A_538, %broadcast_in_dim3A_545 : vector<1024x128xi1>, vector<1024x128xf32>
    %swap3A_547 = arith.constant 3 : index
    %swap3A_548 = arith.constant 0 : index
    %swap3A_549 = arith.constant 0 : index
    %swap3A_550 = vector.load %arg18[%swap3A_547, %swap3A_548, %swap3A_549] : memref<8x1024x128xf32, #tpu.memory_space<vmem>>, vector<1x1024x128xf32>
    %swap3A_551 = vector.shape_cast %swap3A_550 : vector<1x1024x128xf32> to vector<1024x128xf32>
    %swap3A_552 = vector.shape_cast %select_n3A_546 : vector<1024x128xf32> to vector<1x1024x128xf32>
    tpu.vector_store %arg18[%swap3A_547, %swap3A_548, %swap3A_549], %swap3A_552 {strides = array<i32>} : memref<8x1024x128xf32, #tpu.memory_space<vmem>>, vector<1x1024x128xf32>,
    %mul3A_553 = arith.constant 8 : i32
    %mul3A_554 = arith.muli %arg0, %mul3A_553 : i32
    %add3A_555 = arith.constant 112 : i32
    %add3A_556 = arith.addi %add3A_555, %mul3A_554 : i32
    %add3A_557 = arith.constant 4 : i32
    %add3A_558 = arith.addi %add3A_556, %add3A_557 : i32
    %get3A_559 = arith.constant 0 : index
    %get3A_560 = arith.constant 0 : index
    %get3A_561 = vector.load %arg1[%get3A_559, %get3A_560] : memref<1024x1xi32, #tpu.memory_space<vmem>>, vector<1024x1xi32>
    %gt3A_562 = vector.broadcast %add3A_558 : i32 to vector<1024x1xi32>
    %gt3A_563 = arith.cmpi sgt, %get3A_561, %gt3A_562 : vector<1024x1xi32>
    %get3A_564 = arith.constant 4 : index
    %get3A_565 = arith.constant 0 : index
    %get3A_566 = arith.constant 0 : index
    %get3A_567 = vector.load %arg16[%get3A_564, %get3A_565, %get3A_566] : memref<8x1024x128xf32, #tpu.memory_space<vmem>>, vector<1x1024x128xf32>
    %get3A_568 = vector.shape_cast %get3A_567 : vector<1x1024x128xf32> to vector<1024x128xf32>
    %convert_element_type3A_569 = arith.truncf %get3A_568 : vector<1024x128xf32> to vector<1024x128xbf16>
    %convert_element_type3A_570 = arith.truncf %select_n3A_483 : vector<1024x128xf32> to vector<1024x128xbf16>
    %concatenate3A_571 = tpu.concatenate %convert_element_type3A_569, %convert_element_type3A_570 in 1 : vector<1024x128xbf16>, vector<1024x128xbf16> -> vector<1024x256xbf16>
    %get3A_572 = arith.constant 0 : index
    %get3A_573 = arith.constant 0 : index
    %get3A_574 = vector.load %arg2[%get3A_572, %get3A_573] : memref<256x256xbf16, #tpu.memory_space<vmem>>, vector<256x256xbf16>
    %dot_general3A_575 = arith.constant dense<0.000000e+00> : vector<1024x256xf32>
    %dot_general3A_576 = tpu.matmul %concatenate3A_571, %get3A_574, %dot_general3A_575 {dimension_numbers = #tpu.dot_dimension_numbers<[1], [0], [0], [1], [0, 0, 1, 1], [], []>, transpose_lhs_hint = false} : vector<1024x256xbf16>, vector<256x256xbf16>, vector<1024x256xf32> -> vector<1024x256xf32>
    %get3A_577 = arith.constant 0 : index
    %get3A_578 = arith.constant 0 : index
    %get3A_579 = vector.load %arg5[%get3A_577, %get3A_578] : memref<1x256xf32, #tpu.memory_space<vmem>>, vector<1x256xf32>
    %add3A_580 = vector.broadcast %get3A_579 : vector<1x256xf32> to vector<1024x256xf32>
    %add3A_581 = arith.addf %dot_general3A_576, %add3A_580 : vector<1024x256xf32>
    %get3A_582 = arith.constant 0 : index
    %get3A_583 = arith.constant 0 : index
    %get3A_584 = vector.load %arg3[%get3A_582, %get3A_583] : memref<128x128xbf16, #tpu.memory_space<vmem>>, vector<128x128xbf16>
    %dot_general3A_585 = arith.constant dense<0.000000e+00> : vector<1024x128xf32>
    %dot_general3A_586 = tpu.matmul %convert_element_type3A_569, %get3A_584, %dot_general3A_585 {dimension_numbers = #tpu.dot_dimension_numbers<[1], [0], [0], [1], [0, 0, 1, 1], [], []>, transpose_lhs_hint = false} : vector<1024x128xbf16>, vector<128x128xbf16>, vector<1024x128xf32> -> vector<1024x128xf32>
    %get3A_587 = arith.constant 0 : index
    %get3A_588 = arith.constant 0 : index
    %get3A_589 = vector.load %arg6[%get3A_587, %get3A_588] : memref<1x128xf32, #tpu.memory_space<vmem>>, vector<1x128xf32>
    %add3A_590 = vector.broadcast %get3A_589 : vector<1x128xf32> to vector<1024x128xf32>
    %add3A_591 = arith.addf %dot_general3A_586, %add3A_590 : vector<1024x128xf32>
    %get3A_592 = arith.constant 0 : index
    %get3A_593 = arith.constant 0 : index
    %get3A_594 = vector.load %arg4[%get3A_592, %get3A_593] : memref<128x128xbf16, #tpu.memory_space<vmem>>, vector<128x128xbf16>
    %dot_general3A_595 = arith.constant dense<0.000000e+00> : vector<1024x128xf32>
    %dot_general3A_596 = tpu.matmul %convert_element_type3A_570, %get3A_594, %dot_general3A_595 {dimension_numbers = #tpu.dot_dimension_numbers<[1], [0], [0], [1], [0, 0, 1, 1], [], []>, transpose_lhs_hint = false} : vector<1024x128xbf16>, vector<128x128xbf16>, vector<1024x128xf32> -> vector<1024x128xf32>
    %get3A_597 = arith.constant 0 : index
    %get3A_598 = arith.constant 0 : index
    %get3A_599 = vector.load %arg7[%get3A_597, %get3A_598] : memref<1x128xf32, #tpu.memory_space<vmem>>, vector<1x128xf32>
    %add3A_600 = vector.broadcast %get3A_599 : vector<1x128xf32> to vector<1024x128xf32>
    %add3A_601 = arith.addf %dot_general3A_596, %add3A_600 : vector<1024x128xf32>
    %slice3A_602 = vector.extract_strided_slice %add3A_581 {offsets = [0, 0], sizes = [1024, 128], strides = [1, 1]} : vector<1024x256xf32> to vector<1024x128xf32>
    %tanh3A_603 = math.tanh %slice3A_602 : vector<1024x128xf32>
    %slice3A_604 = vector.extract_strided_slice %add3A_581 {offsets = [0, 128], sizes = [1024, 128], strides = [1, 1]} : vector<1024x256xf32> to vector<1024x128xf32>
    %tanh3A_605 = math.tanh %slice3A_604 : vector<1024x128xf32>
    %add3A_606 = arith.constant 1.000000e+00 : f32
    %add3A_607 = vector.broadcast %add3A_606 : f32 to vector<1024x128xf32>
    %add3A_608 = arith.addf %tanh3A_603, %add3A_607 : vector<1024x128xf32>
    %mul3A_609 = arith.mulf %add3A_601, %add3A_608 : vector<1024x128xf32>
    %add3A_610 = arith.addf %add3A_591, %mul3A_609 : vector<1024x128xf32>
    %tanh3A_611 = math.tanh %add3A_610 : vector<1024x128xf32>
    %add3A_612 = arith.addf %select_n3A_483, %tanh3A_611 : vector<1024x128xf32>
    %sub3A_613 = arith.subf %select_n3A_483, %tanh3A_611 : vector<1024x128xf32>
    %mul3A_614 = arith.mulf %tanh3A_605, %sub3A_613 : vector<1024x128xf32>
    %add3A_615 = arith.addf %add3A_612, %mul3A_614 : vector<1024x128xf32>
    %mul3A_616 = arith.constant 5.000000e-01 : f32
    %mul3A_617 = vector.broadcast %mul3A_616 : f32 to vector<1024x128xf32>
    %mul3A_618 = arith.mulf %mul3A_617, %add3A_615 : vector<1024x128xf32>
    %broadcast_in_dim3A_619 = vector.shape_cast %gt3A_563 : vector<1024x1xi1> to vector<1024x1xi1>
    %broadcast_in_dim3A_620 = vector.broadcast %broadcast_in_dim3A_619 : vector<1024x1xi1> to vector<1024x128xi1>
    %select_n3A_621 = arith.select %broadcast_in_dim3A_620, %mul3A_618, %select_n3A_483 : vector<1024x128xi1>, vector<1024x128xf32>
    %jit3A_622 = arith.constant 0.000000e+00 : f32
    %broadcast_in_dim3A_623 = vector.shape_cast %gt3A_563 : vector<1024x1xi1> to vector<1024x1xi1>
    %broadcast_in_dim3A_624 = vector.broadcast %broadcast_in_dim3A_623 : vector<1024x1xi1> to vector<1024x128xi1>
    %broadcast_in_dim3A_625 = vector.broadcast %jit3A_622 : f32 to vector<1024x128xf32>
    %select_n3A_626 = arith.select %broadcast_in_dim3A_624, %mul3A_618, %broadcast_in_dim3A_625 : vector<1024x128xi1>, vector<1024x128xf32>
    %convert_element_type3A_627 = arith.truncf %select_n3A_626 : vector<1024x128xf32> to vector<1024x128xbf16>
    %convert_element_type3A_628 = arith.truncf %select_n3A_541 : vector<1024x128xf32> to vector<1024x128xbf16>
    %concatenate3A_629 = tpu.concatenate %convert_element_type3A_627, %convert_element_type3A_628 in 1 : vector<1024x128xbf16>, vector<1024x128xbf16> -> vector<1024x256xbf16>
    %get3A_630 = arith.constant 0 : index
    %get3A_631 = arith.constant 0 : index
    %get3A_632 = vector.load %arg8[%get3A_630, %get3A_631] : memref<256x256xbf16, #tpu.memory_space<vmem>>, vector<256x256xbf16>
    %dot_general3A_633 = arith.constant dense<0.000000e+00> : vector<1024x256xf32>
    %dot_general3A_634 = tpu.matmul %concatenate3A_629, %get3A_632, %dot_general3A_633 {dimension_numbers = #tpu.dot_dimension_numbers<[1], [0], [0], [1], [0, 0, 1, 1], [], []>, transpose_lhs_hint = false} : vector<1024x256xbf16>, vector<256x256xbf16>, vector<1024x256xf32> -> vector<1024x256xf32>
    %get3A_635 = arith.constant 0 : index
    %get3A_636 = arith.constant 0 : index
    %get3A_637 = vector.load %arg11[%get3A_635, %get3A_636] : memref<1x256xf32, #tpu.memory_space<vmem>>, vector<1x256xf32>
    %add3A_638 = vector.broadcast %get3A_637 : vector<1x256xf32> to vector<1024x256xf32>
    %add3A_639 = arith.addf %dot_general3A_634, %add3A_638 : vector<1024x256xf32>
    %get3A_640 = arith.constant 0 : index
    %get3A_641 = arith.constant 0 : index
    %get3A_642 = vector.load %arg9[%get3A_640, %get3A_641] : memref<128x128xbf16, #tpu.memory_space<vmem>>, vector<128x128xbf16>
    %dot_general3A_643 = arith.constant dense<0.000000e+00> : vector<1024x128xf32>
    %dot_general3A_644 = tpu.matmul %convert_element_type3A_627, %get3A_642, %dot_general3A_643 {dimension_numbers = #tpu.dot_dimension_numbers<[1], [0], [0], [1], [0, 0, 1, 1], [], []>, transpose_lhs_hint = false} : vector<1024x128xbf16>, vector<128x128xbf16>, vector<1024x128xf32> -> vector<1024x128xf32>
    %get3A_645 = arith.constant 0 : index
    %get3A_646 = arith.constant 0 : index
    %get3A_647 = vector.load %arg12[%get3A_645, %get3A_646] : memref<1x128xf32, #tpu.memory_space<vmem>>, vector<1x128xf32>
    %add3A_648 = vector.broadcast %get3A_647 : vector<1x128xf32> to vector<1024x128xf32>
    %add3A_649 = arith.addf %dot_general3A_644, %add3A_648 : vector<1024x128xf32>
    %get3A_650 = arith.constant 0 : index
    %get3A_651 = arith.constant 0 : index
    %get3A_652 = vector.load %arg10[%get3A_650, %get3A_651] : memref<128x128xbf16, #tpu.memory_space<vmem>>, vector<128x128xbf16>
    %dot_general3A_653 = arith.constant dense<0.000000e+00> : vector<1024x128xf32>
    %dot_general3A_654 = tpu.matmul %convert_element_type3A_628, %get3A_652, %dot_general3A_653 {dimension_numbers = #tpu.dot_dimension_numbers<[1], [0], [0], [1], [0, 0, 1, 1], [], []>, transpose_lhs_hint = false} : vector<1024x128xbf16>, vector<128x128xbf16>, vector<1024x128xf32> -> vector<1024x128xf32>
    %get3A_655 = arith.constant 0 : index
    %get3A_656 = arith.constant 0 : index
    %get3A_657 = vector.load %arg13[%get3A_655, %get3A_656] : memref<1x128xf32, #tpu.memory_space<vmem>>, vector<1x128xf32>
    %add3A_658 = vector.broadcast %get3A_657 : vector<1x128xf32> to vector<1024x128xf32>
    %add3A_659 = arith.addf %dot_general3A_654, %add3A_658 : vector<1024x128xf32>
    %slice3A_660 = vector.extract_strided_slice %add3A_639 {offsets = [0, 0], sizes = [1024, 128], strides = [1, 1]} : vector<1024x256xf32> to vector<1024x128xf32>
    %tanh3A_661 = math.tanh %slice3A_660 : vector<1024x128xf32>
    %slice3A_662 = vector.extract_strided_slice %add3A_639 {offsets = [0, 128], sizes = [1024, 128], strides = [1, 1]} : vector<1024x256xf32> to vector<1024x128xf32>
    %tanh3A_663 = math.tanh %slice3A_662 : vector<1024x128xf32>
    %add3A_664 = arith.constant 1.000000e+00 : f32
    %add3A_665 = vector.broadcast %add3A_664 : f32 to vector<1024x128xf32>
    %add3A_666 = arith.addf %tanh3A_661, %add3A_665 : vector<1024x128xf32>
    %mul3A_667 = arith.mulf %add3A_659, %add3A_666 : vector<1024x128xf32>
    %add3A_668 = arith.addf %add3A_649, %mul3A_667 : vector<1024x128xf32>
    %tanh3A_669 = math.tanh %add3A_668 : vector<1024x128xf32>
    %add3A_670 = arith.addf %select_n3A_541, %tanh3A_669 : vector<1024x128xf32>
    %sub3A_671 = arith.subf %select_n3A_541, %tanh3A_669 : vector<1024x128xf32>
    %mul3A_672 = arith.mulf %tanh3A_663, %sub3A_671 : vector<1024x128xf32>
    %add3A_673 = arith.addf %add3A_670, %mul3A_672 : vector<1024x128xf32>
    %mul3A_674 = arith.constant 5.000000e-01 : f32
    %mul3A_675 = vector.broadcast %mul3A_674 : f32 to vector<1024x128xf32>
    %mul3A_676 = arith.mulf %mul3A_675, %add3A_673 : vector<1024x128xf32>
    %broadcast_in_dim3A_677 = vector.shape_cast %gt3A_563 : vector<1024x1xi1> to vector<1024x1xi1>
    %broadcast_in_dim3A_678 = vector.broadcast %broadcast_in_dim3A_677 : vector<1024x1xi1> to vector<1024x128xi1>
    %select_n3A_679 = arith.select %broadcast_in_dim3A_678, %mul3A_676, %select_n3A_541 : vector<1024x128xi1>, vector<1024x128xf32>
    %jit3A_680 = arith.constant 0.000000e+00 : f32
    %broadcast_in_dim3A_681 = vector.shape_cast %gt3A_563 : vector<1024x1xi1> to vector<1024x1xi1>
    %broadcast_in_dim3A_682 = vector.broadcast %broadcast_in_dim3A_681 : vector<1024x1xi1> to vector<1024x128xi1>
    %broadcast_in_dim3A_683 = vector.broadcast %jit3A_680 : f32 to vector<1024x128xf32>
    %select_n3A_684 = arith.select %broadcast_in_dim3A_682, %mul3A_676, %broadcast_in_dim3A_683 : vector<1024x128xi1>, vector<1024x128xf32>
    %swap3A_685 = arith.constant 4 : index
    %swap3A_686 = arith.constant 0 : index
    %swap3A_687 = arith.constant 0 : index
    %swap3A_688 = vector.load %arg18[%swap3A_685, %swap3A_686, %swap3A_687] : memref<8x1024x128xf32, #tpu.memory_space<vmem>>, vector<1x1024x128xf32>
    %swap3A_689 = vector.shape_cast %swap3A_688 : vector<1x1024x128xf32> to vector<1024x128xf32>
    %swap3A_690 = vector.shape_cast %select_n3A_684 : vector<1024x128xf32> to vector<1x1024x128xf32>
    tpu.vector_store %arg18[%swap3A_685, %swap3A_686, %swap3A_687], %swap3A_690 {strides = array<i32>} : memref<8x1024x128xf32, #tpu.memory_space<vmem>>, vector<1x1024x128xf32>,
    %mul3A_691 = arith.constant 8 : i32
    %mul3A_692 = arith.muli %arg0, %mul3A_691 : i32
    %add3A_693 = arith.constant 112 : i32
    %add3A_694 = arith.addi %add3A_693, %mul3A_692 : i32
    %add3A_695 = arith.constant 5 : i32
    %add3A_696 = arith.addi %add3A_694, %add3A_695 : i32
    %get3A_697 = arith.constant 0 : index
    %get3A_698 = arith.constant 0 : index
    %get3A_699 = vector.load %arg1[%get3A_697, %get3A_698] : memref<1024x1xi32, #tpu.memory_space<vmem>>, vector<1024x1xi32>
    %gt3A_700 = vector.broadcast %add3A_696 : i32 to vector<1024x1xi32>
    %gt3A_701 = arith.cmpi sgt, %get3A_699, %gt3A_700 : vector<1024x1xi32>
    %get3A_702 = arith.constant 5 : index
    %get3A_703 = arith.constant 0 : index
    %get3A_704 = arith.constant 0 : index
    %get3A_705 = vector.load %arg16[%get3A_702, %get3A_703, %get3A_704] : memref<8x1024x128xf32, #tpu.memory_space<vmem>>, vector<1x1024x128xf32>
    %get3A_706 = vector.shape_cast %get3A_705 : vector<1x1024x128xf32> to vector<1024x128xf32>
    %convert_element_type3A_707 = arith.truncf %get3A_706 : vector<1024x128xf32> to vector<1024x128xbf16>
    %convert_element_type3A_708 = arith.truncf %select_n3A_621 : vector<1024x128xf32> to vector<1024x128xbf16>
    %concatenate3A_709 = tpu.concatenate %convert_element_type3A_707, %convert_element_type3A_708 in 1 : vector<1024x128xbf16>, vector<1024x128xbf16> -> vector<1024x256xbf16>
    %get3A_710 = arith.constant 0 : index
    %get3A_711 = arith.constant 0 : index
    %get3A_712 = vector.load %arg2[%get3A_710, %get3A_711] : memref<256x256xbf16, #tpu.memory_space<vmem>>, vector<256x256xbf16>
    %dot_general3A_713 = arith.constant dense<0.000000e+00> : vector<1024x256xf32>
    %dot_general3A_714 = tpu.matmul %concatenate3A_709, %get3A_712, %dot_general3A_713 {dimension_numbers = #tpu.dot_dimension_numbers<[1], [0], [0], [1], [0, 0, 1, 1], [], []>, transpose_lhs_hint = false} : vector<1024x256xbf16>, vector<256x256xbf16>, vector<1024x256xf32> -> vector<1024x256xf32>
    %get3A_715 = arith.constant 0 : index
    %get3A_716 = arith.constant 0 : index
    %get3A_717 = vector.load %arg5[%get3A_715, %get3A_716] : memref<1x256xf32, #tpu.memory_space<vmem>>, vector<1x256xf32>
    %add3A_718 = vector.broadcast %get3A_717 : vector<1x256xf32> to vector<1024x256xf32>
    %add3A_719 = arith.addf %dot_general3A_714, %add3A_718 : vector<1024x256xf32>
    %get3A_720 = arith.constant 0 : index
    %get3A_721 = arith.constant 0 : index
    %get3A_722 = vector.load %arg3[%get3A_720, %get3A_721] : memref<128x128xbf16, #tpu.memory_space<vmem>>, vector<128x128xbf16>
    %dot_general3A_723 = arith.constant dense<0.000000e+00> : vector<1024x128xf32>
    %dot_general3A_724 = tpu.matmul %convert_element_type3A_707, %get3A_722, %dot_general3A_723 {dimension_numbers = #tpu.dot_dimension_numbers<[1], [0], [0], [1], [0, 0, 1, 1], [], []>, transpose_lhs_hint = false} : vector<1024x128xbf16>, vector<128x128xbf16>, vector<1024x128xf32> -> vector<1024x128xf32>
    %get3A_725 = arith.constant 0 : index
    %get3A_726 = arith.constant 0 : index
    %get3A_727 = vector.load %arg6[%get3A_725, %get3A_726] : memref<1x128xf32, #tpu.memory_space<vmem>>, vector<1x128xf32>
    %add3A_728 = vector.broadcast %get3A_727 : vector<1x128xf32> to vector<1024x128xf32>
    %add3A_729 = arith.addf %dot_general3A_724, %add3A_728 : vector<1024x128xf32>
    %get3A_730 = arith.constant 0 : index
    %get3A_731 = arith.constant 0 : index
    %get3A_732 = vector.load %arg4[%get3A_730, %get3A_731] : memref<128x128xbf16, #tpu.memory_space<vmem>>, vector<128x128xbf16>
    %dot_general3A_733 = arith.constant dense<0.000000e+00> : vector<1024x128xf32>
    %dot_general3A_734 = tpu.matmul %convert_element_type3A_708, %get3A_732, %dot_general3A_733 {dimension_numbers = #tpu.dot_dimension_numbers<[1], [0], [0], [1], [0, 0, 1, 1], [], []>, transpose_lhs_hint = false} : vector<1024x128xbf16>, vector<128x128xbf16>, vector<1024x128xf32> -> vector<1024x128xf32>
    %get3A_735 = arith.constant 0 : index
    %get3A_736 = arith.constant 0 : index
    %get3A_737 = vector.load %arg7[%get3A_735, %get3A_736] : memref<1x128xf32, #tpu.memory_space<vmem>>, vector<1x128xf32>
    %add3A_738 = vector.broadcast %get3A_737 : vector<1x128xf32> to vector<1024x128xf32>
    %add3A_739 = arith.addf %dot_general3A_734, %add3A_738 : vector<1024x128xf32>
    %slice3A_740 = vector.extract_strided_slice %add3A_719 {offsets = [0, 0], sizes = [1024, 128], strides = [1, 1]} : vector<1024x256xf32> to vector<1024x128xf32>
    %tanh3A_741 = math.tanh %slice3A_740 : vector<1024x128xf32>
    %slice3A_742 = vector.extract_strided_slice %add3A_719 {offsets = [0, 128], sizes = [1024, 128], strides = [1, 1]} : vector<1024x256xf32> to vector<1024x128xf32>
    %tanh3A_743 = math.tanh %slice3A_742 : vector<1024x128xf32>
    %add3A_744 = arith.constant 1.000000e+00 : f32
    %add3A_745 = vector.broadcast %add3A_744 : f32 to vector<1024x128xf32>
    %add3A_746 = arith.addf %tanh3A_741, %add3A_745 : vector<1024x128xf32>
    %mul3A_747 = arith.mulf %add3A_739, %add3A_746 : vector<1024x128xf32>
    %add3A_748 = arith.addf %add3A_729, %mul3A_747 : vector<1024x128xf32>
    %tanh3A_749 = math.tanh %add3A_748 : vector<1024x128xf32>
    %add3A_750 = arith.addf %select_n3A_621, %tanh3A_749 : vector<1024x128xf32>
    %sub3A_751 = arith.subf %select_n3A_621, %tanh3A_749 : vector<1024x128xf32>
    %mul3A_752 = arith.mulf %tanh3A_743, %sub3A_751 : vector<1024x128xf32>
    %add3A_753 = arith.addf %add3A_750, %mul3A_752 : vector<1024x128xf32>
    %mul3A_754 = arith.constant 5.000000e-01 : f32
    %mul3A_755 = vector.broadcast %mul3A_754 : f32 to vector<1024x128xf32>
    %mul3A_756 = arith.mulf %mul3A_755, %add3A_753 : vector<1024x128xf32>
    %broadcast_in_dim3A_757 = vector.shape_cast %gt3A_701 : vector<1024x1xi1> to vector<1024x1xi1>
    %broadcast_in_dim3A_758 = vector.broadcast %broadcast_in_dim3A_757 : vector<1024x1xi1> to vector<1024x128xi1>
    %select_n3A_759 = arith.select %broadcast_in_dim3A_758, %mul3A_756, %select_n3A_621 : vector<1024x128xi1>, vector<1024x128xf32>
    %jit3A_760 = arith.constant 0.000000e+00 : f32
    %broadcast_in_dim3A_761 = vector.shape_cast %gt3A_701 : vector<1024x1xi1> to vector<1024x1xi1>
    %broadcast_in_dim3A_762 = vector.broadcast %broadcast_in_dim3A_761 : vector<1024x1xi1> to vector<1024x128xi1>
    %broadcast_in_dim3A_763 = vector.broadcast %jit3A_760 : f32 to vector<1024x128xf32>
    %select_n3A_764 = arith.select %broadcast_in_dim3A_762, %mul3A_756, %broadcast_in_dim3A_763 : vector<1024x128xi1>, vector<1024x128xf32>
    %convert_element_type3A_765 = arith.truncf %select_n3A_764 : vector<1024x128xf32> to vector<1024x128xbf16>
    %convert_element_type3A_766 = arith.truncf %select_n3A_679 : vector<1024x128xf32> to vector<1024x128xbf16>
    %concatenate3A_767 = tpu.concatenate %convert_element_type3A_765, %convert_element_type3A_766 in 1 : vector<1024x128xbf16>, vector<1024x128xbf16> -> vector<1024x256xbf16>
    %get3A_768 = arith.constant 0 : index
    %get3A_769 = arith.constant 0 : index
    %get3A_770 = vector.load %arg8[%get3A_768, %get3A_769] : memref<256x256xbf16, #tpu.memory_space<vmem>>, vector<256x256xbf16>
    %dot_general3A_771 = arith.constant dense<0.000000e+00> : vector<1024x256xf32>
    %dot_general3A_772 = tpu.matmul %concatenate3A_767, %get3A_770, %dot_general3A_771 {dimension_numbers = #tpu.dot_dimension_numbers<[1], [0], [0], [1], [0, 0, 1, 1], [], []>, transpose_lhs_hint = false} : vector<1024x256xbf16>, vector<256x256xbf16>, vector<1024x256xf32> -> vector<1024x256xf32>
    %get3A_773 = arith.constant 0 : index
    %get3A_774 = arith.constant 0 : index
    %get3A_775 = vector.load %arg11[%get3A_773, %get3A_774] : memref<1x256xf32, #tpu.memory_space<vmem>>, vector<1x256xf32>
    %add3A_776 = vector.broadcast %get3A_775 : vector<1x256xf32> to vector<1024x256xf32>
    %add3A_777 = arith.addf %dot_general3A_772, %add3A_776 : vector<1024x256xf32>
    %get3A_778 = arith.constant 0 : index
    %get3A_779 = arith.constant 0 : index
    %get3A_780 = vector.load %arg9[%get3A_778, %get3A_779] : memref<128x128xbf16, #tpu.memory_space<vmem>>, vector<128x128xbf16>
    %dot_general3A_781 = arith.constant dense<0.000000e+00> : vector<1024x128xf32>
    %dot_general3A_782 = tpu.matmul %convert_element_type3A_765, %get3A_780, %dot_general3A_781 {dimension_numbers = #tpu.dot_dimension_numbers<[1], [0], [0], [1], [0, 0, 1, 1], [], []>, transpose_lhs_hint = false} : vector<1024x128xbf16>, vector<128x128xbf16>, vector<1024x128xf32> -> vector<1024x128xf32>
    %get3A_783 = arith.constant 0 : index
    %get3A_784 = arith.constant 0 : index
    %get3A_785 = vector.load %arg12[%get3A_783, %get3A_784] : memref<1x128xf32, #tpu.memory_space<vmem>>, vector<1x128xf32>
    %add3A_786 = vector.broadcast %get3A_785 : vector<1x128xf32> to vector<1024x128xf32>
    %add3A_787 = arith.addf %dot_general3A_782, %add3A_786 : vector<1024x128xf32>
    %get3A_788 = arith.constant 0 : index
    %get3A_789 = arith.constant 0 : index
    %get3A_790 = vector.load %arg10[%get3A_788, %get3A_789] : memref<128x128xbf16, #tpu.memory_space<vmem>>, vector<128x128xbf16>
    %dot_general3A_791 = arith.constant dense<0.000000e+00> : vector<1024x128xf32>
    %dot_general3A_792 = tpu.matmul %convert_element_type3A_766, %get3A_790, %dot_general3A_791 {dimension_numbers = #tpu.dot_dimension_numbers<[1], [0], [0], [1], [0, 0, 1, 1], [], []>, transpose_lhs_hint = false} : vector<1024x128xbf16>, vector<128x128xbf16>, vector<1024x128xf32> -> vector<1024x128xf32>
    %get3A_793 = arith.constant 0 : index
    %get3A_794 = arith.constant 0 : index
    %get3A_795 = vector.load %arg13[%get3A_793, %get3A_794] : memref<1x128xf32, #tpu.memory_space<vmem>>, vector<1x128xf32>
    %add3A_796 = vector.broadcast %get3A_795 : vector<1x128xf32> to vector<1024x128xf32>
    %add3A_797 = arith.addf %dot_general3A_792, %add3A_796 : vector<1024x128xf32>
    %slice3A_798 = vector.extract_strided_slice %add3A_777 {offsets = [0, 0], sizes = [1024, 128], strides = [1, 1]} : vector<1024x256xf32> to vector<1024x128xf32>
    %tanh3A_799 = math.tanh %slice3A_798 : vector<1024x128xf32>
    %slice3A_800 = vector.extract_strided_slice %add3A_777 {offsets = [0, 128], sizes = [1024, 128], strides = [1, 1]} : vector<1024x256xf32> to vector<1024x128xf32>
    %tanh3A_801 = math.tanh %slice3A_800 : vector<1024x128xf32>
    %add3A_802 = arith.constant 1.000000e+00 : f32
    %add3A_803 = vector.broadcast %add3A_802 : f32 to vector<1024x128xf32>
    %add3A_804 = arith.addf %tanh3A_799, %add3A_803 : vector<1024x128xf32>
    %mul3A_805 = arith.mulf %add3A_797, %add3A_804 : vector<1024x128xf32>
    %add3A_806 = arith.addf %add3A_787, %mul3A_805 : vector<1024x128xf32>
    %tanh3A_807 = math.tanh %add3A_806 : vector<1024x128xf32>
    %add3A_808 = arith.addf %select_n3A_679, %tanh3A_807 : vector<1024x128xf32>
    %sub3A_809 = arith.subf %select_n3A_679, %tanh3A_807 : vector<1024x128xf32>
    %mul3A_810 = arith.mulf %tanh3A_801, %sub3A_809 : vector<1024x128xf32>
    %add3A_811 = arith.addf %add3A_808, %mul3A_810 : vector<1024x128xf32>
    %mul3A_812 = arith.constant 5.000000e-01 : f32
    %mul3A_813 = vector.broadcast %mul3A_812 : f32 to vector<1024x128xf32>
    %mul3A_814 = arith.mulf %mul3A_813, %add3A_811 : vector<1024x128xf32>
    %broadcast_in_dim3A_815 = vector.shape_cast %gt3A_701 : vector<1024x1xi1> to vector<1024x1xi1>
    %broadcast_in_dim3A_816 = vector.broadcast %broadcast_in_dim3A_815 : vector<1024x1xi1> to vector<1024x128xi1>
    %select_n3A_817 = arith.select %broadcast_in_dim3A_816, %mul3A_814, %select_n3A_679 : vector<1024x128xi1>, vector<1024x128xf32>
    %jit3A_818 = arith.constant 0.000000e+00 : f32
    %broadcast_in_dim3A_819 = vector.shape_cast %gt3A_701 : vector<1024x1xi1> to vector<1024x1xi1>
    %broadcast_in_dim3A_820 = vector.broadcast %broadcast_in_dim3A_819 : vector<1024x1xi1> to vector<1024x128xi1>
    %broadcast_in_dim3A_821 = vector.broadcast %jit3A_818 : f32 to vector<1024x128xf32>
    %select_n3A_822 = arith.select %broadcast_in_dim3A_820, %mul3A_814, %broadcast_in_dim3A_821 : vector<1024x128xi1>, vector<1024x128xf32>
    %swap3A_823 = arith.constant 5 : index
    %swap3A_824 = arith.constant 0 : index
    %swap3A_825 = arith.constant 0 : index
    %swap3A_826 = vector.load %arg18[%swap3A_823, %swap3A_824, %swap3A_825] : memref<8x1024x128xf32, #tpu.memory_space<vmem>>, vector<1x1024x128xf32>
    %swap3A_827 = vector.shape_cast %swap3A_826 : vector<1x1024x128xf32> to vector<1024x128xf32>
    %swap3A_828 = vector.shape_cast %select_n3A_822 : vector<1024x128xf32> to vector<1x1024x128xf32>
    tpu.vector_store %arg18[%swap3A_823, %swap3A_824, %swap3A_825], %swap3A_828 {strides = array<i32>} : memref<8x1024x128xf32, #tpu.memory_space<vmem>>, vector<1x1024x128xf32>,
    %mul3A_829 = arith.constant 8 : i32
    %mul3A_830 = arith.muli %arg0, %mul3A_829 : i32
    %add3A_831 = arith.constant 112 : i32
    %add3A_832 = arith.addi %add3A_831, %mul3A_830 : i32
    %add3A_833 = arith.constant 6 : i32
    %add3A_834 = arith.addi %add3A_832, %add3A_833 : i32
    %get3A_835 = arith.constant 0 : index
    %get3A_836 = arith.constant 0 : index
    %get3A_837 = vector.load %arg1[%get3A_835, %get3A_836] : memref<1024x1xi32, #tpu.memory_space<vmem>>, vector<1024x1xi32>
    %gt3A_838 = vector.broadcast %add3A_834 : i32 to vector<1024x1xi32>
    %gt3A_839 = arith.cmpi sgt, %get3A_837, %gt3A_838 : vector<1024x1xi32>
    %get3A_840 = arith.constant 6 : index
    %get3A_841 = arith.constant 0 : index
    %get3A_842 = arith.constant 0 : index
    %get3A_843 = vector.load %arg16[%get3A_840, %get3A_841, %get3A_842] : memref<8x1024x128xf32, #tpu.memory_space<vmem>>, vector<1x1024x128xf32>
    %get3A_844 = vector.shape_cast %get3A_843 : vector<1x1024x128xf32> to vector<1024x128xf32>
    %convert_element_type3A_845 = arith.truncf %get3A_844 : vector<1024x128xf32> to vector<1024x128xbf16>
    %convert_element_type3A_846 = arith.truncf %select_n3A_759 : vector<1024x128xf32> to vector<1024x128xbf16>
    %concatenate3A_847 = tpu.concatenate %convert_element_type3A_845, %convert_element_type3A_846 in 1 : vector<1024x128xbf16>, vector<1024x128xbf16> -> vector<1024x256xbf16>
    %get3A_848 = arith.constant 0 : index
    %get3A_849 = arith.constant 0 : index
    %get3A_850 = vector.load %arg2[%get3A_848, %get3A_849] : memref<256x256xbf16, #tpu.memory_space<vmem>>, vector<256x256xbf16>
    %dot_general3A_851 = arith.constant dense<0.000000e+00> : vector<1024x256xf32>
    %dot_general3A_852 = tpu.matmul %concatenate3A_847, %get3A_850, %dot_general3A_851 {dimension_numbers = #tpu.dot_dimension_numbers<[1], [0], [0], [1], [0, 0, 1, 1], [], []>, transpose_lhs_hint = false} : vector<1024x256xbf16>, vector<256x256xbf16>, vector<1024x256xf32> -> vector<1024x256xf32>
    %get3A_853 = arith.constant 0 : index
    %get3A_854 = arith.constant 0 : index
    %get3A_855 = vector.load %arg5[%get3A_853, %get3A_854] : memref<1x256xf32, #tpu.memory_space<vmem>>, vector<1x256xf32>
    %add3A_856 = vector.broadcast %get3A_855 : vector<1x256xf32> to vector<1024x256xf32>
    %add3A_857 = arith.addf %dot_general3A_852, %add3A_856 : vector<1024x256xf32>
    %get3A_858 = arith.constant 0 : index
    %get3A_859 = arith.constant 0 : index
    %get3A_860 = vector.load %arg3[%get3A_858, %get3A_859] : memref<128x128xbf16, #tpu.memory_space<vmem>>, vector<128x128xbf16>
    %dot_general3A_861 = arith.constant dense<0.000000e+00> : vector<1024x128xf32>
    %dot_general3A_862 = tpu.matmul %convert_element_type3A_845, %get3A_860, %dot_general3A_861 {dimension_numbers = #tpu.dot_dimension_numbers<[1], [0], [0], [1], [0, 0, 1, 1], [], []>, transpose_lhs_hint = false} : vector<1024x128xbf16>, vector<128x128xbf16>, vector<1024x128xf32> -> vector<1024x128xf32>
    %get3A_863 = arith.constant 0 : index
    %get3A_864 = arith.constant 0 : index
    %get3A_865 = vector.load %arg6[%get3A_863, %get3A_864] : memref<1x128xf32, #tpu.memory_space<vmem>>, vector<1x128xf32>
    %add3A_866 = vector.broadcast %get3A_865 : vector<1x128xf32> to vector<1024x128xf32>
    %add3A_867 = arith.addf %dot_general3A_862, %add3A_866 : vector<1024x128xf32>
    %get3A_868 = arith.constant 0 : index
    %get3A_869 = arith.constant 0 : index
    %get3A_870 = vector.load %arg4[%get3A_868, %get3A_869] : memref<128x128xbf16, #tpu.memory_space<vmem>>, vector<128x128xbf16>
    %dot_general3A_871 = arith.constant dense<0.000000e+00> : vector<1024x128xf32>
    %dot_general3A_872 = tpu.matmul %convert_element_type3A_846, %get3A_870, %dot_general3A_871 {dimension_numbers = #tpu.dot_dimension_numbers<[1], [0], [0], [1], [0, 0, 1, 1], [], []>, transpose_lhs_hint = false} : vector<1024x128xbf16>, vector<128x128xbf16>, vector<1024x128xf32> -> vector<1024x128xf32>
    %get3A_873 = arith.constant 0 : index
    %get3A_874 = arith.constant 0 : index
    %get3A_875 = vector.load %arg7[%get3A_873, %get3A_874] : memref<1x128xf32, #tpu.memory_space<vmem>>, vector<1x128xf32>
    %add3A_876 = vector.broadcast %get3A_875 : vector<1x128xf32> to vector<1024x128xf32>
    %add3A_877 = arith.addf %dot_general3A_872, %add3A_876 : vector<1024x128xf32>
    %slice3A_878 = vector.extract_strided_slice %add3A_857 {offsets = [0, 0], sizes = [1024, 128], strides = [1, 1]} : vector<1024x256xf32> to vector<1024x128xf32>
    %tanh3A_879 = math.tanh %slice3A_878 : vector<1024x128xf32>
    %slice3A_880 = vector.extract_strided_slice %add3A_857 {offsets = [0, 128], sizes = [1024, 128], strides = [1, 1]} : vector<1024x256xf32> to vector<1024x128xf32>
    %tanh3A_881 = math.tanh %slice3A_880 : vector<1024x128xf32>
    %add3A_882 = arith.constant 1.000000e+00 : f32
    %add3A_883 = vector.broadcast %add3A_882 : f32 to vector<1024x128xf32>
    %add3A_884 = arith.addf %tanh3A_879, %add3A_883 : vector<1024x128xf32>
    %mul3A_885 = arith.mulf %add3A_877, %add3A_884 : vector<1024x128xf32>
    %add3A_886 = arith.addf %add3A_867, %mul3A_885 : vector<1024x128xf32>
    %tanh3A_887 = math.tanh %add3A_886 : vector<1024x128xf32>
    %add3A_888 = arith.addf %select_n3A_759, %tanh3A_887 : vector<1024x128xf32>
    %sub3A_889 = arith.subf %select_n3A_759, %tanh3A_887 : vector<1024x128xf32>
    %mul3A_890 = arith.mulf %tanh3A_881, %sub3A_889 : vector<1024x128xf32>
    %add3A_891 = arith.addf %add3A_888, %mul3A_890 : vector<1024x128xf32>
    %mul3A_892 = arith.constant 5.000000e-01 : f32
    %mul3A_893 = vector.broadcast %mul3A_892 : f32 to vector<1024x128xf32>
    %mul3A_894 = arith.mulf %mul3A_893, %add3A_891 : vector<1024x128xf32>
    %broadcast_in_dim3A_895 = vector.shape_cast %gt3A_839 : vector<1024x1xi1> to vector<1024x1xi1>
    %broadcast_in_dim3A_896 = vector.broadcast %broadcast_in_dim3A_895 : vector<1024x1xi1> to vector<1024x128xi1>
    %select_n3A_897 = arith.select %broadcast_in_dim3A_896, %mul3A_894, %select_n3A_759 : vector<1024x128xi1>, vector<1024x128xf32>
    %jit3A_898 = arith.constant 0.000000e+00 : f32
    %broadcast_in_dim3A_899 = vector.shape_cast %gt3A_839 : vector<1024x1xi1> to vector<1024x1xi1>
    %broadcast_in_dim3A_900 = vector.broadcast %broadcast_in_dim3A_899 : vector<1024x1xi1> to vector<1024x128xi1>
    %broadcast_in_dim3A_901 = vector.broadcast %jit3A_898 : f32 to vector<1024x128xf32>
    %select_n3A_902 = arith.select %broadcast_in_dim3A_900, %mul3A_894, %broadcast_in_dim3A_901 : vector<1024x128xi1>, vector<1024x128xf32>
    %convert_element_type3A_903 = arith.truncf %select_n3A_902 : vector<1024x128xf32> to vector<1024x128xbf16>
    %convert_element_type3A_904 = arith.truncf %select_n3A_817 : vector<1024x128xf32> to vector<1024x128xbf16>
    %concatenate3A_905 = tpu.concatenate %convert_element_type3A_903, %convert_element_type3A_904 in 1 : vector<1024x128xbf16>, vector<1024x128xbf16> -> vector<1024x256xbf16>
    %get3A_906 = arith.constant 0 : index
    %get3A_907 = arith.constant 0 : index
    %get3A_908 = vector.load %arg8[%get3A_906, %get3A_907] : memref<256x256xbf16, #tpu.memory_space<vmem>>, vector<256x256xbf16>
    %dot_general3A_909 = arith.constant dense<0.000000e+00> : vector<1024x256xf32>
    %dot_general3A_910 = tpu.matmul %concatenate3A_905, %get3A_908, %dot_general3A_909 {dimension_numbers = #tpu.dot_dimension_numbers<[1], [0], [0], [1], [0, 0, 1, 1], [], []>, transpose_lhs_hint = false} : vector<1024x256xbf16>, vector<256x256xbf16>, vector<1024x256xf32> -> vector<1024x256xf32>
    %get3A_911 = arith.constant 0 : index
    %get3A_912 = arith.constant 0 : index
    %get3A_913 = vector.load %arg11[%get3A_911, %get3A_912] : memref<1x256xf32, #tpu.memory_space<vmem>>, vector<1x256xf32>
    %add3A_914 = vector.broadcast %get3A_913 : vector<1x256xf32> to vector<1024x256xf32>
    %add3A_915 = arith.addf %dot_general3A_910, %add3A_914 : vector<1024x256xf32>
    %get3A_916 = arith.constant 0 : index
    %get3A_917 = arith.constant 0 : index
    %get3A_918 = vector.load %arg9[%get3A_916, %get3A_917] : memref<128x128xbf16, #tpu.memory_space<vmem>>, vector<128x128xbf16>
    %dot_general3A_919 = arith.constant dense<0.000000e+00> : vector<1024x128xf32>
    %dot_general3A_920 = tpu.matmul %convert_element_type3A_903, %get3A_918, %dot_general3A_919 {dimension_numbers = #tpu.dot_dimension_numbers<[1], [0], [0], [1], [0, 0, 1, 1], [], []>, transpose_lhs_hint = false} : vector<1024x128xbf16>, vector<128x128xbf16>, vector<1024x128xf32> -> vector<1024x128xf32>
    %get3A_921 = arith.constant 0 : index
    %get3A_922 = arith.constant 0 : index
    %get3A_923 = vector.load %arg12[%get3A_921, %get3A_922] : memref<1x128xf32, #tpu.memory_space<vmem>>, vector<1x128xf32>
    %add3A_924 = vector.broadcast %get3A_923 : vector<1x128xf32> to vector<1024x128xf32>
    %add3A_925 = arith.addf %dot_general3A_920, %add3A_924 : vector<1024x128xf32>
    %get3A_926 = arith.constant 0 : index
    %get3A_927 = arith.constant 0 : index
    %get3A_928 = vector.load %arg10[%get3A_926, %get3A_927] : memref<128x128xbf16, #tpu.memory_space<vmem>>, vector<128x128xbf16>
    %dot_general3A_929 = arith.constant dense<0.000000e+00> : vector<1024x128xf32>
    %dot_general3A_930 = tpu.matmul %convert_element_type3A_904, %get3A_928, %dot_general3A_929 {dimension_numbers = #tpu.dot_dimension_numbers<[1], [0], [0], [1], [0, 0, 1, 1], [], []>, transpose_lhs_hint = false} : vector<1024x128xbf16>, vector<128x128xbf16>, vector<1024x128xf32> -> vector<1024x128xf32>
    %get3A_931 = arith.constant 0 : index
    %get3A_932 = arith.constant 0 : index
    %get3A_933 = vector.load %arg13[%get3A_931, %get3A_932] : memref<1x128xf32, #tpu.memory_space<vmem>>, vector<1x128xf32>
    %add3A_934 = vector.broadcast %get3A_933 : vector<1x128xf32> to vector<1024x128xf32>
    %add3A_935 = arith.addf %dot_general3A_930, %add3A_934 : vector<1024x128xf32>
    %slice3A_936 = vector.extract_strided_slice %add3A_915 {offsets = [0, 0], sizes = [1024, 128], strides = [1, 1]} : vector<1024x256xf32> to vector<1024x128xf32>
    %tanh3A_937 = math.tanh %slice3A_936 : vector<1024x128xf32>
    %slice3A_938 = vector.extract_strided_slice %add3A_915 {offsets = [0, 128], sizes = [1024, 128], strides = [1, 1]} : vector<1024x256xf32> to vector<1024x128xf32>
    %tanh3A_939 = math.tanh %slice3A_938 : vector<1024x128xf32>
    %add3A_940 = arith.constant 1.000000e+00 : f32
    %add3A_941 = vector.broadcast %add3A_940 : f32 to vector<1024x128xf32>
    %add3A_942 = arith.addf %tanh3A_937, %add3A_941 : vector<1024x128xf32>
    %mul3A_943 = arith.mulf %add3A_935, %add3A_942 : vector<1024x128xf32>
    %add3A_944 = arith.addf %add3A_925, %mul3A_943 : vector<1024x128xf32>
    %tanh3A_945 = math.tanh %add3A_944 : vector<1024x128xf32>
    %add3A_946 = arith.addf %select_n3A_817, %tanh3A_945 : vector<1024x128xf32>
    %sub3A_947 = arith.subf %select_n3A_817, %tanh3A_945 : vector<1024x128xf32>
    %mul3A_948 = arith.mulf %tanh3A_939, %sub3A_947 : vector<1024x128xf32>
    %add3A_949 = arith.addf %add3A_946, %mul3A_948 : vector<1024x128xf32>
    %mul3A_950 = arith.constant 5.000000e-01 : f32
    %mul3A_951 = vector.broadcast %mul3A_950 : f32 to vector<1024x128xf32>
    %mul3A_952 = arith.mulf %mul3A_951, %add3A_949 : vector<1024x128xf32>
    %broadcast_in_dim3A_953 = vector.shape_cast %gt3A_839 : vector<1024x1xi1> to vector<1024x1xi1>
    %broadcast_in_dim3A_954 = vector.broadcast %broadcast_in_dim3A_953 : vector<1024x1xi1> to vector<1024x128xi1>
    %select_n3A_955 = arith.select %broadcast_in_dim3A_954, %mul3A_952, %select_n3A_817 : vector<1024x128xi1>, vector<1024x128xf32>
    %jit3A_956 = arith.constant 0.000000e+00 : f32
    %broadcast_in_dim3A_957 = vector.shape_cast %gt3A_839 : vector<1024x1xi1> to vector<1024x1xi1>
    %broadcast_in_dim3A_958 = vector.broadcast %broadcast_in_dim3A_957 : vector<1024x1xi1> to vector<1024x128xi1>
    %broadcast_in_dim3A_959 = vector.broadcast %jit3A_956 : f32 to vector<1024x128xf32>
    %select_n3A_960 = arith.select %broadcast_in_dim3A_958, %mul3A_952, %broadcast_in_dim3A_959 : vector<1024x128xi1>, vector<1024x128xf32>
    %swap3A_961 = arith.constant 6 : index
    %swap3A_962 = arith.constant 0 : index
    %swap3A_963 = arith.constant 0 : index
    %swap3A_964 = vector.load %arg18[%swap3A_961, %swap3A_962, %swap3A_963] : memref<8x1024x128xf32, #tpu.memory_space<vmem>>, vector<1x1024x128xf32>
    %swap3A_965 = vector.shape_cast %swap3A_964 : vector<1x1024x128xf32> to vector<1024x128xf32>
    %swap3A_966 = vector.shape_cast %select_n3A_960 : vector<1024x128xf32> to vector<1x1024x128xf32>
    tpu.vector_store %arg18[%swap3A_961, %swap3A_962, %swap3A_963], %swap3A_966 {strides = array<i32>} : memref<8x1024x128xf32, #tpu.memory_space<vmem>>, vector<1x1024x128xf32>,
    %mul3A_967 = arith.constant 8 : i32
    %mul3A_968 = arith.muli %arg0, %mul3A_967 : i32
    %add3A_969 = arith.constant 112 : i32
    %add3A_970 = arith.addi %add3A_969, %mul3A_968 : i32
    %add3A_971 = arith.constant 7 : i32
    %add3A_972 = arith.addi %add3A_970, %add3A_971 : i32
    %get3A_973 = arith.constant 0 : index
    %get3A_974 = arith.constant 0 : index
    %get3A_975 = vector.load %arg1[%get3A_973, %get3A_974] : memref<1024x1xi32, #tpu.memory_space<vmem>>, vector<1024x1xi32>
    %gt3A_976 = vector.broadcast %add3A_972 : i32 to vector<1024x1xi32>
    %gt3A_977 = arith.cmpi sgt, %get3A_975, %gt3A_976 : vector<1024x1xi32>
    %get3A_978 = arith.constant 7 : index
    %get3A_979 = arith.constant 0 : index
    %get3A_980 = arith.constant 0 : index
    %get3A_981 = vector.load %arg16[%get3A_978, %get3A_979, %get3A_980] : memref<8x1024x128xf32, #tpu.memory_space<vmem>>, vector<1x1024x128xf32>
    %get3A_982 = vector.shape_cast %get3A_981 : vector<1x1024x128xf32> to vector<1024x128xf32>
    %convert_element_type3A_983 = arith.truncf %get3A_982 : vector<1024x128xf32> to vector<1024x128xbf16>
    %convert_element_type3A_984 = arith.truncf %select_n3A_897 : vector<1024x128xf32> to vector<1024x128xbf16>
    %concatenate3A_985 = tpu.concatenate %convert_element_type3A_983, %convert_element_type3A_984 in 1 : vector<1024x128xbf16>, vector<1024x128xbf16> -> vector<1024x256xbf16>
    %get3A_986 = arith.constant 0 : index
    %get3A_987 = arith.constant 0 : index
    %get3A_988 = vector.load %arg2[%get3A_986, %get3A_987] : memref<256x256xbf16, #tpu.memory_space<vmem>>, vector<256x256xbf16>
    %dot_general3A_989 = arith.constant dense<0.000000e+00> : vector<1024x256xf32>
    %dot_general3A_990 = tpu.matmul %concatenate3A_985, %get3A_988, %dot_general3A_989 {dimension_numbers = #tpu.dot_dimension_numbers<[1], [0], [0], [1], [0, 0, 1, 1], [], []>, transpose_lhs_hint = false} : vector<1024x256xbf16>, vector<256x256xbf16>, vector<1024x256xf32> -> vector<1024x256xf32>
    %get3A_991 = arith.constant 0 : index
    %get3A_992 = arith.constant 0 : index
    %get3A_993 = vector.load %arg5[%get3A_991, %get3A_992] : memref<1x256xf32, #tpu.memory_space<vmem>>, vector<1x256xf32>
    %add3A_994 = vector.broadcast %get3A_993 : vector<1x256xf32> to vector<1024x256xf32>
    %add3A_995 = arith.addf %dot_general3A_990, %add3A_994 : vector<1024x256xf32>
    %get3A_996 = arith.constant 0 : index
    %get3A_997 = arith.constant 0 : index
    %get3A_998 = vector.load %arg3[%get3A_996, %get3A_997] : memref<128x128xbf16, #tpu.memory_space<vmem>>, vector<128x128xbf16>
    %dot_general3A_999 = arith.constant dense<0.000000e+00> : vector<1024x128xf32>
    %dot_general3A_1000 = tpu.matmul %convert_element_type3A_983, %get3A_998, %dot_general3A_999 {dimension_numbers = #tpu.dot_dimension_numbers<[1], [0], [0], [1], [0, 0, 1, 1], [], []>, transpose_lhs_hint = false} : vector<1024x128xbf16>, vector<128x128xbf16>, vector<1024x128xf32> -> vector<1024x128xf32>
    %get3A_1001 = arith.constant 0 : index
    %get3A_1002 = arith.constant 0 : index
    %get3A_1003 = vector.load %arg6[%get3A_1001, %get3A_1002] : memref<1x128xf32, #tpu.memory_space<vmem>>, vector<1x128xf32>
    %add3A_1004 = vector.broadcast %get3A_1003 : vector<1x128xf32> to vector<1024x128xf32>
    %add3A_1005 = arith.addf %dot_general3A_1000, %add3A_1004 : vector<1024x128xf32>
    %get3A_1006 = arith.constant 0 : index
    %get3A_1007 = arith.constant 0 : index
    %get3A_1008 = vector.load %arg4[%get3A_1006, %get3A_1007] : memref<128x128xbf16, #tpu.memory_space<vmem>>, vector<128x128xbf16>
    %dot_general3A_1009 = arith.constant dense<0.000000e+00> : vector<1024x128xf32>
    %dot_general3A_1010 = tpu.matmul %convert_element_type3A_984, %get3A_1008, %dot_general3A_1009 {dimension_numbers = #tpu.dot_dimension_numbers<[1], [0], [0], [1], [0, 0, 1, 1], [], []>, transpose_lhs_hint = false} : vector<1024x128xbf16>, vector<128x128xbf16>, vector<1024x128xf32> -> vector<1024x128xf32>
    %get3A_1011 = arith.constant 0 : index
    %get3A_1012 = arith.constant 0 : index
    %get3A_1013 = vector.load %arg7[%get3A_1011, %get3A_1012] : memref<1x128xf32, #tpu.memory_space<vmem>>, vector<1x128xf32>
    %add3A_1014 = vector.broadcast %get3A_1013 : vector<1x128xf32> to vector<1024x128xf32>
    %add3A_1015 = arith.addf %dot_general3A_1010, %add3A_1014 : vector<1024x128xf32>
    %slice3A_1016 = vector.extract_strided_slice %add3A_995 {offsets = [0, 0], sizes = [1024, 128], strides = [1, 1]} : vector<1024x256xf32> to vector<1024x128xf32>
    %tanh3A_1017 = math.tanh %slice3A_1016 : vector<1024x128xf32>
    %slice3A_1018 = vector.extract_strided_slice %add3A_995 {offsets = [0, 128], sizes = [1024, 128], strides = [1, 1]} : vector<1024x256xf32> to vector<1024x128xf32>
    %tanh3A_1019 = math.tanh %slice3A_1018 : vector<1024x128xf32>
    %add3A_1020 = arith.constant 1.000000e+00 : f32
    %add3A_1021 = vector.broadcast %add3A_1020 : f32 to vector<1024x128xf32>
    %add3A_1022 = arith.addf %tanh3A_1017, %add3A_1021 : vector<1024x128xf32>
    %mul3A_1023 = arith.mulf %add3A_1015, %add3A_1022 : vector<1024x128xf32>
    %add3A_1024 = arith.addf %add3A_1005, %mul3A_1023 : vector<1024x128xf32>
    %tanh3A_1025 = math.tanh %add3A_1024 : vector<1024x128xf32>
    %add3A_1026 = arith.addf %select_n3A_897, %tanh3A_1025 : vector<1024x128xf32>
    %sub3A_1027 = arith.subf %select_n3A_897, %tanh3A_1025 : vector<1024x128xf32>
    %mul3A_1028 = arith.mulf %tanh3A_1019, %sub3A_1027 : vector<1024x128xf32>
    %add3A_1029 = arith.addf %add3A_1026, %mul3A_1028 : vector<1024x128xf32>
    %mul3A_1030 = arith.constant 5.000000e-01 : f32
    %mul3A_1031 = vector.broadcast %mul3A_1030 : f32 to vector<1024x128xf32>
    %mul3A_1032 = arith.mulf %mul3A_1031, %add3A_1029 : vector<1024x128xf32>
    %broadcast_in_dim3A_1033 = vector.shape_cast %gt3A_977 : vector<1024x1xi1> to vector<1024x1xi1>
    %broadcast_in_dim3A_1034 = vector.broadcast %broadcast_in_dim3A_1033 : vector<1024x1xi1> to vector<1024x128xi1>
    %select_n3A_1035 = arith.select %broadcast_in_dim3A_1034, %mul3A_1032, %select_n3A_897 : vector<1024x128xi1>, vector<1024x128xf32>
    %jit3A_1036 = arith.constant 0.000000e+00 : f32
    %broadcast_in_dim3A_1037 = vector.shape_cast %gt3A_977 : vector<1024x1xi1> to vector<1024x1xi1>
    %broadcast_in_dim3A_1038 = vector.broadcast %broadcast_in_dim3A_1037 : vector<1024x1xi1> to vector<1024x128xi1>
    %broadcast_in_dim3A_1039 = vector.broadcast %jit3A_1036 : f32 to vector<1024x128xf32>
    %select_n3A_1040 = arith.select %broadcast_in_dim3A_1038, %mul3A_1032, %broadcast_in_dim3A_1039 : vector<1024x128xi1>, vector<1024x128xf32>
    %convert_element_type3A_1041 = arith.truncf %select_n3A_1040 : vector<1024x128xf32> to vector<1024x128xbf16>
    %convert_element_type3A_1042 = arith.truncf %select_n3A_955 : vector<1024x128xf32> to vector<1024x128xbf16>
    %concatenate3A_1043 = tpu.concatenate %convert_element_type3A_1041, %convert_element_type3A_1042 in 1 : vector<1024x128xbf16>, vector<1024x128xbf16> -> vector<1024x256xbf16>
    %get3A_1044 = arith.constant 0 : index
    %get3A_1045 = arith.constant 0 : index
    %get3A_1046 = vector.load %arg8[%get3A_1044, %get3A_1045] : memref<256x256xbf16, #tpu.memory_space<vmem>>, vector<256x256xbf16>
    %dot_general3A_1047 = arith.constant dense<0.000000e+00> : vector<1024x256xf32>
    %dot_general3A_1048 = tpu.matmul %concatenate3A_1043, %get3A_1046, %dot_general3A_1047 {dimension_numbers = #tpu.dot_dimension_numbers<[1], [0], [0], [1], [0, 0, 1, 1], [], []>, transpose_lhs_hint = false} : vector<1024x256xbf16>, vector<256x256xbf16>, vector<1024x256xf32> -> vector<1024x256xf32>
    %get3A_1049 = arith.constant 0 : index
    %get3A_1050 = arith.constant 0 : index
    %get3A_1051 = vector.load %arg11[%get3A_1049, %get3A_1050] : memref<1x256xf32, #tpu.memory_space<vmem>>, vector<1x256xf32>
    %add3A_1052 = vector.broadcast %get3A_1051 : vector<1x256xf32> to vector<1024x256xf32>
    %add3A_1053 = arith.addf %dot_general3A_1048, %add3A_1052 : vector<1024x256xf32>
    %get3A_1054 = arith.constant 0 : index
    %get3A_1055 = arith.constant 0 : index
    %get3A_1056 = vector.load %arg9[%get3A_1054, %get3A_1055] : memref<128x128xbf16, #tpu.memory_space<vmem>>, vector<128x128xbf16>
    %dot_general3A_1057 = arith.constant dense<0.000000e+00> : vector<1024x128xf32>
    %dot_general3A_1058 = tpu.matmul %convert_element_type3A_1041, %get3A_1056, %dot_general3A_1057 {dimension_numbers = #tpu.dot_dimension_numbers<[1], [0], [0], [1], [0, 0, 1, 1], [], []>, transpose_lhs_hint = false} : vector<1024x128xbf16>, vector<128x128xbf16>, vector<1024x128xf32> -> vector<1024x128xf32>
    %get3A_1059 = arith.constant 0 : index
    %get3A_1060 = arith.constant 0 : index
    %get3A_1061 = vector.load %arg12[%get3A_1059, %get3A_1060] : memref<1x128xf32, #tpu.memory_space<vmem>>, vector<1x128xf32>
    %add3A_1062 = vector.broadcast %get3A_1061 : vector<1x128xf32> to vector<1024x128xf32>
    %add3A_1063 = arith.addf %dot_general3A_1058, %add3A_1062 : vector<1024x128xf32>
    %get3A_1064 = arith.constant 0 : index
    %get3A_1065 = arith.constant 0 : index
    %get3A_1066 = vector.load %arg10[%get3A_1064, %get3A_1065] : memref<128x128xbf16, #tpu.memory_space<vmem>>, vector<128x128xbf16>
    %dot_general3A_1067 = arith.constant dense<0.000000e+00> : vector<1024x128xf32>
    %dot_general3A_1068 = tpu.matmul %convert_element_type3A_1042, %get3A_1066, %dot_general3A_1067 {dimension_numbers = #tpu.dot_dimension_numbers<[1], [0], [0], [1], [0, 0, 1, 1], [], []>, transpose_lhs_hint = false} : vector<1024x128xbf16>, vector<128x128xbf16>, vector<1024x128xf32> -> vector<1024x128xf32>
    %get3A_1069 = arith.constant 0 : index
    %get3A_1070 = arith.constant 0 : index
    %get3A_1071 = vector.load %arg13[%get3A_1069, %get3A_1070] : memref<1x128xf32, #tpu.memory_space<vmem>>, vector<1x128xf32>
    %add3A_1072 = vector.broadcast %get3A_1071 : vector<1x128xf32> to vector<1024x128xf32>
    %add3A_1073 = arith.addf %dot_general3A_1068, %add3A_1072 : vector<1024x128xf32>
    %slice3A_1074 = vector.extract_strided_slice %add3A_1053 {offsets = [0, 0], sizes = [1024, 128], strides = [1, 1]} : vector<1024x256xf32> to vector<1024x128xf32>
    %tanh3A_1075 = math.tanh %slice3A_1074 : vector<1024x128xf32>
    %slice3A_1076 = vector.extract_strided_slice %add3A_1053 {offsets = [0, 128], sizes = [1024, 128], strides = [1, 1]} : vector<1024x256xf32> to vector<1024x128xf32>
    %tanh3A_1077 = math.tanh %slice3A_1076 : vector<1024x128xf32>
    %add3A_1078 = arith.constant 1.000000e+00 : f32
    %add3A_1079 = vector.broadcast %add3A_1078 : f32 to vector<1024x128xf32>
    %add3A_1080 = arith.addf %tanh3A_1075, %add3A_1079 : vector<1024x128xf32>
    %mul3A_1081 = arith.mulf %add3A_1073, %add3A_1080 : vector<1024x128xf32>
    %add3A_1082 = arith.addf %add3A_1063, %mul3A_1081 : vector<1024x128xf32>
    %tanh3A_1083 = math.tanh %add3A_1082 : vector<1024x128xf32>
    %add3A_1084 = arith.addf %select_n3A_955, %tanh3A_1083 : vector<1024x128xf32>
    %sub3A_1085 = arith.subf %select_n3A_955, %tanh3A_1083 : vector<1024x128xf32>
    %mul3A_1086 = arith.mulf %tanh3A_1077, %sub3A_1085 : vector<1024x128xf32>
    %add3A_1087 = arith.addf %add3A_1084, %mul3A_1086 : vector<1024x128xf32>
    %mul3A_1088 = arith.constant 5.000000e-01 : f32
    %mul3A_1089 = vector.broadcast %mul3A_1088 : f32 to vector<1024x128xf32>
    %mul3A_1090 = arith.mulf %mul3A_1089, %add3A_1087 : vector<1024x128xf32>
    %broadcast_in_dim3A_1091 = vector.shape_cast %gt3A_977 : vector<1024x1xi1> to vector<1024x1xi1>
    %broadcast_in_dim3A_1092 = vector.broadcast %broadcast_in_dim3A_1091 : vector<1024x1xi1> to vector<1024x128xi1>
    %select_n3A_1093 = arith.select %broadcast_in_dim3A_1092, %mul3A_1090, %select_n3A_955 : vector<1024x128xi1>, vector<1024x128xf32>
    %jit3A_1094 = arith.constant 0.000000e+00 : f32
    %broadcast_in_dim3A_1095 = vector.shape_cast %gt3A_977 : vector<1024x1xi1> to vector<1024x1xi1>
    %broadcast_in_dim3A_1096 = vector.broadcast %broadcast_in_dim3A_1095 : vector<1024x1xi1> to vector<1024x128xi1>
    %broadcast_in_dim3A_1097 = vector.broadcast %jit3A_1094 : f32 to vector<1024x128xf32>
    %select_n3A_1098 = arith.select %broadcast_in_dim3A_1096, %mul3A_1090, %broadcast_in_dim3A_1097 : vector<1024x128xi1>, vector<1024x128xf32>
    %swap3A_1099 = arith.constant 7 : index
    %swap3A_1100 = arith.constant 0 : index
    %swap3A_1101 = arith.constant 0 : index
    %swap3A_1102 = vector.load %arg18[%swap3A_1099, %swap3A_1100, %swap3A_1101] : memref<8x1024x128xf32, #tpu.memory_space<vmem>>, vector<1x1024x128xf32>
    %swap3A_1103 = vector.shape_cast %swap3A_1102 : vector<1x1024x128xf32> to vector<1024x128xf32>
    %swap3A_1104 = vector.shape_cast %select_n3A_1098 : vector<1024x128xf32> to vector<1x1024x128xf32>
    tpu.vector_store %arg18[%swap3A_1099, %swap3A_1100, %swap3A_1101], %swap3A_1104 {strides = array<i32>} : memref<8x1024x128xf32, #tpu.memory_space<vmem>>, vector<1x1024x128xf32>,
    %swap3A_1105 = arith.constant 0 : index
    %swap3A_1106 = arith.constant 0 : index
    %swap3A_1107 = vector.load %arg19[%swap3A_1105, %swap3A_1106] : memref<1024x128xf32, #tpu.memory_space<vmem>>, vector<1024x128xf32>
    tpu.vector_store %arg19[%swap3A_1105, %swap3A_1106], %select_n3A_1035 {strides = array<i32>} : memref<1024x128xf32, #tpu.memory_space<vmem>>, vector<1024x128xf32>,
    %swap3A_1108 = arith.constant 0 : index
    %swap3A_1109 = arith.constant 0 : index
    %swap3A_1110 = vector.load %arg20[%swap3A_1108, %swap3A_1109] : memref<1024x128xf32, #tpu.memory_space<vmem>>, vector<1024x128xf32>
    tpu.vector_store %arg20[%swap3A_1108, %swap3A_1109], %select_n3A_1093 {strides = array<i32>} : memref<1024x128xf32, #tpu.memory_space<vmem>>, vector<1024x128xf32>,
    return
  }
  func.func @transform_0(%arg0: i32) -> (i32, i32) {
    %c0_i32 = arith.constant 0 : i32
    %c0_i32_0 = arith.constant 0 : i32
    %c0_i32_1 = arith.constant 0 : i32
    return %c0_i32, %c0_i32_0 : i32, i32
  }
  func.func @transform_1(%arg0: i32) -> (i32, i32) {
    %c0_i32 = arith.constant 0 : i32
    %c0_i32_0 = arith.constant 0 : i32
    %c0_i32_1 = arith.constant 0 : i32
    return %c0_i32, %c0_i32_0 : i32, i32
  }
  func.func @transform_2(%arg0: i32) -> (i32, i32) {
    %c0_i32 = arith.constant 0 : i32
    %c0_i32_0 = arith.constant 0 : i32
    %c0_i32_1 = arith.constant 0 : i32
    return %c0_i32, %c0_i32_0 : i32, i32
  }
  func.func @transform_3(%arg0: i32) -> (i32, i32) {
    %c0_i32 = arith.constant 0 : i32
    %c0_i32_0 = arith.constant 0 : i32
    %c0_i32_1 = arith.constant 0 : i32
    return %c0_i32, %c0_i32_0 : i32, i32
  }
  func.func @transform_4(%arg0: i32) -> (i32, i32) {
    %c0_i32 = arith.constant 0 : i32
    %c0_i32_0 = arith.constant 0 : i32
    %c0_i32_1 = arith.constant 0 : i32
    return %c0_i32, %c0_i32_0 : i32, i32
  }
  func.func @transform_5(%arg0: i32) -> (i32, i32) {
    %c0_i32 = arith.constant 0 : i32
    %c0_i32_0 = arith.constant 0 : i32
    %c0_i32_1 = arith.constant 0 : i32
    return %c0_i32, %c0_i32_0 : i32, i32
  }
  func.func @transform_6(%arg0: i32) -> (i32, i32) {
    %c0_i32 = arith.constant 0 : i32
    %c0_i32_0 = arith.constant 0 : i32
    %c0_i32_1 = arith.constant 0 : i32
    return %c0_i32, %c0_i32_0 : i32, i32
  }
  func.func @transform_7(%arg0: i32) -> (i32, i32) {
    %c0_i32 = arith.constant 0 : i32
    %c0_i32_0 = arith.constant 0 : i32
    %c0_i32_1 = arith.constant 0 : i32
    return %c0_i32, %c0_i32_0 : i32, i32
  }
  func.func @transform_8(%arg0: i32) -> (i32, i32) {
    %c0_i32 = arith.constant 0 : i32
    %c0_i32_0 = arith.constant 0 : i32
    %c0_i32_1 = arith.constant 0 : i32
    return %c0_i32, %c0_i32_0 : i32, i32
  }
  func.func @transform_9(%arg0: i32) -> (i32, i32) {
    %c0_i32 = arith.constant 0 : i32
    %c0_i32_0 = arith.constant 0 : i32
    %c0_i32_1 = arith.constant 0 : i32
    return %c0_i32, %c0_i32_0 : i32, i32
  }
  func.func @transform_10(%arg0: i32) -> (i32, i32) {
    %c0_i32 = arith.constant 0 : i32
    %c0_i32_0 = arith.constant 0 : i32
    %c0_i32_1 = arith.constant 0 : i32
    return %c0_i32, %c0_i32_0 : i32, i32
  }
  func.func @transform_11(%arg0: i32) -> (i32, i32) {
    %c0_i32 = arith.constant 0 : i32
    %c0_i32_0 = arith.constant 0 : i32
    %c0_i32_1 = arith.constant 0 : i32
    return %c0_i32, %c0_i32_0 : i32, i32
  }
  func.func @transform_12(%arg0: i32) -> (i32, i32) {
    %c0_i32 = arith.constant 0 : i32
    %c0_i32_0 = arith.constant 0 : i32
    %c0_i32_1 = arith.constant 0 : i32
    return %c0_i32, %c0_i32_0 : i32, i32
  }
  func.func @transform_13(%arg0: i32) -> (i32, i32) {
    %c0_i32 = arith.constant 0 : i32
    %c0_i32_0 = arith.constant 0 : i32
    %c0_i32_1 = arith.constant 0 : i32
    return %c0_i32, %c0_i32_0 : i32, i32
  }
  func.func @transform_14(%arg0: i32) -> (i32, i32) {
    %c0_i32 = arith.constant 0 : i32
    %c0_i32_0 = arith.constant 0 : i32
    %c0_i32_1 = arith.constant 0 : i32
    return %c0_i32, %c0_i32_0 : i32, i32
  }
  func.func @transform_15(%arg0: i32) -> (i32, i32, i32) {
    %c0_i32 = arith.constant 0 : i32
    %c0_i32_0 = arith.constant 0 : i32
    %c0_i32_1 = arith.constant 0 : i32
    return %arg0, %c0_i32, %c0_i32_0 : i32, i32, i32
  }
  func.func @transform_17(%arg0: i32) -> (i32, i32, i32) {
    %add3A = arith.constant 14 : i32
    %add3A_0 = arith.addi %arg0, %add3A : i32
    %c0_i32 = arith.constant 0 : i32
    %c0_i32_1 = arith.constant 0 : i32
    %c0_i32_2 = arith.constant 0 : i32
    return %add3A_0, %c0_i32, %c0_i32_1 : i32, i32, i32
  }
  func.func @transform_18(%arg0: i32) -> (i32, i32) {
    %c0_i32 = arith.constant 0 : i32
    %c0_i32_0 = arith.constant 0 : i32
    %c0_i32_1 = arith.constant 0 : i32
    return %c0_i32, %c0_i32_0 : i32, i32
  }
  func.func @transform_19(%arg0: i32) -> (i32, i32) {
    %c0_i32 = arith.constant 0 : i32
    %c0_i32_0 = arith.constant 0 : i32
    %c0_i32_1 = arith.constant 0 : i32
    return %c0_i32, %c0_i32_0 : i32, i32
  }
}

</mosaic_0001>

<sc_bundles>
// kernel: kernel.11.cloned.1.call-start
scs
__scs_entry_jumppad:
0x0: {  	(pc) =	sbr.rel $0x88, $3  }
0x1: {  	(tag) =	ssettag $0x0;
	lr =	simm.s32 $0x1  }
0x2: {  	[smem:$0x3F96] =	sst lr;
	_ =	strace $0xD0000000  }
0x3: {  	_ = 	snop  }
0x4: {  	_ = 	snop  }
0x5: {  	_ = 	snop  }
0x6: {  	_ = 	snop  }
0x7: {  	_ = 	snop  }
__scs_overlays_trampoline_lowered:
0x8: {  	[smem:$0x3FA5] =	sst s0  }
0x9: {  	[smem:$0x3FA6] =	sst s1  }
0xa: {  	[smem:$0x3FA7] =	sst s2  }
0xb: {  	[smem:$0x3FA8] =	sst s3  }
0xc: {  	[smem:$0x3FA9] =	sst s4  }
0xd: {  	[smem:$0x3FAA] =	sst s5  }
0xe: {  	[smem:$0x3FAB] =	sst s6  }
0xf: {  	[smem:$0x3FAC] =	sst s7  }
0x10: {  	[smem:$0x3FAD] =	sst s8  }
0x11: {  	[smem:$0x3FAE] =	sst s9;
	s0 =	simm.s32 @!p0 $0x0  }
0x12: {  	s1 =	sld [smem:$0x3F94];
	s0 =	simm.s32 @p0 $0x1  }
0x13: {  	[smem:$0x3FAF] =	sst s0;
	s0 =	simm.s32 @!p1 $0x0  }
0x14: {  	s2 =	sld [smem:$0x3F93];
	s0 =	simm.s32 @p1 $0x1  }
0x15: {  	[smem:$0x3FB0] =	sst s0;
	s0 =	simm.s32 @!p2 $0x0  }
0x16: {  	s3 =	sld [smem:$0x3FDB];
	s0 =	simm.s32 @p2 $0x1  }
0x17: {  	s4 =	simm.s32 $0x1BF5;
	[smem:$0x3FB2] =	sst s0  }
0x18: {  	s0 =	sld [smem:$0x3F95];
	_ =	swait.ge [sflag:s4], $0x0  }
0x19: {  	s7 =	sld [smem:$0x3F96]  }
0x1a: {  	s8 =	sadd.s32 $0xFFFFE003, lr  }
0x1b: {  	s9 =	sadd.s32 $0xFFFFFEF7, lr;
	s5 =	simm.s32 $0xFFFFFFFF;
	p2 =	slt.u32 s8, $0xFFFFF086  }
0x1c: {  	p1 =	slt.u32 s9, $0xF7A;
	s5 =	simm.s32 @!p2 $0x0  }
0x1d: {  	s5 =	simm.s32 @p1 $0x1;
	p0 =	seq.s32 s7, s2  }
0x1e: {  	s7 =	smul.u32 @!p0 $0xF7A, s2;
	p2 =	seq.s32 @!p0 s5, $0x0  }
0x1f: {  	s9 =	smul.u32 $0xF7A, s1;
	s8 =	simm.s32 @!p0 $0x1BF5;
	p2 =	por !p2, p0  }
0x20: {  	[sflag:s8] =	ssyncset.s32 @!p0 $0xFFFFF086;
	s6 =	sadd.s32 @!p0 s3, s7;
	s7 =	simm.s32 @!p0 $0x108  }
0x21: {  	s3 =	sadd.s32 s3, s9;
	s6 =	sadd.s32 @!p0 $0x88, s6;
	s7 =	simm.s32 @p2 $0x1082  }
0x22: {  	[simem:s7], [sflag:s8] =	dma.local @!p0 [hbm:s6], $0xF7A  }
0x23: {  	s9 =	sor.u32 $0xD0000000, s2;
	s6 =	simm.s32 $0x108;
	_ =	swait.ge @!p0 [sflag:s8], $0x0  }
0x24: {  	s3 =	sadd.s32 $0x88, s3;
	s6 =	simm.s32 @!p1 $0x1082;
	[sflag:s4] =	ssyncset.s32 $0xFFFFF086  }
0x25: {  	[simem:s6], [sflag:s4] =	dma.local [hbm:s3], $0xF7A  }
0x26: {  	[smem:$0x3F96] =	sst s1;
	(tag) =	ssettag s2;
	_ =	strace s9  }
0x27: {  	s1 =	sld [smem:$0x3FA6]  }
0x28: {  	s2 =	sld [smem:$0x3FA7]  }
0x29: {  	s4 =	sld [smem:$0x3FA9]  }
0x2a: {  	p0 =	seq.s32 s5, $0x0;
	s5 =	sld [smem:$0x3FAA]  }
0x2b: {  	s6 =	sld [smem:$0x3FAB]  }
0x2c: {  	s7 =	sld [smem:$0x3FAC]  }
0x2d: {  	s3 =	simm.s32 $0x108;
	s8 =	sld [smem:$0x3FAD]  }
0x2e: {  	s3 =	simm.s32 @!p0 $0x1082;
	s9 =	sld [smem:$0x3FAE]  }
0x2f: {  	lr =	sadd.s32 s0, s3;
	s0 =	sld [smem:$0x3FA5]  }
0x30: {  	s3 =	sld [smem:$0x3FA8]  }
0x31: {  	[smem:$0x3FB1] =	sst s10  }
0x32: {  	s10 =	sld [smem:$0x3FAF];
	_ =	sdelay $0x3  }
0x33: {  	p0 =	seq.s32 s10, $0x1;
	s10 =	sld [smem:$0x3FB1];
	_ =	sdelay $0x3  }
0x34: {  	[smem:$0x3FB1] =	sst s10  }
0x35: {  	s10 =	sld [smem:$0x3FB0];
	_ =	sdelay $0x3  }
0x36: {  	p1 =	seq.s32 s10, $0x1;
	s10 =	sld [smem:$0x3FB1];
	_ =	sdelay $0x3  }
0x37: {  	[smem:$0x3FB1] =	sst s10  }
0x38: {  	s10 =	sld [smem:$0x3FB2]  }
0x39: {  	_ = 	snop;
	(pc) =	sbr.ind lr, $3  }
0x3a: {  	_ = 	snop  }
0x3b: {  	_ = 	snop  }
0x3c: {  	p2 =	seq.s32 s10, $0x1;
	s10 =	sld [smem:$0x3FB1]  }
0x3d: {  	_ =	shalt  }
0x3e: {  	_ =	shalt  }
0x3f: {  	_ =	shalt  }
0x40: {  	_ =	shalt  }
0x41: {  	_ =	shalt  }
0x42: {  	_ =	shalt  }
0x43: {  	_ =	shalt  }
0x44: {  	_ =	shalt  }
0x45: {  	_ =	shalt  }
0x46: {  	_ =	shalt  }
0x47: {  	_ =	shalt  }
0x48: {  	_ =	shalt  }
0x49: {  	_ =	shalt  }
0x4a: {  	_ =	shalt  }
0x4b: {  	_ =	shalt  }
0x4c: {  	_ =	shalt  }
0x4d: {  	_ =	shalt  }
0x4e: {  	_ =	shalt  }
0x4f: {  	_ =	shalt  }
0x50: {  	_ =	shalt  }
0x51: {  	_ =	shalt  }
0x52: {  	_ =	shalt  }
0x53: {  	_ =	shalt  }
0x54: {  	_ =	shalt  }
0x55: {  	_ =	shalt  }
0x56: {  	_ =	shalt  }
0x57: {  	_ =	shalt  }
0x58: {  	_ =	shalt  }
0x59: {  	_ =	shalt  }
0x5a: {  	_ =	shalt  }
0x5b: {  	_ =	shalt  }
0x5c: {  	_ =	shalt  }
0x5d: {  	_ =	shalt  }
0x5e: {  	_ =	shalt  }
0x5f: {  	_ =	shalt  }
0x60: {  	_ =	shalt  }
0x61: {  	_ =	shalt  }
0x62: {  	_ =	shalt  }
0x63: {  	_ =	shalt  }
0x64: {  	_ =	shalt  }
0x65: {  	_ =	shalt  }
0x66: {  	_ =	shalt  }
0x67: {  	_ =	shalt  }
0x68: {  	_ =	shalt  }
0x69: {  	_ =	shalt  }
0x6a: {  	_ =	shalt  }
0x6b: {  	_ =	shalt  }
0x6c: {  	_ =	shalt  }
0x6d: {  	_ =	shalt  }
0x6e: {  	_ =	shalt  }
0x6f: {  	_ =	shalt  }
0x70: {  	_ =	shalt  }
0x71: {  	_ =	shalt  }
0x72: {  	_ =	shalt  }
0x73: {  	_ =	shalt  }
0x74: {  	_ =	shalt  }
0x75: {  	_ =	shalt  }
0x76: {  	_ =	shalt  }
0x77: {  	_ =	shalt  }
0x78: {  	_ =	shalt  }
0x79: {  	_ =	shalt  }
0x7a: {  	_ =	shalt  }
0x7b: {  	_ =	shalt  }
0x7c: {  	_ =	shalt  }
0x7d: {  	_ =	shalt  }
0x7e: {  	_ =	shalt  }
0x7f: {  	_ =	shalt  }
0x80: {  	_ =	shalt  }
0x81: {  	_ =	shalt  }
0x82: {  	_ =	shalt  }
0x83: {  	_ =	shalt  }
0x84: {  	_ =	shalt  }
0x85: {  	_ =	shalt  }
0x86: {  	_ =	shalt  }
0x87: {  	_ =	shalt  }
.Lfunc_end0:
.L_simem_size_0:
called_computation.1_lowered:
.L_overlay_start_0:
0x88: {  	s2 =	sld [smem:$0x3FD9]  }
0x89: {  	s3 =	sld [smem:$0x3FFE];
	_ =	sdelay $0x1  }
0x8a: {  	s1 =	srdreg.scid  }
0x8b: {  	s0 =	sand.u32 $0x1, s1  }
0x8c: {  	s15 =	sshll.u32 s0, $0xA;
	s2 =	sadd.s32 s3, s2  }
0x8d: {  	s2 =	sadd.s32 s2, s15  }
0x8e: {  	[smem:$0x3FBD] =	sst s2  }
0x8f: {  	_ = 	snop  }
0x90: {  	s16 =	sld [smem:$0x3FD0];
	_ =	sdelay $0x2  }
0x91: {  	s4 =	simm.s32 $0xC;
	s5 =	simm.s32 $0x10;
	s2 =	sld [smem:$0x3FC7]  }
0x92: {  	[smem:s5], [sflag:s4] =	dma.local [hbm:s16], $0x1  }
0x93: {  	_ =	swait.eq [sflag:s4], $0x1  }
0x94: {  	[sflag:s4] =	ssyncset.done $0x0  }
0x95: {  	[sflag:s4] =	ssyncadd.s32 $0xFFFFFFFF  }
0x96: {  	s17 =	sld [smem:$0x11];
	(tm) =	ssettm $0x1  }
0x97: {  	s18 =	sld [smem:$0x3FFB];
	_ =	sdelay $0x3  }
0x98: {  	_ =	strace s18  }
0x99: {  	s3 =	sld [smem:$0x3FFC];
	_ =	sdelay $0x3  }
0x9a: {  	_ =	strace s3  }
0x9b: {  	s3 =	sld [smem:$0x3FFD];
	_ =	sdelay $0x3  }
0x9c: {  	_ =	strace s3  }
0x9d: {  	_ =	strace $0x8FFFFFFF  }
0x9e: {  	s19 =	sld [smem:$0x3FDB];
	_ =	sdelay $0x1  }
0x9f: {  	s20 =	simm.s32 $_scs_section_size  }
0xa0: {  	s6 =	simm.s32 $_size__tile_overlayer_lowered;
	s7 =	simm.s32 $_tile_overlayer_lowered  }
0xa1: {  	s8 =	simm.s32 $0x1BFF;
	s21 =	sshll.u32 s7, $0x1;
	s5 =	sadd.s32 s20, s19  }
0xa2: {  	s22 =	simm.s32 $0x0;
	s6 =	sshll.u32 s6, $0x1;
	s7 =	sadd.s32 s21, s5  }
0xa3: {  	[timem:s22], [sflag:s8] =	dma.local [hbm:s7], s6  }
0xa4: {  	_ =	swait.ge [sflag:s8], s6  }
0xa5: {  	s6 =	ssub.s32 $0x0, s6;
	[sflag:s8] =	ssyncset.done $0x0  }
0xa6: {  	[sflag:s8] =	ssyncadd.s32 s6;
	_ =	sdelay $0x1  }
0xa7: {  	s23 =	simm.s32 $0x1B8B  }
0xa8: {  	_ =	swait.ge [sflag:s23], $0x1  }
0xa9: {  	[sflag:s23] =	ssyncset.done $0x0  }
0xaa: {  	[sflag:s23] =	ssyncadd.s32 $0xFFFFFFFF  }
0xab: {  	s6 =	sld [smem:$0x0]  }
0xac: {  	s7 =	sand.u32 $0xFFFFFFFE, s1  }
0xad: {  	p0 =	sne.s32 s1, s7  }
0xae: {  	s7 =	sshll.u32 @p0 s7, $0xE  }
0xaf: {  	s7 =	sadd.s32 @p0 $0x11B8D, s7;
	s8 =	sshll.u32 @p0 s6, $0x11  }
0xb0: {  	s7 =	sor.u32 @p0 s8, s7  }
0xb1: {  	[sflag:s7] =	ssyncadd.remote.s32 @p0 $0x1;
	_ =	sdelay $0x1  }
0xb2: {  	s7 =	simm.s32 @p0 $0x1B8D  }
0xb3: {  	_ =	swait.eq @p0 [sflag:s7], $0x1  }
0xb4: {  	[sflag:s7] =	ssyncadd.s32 @p0 $0xFFFFFFFF  }
0xb5: {  	s8 =	sshll.u32 @!p0 s1, $0xE  }
0xb6: {  	s8 =	sor.u32 @!p0 $0x4000, s8;
	s7 =	simm.s32 @!p0 $0x1B8D  }
0xb7: {  	s6 =	sshll.u32 @!p0 s6, $0x11;
	s8 =	sadd.s32 @!p0 $0x11B8D, s8;
	_ =	swait.eq @!p0 [sflag:s7], $0x1  }
0xb8: {  	s6 =	sor.u32 @!p0 s6, s8;
	[sflag:s7] =	ssyncadd.s32 @!p0 $0xFFFFFFFF  }
0xb9: {  	s25 =	simm.s32 $0x1B8E;
	s24 =	sld [smem:$0x3FFE];
	[sflag:s6] =	ssyncadd.remote.s32 @!p0 $0x1  }
0xba: {  	s26 =	simm.s32 $execute0_lowered;
	[smem:$0x3FD2] =	sst s25  }
0xbb: {  	s7 =	sshll.u32 s26, $0x1;
	_ =	strace $0x80000049;
	[dreg:$0x1] =	wrdreg $0xFFFFFFFF  }
0xbc: {  	s28 =	simm.s32 $_size_execute0_lowered;
	s5 =	sadd.s32 s5, s7;
	[dreg:$0x0] =	wrdreg $0x0  }
0xbd: {  	s7 =	sshll.u32 s28, $0x1;
	[dreg:$0x2] =	wrdreg s5  }
0xbe: {  	[dreg:$0x3] =	wrdreg s7  }
0xbf: {  	[dreg:$0x4] =	wrdreg $0xC0  }
0xc0: {  	_ =	task [dreg:s22], $0x5FFFF  }
0xc1: {  	[dreg:$0x1] =	wrdreg $0xFFFFFFFF  }
0xc2: {  	[dreg:$0x0] =	wrdreg $0x60  }
0xc3: {  	[dreg:$0x2] =	wrdreg s2  }
0xc4: {  	[dreg:$0x3] =	wrdreg s17  }
0xc5: {  	[dreg:$0x4] =	wrdreg s24  }
0xc6: {  	[dreg:$0x5] =	wrdreg $0xA  }
0xc7: {  	_ =	task.clear_ibuf [dreg:s22], $0x6FFFF;
	_ =	strace $0x90000049  }
0xc8: {  	s29 =	simm.s32 $0xA;
	_ =	strace $0x8000004B  }
0xc9: {  	_ =	swait.ge [sflag:s29], $0x1  }
0xca: {  	[sflag:s29] =	ssyncadd.s32 $0xFFFFFFFF  }
0xcb: {  	_ =	strace $0x9000004B  }
0xcc: {  	_ =	sfence  }
0xcd: {  	s30 =	sld [smem:$0x0];
	_ =	sdelay $0x2  }
0xce: {  	s31 =	sshll.u32 s1, $0xD;
	s1 =	sshrl.u32 s1, $0x2  }
0xcf: {  	s4 =	sand.u32 $0x4000, s31;
	s1 =	sadd.s32 s1, s30  }
0xd0: {  	s0 =	sor.u32 s4, s0;
	s1 =	sshll.u32 s1, $0x11  }
0xd1: {  	s0 =	sor.u32 s1, s0  }
0xd2: {  	s0 =	sadd.s32 $0x8F2B, s0  }
0xd3: {  	[sflag:s0] =	ssyncadd.remote.s32 $0x1  }
0xd4: {  	_ =	sfence.sel $0xFFFF  }
0xd5: {  	[dreg:$0x0] =	wrdreg $0xFFFFFFFF;
	(pc) =	sbr.abs _section_cstart, $3  }
0xd6: {  	[dreg:$0x1] =	wrdreg $0xFFFFFFFF  }
0xd7: {  	_ =	task.clear_ibuf [dreg:s22], $0x2FFFF;
	_ =	strace $0x9FFFFFFF  }
0xd8: {  	(tm) =	ssettm $0x7FFFFFFF  }
0xd9: {  	_ =	shalt  }
tec
execute0_lowered:
.L_overlay_start_1:
0x0: {  	(tag) =	ssettag $0x1  }
0x1: {  	s1 =	rddreg [dreg:$0x0]  }
0x2: {  	s2 =	srdreg.scid;
	s4 =	rddreg [dreg:$0x1]  }
0x3: {  	s0 =	stileid.u32;
	s5 =	rddreg [dreg:$0x2]  }
0x4: {  	s3 =	simm.s32 $0x0;
	s14 =	simm.s32 $0x1;
	s15 =	simm.s32 $0x2  }
0x5: {  	s16 =	simm.s32 $0xA80;
	s17 =	simm.s32 $0x0;
	s10 =	smul.u32 $0x2C, s0  }
0x6: {  	s7 =	sand.u32 $0x1, s2;
	s2 =	rddreg [dreg:$0x3];
	s29 =	smul.u32 $0x16000, s0  }
0x7: {  	s24 =	sshll.u32 s0, $0x1;
	[smem:$0x7FF] =	sst s3;
	s12 =	smul.u32 $0x16, s7  }
0x8: {  	s13 =	sadd.s32 $0x3E00, s5;
	s6 =	sor.u32 s7, s24;
	s30 =	smul.u32 $0xB000, s7  }
0x9: {  	s9 =	ssub.s32 $0x2, s7;
	_ =	strace $0x8000004A;
	s8 =	smul.u32 $0x160, s6  }
0xa: {  	s11 =	sshrl.u32 s9, $0x1;
	s6 =	smul.u32 $0xB000, s6;
	s31 =	sadd.s32 s29, s13  }
0xb: {  	s25 =	ssub.s32 s9, s11;
	s26 =	sadd.s32 s12, s10;
	s9 =	sadd.s32 s30, s31  }
0xc: {  	s10 =	simm.s32 $0x3;
	s11 =	simm.s32 $0xB00;
	s12 =	simm.s32 $0x80  }
0xd: {  	s4 =	sadd.s32 s4, s8;
	s28 =	sadd.s32 s13, s6;
	s8 =	sshll.u32 s26, $0xB  }
0xe: {  	s5 =	smax.u32 s25, $0x1;
	s6 =	sadd.s32 $0xA000, s28;
	s8 =	sadd.s32 s8, s13  }
0xf: {  	s7 =	sadd.s32 $0xA800, s28;
	s13 =	simm.s32 $0x4B00;
	s8 =	sadd.s32 $0x800, s8  }
.LBB2_1:
0x10: {  	[tilespmem:s3], [sflag:$0x3] =	stream.linear.gather [hbm4b:s4+s3], $0xB00, $0x38;
	[tilespmem:$0x8B00] =	vst v63  }
0x11: {  	_ =	swait.ge [sflag:s10], $0xB00  }
0x12: {  	[sflag:s10] =	ssyncset.done $0x0  }
0x13: {  	[sflag:s10] =	ssyncadd.s32 $0xFFFFF500  }
0x14: {  	[tilespmem:s11], [sflag:$0x1] =	stream.indirect.gather [hbm4b:s1+s12], $0x80, s3, s12, $0xb8;
	[tilespmem:$0x8B00] =	vst v63  }
0x15: {  	_ = 	snop  }
0x16: {  	[tilespmem:s13], [sflag:$0x2] =	stream.indirect.gather [hbm4b:s1+s12], $0x80, s12, s12, $0xb8;
	[tilespmem:$0x8B00] =	vst v63  }
0x17: {  	_ =	swait.ge [sflag:s14], $0x4000  }
0x18: {  	[sflag:s14] =	ssyncset.done $0x0  }
0x19: {  	s18 =	sadd.s32 $0x0, s9;
	[sflag:s14] =	ssyncadd.s32 $0xFFFFC000  }
0x1a: {  	[hbm4b:s18+s3] =	stream.linear.scatter [tilespmem:s11], [sflag:$0x3], $0x4000, $0x38;
	[tilespmem:$0x8B00] =	vst v63  }
0x1b: {  	_ =	swait.ge [sflag:s10], $0x4000  }
0x1c: {  	[sflag:s10] =	ssyncset.done $0x0  }
0x1d: {  	s30 =	simm.s32 $0x100;
	[sflag:s10] =	ssyncadd.s32 $0xFFFFC000  }
0x1e: {  	[tilespmem:s11], [sflag:$0x1] =	stream.indirect.gather [hbm4b:s1+s12], $0x80, s30, s12, $0xb8;
	[tilespmem:$0x8B00] =	vst v63  }
0x1f: {  	_ =	swait.ge [sflag:s15], $0x4000  }
0x20: {  	[sflag:s15] =	ssyncset.done $0x0  }
0x21: {  	s31 =	sadd.s32 $0x0, s8;
	[sflag:s15] =	ssyncadd.s32 $0xFFFFC000  }
0x22: {  	[hbm4b:s31+s3] =	stream.linear.scatter [tilespmem:s13], [sflag:$0x3], $0x4000, $0x38;
	[tilespmem:$0x8B00] =	vst v63  }
0x23: {  	_ =	swait.ge [sflag:s10], $0x4000  }
0x24: {  	s19 =	simm.s32 $0x80;
	s18 =	simm.s32 $0x1000;
	[sflag:s10] =	ssyncset.done $0x0  }
.LBB2_2:
0x25: {  	p0 =	sne.s32 s18, $0x9000;
	[sflag:s10] =	ssyncadd.s32 $0xFFFFC000;
	s19 =	sadd.s32 $0x100, s19  }
0x26: {  	[tilespmem:s13], [sflag:$0x2] =	stream.indirect.gather [hbm4b:s1+s12], $0x80, s19, s12, $0xb8;
	[tilespmem:$0x8B00] =	vst v63  }
0x27: {  	s20 =	smov.u32 s18;
	s18 =	sadd.s32 $0x1000, s18;
	_ =	swait.ge [sflag:s14], $0x4000  }
0x28: {  	[sflag:s14] =	ssyncset.done $0x0  }
0x29: {  	s21 =	sadd.s32 s20, s9;
	[sflag:s14] =	ssyncadd.s32 $0xFFFFC000  }
0x2a: {  	[hbm4b:s21+s3] =	stream.linear.scatter [tilespmem:s11], [sflag:$0x3], $0x4000, $0x38;
	[tilespmem:$0x8B00] =	vst v63  }
0x2b: {  	_ =	swait.ge [sflag:s10], $0x4000  }
0x2c: {  	[sflag:s10] =	ssyncset.done $0x0  }
0x2d: {  	s21 =	sadd.s32 $0x80, s19;
	[sflag:s10] =	ssyncadd.s32 $0xFFFFC000  }
0x2e: {  	[tilespmem:s11], [sflag:$0x1] =	stream.indirect.gather [hbm4b:s1+s12], $0x80, s21, s12, $0xb8;
	[tilespmem:$0x8B00] =	vst v63  }
0x2f: {  	_ =	swait.ge [sflag:s15], $0x4000  }
.Ltmp0:
0x30: {  	[sflag:s15] =	ssyncset.done $0x0;
	(pc) =	sbr.rel @p0 .LBB2_2-.Ltmp0, $4  }
0x31: {  	s20 =	sadd.s32 s20, s8;
	[sflag:s15] =	ssyncadd.s32 $0xFFFFC000  }
0x32: {  	[hbm4b:s20+s3] =	stream.linear.scatter [tilespmem:s13], [sflag:$0x3], $0x4000, $0x38;
	[tilespmem:$0x8B00] =	vst v63  }
0x33: {  	_ =	swait.ge [sflag:s10], $0x4000  }
0x34: {  	[sflag:s10] =	ssyncset.done $0x0  }
0x35: {  	[sflag:s10] =	ssyncadd.s32 $0xFFFFC000  }
0x36: {  	[tilespmem:s13], [sflag:$0x2] =	stream.indirect.gather [hbm4b:s1+s12], $0x80, s16, s12, $0xb8;
	[tilespmem:$0x8B00] =	vst v63  }
0x37: {  	_ =	swait.ge [sflag:s14], $0x4000  }
0x38: {  	[sflag:s14] =	ssyncset.done $0x0  }
0x39: {  	[sflag:s14] =	ssyncadd.s32 $0xFFFFC000  }
0x3a: {  	[hbm4b:s6+s3] =	stream.linear.scatter [tilespmem:s11], [sflag:$0x3], $0x4000, $0x38;
	[tilespmem:$0x8B00] =	vst v63  }
0x3b: {  	_ =	swait.ge [sflag:s10], $0x4000  }
0x3c: {  	[sflag:s10] =	ssyncset.done $0x0  }
0x3d: {  	[sflag:s10] =	ssyncadd.s32 $0xFFFFC000  }
0x3e: {  	s17 =	sadd.s32 $0x1, s17;
	_ =	swait.ge [sflag:s15], $0x4000  }
0x3f: {  	p0 =	sne.s32 s17, s5;
	[sflag:s15] =	ssyncset.done $0x0  }
.Ltmp1:
0x40: {  	[sflag:s15] =	ssyncadd.s32 $0xFFFFC000;
	(pc) =	sbr.rel @p0 .LBB2_1-.Ltmp1, $4  }
0x41: {  	[hbm4b:s7+s3] =	stream.linear.scatter [tilespmem:s13], [sflag:$0x3], $0x4000, $0x38;
	[tilespmem:$0x8B00] =	vst v63  }
0x42: {  	_ =	swait.ge [sflag:s10], $0x4000  }
0x43: {  	[sflag:s10] =	ssyncset.done $0x0  }
0x44: {  	[sflag:s10] =	ssyncadd.s32 $0xFFFFC000  }
0x45: {  	_ =	sfence.sel $0x180000  }
0x46: {  	[bflag:$0x0] =	sbarrier.arrive $0xFFFF  }
0x47: {  	p0 =	sne.s32 s0, $0x0;
	_ =	strace $0x9000004A  }
0x48: {  	s0 =	sadd.s32 @!p0 $0x100000, s2;
	[bflag:$0x2] =	sbarrier.arrive $0xFFFF  }
0x49: {  	[sflag:s0] =	ssyncadd.tile.s32 @!p0 $0x1;
	_ =	shalt  }
.Lfunc_end2:
_tile_overlayer_lowered:
.L_overlay_start_2:
0x4a: {  	(tag) =	ssettag $0x2  }
0x4b: {  	s0 =	rddreg [dreg:$0x0];
	s2 =	stileid.u32  }
0x4c: {  	s1 =	rddreg [dreg:$0x1];
	p0 =	sne.s32 s2, $0x0  }
0x4d: {  	s3 =	rddreg [dreg:$0x2];
	[bflag:$0x3] =	sbarrier.arrive $0xFFFF;
	s2 =	simm.s32 @!p0 $0x1C03  }
0x4e: {  	[timem:s3], [sflag:s2] =	dma.local @!p0 [hbm:s0], s1  }
0x4f: {  	s0 =	simm.s32 @!p0 $0x3  }
0x50: {  	_ =	swait.ge @!p0 [sflag:s0], s1  }
0x51: {  	s1 =	ssub.s32 @!p0 $0x0, s1;
	[sflag:s0] =	ssyncset.done @!p0 $0x0  }
0x52: {  	[sflag:s0] =	ssyncadd.s32 @!p0 s1  }
0x53: {  	[bflag:$0x3] =	sbarrier.arrive $0xFFFF  }
0x54: {  	_ =	shalt  }

// kernel: kernel.14.cloned.1.call-start
scs
__scs_entry_jumppad:
0x0: {  	(pc) =	sbr.rel $0x88, $3  }
0x1: {  	(tag) =	ssettag $0x0;
	lr =	simm.s32 $0x1  }
0x2: {  	[smem:$0x3F96] =	sst lr;
	_ =	strace $0xD0000000  }
0x3: {  	_ = 	snop  }
0x4: {  	_ = 	snop  }
0x5: {  	_ = 	snop  }
0x6: {  	_ = 	snop  }
0x7: {  	_ = 	snop  }
__scs_overlays_trampoline_lowered:
0x8: {  	[smem:$0x3FA5] =	sst s0  }
0x9: {  	[smem:$0x3FA6] =	sst s1  }
0xa: {  	[smem:$0x3FA7] =	sst s2  }
0xb: {  	[smem:$0x3FA8] =	sst s3  }
0xc: {  	[smem:$0x3FA9] =	sst s4  }
0xd: {  	[smem:$0x3FAA] =	sst s5  }
0xe: {  	[smem:$0x3FAB] =	sst s6  }
0xf: {  	[smem:$0x3FAC] =	sst s7  }
0x10: {  	[smem:$0x3FAD] =	sst s8  }
0x11: {  	[smem:$0x3FAE] =	sst s9;
	s0 =	simm.s32 @!p0 $0x0  }
0x12: {  	s1 =	sld [smem:$0x3F94];
	s0 =	simm.s32 @p0 $0x1  }
0x13: {  	[smem:$0x3FAF] =	sst s0;
	s0 =	simm.s32 @!p1 $0x0  }
0x14: {  	s2 =	sld [smem:$0x3F93];
	s0 =	simm.s32 @p1 $0x1  }
0x15: {  	[smem:$0x3FB0] =	sst s0;
	s0 =	simm.s32 @!p2 $0x0  }
0x16: {  	s3 =	sld [smem:$0x3FDB];
	s0 =	simm.s32 @p2 $0x1  }
0x17: {  	s4 =	simm.s32 $0x1BF5;
	[smem:$0x3FB2] =	sst s0  }
0x18: {  	s0 =	sld [smem:$0x3F95];
	_ =	swait.ge [sflag:s4], $0x0  }
0x19: {  	s7 =	sld [smem:$0x3F96]  }
0x1a: {  	s8 =	sadd.s32 $0xFFFFE003, lr  }
0x1b: {  	s9 =	sadd.s32 $0xFFFFFEF7, lr;
	s5 =	simm.s32 $0xFFFFFFFF;
	p2 =	slt.u32 s8, $0xFFFFF086  }
0x1c: {  	p1 =	slt.u32 s9, $0xF7A;
	s5 =	simm.s32 @!p2 $0x0  }
0x1d: {  	s5 =	simm.s32 @p1 $0x1;
	p0 =	seq.s32 s7, s2  }
0x1e: {  	s7 =	smul.u32 @!p0 $0xF7A, s2;
	p2 =	seq.s32 @!p0 s5, $0x0  }
0x1f: {  	s9 =	smul.u32 $0xF7A, s1;
	s8 =	simm.s32 @!p0 $0x1BF5;
	p2 =	por !p2, p0  }
0x20: {  	[sflag:s8] =	ssyncset.s32 @!p0 $0xFFFFF086;
	s6 =	sadd.s32 @!p0 s3, s7;
	s7 =	simm.s32 @!p0 $0x108  }
0x21: {  	s3 =	sadd.s32 s3, s9;
	s6 =	sadd.s32 @!p0 $0x88, s6;
	s7 =	simm.s32 @p2 $0x1082  }
0x22: {  	[simem:s7], [sflag:s8] =	dma.local @!p0 [hbm:s6], $0xF7A  }
0x23: {  	s9 =	sor.u32 $0xD0000000, s2;
	s6 =	simm.s32 $0x108;
	_ =	swait.ge @!p0 [sflag:s8], $0x0  }
0x24: {  	s3 =	sadd.s32 $0x88, s3;
	s6 =	simm.s32 @!p1 $0x1082;
	[sflag:s4] =	ssyncset.s32 $0xFFFFF086  }
0x25: {  	[simem:s6], [sflag:s4] =	dma.local [hbm:s3], $0xF7A  }
0x26: {  	[smem:$0x3F96] =	sst s1;
	(tag) =	ssettag s2;
	_ =	strace s9  }
0x27: {  	s1 =	sld [smem:$0x3FA6]  }
0x28: {  	s2 =	sld [smem:$0x3FA7]  }
0x29: {  	s4 =	sld [smem:$0x3FA9]  }
0x2a: {  	p0 =	seq.s32 s5, $0x0;
	s5 =	sld [smem:$0x3FAA]  }
0x2b: {  	s6 =	sld [smem:$0x3FAB]  }
0x2c: {  	s7 =	sld [smem:$0x3FAC]  }
0x2d: {  	s3 =	simm.s32 $0x108;
	s8 =	sld [smem:$0x3FAD]  }
0x2e: {  	s3 =	simm.s32 @!p0 $0x1082;
	s9 =	sld [smem:$0x3FAE]  }
0x2f: {  	lr =	sadd.s32 s0, s3;
	s0 =	sld [smem:$0x3FA5]  }
0x30: {  	s3 =	sld [smem:$0x3FA8]  }
0x31: {  	[smem:$0x3FB1] =	sst s10  }
0x32: {  	s10 =	sld [smem:$0x3FAF];
	_ =	sdelay $0x3  }
0x33: {  	p0 =	seq.s32 s10, $0x1;
	s10 =	sld [smem:$0x3FB1];
	_ =	sdelay $0x3  }
0x34: {  	[smem:$0x3FB1] =	sst s10  }
0x35: {  	s10 =	sld [smem:$0x3FB0];
	_ =	sdelay $0x3  }
0x36: {  	p1 =	seq.s32 s10, $0x1;
	s10 =	sld [smem:$0x3FB1];
	_ =	sdelay $0x3  }
0x37: {  	[smem:$0x3FB1] =	sst s10  }
0x38: {  	s10 =	sld [smem:$0x3FB2]  }
0x39: {  	_ = 	snop;
	(pc) =	sbr.ind lr, $3  }
0x3a: {  	_ = 	snop  }
0x3b: {  	_ = 	snop  }
0x3c: {  	p2 =	seq.s32 s10, $0x1;
	s10 =	sld [smem:$0x3FB1]  }
0x3d: {  	_ =	shalt  }
0x3e: {  	_ =	shalt  }
0x3f: {  	_ =	shalt  }
0x40: {  	_ =	shalt  }
0x41: {  	_ =	shalt  }
0x42: {  	_ =	shalt  }
0x43: {  	_ =	shalt  }
0x44: {  	_ =	shalt  }
0x45: {  	_ =	shalt  }
0x46: {  	_ =	shalt  }
0x47: {  	_ =	shalt  }
0x48: {  	_ =	shalt  }
0x49: {  	_ =	shalt  }
0x4a: {  	_ =	shalt  }
0x4b: {  	_ =	shalt  }
0x4c: {  	_ =	shalt  }
0x4d: {  	_ =	shalt  }
0x4e: {  	_ =	shalt  }
0x4f: {  	_ =	shalt  }
0x50: {  	_ =	shalt  }
0x51: {  	_ =	shalt  }
0x52: {  	_ =	shalt  }
0x53: {  	_ =	shalt  }
0x54: {  	_ =	shalt  }
0x55: {  	_ =	shalt  }
0x56: {  	_ =	shalt  }
0x57: {  	_ =	shalt  }
0x58: {  	_ =	shalt  }
0x59: {  	_ =	shalt  }
0x5a: {  	_ =	shalt  }
0x5b: {  	_ =	shalt  }
0x5c: {  	_ =	shalt  }
0x5d: {  	_ =	shalt  }
0x5e: {  	_ =	shalt  }
0x5f: {  	_ =	shalt  }
0x60: {  	_ =	shalt  }
0x61: {  	_ =	shalt  }
0x62: {  	_ =	shalt  }
0x63: {  	_ =	shalt  }
0x64: {  	_ =	shalt  }
0x65: {  	_ =	shalt  }
0x66: {  	_ =	shalt  }
0x67: {  	_ =	shalt  }
0x68: {  	_ =	shalt  }
0x69: {  	_ =	shalt  }
0x6a: {  	_ =	shalt  }
0x6b: {  	_ =	shalt  }
0x6c: {  	_ =	shalt  }
0x6d: {  	_ =	shalt  }
0x6e: {  	_ =	shalt  }
0x6f: {  	_ =	shalt  }
0x70: {  	_ =	shalt  }
0x71: {  	_ =	shalt  }
0x72: {  	_ =	shalt  }
0x73: {  	_ =	shalt  }
0x74: {  	_ =	shalt  }
0x75: {  	_ =	shalt  }
0x76: {  	_ =	shalt  }
0x77: {  	_ =	shalt  }
0x78: {  	_ =	shalt  }
0x79: {  	_ =	shalt  }
0x7a: {  	_ =	shalt  }
0x7b: {  	_ =	shalt  }
0x7c: {  	_ =	shalt  }
0x7d: {  	_ =	shalt  }
0x7e: {  	_ =	shalt  }
0x7f: {  	_ =	shalt  }
0x80: {  	_ =	shalt  }
0x81: {  	_ =	shalt  }
0x82: {  	_ =	shalt  }
0x83: {  	_ =	shalt  }
0x84: {  	_ =	shalt  }
0x85: {  	_ =	shalt  }
0x86: {  	_ =	shalt  }
0x87: {  	_ =	shalt  }
.Lfunc_end0:
.L_simem_size_0:
called_computation.2_lowered:
.L_overlay_start_0:
0x88: {  	s2 =	sld [smem:$0x3FD9]  }
0x89: {  	s3 =	sld [smem:$0x3FFE];
	_ =	sdelay $0x1  }
0x8a: {  	s1 =	srdreg.scid  }
0x8b: {  	s0 =	sand.u32 $0x1, s1  }
0x8c: {  	s17 =	sshll.u32 s0, $0xA;
	s2 =	sadd.s32 s3, s2  }
0x8d: {  	s2 =	sadd.s32 s2, s17  }
0x8e: {  	[smem:$0x3FBD] =	sst s2  }
0x8f: {  	_ = 	snop  }
0x90: {  	s18 =	sld [smem:$0x3FC7];
	(tm) =	ssettm $0x1  }
0x91: {  	s19 =	sld [smem:$0x3FFB];
	_ =	sdelay $0x3  }
0x92: {  	_ =	strace s19  }
0x93: {  	s2 =	sld [smem:$0x3FFC];
	_ =	sdelay $0x3  }
0x94: {  	_ =	strace s2  }
0x95: {  	s2 =	sld [smem:$0x3FFD];
	_ =	sdelay $0x3  }
0x96: {  	_ =	strace s2  }
0x97: {  	_ =	strace $0x8FFFFFFF  }
0x98: {  	s20 =	sld [smem:$0x3FDB];
	_ =	sdelay $0x1  }
0x99: {  	s4 =	simm.s32 $_scs_section_size  }
0x9a: {  	s5 =	simm.s32 $_size__tile_overlayer_lowered;
	s6 =	simm.s32 $_tile_overlayer_lowered  }
0x9b: {  	s7 =	simm.s32 $0x1BFF;
	s21 =	sshll.u32 s6, $0x1;
	s4 =	sadd.s32 s4, s20  }
0x9c: {  	s22 =	simm.s32 $0x0;
	s5 =	sshll.u32 s5, $0x1;
	s6 =	sadd.s32 s21, s4  }
0x9d: {  	[timem:s22], [sflag:s7] =	dma.local [hbm:s6], s5  }
0x9e: {  	_ =	swait.ge [sflag:s7], s5  }
0x9f: {  	s5 =	ssub.s32 $0x0, s5;
	[sflag:s7] =	ssyncset.done $0x0  }
0xa0: {  	[sflag:s7] =	ssyncadd.s32 s5;
	_ =	sdelay $0x1  }
0xa1: {  	s23 =	simm.s32 $0x1B8B  }
0xa2: {  	_ =	swait.ge [sflag:s23], $0x1  }
0xa3: {  	[sflag:s23] =	ssyncset.done $0x0  }
0xa4: {  	[sflag:s23] =	ssyncadd.s32 $0xFFFFFFFF  }
0xa5: {  	s5 =	sld [smem:$0x0]  }
0xa6: {  	s6 =	sand.u32 $0xFFFFFFFE, s1  }
0xa7: {  	p0 =	sne.s32 s1, s6  }
0xa8: {  	s6 =	sshll.u32 @p0 s6, $0xE  }
0xa9: {  	s6 =	sadd.s32 @p0 $0x11B8D, s6;
	s7 =	sshll.u32 @p0 s5, $0x11  }
0xaa: {  	s6 =	sor.u32 @p0 s7, s6  }
0xab: {  	[sflag:s6] =	ssyncadd.remote.s32 @p0 $0x1;
	_ =	sdelay $0x1  }
0xac: {  	s6 =	simm.s32 @p0 $0x1B8D  }
0xad: {  	_ =	swait.eq @p0 [sflag:s6], $0x1  }
0xae: {  	[sflag:s6] =	ssyncadd.s32 @p0 $0xFFFFFFFF  }
0xaf: {  	s7 =	sshll.u32 @!p0 s1, $0xE  }
0xb0: {  	s7 =	sor.u32 @!p0 $0x4000, s7;
	s6 =	simm.s32 @!p0 $0x1B8D  }
0xb1: {  	s5 =	sshll.u32 @!p0 s5, $0x11;
	s7 =	sadd.s32 @!p0 $0x11B8D, s7;
	_ =	swait.eq @!p0 [sflag:s6], $0x1  }
0xb2: {  	s5 =	sor.u32 @!p0 s5, s7;
	[sflag:s6] =	ssyncadd.s32 @!p0 $0xFFFFFFFF  }
0xb3: {  	s25 =	simm.s32 $0x1B8E;
	s24 =	sld [smem:$0x3FFE];
	[sflag:s5] =	ssyncadd.remote.s32 @!p0 $0x1  }
0xb4: {  	s26 =	simm.s32 $execute0_lowered;
	[smem:$0x3FD2] =	sst s25  }
0xb5: {  	s6 =	sshll.u32 s26, $0x1;
	_ =	strace $0x8000004C;
	[dreg:$0x1] =	wrdreg $0xFFFFFFFF  }
0xb6: {  	s28 =	simm.s32 $_size_execute0_lowered;
	s4 =	sadd.s32 s4, s6;
	[dreg:$0x0] =	wrdreg $0x0  }
0xb7: {  	s6 =	sshll.u32 s28, $0x1;
	[dreg:$0x2] =	wrdreg s4  }
0xb8: {  	[dreg:$0x3] =	wrdreg s6  }
0xb9: {  	[dreg:$0x4] =	wrdreg $0xC0  }
0xba: {  	_ =	task [dreg:s22], $0x5FFFF  }
0xbb: {  	[dreg:$0x1] =	wrdreg $0xFFFFFFFF  }
0xbc: {  	[dreg:$0x0] =	wrdreg $0x60  }
0xbd: {  	[dreg:$0x2] =	wrdreg s18  }
0xbe: {  	[dreg:$0x3] =	wrdreg s24  }
0xbf: {  	[dreg:$0x4] =	wrdreg $0xB  }
0xc0: {  	_ =	task.clear_ibuf [dreg:s22], $0x5FFFF;
	_ =	strace $0x9000004C  }
0xc1: {  	s29 =	simm.s32 $0xB;
	_ =	strace $0x8000004E  }
0xc2: {  	_ =	swait.ge [sflag:s29], $0x1  }
0xc3: {  	[sflag:s29] =	ssyncadd.s32 $0xFFFFFFFF  }
0xc4: {  	_ =	strace $0x9000004E  }
0xc5: {  	_ =	sfence  }
0xc6: {  	s30 =	sld [smem:$0x0];
	_ =	sdelay $0x2  }
0xc7: {  	s31 =	sshll.u32 s1, $0xD;
	s1 =	sshrl.u32 s1, $0x2  }
0xc8: {  	s4 =	sand.u32 $0x4000, s31;
	s1 =	sadd.s32 s1, s30  }
0xc9: {  	s0 =	sor.u32 s4, s0;
	s1 =	sshll.u32 s1, $0x11  }
0xca: {  	s0 =	sor.u32 s1, s0  }
0xcb: {  	s0 =	sadd.s32 $0x8F2B, s0  }
0xcc: {  	[sflag:s0] =	ssyncadd.remote.s32 $0x1  }
0xcd: {  	_ =	sfence.sel $0xFFFF  }
0xce: {  	[dreg:$0x0] =	wrdreg $0xFFFFFFFF;
	(pc) =	sbr.abs _section_cstart, $3  }
0xcf: {  	[dreg:$0x1] =	wrdreg $0xFFFFFFFF  }
0xd0: {  	_ =	task.clear_ibuf [dreg:s22], $0x2FFFF;
	_ =	strace $0x9FFFFFFF  }
0xd1: {  	(tm) =	ssettm $0x7FFFFFFF  }
tec
execute0_lowered:
.L_overlay_start_1:
0x0: {  	(tag) =	ssettag $0x1  }
0x1: {  	s2 =	rddreg [dreg:$0x0];
	s1 =	srdreg.scid  }
0x2: {  	s0 =	stileid.u32;
	s4 =	rddreg [dreg:$0x1];
	s3 =	simm.s32 $0x0  }
0x3: {  	s13 =	simm.s32 $0x4B00;
	s14 =	simm.s32 $0x1;
	s15 =	simm.s32 $0x2  }
0x4: {  	s16 =	simm.s32 $0xA80;
	s17 =	simm.s32 $0x0;
	s9 =	smul.u32 $0x2C, s0  }
0x5: {  	s7 =	sand.u32 $0x1, s1;
	s1 =	rddreg [dreg:$0x2];
	s29 =	smul.u32 $0x16000, s0  }
0x6: {  	s5 =	sshll.u32 s0, $0x1;
	[smem:$0x7FF] =	sst s3;
	s11 =	smul.u32 $0x16, s7  }
0x7: {  	s12 =	sadd.s32 $0x166A00, s4;
	s5 =	sor.u32 s7, s5;
	s30 =	smul.u32 $0xB000, s7  }
0x8: {  	_ =	strace $0x8000004D;
	s8 =	ssub.s32 $0x2, s7;
	s6 =	smul.u32 $0x160, s5  }
0x9: {  	s10 =	sshrl.u32 s8, $0x1;
	s25 =	smul.u32 $0xB000, s5;
	s31 =	sadd.s32 s29, s12  }
0xa: {  	s8 =	ssub.s32 s8, s10;
	s26 =	sadd.s32 s11, s9;
	s10 =	simm.s32 $0x3  }
0xb: {  	s11 =	simm.s32 $0xB00;
	s6 =	sadd.s32 s6, s4;
	s5 =	smax.u32 s8, $0x1  }
0xc: {  	s28 =	sadd.s32 s12, s25;
	s9 =	sshll.u32 s26, $0xB;
	s4 =	sadd.s32 $0x163E00, s6  }
0xd: {  	s6 =	sadd.s32 $0xA000, s28;
	s9 =	sadd.s32 s9, s12;
	s7 =	sadd.s32 $0xA800, s28  }
0xe: {  	s12 =	simm.s32 $0x80;
	s8 =	sadd.s32 $0x800, s9;
	s9 =	sadd.s32 s30, s31  }
.LBB2_1:
0xf: {  	[tilespmem:s3], [sflag:$0x3] =	stream.linear.gather [hbm4b:s4+s3], $0xB00, $0x38;
	[tilespmem:$0x8B00] =	vst v63  }
0x10: {  	_ =	swait.ge [sflag:s10], $0xB00  }
0x11: {  	[sflag:s10] =	ssyncset.done $0x0  }
0x12: {  	[sflag:s10] =	ssyncadd.s32 $0xFFFFF500  }
0x13: {  	[tilespmem:s11], [sflag:$0x1] =	stream.indirect.gather [hbm4b:s2+s12], $0x80, s3, s12, $0xb8;
	[tilespmem:$0x8B00] =	vst v63  }
0x14: {  	_ = 	snop  }
0x15: {  	[tilespmem:s13], [sflag:$0x2] =	stream.indirect.gather [hbm4b:s2+s12], $0x80, s12, s12, $0xb8;
	[tilespmem:$0x8B00] =	vst v63  }
0x16: {  	_ =	swait.ge [sflag:s14], $0x4000  }
0x17: {  	[sflag:s14] =	ssyncset.done $0x0  }
0x18: {  	s18 =	sadd.s32 $0x0, s9;
	[sflag:s14] =	ssyncadd.s32 $0xFFFFC000  }
0x19: {  	[hbm4b:s18+s3] =	stream.linear.scatter [tilespmem:s11], [sflag:$0x3], $0x4000, $0x38;
	[tilespmem:$0x8B00] =	vst v63  }
0x1a: {  	_ =	swait.ge [sflag:s10], $0x4000  }
0x1b: {  	[sflag:s10] =	ssyncset.done $0x0  }
0x1c: {  	s30 =	simm.s32 $0x100;
	[sflag:s10] =	ssyncadd.s32 $0xFFFFC000  }
0x1d: {  	[tilespmem:s11], [sflag:$0x1] =	stream.indirect.gather [hbm4b:s2+s12], $0x80, s30, s12, $0xb8;
	[tilespmem:$0x8B00] =	vst v63  }
0x1e: {  	_ =	swait.ge [sflag:s15], $0x4000  }
0x1f: {  	[sflag:s15] =	ssyncset.done $0x0  }
0x20: {  	s31 =	sadd.s32 $0x0, s8;
	[sflag:s15] =	ssyncadd.s32 $0xFFFFC000  }
0x21: {  	[hbm4b:s31+s3] =	stream.linear.scatter [tilespmem:s13], [sflag:$0x3], $0x4000, $0x38;
	[tilespmem:$0x8B00] =	vst v63  }
0x22: {  	_ =	swait.ge [sflag:s10], $0x4000  }
0x23: {  	s19 =	simm.s32 $0x80;
	s18 =	simm.s32 $0x1000;
	[sflag:s10] =	ssyncset.done $0x0  }
.LBB2_2:
0x24: {  	p0 =	sne.s32 s18, $0x9000;
	[sflag:s10] =	ssyncadd.s32 $0xFFFFC000;
	s19 =	sadd.s32 $0x100, s19  }
0x25: {  	[tilespmem:s13], [sflag:$0x2] =	stream.indirect.gather [hbm4b:s2+s12], $0x80, s19, s12, $0xb8;
	[tilespmem:$0x8B00] =	vst v63  }
0x26: {  	s20 =	smov.u32 s18;
	s18 =	sadd.s32 $0x1000, s18;
	_ =	swait.ge [sflag:s14], $0x4000  }
0x27: {  	[sflag:s14] =	ssyncset.done $0x0  }
0x28: {  	s21 =	sadd.s32 s20, s9;
	[sflag:s14] =	ssyncadd.s32 $0xFFFFC000  }
0x29: {  	[hbm4b:s21+s3] =	stream.linear.scatter [tilespmem:s11], [sflag:$0x3], $0x4000, $0x38;
	[tilespmem:$0x8B00] =	vst v63  }
0x2a: {  	_ =	swait.ge [sflag:s10], $0x4000  }
0x2b: {  	[sflag:s10] =	ssyncset.done $0x0  }
0x2c: {  	s21 =	sadd.s32 $0x80, s19;
	[sflag:s10] =	ssyncadd.s32 $0xFFFFC000  }
0x2d: {  	[tilespmem:s11], [sflag:$0x1] =	stream.indirect.gather [hbm4b:s2+s12], $0x80, s21, s12, $0xb8;
	[tilespmem:$0x8B00] =	vst v63  }
0x2e: {  	_ =	swait.ge [sflag:s15], $0x4000  }
.Ltmp0:
0x2f: {  	[sflag:s15] =	ssyncset.done $0x0;
	(pc) =	sbr.rel @p0 .LBB2_2-.Ltmp0, $4  }
0x30: {  	s20 =	sadd.s32 s20, s8;
	[sflag:s15] =	ssyncadd.s32 $0xFFFFC000  }
0x31: {  	[hbm4b:s20+s3] =	stream.linear.scatter [tilespmem:s13], [sflag:$0x3], $0x4000, $0x38;
	[tilespmem:$0x8B00] =	vst v63  }
0x32: {  	_ =	swait.ge [sflag:s10], $0x4000  }
0x33: {  	[sflag:s10] =	ssyncset.done $0x0  }
0x34: {  	[sflag:s10] =	ssyncadd.s32 $0xFFFFC000  }
0x35: {  	[tilespmem:s13], [sflag:$0x2] =	stream.indirect.gather [hbm4b:s2+s12], $0x80, s16, s12, $0xb8;
	[tilespmem:$0x8B00] =	vst v63  }
0x36: {  	_ =	swait.ge [sflag:s14], $0x4000  }
0x37: {  	[sflag:s14] =	ssyncset.done $0x0  }
0x38: {  	[sflag:s14] =	ssyncadd.s32 $0xFFFFC000  }
0x39: {  	[hbm4b:s6+s3] =	stream.linear.scatter [tilespmem:s11], [sflag:$0x3], $0x4000, $0x38;
	[tilespmem:$0x8B00] =	vst v63  }
0x3a: {  	_ =	swait.ge [sflag:s10], $0x4000  }
0x3b: {  	[sflag:s10] =	ssyncset.done $0x0  }
0x3c: {  	[sflag:s10] =	ssyncadd.s32 $0xFFFFC000  }
0x3d: {  	s17 =	sadd.s32 $0x1, s17;
	_ =	swait.ge [sflag:s15], $0x4000  }
0x3e: {  	p0 =	sne.s32 s17, s5;
	[sflag:s15] =	ssyncset.done $0x0  }
.Ltmp1:
0x3f: {  	[sflag:s15] =	ssyncadd.s32 $0xFFFFC000;
	(pc) =	sbr.rel @p0 .LBB2_1-.Ltmp1, $4  }
0x40: {  	[hbm4b:s7+s3] =	stream.linear.scatter [tilespmem:s13], [sflag:$0x3], $0x4000, $0x38;
	[tilespmem:$0x8B00] =	vst v63  }
0x41: {  	_ =	swait.ge [sflag:s10], $0x4000  }
0x42: {  	[sflag:s10] =	ssyncset.done $0x0  }
0x43: {  	[sflag:s10] =	ssyncadd.s32 $0xFFFFC000  }
0x44: {  	_ =	sfence.sel $0x180000  }
0x45: {  	[bflag:$0x0] =	sbarrier.arrive $0xFFFF  }
0x46: {  	p0 =	sne.s32 s0, $0x0;
	_ =	strace $0x9000004D  }
0x47: {  	s0 =	sadd.s32 @!p0 $0x100000, s1;
	[bflag:$0x2] =	sbarrier.arrive $0xFFFF  }
0x48: {  	[sflag:s0] =	ssyncadd.tile.s32 @!p0 $0x1;
	_ =	shalt  }
.Lfunc_end2:
_tile_overlayer_lowered:
.L_overlay_start_2:
0x49: {  	(tag) =	ssettag $0x2  }
0x4a: {  	s0 =	rddreg [dreg:$0x0];
	s2 =	stileid.u32  }
0x4b: {  	s1 =	rddreg [dreg:$0x1];
	p0 =	sne.s32 s2, $0x0  }
0x4c: {  	s3 =	rddreg [dreg:$0x2];
	[bflag:$0x3] =	sbarrier.arrive $0xFFFF;
	s2 =	simm.s32 @!p0 $0x1C03  }
0x4d: {  	[timem:s3], [sflag:s2] =	dma.local @!p0 [hbm:s0], s1  }
0x4e: {  	s0 =	simm.s32 @!p0 $0x3  }
0x4f: {  	_ =	swait.ge @!p0 [sflag:s0], s1  }
0x50: {  	s1 =	ssub.s32 @!p0 $0x0, s1;
	[sflag:s0] =	ssyncset.done @!p0 $0x0  }
0x51: {  	[sflag:s0] =	ssyncadd.s32 @!p0 s1  }
0x52: {  	[bflag:$0x3] =	sbarrier.arrive $0xFFFF  }
0x53: {  	_ =	shalt  }

// kernel: kernel.8.cloned.1.call-start
scs
__scs_entry_jumppad:
0x0: {  	(pc) =	sbr.rel $0x88, $3  }
0x1: {  	(tag) =	ssettag $0x0;
	lr =	simm.s32 $0x1  }
0x2: {  	[smem:$0x3F96] =	sst lr;
	_ =	strace $0xD0000000  }
0x3: {  	_ = 	snop  }
0x4: {  	_ = 	snop  }
0x5: {  	_ = 	snop  }
0x6: {  	_ = 	snop  }
0x7: {  	_ = 	snop  }
__scs_overlays_trampoline_lowered:
0x8: {  	[smem:$0x3FA5] =	sst s0  }
0x9: {  	[smem:$0x3FA6] =	sst s1  }
0xa: {  	[smem:$0x3FA7] =	sst s2  }
0xb: {  	[smem:$0x3FA8] =	sst s3  }
0xc: {  	[smem:$0x3FA9] =	sst s4  }
0xd: {  	[smem:$0x3FAA] =	sst s5  }
0xe: {  	[smem:$0x3FAB] =	sst s6  }
0xf: {  	[smem:$0x3FAC] =	sst s7  }
0x10: {  	[smem:$0x3FAD] =	sst s8  }
0x11: {  	[smem:$0x3FAE] =	sst s9;
	s0 =	simm.s32 @!p0 $0x0  }
0x12: {  	s1 =	sld [smem:$0x3F94];
	s0 =	simm.s32 @p0 $0x1  }
0x13: {  	[smem:$0x3FAF] =	sst s0;
	s0 =	simm.s32 @!p1 $0x0  }
0x14: {  	s2 =	sld [smem:$0x3F93];
	s0 =	simm.s32 @p1 $0x1  }
0x15: {  	[smem:$0x3FB0] =	sst s0;
	s0 =	simm.s32 @!p2 $0x0  }
0x16: {  	s3 =	sld [smem:$0x3FDB];
	s0 =	simm.s32 @p2 $0x1  }
0x17: {  	s4 =	simm.s32 $0x1BF5;
	[smem:$0x3FB2] =	sst s0  }
0x18: {  	s0 =	sld [smem:$0x3F95];
	_ =	swait.ge [sflag:s4], $0x0  }
0x19: {  	s7 =	sld [smem:$0x3F96]  }
0x1a: {  	s8 =	sadd.s32 $0xFFFFE003, lr  }
0x1b: {  	s9 =	sadd.s32 $0xFFFFFEF7, lr;
	s5 =	simm.s32 $0xFFFFFFFF;
	p2 =	slt.u32 s8, $0xFFFFF086  }
0x1c: {  	p1 =	slt.u32 s9, $0xF7A;
	s5 =	simm.s32 @!p2 $0x0  }
0x1d: {  	s5 =	simm.s32 @p1 $0x1;
	p0 =	seq.s32 s7, s2  }
0x1e: {  	s7 =	smul.u32 @!p0 $0xF7A, s2;
	p2 =	seq.s32 @!p0 s5, $0x0  }
0x1f: {  	s9 =	smul.u32 $0xF7A, s1;
	s8 =	simm.s32 @!p0 $0x1BF5;
	p2 =	por !p2, p0  }
0x20: {  	[sflag:s8] =	ssyncset.s32 @!p0 $0xFFFFF086;
	s6 =	sadd.s32 @!p0 s3, s7;
	s7 =	simm.s32 @!p0 $0x108  }
0x21: {  	s3 =	sadd.s32 s3, s9;
	s6 =	sadd.s32 @!p0 $0x88, s6;
	s7 =	simm.s32 @p2 $0x1082  }
0x22: {  	[simem:s7], [sflag:s8] =	dma.local @!p0 [hbm:s6], $0xF7A  }
0x23: {  	s9 =	sor.u32 $0xD0000000, s2;
	s6 =	simm.s32 $0x108;
	_ =	swait.ge @!p0 [sflag:s8], $0x0  }
0x24: {  	s3 =	sadd.s32 $0x88, s3;
	s6 =	simm.s32 @!p1 $0x1082;
	[sflag:s4] =	ssyncset.s32 $0xFFFFF086  }
0x25: {  	[simem:s6], [sflag:s4] =	dma.local [hbm:s3], $0xF7A  }
0x26: {  	[smem:$0x3F96] =	sst s1;
	(tag) =	ssettag s2;
	_ =	strace s9  }
0x27: {  	s1 =	sld [smem:$0x3FA6]  }
0x28: {  	s2 =	sld [smem:$0x3FA7]  }
0x29: {  	s4 =	sld [smem:$0x3FA9]  }
0x2a: {  	p0 =	seq.s32 s5, $0x0;
	s5 =	sld [smem:$0x3FAA]  }
0x2b: {  	s6 =	sld [smem:$0x3FAB]  }
0x2c: {  	s7 =	sld [smem:$0x3FAC]  }
0x2d: {  	s3 =	simm.s32 $0x108;
	s8 =	sld [smem:$0x3FAD]  }
0x2e: {  	s3 =	simm.s32 @!p0 $0x1082;
	s9 =	sld [smem:$0x3FAE]  }
0x2f: {  	lr =	sadd.s32 s0, s3;
	s0 =	sld [smem:$0x3FA5]  }
0x30: {  	s3 =	sld [smem:$0x3FA8]  }
0x31: {  	[smem:$0x3FB1] =	sst s10  }
0x32: {  	s10 =	sld [smem:$0x3FAF];
	_ =	sdelay $0x3  }
0x33: {  	p0 =	seq.s32 s10, $0x1;
	s10 =	sld [smem:$0x3FB1];
	_ =	sdelay $0x3  }
0x34: {  	[smem:$0x3FB1] =	sst s10  }
0x35: {  	s10 =	sld [smem:$0x3FB0];
	_ =	sdelay $0x3  }
0x36: {  	p1 =	seq.s32 s10, $0x1;
	s10 =	sld [smem:$0x3FB1];
	_ =	sdelay $0x3  }
0x37: {  	[smem:$0x3FB1] =	sst s10  }
0x38: {  	s10 =	sld [smem:$0x3FB2]  }
0x39: {  	_ = 	snop;
	(pc) =	sbr.ind lr, $3  }
0x3a: {  	_ = 	snop  }
0x3b: {  	_ = 	snop  }
0x3c: {  	p2 =	seq.s32 s10, $0x1;
	s10 =	sld [smem:$0x3FB1]  }
0x3d: {  	_ =	shalt  }
0x3e: {  	_ =	shalt  }
0x3f: {  	_ =	shalt  }
0x40: {  	_ =	shalt  }
0x41: {  	_ =	shalt  }
0x42: {  	_ =	shalt  }
0x43: {  	_ =	shalt  }
0x44: {  	_ =	shalt  }
0x45: {  	_ =	shalt  }
0x46: {  	_ =	shalt  }
0x47: {  	_ =	shalt  }
0x48: {  	_ =	shalt  }
0x49: {  	_ =	shalt  }
0x4a: {  	_ =	shalt  }
0x4b: {  	_ =	shalt  }
0x4c: {  	_ =	shalt  }
0x4d: {  	_ =	shalt  }
0x4e: {  	_ =	shalt  }
0x4f: {  	_ =	shalt  }
0x50: {  	_ =	shalt  }
0x51: {  	_ =	shalt  }
0x52: {  	_ =	shalt  }
0x53: {  	_ =	shalt  }
0x54: {  	_ =	shalt  }
0x55: {  	_ =	shalt  }
0x56: {  	_ =	shalt  }
0x57: {  	_ =	shalt  }
0x58: {  	_ =	shalt  }
0x59: {  	_ =	shalt  }
0x5a: {  	_ =	shalt  }
0x5b: {  	_ =	shalt  }
0x5c: {  	_ =	shalt  }
0x5d: {  	_ =	shalt  }
0x5e: {  	_ =	shalt  }
0x5f: {  	_ =	shalt  }
0x60: {  	_ =	shalt  }
0x61: {  	_ =	shalt  }
0x62: {  	_ =	shalt  }
0x63: {  	_ =	shalt  }
0x64: {  	_ =	shalt  }
0x65: {  	_ =	shalt  }
0x66: {  	_ =	shalt  }
0x67: {  	_ =	shalt  }
0x68: {  	_ =	shalt  }
0x69: {  	_ =	shalt  }
0x6a: {  	_ =	shalt  }
0x6b: {  	_ =	shalt  }
0x6c: {  	_ =	shalt  }
0x6d: {  	_ =	shalt  }
0x6e: {  	_ =	shalt  }
0x6f: {  	_ =	shalt  }
0x70: {  	_ =	shalt  }
0x71: {  	_ =	shalt  }
0x72: {  	_ =	shalt  }
0x73: {  	_ =	shalt  }
0x74: {  	_ =	shalt  }
0x75: {  	_ =	shalt  }
0x76: {  	_ =	shalt  }
0x77: {  	_ =	shalt  }
0x78: {  	_ =	shalt  }
0x79: {  	_ =	shalt  }
0x7a: {  	_ =	shalt  }
0x7b: {  	_ =	shalt  }
0x7c: {  	_ =	shalt  }
0x7d: {  	_ =	shalt  }
0x7e: {  	_ =	shalt  }
0x7f: {  	_ =	shalt  }
0x80: {  	_ =	shalt  }
0x81: {  	_ =	shalt  }
0x82: {  	_ =	shalt  }
0x83: {  	_ =	shalt  }
0x84: {  	_ =	shalt  }
0x85: {  	_ =	shalt  }
0x86: {  	_ =	shalt  }
0x87: {  	_ =	shalt  }
.Lfunc_end0:
.L_simem_size_0:
called_computation_lowered:
.L_overlay_start_0:
0x88: {  	s2 =	sld [smem:$0x3FD9]  }
0x89: {  	s3 =	sld [smem:$0x3FFE];
	_ =	sdelay $0x1  }
0x8a: {  	s1 =	srdreg.scid  }
0x8b: {  	s0 =	sand.u32 $0x1, s1  }
0x8c: {  	s14 =	sshll.u32 s0, $0xA;
	s2 =	sadd.s32 s3, s2  }
0x8d: {  	s2 =	sadd.s32 s2, s14  }
0x8e: {  	[smem:$0x3FBD] =	sst s2  }
0x8f: {  	_ = 	snop  }
0x90: {  	s2 =	sld [smem:$0x3FD0];
	_ =	sdelay $0x2  }
0x91: {  	s4 =	simm.s32 $0xC;
	s5 =	simm.s32 $0x10;
	s15 =	sld [smem:$0x3FC7]  }
0x92: {  	[smem:s5], [sflag:s4] =	dma.local [hbm:s2], $0x1  }
0x93: {  	_ =	swait.eq [sflag:s4], $0x1  }
0x94: {  	[sflag:s4] =	ssyncset.done $0x0  }
0x95: {  	[sflag:s4] =	ssyncadd.s32 $0xFFFFFFFF  }
0x96: {  	s16 =	sld [smem:$0x10];
	(tm) =	ssettm $0x1  }
0x97: {  	s17 =	sld [smem:$0x3FFB];
	_ =	sdelay $0x3  }
0x98: {  	_ =	strace s17  }
0x99: {  	s4 =	sld [smem:$0x3FFC];
	_ =	sdelay $0x3  }
0x9a: {  	_ =	strace s4  }
0x9b: {  	s4 =	sld [smem:$0x3FFD];
	_ =	sdelay $0x3  }
0x9c: {  	_ =	strace s4  }
0x9d: {  	_ =	strace $0x8FFFFFFF  }
0x9e: {  	s18 =	sld [smem:$0x3FDB];
	_ =	sdelay $0x1  }
0x9f: {  	s19 =	simm.s32 $_scs_section_size  }
0xa0: {  	s6 =	simm.s32 $_size__tile_overlayer_lowered;
	s7 =	simm.s32 $_tile_overlayer_lowered  }
0xa1: {  	s22 =	simm.s32 $0x1BFF;
	s21 =	sshll.u32 s7, $0x1;
	s4 =	sadd.s32 s19, s18  }
0xa2: {  	s8 =	simm.s32 $0x0;
	s20 =	sshll.u32 s6, $0x1;
	s6 =	sadd.s32 s21, s4  }
0xa3: {  	[timem:s8], [sflag:s22] =	dma.local [hbm:s6], s20  }
0xa4: {  	_ =	swait.ge [sflag:s22], s20  }
0xa5: {  	s5 =	ssub.s32 $0x0, s20;
	[sflag:s22] =	ssyncset.done $0x0  }
0xa6: {  	[sflag:s22] =	ssyncadd.s32 s5;
	_ =	sdelay $0x1  }
0xa7: {  	s23 =	simm.s32 $0x1B8B  }
0xa8: {  	_ =	swait.ge [sflag:s23], $0x1  }
0xa9: {  	[sflag:s23] =	ssyncset.done $0x0  }
0xaa: {  	s25 =	simm.s32 $0x1B8E;
	s24 =	sld [smem:$0x3FFE];
	[sflag:s23] =	ssyncadd.s32 $0xFFFFFFFF  }
0xab: {  	s26 =	simm.s32 $execute0_lowered;
	[smem:$0x3FD2] =	sst s25  }
0xac: {  	s6 =	sshll.u32 s26, $0x1;
	_ =	strace $0x80000046;
	[dreg:$0x1] =	wrdreg $0xFFFFFFFF  }
0xad: {  	s28 =	simm.s32 $_size_execute0_lowered;
	s4 =	sadd.s32 s4, s6;
	[dreg:$0x0] =	wrdreg $0x0  }
0xae: {  	s6 =	sshll.u32 s28, $0x1;
	[dreg:$0x2] =	wrdreg s4  }
0xaf: {  	[dreg:$0x3] =	wrdreg s6  }
0xb0: {  	[dreg:$0x4] =	wrdreg $0xC0  }
0xb1: {  	_ =	task [dreg:s8], $0x5FFFF  }
0xb2: {  	[dreg:$0x1] =	wrdreg $0xFFFFFFFF  }
0xb3: {  	[dreg:$0x0] =	wrdreg $0x60  }
0xb4: {  	[dreg:$0x2] =	wrdreg s15  }
0xb5: {  	[dreg:$0x3] =	wrdreg s24  }
0xb6: {  	[dreg:$0x4] =	wrdreg s16  }
0xb7: {  	[dreg:$0x5] =	wrdreg $0x9  }
0xb8: {  	_ =	task.clear_ibuf [dreg:s8], $0x6FFFF;
	_ =	strace $0x90000046  }
0xb9: {  	s29 =	simm.s32 $0x9;
	_ =	strace $0x80000048  }
0xba: {  	_ =	swait.ge [sflag:s29], $0x1  }
0xbb: {  	[sflag:s29] =	ssyncadd.s32 $0xFFFFFFFF  }
0xbc: {  	_ =	strace $0x90000048  }
0xbd: {  	_ =	sfence  }
0xbe: {  	s30 =	sld [smem:$0x0];
	_ =	sdelay $0x2  }
0xbf: {  	s31 =	sshll.u32 s1, $0xD;
	s1 =	sshrl.u32 s1, $0x2  }
0xc0: {  	s3 =	sand.u32 $0x4000, s31;
	s1 =	sadd.s32 s1, s30  }
0xc1: {  	s0 =	sor.u32 s3, s0;
	s1 =	sshll.u32 s1, $0x11  }
0xc2: {  	s0 =	sor.u32 s1, s0  }
0xc3: {  	s0 =	sadd.s32 $0x8F2B, s0  }
0xc4: {  	[sflag:s0] =	ssyncadd.remote.s32 $0x1  }
0xc5: {  	_ =	sfence.sel $0xFFFF  }
0xc6: {  	[dreg:$0x0] =	wrdreg $0xFFFFFFFF;
	(pc) =	sbr.abs _section_cstart, $3  }
0xc7: {  	[dreg:$0x1] =	wrdreg $0xFFFFFFFF  }
0xc8: {  	_ =	task.clear_ibuf [dreg:s8], $0x2FFFF;
	_ =	strace $0x9FFFFFFF  }
0xc9: {  	(tm) =	ssettm $0x7FFFFFFF  }
tec
execute0_lowered:
.L_overlay_start_1:
0x0: {  	(tag) =	ssettag $0x1  }
0x1: {  	s1 =	srdreg.scid;
	s0 =	stileid.u32  }
0x2: {  	s2 =	rddreg [dreg:$0x0];
	s20 =	sand.u32 $0x1, s1;
	s31 =	sshll.u32 s0, $0x1  }
0x3: {  	s4 =	rddreg [dreg:$0x1];
	s10 =	sor.u32 s20, s31  }
0x4: {  	s11 =	rddreg [dreg:$0x2];
	s5 =	smul.u32 $0x60, s10  }
0x5: {  	s3 =	simm.s32 $0x0;
	s1 =	rddreg [dreg:$0x3]  }
0x6: {  	[smem:$0x7FF] =	sst s3;
	s4 =	sadd.s32 s5, s4  }
0x7: {  	_ =	strace $0x80000047;
	s5 =	sadd.s32 $0x3200, s4;
	s4 =	simm.s32 $0x3  }
0x8: {  	[tilespmem:s3], [sflag:$0x3] =	stream.linear.gather [hbm4b:s5+s3], $0x300, $0x38;
	[tilespmem:$0x8300] =	vst v63  }
0x9: {  	_ =	swait.ge [sflag:s4], $0x300  }
0xa: {  	[sflag:s4] =	ssyncset.done $0x0  }
0xb: {  	s6 =	simm.s32 $0x80;
	s7 =	simm.s32 $0x300;
	[sflag:s4] =	ssyncadd.s32 $0xFFFFFD00  }
0xc: {  	[tilespmem:s7], [sflag:$0x1] =	stream.indirect.gather [hbm4b:s2+s6], $0x80, s3, s6, $0xb8;
	[tilespmem:$0x8300] =	vst v63  }
0xd: {  	s8 =	simm.s32 $0x4300;
	s9 =	simm.s32 $0x1  }
0xe: {  	[tilespmem:s8], [sflag:$0x2] =	stream.indirect.gather [hbm4b:s2+s6], $0x80, s6, s6, $0xb8;
	[tilespmem:$0x8300] =	vst v63  }
0xf: {  	s10 =	smul.u32 $0x3000, s10;
	_ =	swait.ge [sflag:s9], $0x4000  }
0x10: {  	[sflag:s9] =	ssyncset.done $0x0  }
0x11: {  	s10 =	sadd.s32 s11, s10;
	[sflag:s9] =	ssyncadd.s32 $0xFFFFC000  }
0x12: {  	[hbm4b:s10+s3] =	stream.linear.scatter [tilespmem:s7], [sflag:$0x3], $0x4000, $0x38;
	[tilespmem:$0x8300] =	vst v63  }
0x13: {  	_ =	swait.ge [sflag:s4], $0x4000  }
0x14: {  	[sflag:s4] =	ssyncset.done $0x0  }
0x15: {  	s12 =	simm.s32 $0x2;
	s11 =	simm.s32 $0x100;
	[sflag:s4] =	ssyncadd.s32 $0xFFFFC000  }
0x16: {  	[tilespmem:s7], [sflag:$0x1] =	stream.indirect.gather [hbm4b:s2+s6], $0x80, s11, s6, $0xb8;
	[tilespmem:$0x8300] =	vst v63  }
0x17: {  	_ =	swait.ge [sflag:s12], $0x4000  }
0x18: {  	[sflag:s12] =	ssyncset.done $0x0  }
0x19: {  	s13 =	sadd.s32 $0x800, s10;
	[sflag:s12] =	ssyncadd.s32 $0xFFFFC000  }
0x1a: {  	[hbm4b:s13+s3] =	stream.linear.scatter [tilespmem:s8], [sflag:$0x3], $0x4000, $0x38;
	[tilespmem:$0x8300] =	vst v63  }
0x1b: {  	_ =	swait.ge [sflag:s4], $0x4000  }
0x1c: {  	[sflag:s4] =	ssyncset.done $0x0  }
0x1d: {  	s14 =	simm.s32 $0x180;
	[sflag:s4] =	ssyncadd.s32 $0xFFFFC000  }
0x1e: {  	[tilespmem:s8], [sflag:$0x2] =	stream.indirect.gather [hbm4b:s2+s6], $0x80, s14, s6, $0xb8;
	[tilespmem:$0x8300] =	vst v63  }
0x1f: {  	_ =	swait.ge [sflag:s9], $0x4000  }
0x20: {  	[sflag:s9] =	ssyncset.done $0x0  }
0x21: {  	s15 =	sadd.s32 $0x1000, s10;
	[sflag:s9] =	ssyncadd.s32 $0xFFFFC000  }
0x22: {  	[hbm4b:s15+s3] =	stream.linear.scatter [tilespmem:s7], [sflag:$0x3], $0x4000, $0x38;
	[tilespmem:$0x8300] =	vst v63  }
0x23: {  	_ =	swait.ge [sflag:s4], $0x4000  }
0x24: {  	[sflag:s4] =	ssyncset.done $0x0  }
0x25: {  	s16 =	simm.s32 $0x200;
	[sflag:s4] =	ssyncadd.s32 $0xFFFFC000  }
0x26: {  	[tilespmem:s7], [sflag:$0x1] =	stream.indirect.gather [hbm4b:s2+s6], $0x80, s16, s6, $0xb8;
	[tilespmem:$0x8300] =	vst v63  }
0x27: {  	_ =	swait.ge [sflag:s12], $0x4000  }
0x28: {  	[sflag:s12] =	ssyncset.done $0x0  }
0x29: {  	s17 =	sadd.s32 $0x1800, s10;
	[sflag:s12] =	ssyncadd.s32 $0xFFFFC000  }
0x2a: {  	[hbm4b:s17+s3] =	stream.linear.scatter [tilespmem:s8], [sflag:$0x3], $0x4000, $0x38;
	[tilespmem:$0x8300] =	vst v63  }
0x2b: {  	_ =	swait.ge [sflag:s4], $0x4000  }
0x2c: {  	[sflag:s4] =	ssyncset.done $0x0  }
0x2d: {  	s18 =	simm.s32 $0x280;
	[sflag:s4] =	ssyncadd.s32 $0xFFFFC000  }
0x2e: {  	[tilespmem:s8], [sflag:$0x2] =	stream.indirect.gather [hbm4b:s2+s6], $0x80, s18, s6, $0xb8;
	[tilespmem:$0x8300] =	vst v63  }
0x2f: {  	_ =	swait.ge [sflag:s9], $0x4000  }
0x30: {  	[sflag:s9] =	ssyncset.done $0x0  }
0x31: {  	s20 =	ssub.s32 $0x2, s20;
	s19 =	sadd.s32 $0x2000, s10;
	[sflag:s9] =	ssyncadd.s32 $0xFFFFC000  }
0x32: {  	[hbm4b:s19+s3] =	stream.linear.scatter [tilespmem:s7], [sflag:$0x3], $0x4000, $0x38;
	[tilespmem:$0x8300] =	vst v63  }
0x33: {  	s21 =	sshrl.u32 s20, $0x1;
	_ =	swait.ge [sflag:s4], $0x4000  }
0x34: {  	s20 =	ssub.s32 s20, s21;
	[sflag:s4] =	ssyncset.done $0x0  }
0x35: {  	s21 =	smax.u32 s20, $0x1;
	[sflag:s4] =	ssyncadd.s32 $0xFFFFC000  }
0x36: {  	p0 =	sne.s32 s21, $0x1;
	_ =	swait.ge [sflag:s12], $0x4000  }
.Ltmp0:
0x37: {  	[sflag:s12] =	ssyncset.done $0x0;
	(pc) =	sbr.rel @!p0 .LBB2_2-.Ltmp0, $4  }
0x38: {  	s20 =	sadd.s32 $0x2800, s10;
	[sflag:s12] =	ssyncadd.s32 $0xFFFFC000  }
0x39: {  	[hbm4b:s20+s3] =	stream.linear.scatter [tilespmem:s8], [sflag:$0x3], $0x4000, $0x38;
	[tilespmem:$0x8300] =	vst v63  }
0x3a: {  	_ =	swait.ge [sflag:s4], $0x4000  }
0x3b: {  	s21 =	sadd.s32 $0xFFFFFFFF, s21;
	[sflag:s4] =	ssyncset.done $0x0  }
.LBB2_1:
0x3c: {  	p0 =	sne.s32 s21, $0x1;
	s21 =	sadd.s32 $0xFFFFFFFF, s21;
	[sflag:s4] =	ssyncadd.s32 $0xFFFFC000  }
0x3d: {  	[tilespmem:s3], [sflag:$0x3] =	stream.linear.gather [hbm4b:s5+s3], $0x300, $0x38;
	[tilespmem:$0x8300] =	vst v63  }
0x3e: {  	_ =	swait.ge [sflag:s4], $0x300  }
0x3f: {  	[sflag:s4] =	ssyncset.done $0x0  }
0x40: {  	[sflag:s4] =	ssyncadd.s32 $0xFFFFFD00  }
0x41: {  	[tilespmem:s7], [sflag:$0x1] =	stream.indirect.gather [hbm4b:s2+s6], $0x80, s3, s6, $0xb8;
	[tilespmem:$0x8300] =	vst v63  }
0x42: {  	_ = 	snop  }
0x43: {  	[tilespmem:s8], [sflag:$0x2] =	stream.indirect.gather [hbm4b:s2+s6], $0x80, s6, s6, $0xb8;
	[tilespmem:$0x8300] =	vst v63  }
0x44: {  	_ =	swait.ge [sflag:s9], $0x4000  }
0x45: {  	[sflag:s9] =	ssyncset.done $0x0  }
0x46: {  	[sflag:s9] =	ssyncadd.s32 $0xFFFFC000  }
0x47: {  	[hbm4b:s10+s3] =	stream.linear.scatter [tilespmem:s7], [sflag:$0x3], $0x4000, $0x38;
	[tilespmem:$0x8300] =	vst v63  }
0x48: {  	_ =	swait.ge [sflag:s4], $0x4000  }
0x49: {  	[sflag:s4] =	ssyncset.done $0x0  }
0x4a: {  	[sflag:s4] =	ssyncadd.s32 $0xFFFFC000  }
0x4b: {  	[tilespmem:s7], [sflag:$0x1] =	stream.indirect.gather [hbm4b:s2+s6], $0x80, s11, s6, $0xb8;
	[tilespmem:$0x8300] =	vst v63  }
0x4c: {  	_ =	swait.ge [sflag:s12], $0x4000  }
0x4d: {  	[sflag:s12] =	ssyncset.done $0x0  }
0x4e: {  	[sflag:s12] =	ssyncadd.s32 $0xFFFFC000  }
0x4f: {  	[hbm4b:s13+s3] =	stream.linear.scatter [tilespmem:s8], [sflag:$0x3], $0x4000, $0x38;
	[tilespmem:$0x8300] =	vst v63  }
0x50: {  	_ =	swait.ge [sflag:s4], $0x4000  }
0x51: {  	[sflag:s4] =	ssyncset.done $0x0  }
0x52: {  	[sflag:s4] =	ssyncadd.s32 $0xFFFFC000  }
0x53: {  	[tilespmem:s8], [sflag:$0x2] =	stream.indirect.gather [hbm4b:s2+s6], $0x80, s14, s6, $0xb8;
	[tilespmem:$0x8300] =	vst v63  }
0x54: {  	_ =	swait.ge [sflag:s9], $0x4000  }
0x55: {  	[sflag:s9] =	ssyncset.done $0x0  }
0x56: {  	[sflag:s9] =	ssyncadd.s32 $0xFFFFC000  }
0x57: {  	[hbm4b:s15+s3] =	stream.linear.scatter [tilespmem:s7], [sflag:$0x3], $0x4000, $0x38;
	[tilespmem:$0x8300] =	vst v63  }
0x58: {  	_ =	swait.ge [sflag:s4], $0x4000  }
0x59: {  	[sflag:s4] =	ssyncset.done $0x0  }
0x5a: {  	[sflag:s4] =	ssyncadd.s32 $0xFFFFC000  }
0x5b: {  	[tilespmem:s7], [sflag:$0x1] =	stream.indirect.gather [hbm4b:s2+s6], $0x80, s16, s6, $0xb8;
	[tilespmem:$0x8300] =	vst v63  }
0x5c: {  	_ =	swait.ge [sflag:s12], $0x4000  }
0x5d: {  	[sflag:s12] =	ssyncset.done $0x0  }
0x5e: {  	[sflag:s12] =	ssyncadd.s32 $0xFFFFC000  }
0x5f: {  	[hbm4b:s17+s3] =	stream.linear.scatter [tilespmem:s8], [sflag:$0x3], $0x4000, $0x38;
	[tilespmem:$0x8300] =	vst v63  }
0x60: {  	_ =	swait.ge [sflag:s4], $0x4000  }
0x61: {  	[sflag:s4] =	ssyncset.done $0x0  }
0x62: {  	[sflag:s4] =	ssyncadd.s32 $0xFFFFC000  }
0x63: {  	[tilespmem:s8], [sflag:$0x2] =	stream.indirect.gather [hbm4b:s2+s6], $0x80, s18, s6, $0xb8;
	[tilespmem:$0x8300] =	vst v63  }
0x64: {  	_ =	swait.ge [sflag:s9], $0x4000  }
0x65: {  	[sflag:s9] =	ssyncset.done $0x0  }
0x66: {  	[sflag:s9] =	ssyncadd.s32 $0xFFFFC000  }
0x67: {  	[hbm4b:s19+s3] =	stream.linear.scatter [tilespmem:s7], [sflag:$0x3], $0x4000, $0x38;
	[tilespmem:$0x8300] =	vst v63  }
0x68: {  	_ =	swait.ge [sflag:s4], $0x4000  }
0x69: {  	[sflag:s4] =	ssyncset.done $0x0  }
0x6a: {  	[sflag:s4] =	ssyncadd.s32 $0xFFFFC000  }
0x6b: {  	_ =	swait.ge [sflag:s12], $0x4000  }
.Ltmp1:
0x6c: {  	[sflag:s12] =	ssyncset.done $0x0;
	(pc) =	sbr.rel @p0 .LBB2_1-.Ltmp1, $4  }
0x6d: {  	[sflag:s12] =	ssyncadd.s32 $0xFFFFC000  }
0x6e: {  	[hbm4b:s20+s3] =	stream.linear.scatter [tilespmem:s8], [sflag:$0x3], $0x4000, $0x38;
	[tilespmem:$0x8300] =	vst v63  }
0x6f: {  	_ =	swait.ge [sflag:s4], $0x4000  }
0x70: {  	[sflag:s4] =	ssyncset.done $0x0  }
.LBB2_2:
0x71: {  	[sflag:s4] =	ssyncadd.s32 $0xFFFFC000  }
0x72: {  	_ =	sfence.sel $0x180000  }
0x73: {  	[bflag:$0x0] =	sbarrier.arrive $0xFFFF  }
0x74: {  	p0 =	sne.s32 s0, $0x0;
	_ =	strace $0x90000047  }
0x75: {  	s0 =	sadd.s32 @!p0 $0x100000, s1;
	[bflag:$0x2] =	sbarrier.arrive $0xFFFF  }
0x76: {  	[sflag:s0] =	ssyncadd.tile.s32 @!p0 $0x1;
	_ =	shalt  }
.Lfunc_end2:
_tile_overlayer_lowered:
.L_overlay_start_2:
0x77: {  	(tag) =	ssettag $0x2  }
0x78: {  	s0 =	rddreg [dreg:$0x0];
	s2 =	stileid.u32  }
0x79: {  	s1 =	rddreg [dreg:$0x1];
	p0 =	sne.s32 s2, $0x0  }
0x7a: {  	s3 =	rddreg [dreg:$0x2];
	[bflag:$0x3] =	sbarrier.arrive $0xFFFF;
	s2 =	simm.s32 @!p0 $0x1C03  }
0x7b: {  	[timem:s3], [sflag:s2] =	dma.local @!p0 [hbm:s0], s1  }
0x7c: {  	s0 =	simm.s32 @!p0 $0x3  }
0x7d: {  	_ =	swait.ge @!p0 [sflag:s0], s1  }
0x7e: {  	s1 =	ssub.s32 @!p0 $0x0, s1;
	[sflag:s0] =	ssyncset.done @!p0 $0x0  }
0x7f: {  	[sflag:s0] =	ssyncadd.s32 @!p0 s1  }
0x80: {  	[bflag:$0x3] =	sbarrier.arrive $0xFFFF  }
0x81: {  	_ =	shalt  }

</sc_bundles>
